<compile_context>
chip_gen: v7x
topology: tpu7x:2x2x1
jax: 0.10.2.dev20260603
libtpu: 0.0.44.dev20260713+nightly
codegen_flags: <defaults>
</compile_context>

<pallas_src>
import functools

import jax
import jax.numpy as jnp
from jax import lax
from jax.experimental import pallas as pl
from jax.experimental.pallas import tpu as pltpu
from jax.experimental.pallas import tpu_sc as plsc

N, E, H, D, C = 10000, 320000, 8, 16, 10
F = H * D
FP = F
LANES = 16
NC, NS = 2, 16
NW = NC * NS
K = 128
NCHUNK = E // K
LASTC = NCHUNK - 1
GROUPS = K // LANES
NITER = -(-NCHUNK // NW)
NITER += NITER % 2


def _sqrt16(x):
    i = lax.bitcast_convert_type(x, jnp.int32)
    i = jnp.int32(0x5F3759DF) - lax.shift_right_arithmetic(i, 1)
    y = lax.bitcast_convert_type(i, jnp.float32)
    for _ in range(3):
        y = y * (1.5 - 0.5 * x * y * y)
    return x * y


def _body(h_ref, sd_ref, w_ref, r_ref, score_out, std_out,
          sd0, sd1, srows0, drows0, srows1, drows1,
          score0, std0, score1, std1,
          wt_scr, ub_scr, semi0, semi1, semg0, semg1, semo0, semo1):
    wid = lax.axis_index("s") * NC + lax.axis_index("c")

    pltpu.sync_copy(w_ref, wt_scr)
    pltpu.sync_copy(r_ref, ub_scr)
    wv = wt_scr[...]
    ev = jnp.exp(wv - jnp.max(wv))
    weight = ev / jnp.sum(ev)
    rv = ub_scr[...]
    ra = jnp.abs(rv)
    cs = plsc.cumsum(ra)
    ub_v = cs + 0.1
    lb_v = cs - ra
    inv_v = 1.0 / (rv * rv + 1.0)
    wgt = [weight[hh] for hh in range(H)]
    ubs = [ub_v[c] for c in range(C)]
    lbs = [lb_v[c] for c in range(C)]
    invs = [inv_v[c] for c in range(C)]

    lane = lax.iota(jnp.int32, LANES)
    rots = [jnp.bitwise_and(lane + t, LANES - 1) for t in range(D)]
    csplats10 = [jnp.full((LANES,), c, jnp.int32) for c in range(C)]

    sds = (sd0, sd1)
    rows = ((srows0, drows0), (srows1, drows1))
    outs = ((score0, std0), (score1, std1))
    semi = (semi0, semi1)
    semg = (semg0, semg1)
    semo = (semo0, semo1)

    def cid(i):
        return jnp.minimum(wid + i * NW, LASTC)

    def issue_idx(i, p):
        pltpu.async_copy(sd_ref.at[cid(i)], sds[p], semi[p])

    def wait_idx(i, p):
        pltpu.make_async_copy(sd_ref.at[cid(i)], sds[p], semi[p]).wait()

    def issue_gather(p):
        pltpu.async_copy(h_ref.at[sds[p].at[0]], rows[p][0], semg[p])
        pltpu.async_copy(h_ref.at[sds[p].at[1]], rows[p][1], semg[p])

    def wait_gather(p):
        pltpu.make_async_copy(h_ref.at[sds[p].at[0]], rows[p][0], semg[p]).wait()
        pltpu.make_async_copy(h_ref.at[sds[p].at[1]], rows[p][1], semg[p]).wait()

    def compute(i, p):
        srows, drows = rows[p]
        score_scr, std_scr = outs[p]
        base = cid(i) * K

        def group_body(g, _):
            e_vec = lane + g * LANES
            n2 = []
            for hh in range(H):
                acc = None
                for tt in range(D):
                    col = rots[tt] + (hh * D)
                    sv = plsc.load_gather(srows, [e_vec, col])
                    dv = plsc.load_gather(drows, [e_vec, col])
                    df = dv - sv
                    acc = df * df if acc is None else acc + df * df
                n2.append(_sqrt16(acc))
            dist = n2[0] * wgt[0]
            for hh in range(1, H):
                dist = dist + n2[hh] * wgt[hh]
            sacc = None
            for hh in range(H):
                rr = n2[hh] - dist
                sacc = rr * rr if sacc is None else sacc + rr * rr
            std_scr[pl.ds(g * LANES, LANES)] = _sqrt16(sacc * (1.0 / H))
            for c in range(C):
                val = (ubs[c] - dist) * (dist - lbs[c]) * invs[c]
                plsc.store_scatter(score_scr, [e_vec, csplats10[c]], val)
            return 0

        lax.fori_loop(0, GROUPS, group_body, 0, unroll=1)
        pltpu.async_copy(score_scr, score_out.at[pl.ds(base, K)], semo[p])
        pltpu.async_copy(std_scr, std_out.at[pl.ds(base, K)], semo[p])

    def wait_out(i, p):
        base = cid(i) * K
        pltpu.make_async_copy(
            outs[p][0], score_out.at[pl.ds(base, K)], semo[p]).wait()
        pltpu.make_async_copy(
            outs[p][1], std_out.at[pl.ds(base, K)], semo[p]).wait()

    issue_idx(0, 0)
    issue_idx(1, 1)
    wait_idx(0, 0)
    issue_gather(0)

    def pair_body(j, _):
        for p in (0, 1):
            i = 2 * j + p
            wait_gather(p)
            wait_idx(i + 1, 1 - p)
            issue_gather(1 - p)
            issue_idx(i + 2, p)

            @pl.when(j >= 1)
            def _():
                wait_out(i - 2, p)

            compute(i, p)
        return 0

    lax.fori_loop(0, NITER // 2, pair_body, 0, unroll=1)
    wait_gather(NITER % 2)
    wait_idx(NITER + 1, (NITER + 1) % 2)
    wait_out(NITER - 2, 0)
    wait_out(NITER - 1, 1)


@jax.jit
def kernel(h, edge_index, w, r_dist):
    h2 = h.reshape(N, F)
    sd = edge_index.reshape(2, NCHUNK, K).transpose(1, 0, 2)
    w16 = jnp.full((LANES,), -1e30, jnp.float32).at[:H].set(w)
    r16 = jnp.zeros((LANES,), jnp.float32).at[:C].set(r_dist[0])

    mesh = plsc.VectorSubcoreMesh(
        core_axis_name="c", subcore_axis_name="s",
        num_cores=NC, num_subcores=NS)
    f = pl.kernel(
        _body,
        out_type=[
            jax.ShapeDtypeStruct((E, C), jnp.float32),
            jax.ShapeDtypeStruct((E,), jnp.float32),
        ],
        mesh=mesh,
        compiler_params=pltpu.CompilerParams(needs_layout_passes=False),
        scratch_types=[
            pltpu.VMEM((2, K), jnp.int32),
            pltpu.VMEM((2, K), jnp.int32),
            pltpu.VMEM((K, FP), jnp.float32),
            pltpu.VMEM((K, FP), jnp.float32),
            pltpu.VMEM((K, FP), jnp.float32),
            pltpu.VMEM((K, FP), jnp.float32),
            pltpu.VMEM((K, C), jnp.float32),
            pltpu.VMEM((K,), jnp.float32),
            pltpu.VMEM((K, C), jnp.float32),
            pltpu.VMEM((K,), jnp.float32),
            pltpu.VMEM((LANES,), jnp.float32),
            pltpu.VMEM((LANES,), jnp.float32),
            pltpu.SemaphoreType.DMA,
            pltpu.SemaphoreType.DMA,
            pltpu.SemaphoreType.DMA,
            pltpu.SemaphoreType.DMA,
            pltpu.SemaphoreType.DMA,
            pltpu.SemaphoreType.DMA,
        ],
    )
    score, std = f(h2, sd, w16, r16)
    return score, std.reshape(E, 1)

# --- scband reference (transcript-rebuilt; emitter-appended) ---
"""Pipeline reference for scband-decoder-4956392259723 (READ-ONLY COPY).

The authoritative reference and input builder live on the scoring server;
editing this copy changes nothing except your own understanding.
"""

import jax, jax.numpy as jnp
import numpy as np

N, E, H, D, C = 10000, 320000, 8, 16, 10

def setup_inputs(seed: int = 0) -> dict:
    key = jax.random.key(seed)
    k1, k2, k3, k4 = jax.random.split(key, 4)
    h = jax.random.normal(k1, (N, H, D), dtype=jnp.float32)
    edge_index = jax.random.randint(k2, (2, E), 0, N, dtype=jnp.int32)
    # learned parameters per __init__: w ~ U(0,1) of shape [num_heads], r_dist ~ U(0.2,0.3) of shape [1, num_clusters]
    w = jax.random.uniform(k3, (H,), dtype=jnp.float32, minval=0.0, maxval=1.0)
    r_dist = jax.random.uniform(k4, (1, C), dtype=jnp.float32, minval=0.2, maxval=0.3)
    return {"h": h, "edge_index": edge_index, "w": w, "r_dist": r_dist}

def reference(h, edge_index, w, r_dist):
    src = edge_index[0]
    dst = edge_index[1]
    num_seq = r_dist.shape[1]
    upones = jnp.triu(jnp.ones((num_seq, num_seq), dtype=jnp.float32))
    lowones = jnp.triu(jnp.ones((num_seq, num_seq), dtype=jnp.float32), k=1)
    upper_bound = jnp.matmul(jnp.abs(r_dist), upones) + 0.1  # [1, C]
    lower_bound = jnp.matmul(jnp.abs(r_dist), lowones)       # [1, C]
    # gather per-edge endpoint features (SparseCore-friendly gathers)
    z_src = jnp.take(h, src, axis=0)  # [E, H, D]
    z_dst = jnp.take(h, dst, axis=0)  # [E, H, D]
    n2 = jnp.linalg.norm(z_dst - z_src, axis=-1)  # [E, H]
    weight = jax.nn.softmax(w, axis=0)            # [H]
    dist = jnp.sum(n2 * weight, axis=-1, keepdims=True)  # [E, 1]
    upper = upper_bound - dist   # [E, C]
    lower = dist - lower_bound   # [E, C]
    score = upper * lower / (r_dist ** 2 + 1.0)   # [E, C]
    std = jnp.sqrt(jnp.mean((n2 - dist) ** 2, axis=-1, keepdims=True))  # [E, 1]
    return score, std

if __name__ == "__main__":
    import jax
    _d = setup_inputs()
    print(jax.jit(kernel)(*tuple(_d.values())))

</pallas_src>

<mosaic_0001>
#map = affine_map<(d0, d1) -> (0, 0)>
#map1 = affine_map<(d0, d1) -> (0, 0, 0)>
#map2 = affine_map<(d0, d1) -> (0)>
module attributes {stable_mosaic.version = 14 : i64} {
  func.func @_body(%arg0: i32, %arg1: i32, %arg2: memref<10000x128xf32, #tpu.memory_space<hbm>>, %arg3: memref<2500x2x128xi32, #tpu.memory_space<hbm>>, %arg4: memref<16xf32, #tpu.memory_space<hbm>>, %arg5: memref<16xf32, #tpu.memory_space<hbm>>, %arg6: memref<320000x10xf32, #tpu.memory_space<hbm>>, %arg7: memref<320000xf32, #tpu.memory_space<hbm>>, %arg8: memref<2x128xi32, #tpu.memory_space<vmem>>, %arg9: memref<2x128xi32, #tpu.memory_space<vmem>>, %arg10: memref<128x128xf32, #tpu.memory_space<vmem>>, %arg11: memref<128x128xf32, #tpu.memory_space<vmem>>, %arg12: memref<128x128xf32, #tpu.memory_space<vmem>>, %arg13: memref<128x128xf32, #tpu.memory_space<vmem>>, %arg14: memref<128x10xf32, #tpu.memory_space<vmem>>, %arg15: memref<128xf32, #tpu.memory_space<vmem>>, %arg16: memref<128x10xf32, #tpu.memory_space<vmem>>, %arg17: memref<128xf32, #tpu.memory_space<vmem>>, %arg18: memref<16xf32, #tpu.memory_space<vmem>>, %arg19: memref<16xf32, #tpu.memory_space<vmem>>, %arg20: memref<!tpu.dma_semaphore, #tpu.memory_space<semaphore_mem>>, %arg21: memref<!tpu.dma_semaphore, #tpu.memory_space<semaphore_mem>>, %arg22: memref<!tpu.dma_semaphore, #tpu.memory_space<semaphore_mem>>, %arg23: memref<!tpu.dma_semaphore, #tpu.memory_space<semaphore_mem>>, %arg24: memref<!tpu.dma_semaphore, #tpu.memory_space<semaphore_mem>>, %arg25: memref<!tpu.dma_semaphore, #tpu.memory_space<semaphore_mem>>) attributes {dimension_semantics = [#tpu.dimension_semantics<core_parallel>, #tpu.dimension_semantics<subcore_parallel>], iteration_bounds = array<i64: 2, 16>, scalar_prefetch = 0 : i64, scratch_operands = 18 : i64, tpu.core_type = #tpu.core_type<sc_vector_subcore>, window_params = [{transform_indices = #map}, {transform_indices = #map1}, {transform_indices = #map2}, {transform_indices = #map2}, {transform_indices = #map}, {transform_indices = #map2}]} {
    %mul3A = arith.constant 2 : i32
    %mul3A_0 = arith.muli %arg1, %mul3A : i32
    %add3A = arith.addi %mul3A_0, %arg0 : i32
    "tpu.region"() ({
      %run_scoped3A = tpu.sem_alloc : memref<!tpu.dma_semaphore, #tpu.memory_space<semaphore_mem>>
      tpu.enqueue_dma source(%arg4 : memref<16xf32, #tpu.memory_space<hbm>>) target(%arg18 : memref<16xf32, #tpu.memory_space<vmem>>) target_semaphore(%run_scoped3A : memref<!tpu.dma_semaphore, #tpu.memory_space<semaphore_mem>>)
      tpu.wait_dma2 semaphore(%run_scoped3A : memref<!tpu.dma_semaphore, #tpu.memory_space<semaphore_mem>>) src(%arg4 : memref<16xf32, #tpu.memory_space<hbm>>) dst(%arg18 : memref<16xf32, #tpu.memory_space<vmem>>)
      tpu.yield
    }) : () -> ()
    "tpu.region"() ({
      %run_scoped3A = tpu.sem_alloc : memref<!tpu.dma_semaphore, #tpu.memory_space<semaphore_mem>>
      tpu.enqueue_dma source(%arg5 : memref<16xf32, #tpu.memory_space<hbm>>) target(%arg19 : memref<16xf32, #tpu.memory_space<vmem>>) target_semaphore(%run_scoped3A : memref<!tpu.dma_semaphore, #tpu.memory_space<semaphore_mem>>)
      tpu.wait_dma2 semaphore(%run_scoped3A : memref<!tpu.dma_semaphore, #tpu.memory_space<semaphore_mem>>) src(%arg5 : memref<16xf32, #tpu.memory_space<hbm>>) dst(%arg19 : memref<16xf32, #tpu.memory_space<vmem>>)
      tpu.yield
    }) : () -> ()
    %get3A = arith.constant 0 : index
    %get3A_1 = tpu.vector_load %arg18[%get3A] {strides = array<i32>} : memref<16xf32, #tpu.memory_space<vmem>>, vector<16xf32>,
    %reduce_max3A = arith.constant true
    %reduce_max3A_2 = vector.broadcast %reduce_max3A : i1 to vector<16xi1>
    %reduce_max3A_3 = tpu.scan <max>, %get3A_1 masked %reduce_max3A_2 : vector<16xf32>, vector<16xi1> -> vector<16xf32>
    %reduce_max3A_4 = vector.extract %reduce_max3A_3[15] : f32 from vector<16xf32>
    %sub3A = vector.broadcast %reduce_max3A_4 : f32 to vector<16xf32>
    %sub3A_5 = arith.subf %get3A_1, %sub3A : vector<16xf32>
    %exp3A = math.exp %sub3A_5 : vector<16xf32>
    %reduce_sum3A = arith.constant true
    %reduce_sum3A_6 = vector.broadcast %reduce_sum3A : i1 to vector<16xi1>
    %reduce_sum3A_7 = tpu.scan <sum>, %exp3A masked %reduce_sum3A_6 : vector<16xf32>, vector<16xi1> -> vector<16xf32>
    %reduce_sum3A_8 = vector.extract %reduce_sum3A_7[15] : f32 from vector<16xf32>
    %div3A = vector.broadcast %reduce_sum3A_8 : f32 to vector<16xf32>
    %div3A_9 = arith.divf %exp3A, %div3A : vector<16xf32>
    %get3A_10 = arith.constant 0 : index
    %get3A_11 = tpu.vector_load %arg19[%get3A_10] {strides = array<i32>} : memref<16xf32, #tpu.memory_space<vmem>>, vector<16xf32>,
    %abs3A = math.absf %get3A_11 : vector<16xf32>
    %broadcast_in_dim3A = arith.constant true
    %broadcast_in_dim3A_12 = vector.broadcast %broadcast_in_dim3A : i1 to vector<16xi1>
    %masked_cumsum3A = tpu.scan <sum>, %abs3A masked %broadcast_in_dim3A_12 : vector<16xf32>, vector<16xi1> -> vector<16xf32>
    %add3A_13 = arith.constant 1.000000e-01 : f32
    %add3A_14 = vector.broadcast %add3A_13 : f32 to vector<16xf32>
    %add3A_15 = arith.addf %masked_cumsum3A, %add3A_14 : vector<16xf32>
    %sub3A_16 = arith.subf %masked_cumsum3A, %abs3A : vector<16xf32>
    %mul3A_17 = arith.mulf %get3A_11, %get3A_11 : vector<16xf32>
    %add3A_18 = arith.constant 1.000000e+00 : f32
    %add3A_19 = vector.broadcast %add3A_18 : f32 to vector<16xf32>
    %add3A_20 = arith.addf %mul3A_17, %add3A_19 : vector<16xf32>
    %div3A_21 = arith.constant 1.000000e+00 : f32
    %div3A_22 = vector.broadcast %div3A_21 : f32 to vector<16xf32>
    %div3A_23 = arith.divf %div3A_22, %add3A_20 : vector<16xf32>
    %slice3A = vector.extract_strided_slice %div3A_9 {offsets = [0], sizes = [1], strides = [1]} : vector<16xf32> to vector<1xf32>
    %squeeze3A = vector.extract %slice3A[0] : f32 from vector<1xf32>
    %slice3A_24 = vector.extract_strided_slice %div3A_9 {offsets = [1], sizes = [1], strides = [1]} : vector<16xf32> to vector<1xf32>
    %squeeze3A_25 = vector.extract %slice3A_24[0] : f32 from vector<1xf32>
    %slice3A_26 = vector.extract_strided_slice %div3A_9 {offsets = [2], sizes = [1], strides = [1]} : vector<16xf32> to vector<1xf32>
    %squeeze3A_27 = vector.extract %slice3A_26[0] : f32 from vector<1xf32>
    %slice3A_28 = vector.extract_strided_slice %div3A_9 {offsets = [3], sizes = [1], strides = [1]} : vector<16xf32> to vector<1xf32>
    %squeeze3A_29 = vector.extract %slice3A_28[0] : f32 from vector<1xf32>
    %slice3A_30 = vector.extract_strided_slice %div3A_9 {offsets = [4], sizes = [1], strides = [1]} : vector<16xf32> to vector<1xf32>
    %squeeze3A_31 = vector.extract %slice3A_30[0] : f32 from vector<1xf32>
    %slice3A_32 = vector.extract_strided_slice %div3A_9 {offsets = [5], sizes = [1], strides = [1]} : vector<16xf32> to vector<1xf32>
    %squeeze3A_33 = vector.extract %slice3A_32[0] : f32 from vector<1xf32>
    %slice3A_34 = vector.extract_strided_slice %div3A_9 {offsets = [6], sizes = [1], strides = [1]} : vector<16xf32> to vector<1xf32>
    %squeeze3A_35 = vector.extract %slice3A_34[0] : f32 from vector<1xf32>
    %slice3A_36 = vector.extract_strided_slice %div3A_9 {offsets = [7], sizes = [1], strides = [1]} : vector<16xf32> to vector<1xf32>
    %squeeze3A_37 = vector.extract %slice3A_36[0] : f32 from vector<1xf32>
    %slice3A_38 = vector.extract_strided_slice %add3A_15 {offsets = [0], sizes = [1], strides = [1]} : vector<16xf32> to vector<1xf32>
    %squeeze3A_39 = vector.extract %slice3A_38[0] : f32 from vector<1xf32>
    %slice3A_40 = vector.extract_strided_slice %add3A_15 {offsets = [1], sizes = [1], strides = [1]} : vector<16xf32> to vector<1xf32>
    %squeeze3A_41 = vector.extract %slice3A_40[0] : f32 from vector<1xf32>
    %slice3A_42 = vector.extract_strided_slice %add3A_15 {offsets = [2], sizes = [1], strides = [1]} : vector<16xf32> to vector<1xf32>
    %squeeze3A_43 = vector.extract %slice3A_42[0] : f32 from vector<1xf32>
    %slice3A_44 = vector.extract_strided_slice %add3A_15 {offsets = [3], sizes = [1], strides = [1]} : vector<16xf32> to vector<1xf32>
    %squeeze3A_45 = vector.extract %slice3A_44[0] : f32 from vector<1xf32>
    %slice3A_46 = vector.extract_strided_slice %add3A_15 {offsets = [4], sizes = [1], strides = [1]} : vector<16xf32> to vector<1xf32>
    %squeeze3A_47 = vector.extract %slice3A_46[0] : f32 from vector<1xf32>
    %slice3A_48 = vector.extract_strided_slice %add3A_15 {offsets = [5], sizes = [1], strides = [1]} : vector<16xf32> to vector<1xf32>
    %squeeze3A_49 = vector.extract %slice3A_48[0] : f32 from vector<1xf32>
    %slice3A_50 = vector.extract_strided_slice %add3A_15 {offsets = [6], sizes = [1], strides = [1]} : vector<16xf32> to vector<1xf32>
    %squeeze3A_51 = vector.extract %slice3A_50[0] : f32 from vector<1xf32>
    %slice3A_52 = vector.extract_strided_slice %add3A_15 {offsets = [7], sizes = [1], strides = [1]} : vector<16xf32> to vector<1xf32>
    %squeeze3A_53 = vector.extract %slice3A_52[0] : f32 from vector<1xf32>
    %slice3A_54 = vector.extract_strided_slice %add3A_15 {offsets = [8], sizes = [1], strides = [1]} : vector<16xf32> to vector<1xf32>
    %squeeze3A_55 = vector.extract %slice3A_54[0] : f32 from vector<1xf32>
    %slice3A_56 = vector.extract_strided_slice %add3A_15 {offsets = [9], sizes = [1], strides = [1]} : vector<16xf32> to vector<1xf32>
    %squeeze3A_57 = vector.extract %slice3A_56[0] : f32 from vector<1xf32>
    %slice3A_58 = vector.extract_strided_slice %sub3A_16 {offsets = [0], sizes = [1], strides = [1]} : vector<16xf32> to vector<1xf32>
    %squeeze3A_59 = vector.extract %slice3A_58[0] : f32 from vector<1xf32>
    %slice3A_60 = vector.extract_strided_slice %sub3A_16 {offsets = [1], sizes = [1], strides = [1]} : vector<16xf32> to vector<1xf32>
    %squeeze3A_61 = vector.extract %slice3A_60[0] : f32 from vector<1xf32>
    %slice3A_62 = vector.extract_strided_slice %sub3A_16 {offsets = [2], sizes = [1], strides = [1]} : vector<16xf32> to vector<1xf32>
    %squeeze3A_63 = vector.extract %slice3A_62[0] : f32 from vector<1xf32>
    %slice3A_64 = vector.extract_strided_slice %sub3A_16 {offsets = [3], sizes = [1], strides = [1]} : vector<16xf32> to vector<1xf32>
    %squeeze3A_65 = vector.extract %slice3A_64[0] : f32 from vector<1xf32>
    %slice3A_66 = vector.extract_strided_slice %sub3A_16 {offsets = [4], sizes = [1], strides = [1]} : vector<16xf32> to vector<1xf32>
    %squeeze3A_67 = vector.extract %slice3A_66[0] : f32 from vector<1xf32>
    %slice3A_68 = vector.extract_strided_slice %sub3A_16 {offsets = [5], sizes = [1], strides = [1]} : vector<16xf32> to vector<1xf32>
    %squeeze3A_69 = vector.extract %slice3A_68[0] : f32 from vector<1xf32>
    %slice3A_70 = vector.extract_strided_slice %sub3A_16 {offsets = [6], sizes = [1], strides = [1]} : vector<16xf32> to vector<1xf32>
    %squeeze3A_71 = vector.extract %slice3A_70[0] : f32 from vector<1xf32>
    %slice3A_72 = vector.extract_strided_slice %sub3A_16 {offsets = [7], sizes = [1], strides = [1]} : vector<16xf32> to vector<1xf32>
    %squeeze3A_73 = vector.extract %slice3A_72[0] : f32 from vector<1xf32>
    %slice3A_74 = vector.extract_strided_slice %sub3A_16 {offsets = [8], sizes = [1], strides = [1]} : vector<16xf32> to vector<1xf32>
    %squeeze3A_75 = vector.extract %slice3A_74[0] : f32 from vector<1xf32>
    %slice3A_76 = vector.extract_strided_slice %sub3A_16 {offsets = [9], sizes = [1], strides = [1]} : vector<16xf32> to vector<1xf32>
    %squeeze3A_77 = vector.extract %slice3A_76[0] : f32 from vector<1xf32>
    %slice3A_78 = vector.extract_strided_slice %div3A_23 {offsets = [0], sizes = [1], strides = [1]} : vector<16xf32> to vector<1xf32>
    %squeeze3A_79 = vector.extract %slice3A_78[0] : f32 from vector<1xf32>
    %slice3A_80 = vector.extract_strided_slice %div3A_23 {offsets = [1], sizes = [1], strides = [1]} : vector<16xf32> to vector<1xf32>
    %squeeze3A_81 = vector.extract %slice3A_80[0] : f32 from vector<1xf32>
    %slice3A_82 = vector.extract_strided_slice %div3A_23 {offsets = [2], sizes = [1], strides = [1]} : vector<16xf32> to vector<1xf32>
    %squeeze3A_83 = vector.extract %slice3A_82[0] : f32 from vector<1xf32>
    %slice3A_84 = vector.extract_strided_slice %div3A_23 {offsets = [3], sizes = [1], strides = [1]} : vector<16xf32> to vector<1xf32>
    %squeeze3A_85 = vector.extract %slice3A_84[0] : f32 from vector<1xf32>
    %slice3A_86 = vector.extract_strided_slice %div3A_23 {offsets = [4], sizes = [1], strides = [1]} : vector<16xf32> to vector<1xf32>
    %squeeze3A_87 = vector.extract %slice3A_86[0] : f32 from vector<1xf32>
    %slice3A_88 = vector.extract_strided_slice %div3A_23 {offsets = [5], sizes = [1], strides = [1]} : vector<16xf32> to vector<1xf32>
    %squeeze3A_89 = vector.extract %slice3A_88[0] : f32 from vector<1xf32>
    %slice3A_90 = vector.extract_strided_slice %div3A_23 {offsets = [6], sizes = [1], strides = [1]} : vector<16xf32> to vector<1xf32>
    %squeeze3A_91 = vector.extract %slice3A_90[0] : f32 from vector<1xf32>
    %slice3A_92 = vector.extract_strided_slice %div3A_23 {offsets = [7], sizes = [1], strides = [1]} : vector<16xf32> to vector<1xf32>
    %squeeze3A_93 = vector.extract %slice3A_92[0] : f32 from vector<1xf32>
    %slice3A_94 = vector.extract_strided_slice %div3A_23 {offsets = [8], sizes = [1], strides = [1]} : vector<16xf32> to vector<1xf32>
    %squeeze3A_95 = vector.extract %slice3A_94[0] : f32 from vector<1xf32>
    %slice3A_96 = vector.extract_strided_slice %div3A_23 {offsets = [9], sizes = [1], strides = [1]} : vector<16xf32> to vector<1xf32>
    %squeeze3A_97 = vector.extract %slice3A_96[0] : f32 from vector<1xf32>
    %iota3A = tpu.iota {dimensions = array<i32: 0>} : vector<16xi32>
    %add3A_98 = arith.constant 0 : i32
    %add3A_99 = vector.broadcast %add3A_98 : i32 to vector<16xi32>
    %add3A_100 = arith.addi %iota3A, %add3A_99 : vector<16xi32>
    %and3A = arith.constant 15 : i32
    %and3A_101 = vector.broadcast %and3A : i32 to vector<16xi32>
    %and3A_102 = arith.andi %add3A_100, %and3A_101 : vector<16xi32>
    %add3A_103 = arith.constant 1 : i32
    %add3A_104 = vector.broadcast %add3A_103 : i32 to vector<16xi32>
    %add3A_105 = arith.addi %iota3A, %add3A_104 : vector<16xi32>
    %and3A_106 = arith.constant 15 : i32
    %and3A_107 = vector.broadcast %and3A_106 : i32 to vector<16xi32>
    %and3A_108 = arith.andi %add3A_105, %and3A_107 : vector<16xi32>
    %add3A_109 = arith.constant 2 : i32
    %add3A_110 = vector.broadcast %add3A_109 : i32 to vector<16xi32>
    %add3A_111 = arith.addi %iota3A, %add3A_110 : vector<16xi32>
    %and3A_112 = arith.constant 15 : i32
    %and3A_113 = vector.broadcast %and3A_112 : i32 to vector<16xi32>
    %and3A_114 = arith.andi %add3A_111, %and3A_113 : vector<16xi32>
    %add3A_115 = arith.constant 3 : i32
    %add3A_116 = vector.broadcast %add3A_115 : i32 to vector<16xi32>
    %add3A_117 = arith.addi %iota3A, %add3A_116 : vector<16xi32>
    %and3A_118 = arith.constant 15 : i32
    %and3A_119 = vector.broadcast %and3A_118 : i32 to vector<16xi32>
    %and3A_120 = arith.andi %add3A_117, %and3A_119 : vector<16xi32>
    %add3A_121 = arith.constant 4 : i32
    %add3A_122 = vector.broadcast %add3A_121 : i32 to vector<16xi32>
    %add3A_123 = arith.addi %iota3A, %add3A_122 : vector<16xi32>
    %and3A_124 = arith.constant 15 : i32
    %and3A_125 = vector.broadcast %and3A_124 : i32 to vector<16xi32>
    %and3A_126 = arith.andi %add3A_123, %and3A_125 : vector<16xi32>
    %add3A_127 = arith.constant 5 : i32
    %add3A_128 = vector.broadcast %add3A_127 : i32 to vector<16xi32>
    %add3A_129 = arith.addi %iota3A, %add3A_128 : vector<16xi32>
    %and3A_130 = arith.constant 15 : i32
    %and3A_131 = vector.broadcast %and3A_130 : i32 to vector<16xi32>
    %and3A_132 = arith.andi %add3A_129, %and3A_131 : vector<16xi32>
    %add3A_133 = arith.constant 6 : i32
    %add3A_134 = vector.broadcast %add3A_133 : i32 to vector<16xi32>
    %add3A_135 = arith.addi %iota3A, %add3A_134 : vector<16xi32>
    %and3A_136 = arith.constant 15 : i32
    %and3A_137 = vector.broadcast %and3A_136 : i32 to vector<16xi32>
    %and3A_138 = arith.andi %add3A_135, %and3A_137 : vector<16xi32>
    %add3A_139 = arith.constant 7 : i32
    %add3A_140 = vector.broadcast %add3A_139 : i32 to vector<16xi32>
    %add3A_141 = arith.addi %iota3A, %add3A_140 : vector<16xi32>
    %and3A_142 = arith.constant 15 : i32
    %and3A_143 = vector.broadcast %and3A_142 : i32 to vector<16xi32>
    %and3A_144 = arith.andi %add3A_141, %and3A_143 : vector<16xi32>
    %add3A_145 = arith.constant 8 : i32
    %add3A_146 = vector.broadcast %add3A_145 : i32 to vector<16xi32>
    %add3A_147 = arith.addi %iota3A, %add3A_146 : vector<16xi32>
    %and3A_148 = arith.constant 15 : i32
    %and3A_149 = vector.broadcast %and3A_148 : i32 to vector<16xi32>
    %and3A_150 = arith.andi %add3A_147, %and3A_149 : vector<16xi32>
    %add3A_151 = arith.constant 9 : i32
    %add3A_152 = vector.broadcast %add3A_151 : i32 to vector<16xi32>
    %add3A_153 = arith.addi %iota3A, %add3A_152 : vector<16xi32>
    %and3A_154 = arith.constant 15 : i32
    %and3A_155 = vector.broadcast %and3A_154 : i32 to vector<16xi32>
    %and3A_156 = arith.andi %add3A_153, %and3A_155 : vector<16xi32>
    %add3A_157 = arith.constant 10 : i32
    %add3A_158 = vector.broadcast %add3A_157 : i32 to vector<16xi32>
    %add3A_159 = arith.addi %iota3A, %add3A_158 : vector<16xi32>
    %and3A_160 = arith.constant 15 : i32
    %and3A_161 = vector.broadcast %and3A_160 : i32 to vector<16xi32>
    %and3A_162 = arith.andi %add3A_159, %and3A_161 : vector<16xi32>
    %add3A_163 = arith.constant 11 : i32
    %add3A_164 = vector.broadcast %add3A_163 : i32 to vector<16xi32>
    %add3A_165 = arith.addi %iota3A, %add3A_164 : vector<16xi32>
    %and3A_166 = arith.constant 15 : i32
    %and3A_167 = vector.broadcast %and3A_166 : i32 to vector<16xi32>
    %and3A_168 = arith.andi %add3A_165, %and3A_167 : vector<16xi32>
    %add3A_169 = arith.constant 12 : i32
    %add3A_170 = vector.broadcast %add3A_169 : i32 to vector<16xi32>
    %add3A_171 = arith.addi %iota3A, %add3A_170 : vector<16xi32>
    %and3A_172 = arith.constant 15 : i32
    %and3A_173 = vector.broadcast %and3A_172 : i32 to vector<16xi32>
    %and3A_174 = arith.andi %add3A_171, %and3A_173 : vector<16xi32>
    %add3A_175 = arith.constant 13 : i32
    %add3A_176 = vector.broadcast %add3A_175 : i32 to vector<16xi32>
    %add3A_177 = arith.addi %iota3A, %add3A_176 : vector<16xi32>
    %and3A_178 = arith.constant 15 : i32
    %and3A_179 = vector.broadcast %and3A_178 : i32 to vector<16xi32>
    %and3A_180 = arith.andi %add3A_177, %and3A_179 : vector<16xi32>
    %add3A_181 = arith.constant 14 : i32
    %add3A_182 = vector.broadcast %add3A_181 : i32 to vector<16xi32>
    %add3A_183 = arith.addi %iota3A, %add3A_182 : vector<16xi32>
    %and3A_184 = arith.constant 15 : i32
    %and3A_185 = vector.broadcast %and3A_184 : i32 to vector<16xi32>
    %and3A_186 = arith.andi %add3A_183, %and3A_185 : vector<16xi32>
    %add3A_187 = arith.constant 15 : i32
    %add3A_188 = vector.broadcast %add3A_187 : i32 to vector<16xi32>
    %add3A_189 = arith.addi %iota3A, %add3A_188 : vector<16xi32>
    %and3A_190 = arith.constant 15 : i32
    %and3A_191 = vector.broadcast %and3A_190 : i32 to vector<16xi32>
    %and3A_192 = arith.andi %add3A_189, %and3A_191 : vector<16xi32>
    %broadcast_in_dim3A_193 = arith.constant 0 : i32
    %broadcast_in_dim3A_194 = vector.broadcast %broadcast_in_dim3A_193 : i32 to vector<16xi32>
    %broadcast_in_dim3A_195 = arith.constant 1 : i32
    %broadcast_in_dim3A_196 = vector.broadcast %broadcast_in_dim3A_195 : i32 to vector<16xi32>
    %broadcast_in_dim3A_197 = arith.constant 2 : i32
    %broadcast_in_dim3A_198 = vector.broadcast %broadcast_in_dim3A_197 : i32 to vector<16xi32>
    %broadcast_in_dim3A_199 = arith.constant 3 : i32
    %broadcast_in_dim3A_200 = vector.broadcast %broadcast_in_dim3A_199 : i32 to vector<16xi32>
    %broadcast_in_dim3A_201 = arith.constant 4 : i32
    %broadcast_in_dim3A_202 = vector.broadcast %broadcast_in_dim3A_201 : i32 to vector<16xi32>
    %broadcast_in_dim3A_203 = arith.constant 5 : i32
    %broadcast_in_dim3A_204 = vector.broadcast %broadcast_in_dim3A_203 : i32 to vector<16xi32>
    %broadcast_in_dim3A_205 = arith.constant 6 : i32
    %broadcast_in_dim3A_206 = vector.broadcast %broadcast_in_dim3A_205 : i32 to vector<16xi32>
    %broadcast_in_dim3A_207 = arith.constant 7 : i32
    %broadcast_in_dim3A_208 = vector.broadcast %broadcast_in_dim3A_207 : i32 to vector<16xi32>
    %broadcast_in_dim3A_209 = arith.constant 8 : i32
    %broadcast_in_dim3A_210 = vector.broadcast %broadcast_in_dim3A_209 : i32 to vector<16xi32>
    %broadcast_in_dim3A_211 = arith.constant 9 : i32
    %broadcast_in_dim3A_212 = vector.broadcast %broadcast_in_dim3A_211 : i32 to vector<16xi32>
    %add3A_213 = arith.constant 0 : i32
    %add3A_214 = arith.addi %add3A, %add3A_213 : i32
    %min3A = arith.constant 2499 : i32
    %min3A_215 = arith.minsi %add3A_214, %min3A : i32
    %dma_start3A = arith.constant 0 : i32
    %dma_start3A_216 = arith.constant 0 : i32
    %dma_start3A_217 = tpu.memref_slice %arg3[%min3A_215, %dma_start3A, %dma_start3A_216] : memref<2500x2x128xi32, #tpu.memory_space<hbm>> -> memref<1x2x128xi32, #tpu.memory_space<hbm>>
    %dma_start3A_218 = tpu.memref_squeeze %dma_start3A_217 : memref<1x2x128xi32, #tpu.memory_space<hbm>> -> memref<2x128xi32, #tpu.memory_space<hbm>>
    %dma_start3A_219 = arith.constant 0 : i32
    %dma_start3A_220 = arith.constant 0 : i32
    %dma_start3A_221 = tpu.memref_slice %arg3[%min3A_215, %dma_start3A_219, %dma_start3A_220] : memref<2500x2x128xi32, #tpu.memory_space<hbm>> -> memref<1x2x128xi32, #tpu.memory_space<hbm>>
    %dma_start3A_222 = tpu.memref_squeeze %dma_start3A_221 : memref<1x2x128xi32, #tpu.memory_space<hbm>> -> memref<2x128xi32, #tpu.memory_space<hbm>>
    tpu.enqueue_dma source(%dma_start3A_222 : memref<2x128xi32, #tpu.memory_space<hbm>>) target(%arg8 : memref<2x128xi32, #tpu.memory_space<vmem>>) target_semaphore(%arg20 : memref<!tpu.dma_semaphore, #tpu.memory_space<semaphore_mem>>)
    %add3A_223 = arith.constant 32 : i32
    %add3A_224 = arith.addi %add3A, %add3A_223 : i32
    %min3A_225 = arith.constant 2499 : i32
    %min3A_226 = arith.minsi %add3A_224, %min3A_225 : i32
    %dma_start3A_227 = arith.constant 0 : i32
    %dma_start3A_228 = arith.constant 0 : i32
    %dma_start3A_229 = tpu.memref_slice %arg3[%min3A_226, %dma_start3A_227, %dma_start3A_228] : memref<2500x2x128xi32, #tpu.memory_space<hbm>> -> memref<1x2x128xi32, #tpu.memory_space<hbm>>
    %dma_start3A_230 = tpu.memref_squeeze %dma_start3A_229 : memref<1x2x128xi32, #tpu.memory_space<hbm>> -> memref<2x128xi32, #tpu.memory_space<hbm>>
    %dma_start3A_231 = arith.constant 0 : i32
    %dma_start3A_232 = arith.constant 0 : i32
    %dma_start3A_233 = tpu.memref_slice %arg3[%min3A_226, %dma_start3A_231, %dma_start3A_232] : memref<2500x2x128xi32, #tpu.memory_space<hbm>> -> memref<1x2x128xi32, #tpu.memory_space<hbm>>
    %dma_start3A_234 = tpu.memref_squeeze %dma_start3A_233 : memref<1x2x128xi32, #tpu.memory_space<hbm>> -> memref<2x128xi32, #tpu.memory_space<hbm>>
    tpu.enqueue_dma source(%dma_start3A_234 : memref<2x128xi32, #tpu.memory_space<hbm>>) target(%arg9 : memref<2x128xi32, #tpu.memory_space<vmem>>) target_semaphore(%arg21 : memref<!tpu.dma_semaphore, #tpu.memory_space<semaphore_mem>>)
    %add3A_235 = arith.constant 0 : i32
    %add3A_236 = arith.addi %add3A, %add3A_235 : i32
    %min3A_237 = arith.constant 2499 : i32
    %min3A_238 = arith.minsi %add3A_236, %min3A_237 : i32
    %dma_wait3A = arith.constant 0 : i32
    %dma_wait3A_239 = arith.constant 0 : i32
    %dma_wait3A_240 = tpu.memref_slice %arg3[%min3A_238, %dma_wait3A, %dma_wait3A_239] : memref<2500x2x128xi32, #tpu.memory_space<hbm>> -> memref<1x2x128xi32, #tpu.memory_space<hbm>>
    %dma_wait3A_241 = tpu.memref_squeeze %dma_wait3A_240 : memref<1x2x128xi32, #tpu.memory_space<hbm>> -> memref<2x128xi32, #tpu.memory_space<hbm>>
    %dma_wait3A_242 = arith.constant 0 : i32
    %dma_wait3A_243 = arith.constant 0 : i32
    %dma_wait3A_244 = tpu.memref_slice %arg3[%min3A_238, %dma_wait3A_242, %dma_wait3A_243] : memref<2500x2x128xi32, #tpu.memory_space<hbm>> -> memref<1x2x128xi32, #tpu.memory_space<hbm>>
    %dma_wait3A_245 = tpu.memref_squeeze %dma_wait3A_244 : memref<1x2x128xi32, #tpu.memory_space<hbm>> -> memref<2x128xi32, #tpu.memory_space<hbm>>
    tpu.wait_dma2 semaphore(%arg20 : memref<!tpu.dma_semaphore, #tpu.memory_space<semaphore_mem>>) src(%dma_wait3A_245 : memref<2x128xi32, #tpu.memory_space<hbm>>) dst(%arg8 : memref<2x128xi32, #tpu.memory_space<vmem>>)
    %dma_start3A_246 = arith.constant 0 : i32
    %dma_start3A_247 = arith.constant 0 : i32
    %dma_start3A_248 = tpu.memref_slice %arg8[%dma_start3A_246, %dma_start3A_247] : memref<2x128xi32, #tpu.memory_space<vmem>> -> memref<1x128xi32, #tpu.memory_space<vmem>>
    %dma_start3A_249 = tpu.memref_squeeze %dma_start3A_248 : memref<1x128xi32, #tpu.memory_space<vmem>> -> memref<128xi32, #tpu.memory_space<vmem>>
    %dma_start3A_250 = arith.constant 0 : i32
    %dma_start3A_251 = arith.constant 0 : i32
    %dma_start3A_252 = tpu.memref_slice %arg2[%dma_start3A_250, %dma_start3A_251] : memref<10000x128xf32, #tpu.memory_space<hbm>> -> memref<10000x128xf32, #tpu.memory_space<hbm>>
    tpu.enqueue_indirect_dma source(%dma_start3A_252 : memref<10000x128xf32, #tpu.memory_space<hbm>>) target(%arg10 : memref<128x128xf32, #tpu.memory_space<vmem>>) offsets(%dma_start3A_249 : memref<128xi32, #tpu.memory_space<vmem>>) semaphore(%arg22 : memref<!tpu.dma_semaphore, #tpu.memory_space<semaphore_mem>>)
    %dma_start3A_253 = arith.constant 1 : i32
    %dma_start3A_254 = arith.constant 0 : i32
    %dma_start3A_255 = tpu.memref_slice %arg8[%dma_start3A_253, %dma_start3A_254] : memref<2x128xi32, #tpu.memory_space<vmem>> -> memref<1x128xi32, #tpu.memory_space<vmem>>
    %dma_start3A_256 = tpu.memref_squeeze %dma_start3A_255 : memref<1x128xi32, #tpu.memory_space<vmem>> -> memref<128xi32, #tpu.memory_space<vmem>>
    %dma_start3A_257 = arith.constant 0 : i32
    %dma_start3A_258 = arith.constant 0 : i32
    %dma_start3A_259 = tpu.memref_slice %arg2[%dma_start3A_257, %dma_start3A_258] : memref<10000x128xf32, #tpu.memory_space<hbm>> -> memref<10000x128xf32, #tpu.memory_space<hbm>>
    tpu.enqueue_indirect_dma source(%dma_start3A_259 : memref<10000x128xf32, #tpu.memory_space<hbm>>) target(%arg11 : memref<128x128xf32, #tpu.memory_space<vmem>>) offsets(%dma_start3A_256 : memref<128xi32, #tpu.memory_space<vmem>>) semaphore(%arg22 : memref<!tpu.dma_semaphore, #tpu.memory_space<semaphore_mem>>)
    %scan3A = arith.constant 0 : i32
    %scan3A_260 = arith.constant 0 : i32
    %scan3A_261 = arith.constant 40 : i32
    %scan3A_262 = arith.addi %scan3A_260, %scan3A_261 : i32
    %scan3A_263 = arith.constant 1 : i32
    %scan3A_264 = scf.for %scan3A_316 = %scan3A_260 to %scan3A_262 step %scan3A_263 iter_args(%scan3A_317 = %scan3A) -> (i32)  : i32 {
      %mul3A_318 = arith.constant 2 : i32
      %mul3A_319 = arith.muli %mul3A_318, %scan3A_316 : i32
      %add3A_320 = arith.constant 0 : i32
      %add3A_321 = arith.addi %mul3A_319, %add3A_320 : i32
      %dma_wait3A_322 = arith.constant 0 : i32
      %dma_wait3A_323 = arith.constant 0 : i32
      %dma_wait3A_324 = tpu.memref_slice %arg8[%dma_wait3A_322, %dma_wait3A_323] : memref<2x128xi32, #tpu.memory_space<vmem>> -> memref<1x128xi32, #tpu.memory_space<vmem>>
      %dma_wait3A_325 = tpu.memref_squeeze %dma_wait3A_324 : memref<1x128xi32, #tpu.memory_space<vmem>> -> memref<128xi32, #tpu.memory_space<vmem>>
      %dma_wait3A_326 = arith.constant 0 : i32
      %dma_wait3A_327 = arith.constant 0 : i32
      %dma_wait3A_328 = tpu.memref_slice %arg2[%dma_wait3A_326, %dma_wait3A_327] : memref<10000x128xf32, #tpu.memory_space<hbm>> -> memref<10000x128xf32, #tpu.memory_space<hbm>>
      tpu.wait_indirect_dma semaphore(%arg22 : memref<!tpu.dma_semaphore, #tpu.memory_space<semaphore_mem>>) src(%dma_wait3A_328 : memref<10000x128xf32, #tpu.memory_space<hbm>>) dst(%arg10 : memref<128x128xf32, #tpu.memory_space<vmem>>)
      %dma_wait3A_329 = arith.constant 1 : i32
      %dma_wait3A_330 = arith.constant 0 : i32
      %dma_wait3A_331 = tpu.memref_slice %arg8[%dma_wait3A_329, %dma_wait3A_330] : memref<2x128xi32, #tpu.memory_space<vmem>> -> memref<1x128xi32, #tpu.memory_space<vmem>>
      %dma_wait3A_332 = tpu.memref_squeeze %dma_wait3A_331 : memref<1x128xi32, #tpu.memory_space<vmem>> -> memref<128xi32, #tpu.memory_space<vmem>>
      %dma_wait3A_333 = arith.constant 0 : i32
      %dma_wait3A_334 = arith.constant 0 : i32
      %dma_wait3A_335 = tpu.memref_slice %arg2[%dma_wait3A_333, %dma_wait3A_334] : memref<10000x128xf32, #tpu.memory_space<hbm>> -> memref<10000x128xf32, #tpu.memory_space<hbm>>
      tpu.wait_indirect_dma semaphore(%arg22 : memref<!tpu.dma_semaphore, #tpu.memory_space<semaphore_mem>>) src(%dma_wait3A_335 : memref<10000x128xf32, #tpu.memory_space<hbm>>) dst(%arg11 : memref<128x128xf32, #tpu.memory_space<vmem>>)
      %add3A_336 = arith.constant 1 : i32
      %add3A_337 = arith.addi %add3A_321, %add3A_336 : i32
      %mul3A_338 = arith.constant 32 : i32
      %mul3A_339 = arith.muli %add3A_337, %mul3A_338 : i32
      %add3A_340 = arith.addi %add3A, %mul3A_339 : i32
      %min3A_341 = arith.constant 2499 : i32
      %min3A_342 = arith.minsi %add3A_340, %min3A_341 : i32
      %dma_wait3A_343 = arith.constant 0 : i32
      %dma_wait3A_344 = arith.constant 0 : i32
      %dma_wait3A_345 = tpu.memref_slice %arg3[%min3A_342, %dma_wait3A_343, %dma_wait3A_344] : memref<2500x2x128xi32, #tpu.memory_space<hbm>> -> memref<1x2x128xi32, #tpu.memory_space<hbm>>
      %dma_wait3A_346 = tpu.memref_squeeze %dma_wait3A_345 : memref<1x2x128xi32, #tpu.memory_space<hbm>> -> memref<2x128xi32, #tpu.memory_space<hbm>>
      %dma_wait3A_347 = arith.constant 0 : i32
      %dma_wait3A_348 = arith.constant 0 : i32
      %dma_wait3A_349 = tpu.memref_slice %arg3[%min3A_342, %dma_wait3A_347, %dma_wait3A_348] : memref<2500x2x128xi32, #tpu.memory_space<hbm>> -> memref<1x2x128xi32, #tpu.memory_space<hbm>>
      %dma_wait3A_350 = tpu.memref_squeeze %dma_wait3A_349 : memref<1x2x128xi32, #tpu.memory_space<hbm>> -> memref<2x128xi32, #tpu.memory_space<hbm>>
      tpu.wait_dma2 semaphore(%arg21 : memref<!tpu.dma_semaphore, #tpu.memory_space<semaphore_mem>>) src(%dma_wait3A_350 : memref<2x128xi32, #tpu.memory_space<hbm>>) dst(%arg9 : memref<2x128xi32, #tpu.memory_space<vmem>>)
      %dma_start3A_351 = arith.constant 0 : i32
      %dma_start3A_352 = arith.constant 0 : i32
      %dma_start3A_353 = tpu.memref_slice %arg9[%dma_start3A_351, %dma_start3A_352] : memref<2x128xi32, #tpu.memory_space<vmem>> -> memref<1x128xi32, #tpu.memory_space<vmem>>
      %dma_start3A_354 = tpu.memref_squeeze %dma_start3A_353 : memref<1x128xi32, #tpu.memory_space<vmem>> -> memref<128xi32, #tpu.memory_space<vmem>>
      %dma_start3A_355 = arith.constant 0 : i32
      %dma_start3A_356 = arith.constant 0 : i32
      %dma_start3A_357 = tpu.memref_slice %arg2[%dma_start3A_355, %dma_start3A_356] : memref<10000x128xf32, #tpu.memory_space<hbm>> -> memref<10000x128xf32, #tpu.memory_space<hbm>>
      tpu.enqueue_indirect_dma source(%dma_start3A_357 : memref<10000x128xf32, #tpu.memory_space<hbm>>) target(%arg12 : memref<128x128xf32, #tpu.memory_space<vmem>>) offsets(%dma_start3A_354 : memref<128xi32, #tpu.memory_space<vmem>>) semaphore(%arg23 : memref<!tpu.dma_semaphore, #tpu.memory_space<semaphore_mem>>)
      %dma_start3A_358 = arith.constant 1 : i32
      %dma_start3A_359 = arith.constant 0 : i32
      %dma_start3A_360 = tpu.memref_slice %arg9[%dma_start3A_358, %dma_start3A_359] : memref<2x128xi32, #tpu.memory_space<vmem>> -> memref<1x128xi32, #tpu.memory_space<vmem>>
      %dma_start3A_361 = tpu.memref_squeeze %dma_start3A_360 : memref<1x128xi32, #tpu.memory_space<vmem>> -> memref<128xi32, #tpu.memory_space<vmem>>
      %dma_start3A_362 = arith.constant 0 : i32
      %dma_start3A_363 = arith.constant 0 : i32
      %dma_start3A_364 = tpu.memref_slice %arg2[%dma_start3A_362, %dma_start3A_363] : memref<10000x128xf32, #tpu.memory_space<hbm>> -> memref<10000x128xf32, #tpu.memory_space<hbm>>
      tpu.enqueue_indirect_dma source(%dma_start3A_364 : memref<10000x128xf32, #tpu.memory_space<hbm>>) target(%arg13 : memref<128x128xf32, #tpu.memory_space<vmem>>) offsets(%dma_start3A_361 : memref<128xi32, #tpu.memory_space<vmem>>) semaphore(%arg23 : memref<!tpu.dma_semaphore, #tpu.memory_space<semaphore_mem>>)
      %add3A_365 = arith.constant 2 : i32
      %add3A_366 = arith.addi %add3A_321, %add3A_365 : i32
      %mul3A_367 = arith.constant 32 : i32
      %mul3A_368 = arith.muli %add3A_366, %mul3A_367 : i32
      %add3A_369 = arith.addi %add3A, %mul3A_368 : i32
      %min3A_370 = arith.constant 2499 : i32
      %min3A_371 = arith.minsi %add3A_369, %min3A_370 : i32
      %dma_start3A_372 = arith.constant 0 : i32
      %dma_start3A_373 = arith.constant 0 : i32
      %dma_start3A_374 = tpu.memref_slice %arg3[%min3A_371, %dma_start3A_372, %dma_start3A_373] : memref<2500x2x128xi32, #tpu.memory_space<hbm>> -> memref<1x2x128xi32, #tpu.memory_space<hbm>>
      %dma_start3A_375 = tpu.memref_squeeze %dma_start3A_374 : memref<1x2x128xi32, #tpu.memory_space<hbm>> -> memref<2x128xi32, #tpu.memory_space<hbm>>
      %dma_start3A_376 = arith.constant 0 : i32
      %dma_start3A_377 = arith.constant 0 : i32
      %dma_start3A_378 = tpu.memref_slice %arg3[%min3A_371, %dma_start3A_376, %dma_start3A_377] : memref<2500x2x128xi32, #tpu.memory_space<hbm>> -> memref<1x2x128xi32, #tpu.memory_space<hbm>>
      %dma_start3A_379 = tpu.memref_squeeze %dma_start3A_378 : memref<1x2x128xi32, #tpu.memory_space<hbm>> -> memref<2x128xi32, #tpu.memory_space<hbm>>
      tpu.enqueue_dma source(%dma_start3A_379 : memref<2x128xi32, #tpu.memory_space<hbm>>) target(%arg8 : memref<2x128xi32, #tpu.memory_space<vmem>>) target_semaphore(%arg20 : memref<!tpu.dma_semaphore, #tpu.memory_space<semaphore_mem>>)
      %ge3A = arith.constant 1 : i32
      %ge3A_380 = arith.cmpi sge, %scan3A_316, %ge3A : i32
      %convert_element_type3A = arith.extui %ge3A_380 : i1 to i32
      %cond3A = arith.constant 0 : i32
      %cond3A_381 = arith.cmpi ne, %convert_element_type3A, %cond3A : i32
      scf.if %cond3A_381 {
        %sub3A_490 = arith.constant 2 : i32
        %sub3A_491 = arith.subi %add3A_321, %sub3A_490 : i32
        %mul3A_492 = arith.constant 32 : i32
        %mul3A_493 = arith.muli %sub3A_491, %mul3A_492 : i32
        %add3A_494 = arith.addi %add3A, %mul3A_493 : i32
        %min3A_495 = arith.constant 2499 : i32
        %min3A_496 = arith.minsi %add3A_494, %min3A_495 : i32
        %mul3A_497 = arith.constant 128 : i32
        %mul3A_498 = arith.muli %min3A_496, %mul3A_497 : i32
        %dma_wait3A_499 = arith.constant 0 : i32
        %dma_wait3A_500 = tpu.memref_slice %arg6[%mul3A_498, %dma_wait3A_499] : memref<320000x10xf32, #tpu.memory_space<hbm>> -> memref<128x10xf32, #tpu.memory_space<hbm>>
        %dma_wait3A_501 = arith.constant 0 : i32
        %dma_wait3A_502 = tpu.memref_slice %arg6[%mul3A_498, %dma_wait3A_501] : memref<320000x10xf32, #tpu.memory_space<hbm>> -> memref<128x10xf32, #tpu.memory_space<hbm>>
        tpu.wait_dma2 semaphore(%arg24 : memref<!tpu.dma_semaphore, #tpu.memory_space<semaphore_mem>>) src(%arg14 : memref<128x10xf32, #tpu.memory_space<vmem>>) dst(%dma_wait3A_502 : memref<128x10xf32, #tpu.memory_space<hbm>>)
        %dma_wait3A_503 = tpu.memref_slice %arg7[%mul3A_498] : memref<320000xf32, #tpu.memory_space<hbm>> -> memref<128xf32, #tpu.memory_space<hbm>>
        %dma_wait3A_504 = tpu.memref_slice %arg7[%mul3A_498] : memref<320000xf32, #tpu.memory_space<hbm>> -> memref<128xf32, #tpu.memory_space<hbm>>
        tpu.wait_dma2 semaphore(%arg24 : memref<!tpu.dma_semaphore, #tpu.memory_space<semaphore_mem>>) src(%arg15 : memref<128xf32, #tpu.memory_space<vmem>>) dst(%dma_wait3A_504 : memref<128xf32, #tpu.memory_space<hbm>>)
      } else {
      }
      %mul3A_382 = arith.constant 32 : i32
      %mul3A_383 = arith.muli %add3A_321, %mul3A_382 : i32
      %add3A_384 = arith.addi %add3A, %mul3A_383 : i32
      %min3A_385 = arith.constant 2499 : i32
      %min3A_386 = arith.minsi %add3A_384, %min3A_385 : i32
      %mul3A_387 = arith.constant 128 : i32
      %mul3A_388 = arith.muli %min3A_386, %mul3A_387 : i32
      %scan3A_389 = arith.constant 0 : i32
      %scan3A_390 = arith.constant 0 : i32
      %scan3A_391 = arith.constant 8 : i32
      %scan3A_392 = arith.addi %scan3A_390, %scan3A_391 : i32
      %scan3A_393 = arith.constant 1 : i32
      %scan3A_394 = scf.for %scan3A_490 = %scan3A_390 to %scan3A_392 step %scan3A_393 iter_args(%scan3A_491 = %scan3A_389) -> (i32)  : i32 {
        %mul3A_492 = arith.constant 16 : i32
        %mul3A_493 = arith.muli %scan3A_490, %mul3A_492 : i32
        %add3A_494 = vector.broadcast %mul3A_493 : i32 to vector<16xi32>
        %add3A_495 = arith.addi %iota3A, %add3A_494 : vector<16xi32>
        %add3A_496 = arith.constant 0 : i32
        %add3A_497 = vector.broadcast %add3A_496 : i32 to vector<16xi32>
        %add3A_498 = arith.addi %and3A_102, %add3A_497 : vector<16xi32>
        %gather3A = tpu.vector_load_idx %arg10[%add3A_495, %add3A_498] : memref<128x128xf32, #tpu.memory_space<vmem>>[vector<16xi32>, vector<16xi32>], vector<16xf32>,
        %gather3A_499 = tpu.vector_load_idx %arg11[%add3A_495, %add3A_498] : memref<128x128xf32, #tpu.memory_space<vmem>>[vector<16xi32>, vector<16xi32>], vector<16xf32>,
        %sub3A_500 = arith.subf %gather3A_499, %gather3A : vector<16xf32>
        %mul3A_501 = arith.mulf %sub3A_500, %sub3A_500 : vector<16xf32>
        %add3A_502 = arith.constant 0 : i32
        %add3A_503 = vector.broadcast %add3A_502 : i32 to vector<16xi32>
        %add3A_504 = arith.addi %and3A_108, %add3A_503 : vector<16xi32>
        %gather3A_505 = tpu.vector_load_idx %arg10[%add3A_495, %add3A_504] : memref<128x128xf32, #tpu.memory_space<vmem>>[vector<16xi32>, vector<16xi32>], vector<16xf32>,
        %gather3A_506 = tpu.vector_load_idx %arg11[%add3A_495, %add3A_504] : memref<128x128xf32, #tpu.memory_space<vmem>>[vector<16xi32>, vector<16xi32>], vector<16xf32>,
        %sub3A_507 = arith.subf %gather3A_506, %gather3A_505 : vector<16xf32>
        %mul3A_508 = arith.mulf %sub3A_507, %sub3A_507 : vector<16xf32>
        %add3A_509 = arith.addf %mul3A_501, %mul3A_508 : vector<16xf32>
        %add3A_510 = arith.constant 0 : i32
        %add3A_511 = vector.broadcast %add3A_510 : i32 to vector<16xi32>
        %add3A_512 = arith.addi %and3A_114, %add3A_511 : vector<16xi32>
        %gather3A_513 = tpu.vector_load_idx %arg10[%add3A_495, %add3A_512] : memref<128x128xf32, #tpu.memory_space<vmem>>[vector<16xi32>, vector<16xi32>], vector<16xf32>,
        %gather3A_514 = tpu.vector_load_idx %arg11[%add3A_495, %add3A_512] : memref<128x128xf32, #tpu.memory_space<vmem>>[vector<16xi32>, vector<16xi32>], vector<16xf32>,
        %sub3A_515 = arith.subf %gather3A_514, %gather3A_513 : vector<16xf32>
        %mul3A_516 = arith.mulf %sub3A_515, %sub3A_515 : vector<16xf32>
        %add3A_517 = arith.addf %add3A_509, %mul3A_516 : vector<16xf32>
        %add3A_518 = arith.constant 0 : i32
        %add3A_519 = vector.broadcast %add3A_518 : i32 to vector<16xi32>
        %add3A_520 = arith.addi %and3A_120, %add3A_519 : vector<16xi32>
        %gather3A_521 = tpu.vector_load_idx %arg10[%add3A_495, %add3A_520] : memref<128x128xf32, #tpu.memory_space<vmem>>[vector<16xi32>, vector<16xi32>], vector<16xf32>,
        %gather3A_522 = tpu.vector_load_idx %arg11[%add3A_495, %add3A_520] : memref<128x128xf32, #tpu.memory_space<vmem>>[vector<16xi32>, vector<16xi32>], vector<16xf32>,
        %sub3A_523 = arith.subf %gather3A_522, %gather3A_521 : vector<16xf32>
        %mul3A_524 = arith.mulf %sub3A_523, %sub3A_523 : vector<16xf32>
        %add3A_525 = arith.addf %add3A_517, %mul3A_524 : vector<16xf32>
        %add3A_526 = arith.constant 0 : i32
        %add3A_527 = vector.broadcast %add3A_526 : i32 to vector<16xi32>
        %add3A_528 = arith.addi %and3A_126, %add3A_527 : vector<16xi32>
        %gather3A_529 = tpu.vector_load_idx %arg10[%add3A_495, %add3A_528] : memref<128x128xf32, #tpu.memory_space<vmem>>[vector<16xi32>, vector<16xi32>], vector<16xf32>,
        %gather3A_530 = tpu.vector_load_idx %arg11[%add3A_495, %add3A_528] : memref<128x128xf32, #tpu.memory_space<vmem>>[vector<16xi32>, vector<16xi32>], vector<16xf32>,
        %sub3A_531 = arith.subf %gather3A_530, %gather3A_529 : vector<16xf32>
        %mul3A_532 = arith.mulf %sub3A_531, %sub3A_531 : vector<16xf32>
        %add3A_533 = arith.addf %add3A_525, %mul3A_532 : vector<16xf32>
        %add3A_534 = arith.constant 0 : i32
        %add3A_535 = vector.broadcast %add3A_534 : i32 to vector<16xi32>
        %add3A_536 = arith.addi %and3A_132, %add3A_535 : vector<16xi32>
        %gather3A_537 = tpu.vector_load_idx %arg10[%add3A_495, %add3A_536] : memref<128x128xf32, #tpu.memory_space<vmem>>[vector<16xi32>, vector<16xi32>], vector<16xf32>,
        %gather3A_538 = tpu.vector_load_idx %arg11[%add3A_495, %add3A_536] : memref<128x128xf32, #tpu.memory_space<vmem>>[vector<16xi32>, vector<16xi32>], vector<16xf32>,
        %sub3A_539 = arith.subf %gather3A_538, %gather3A_537 : vector<16xf32>
        %mul3A_540 = arith.mulf %sub3A_539, %sub3A_539 : vector<16xf32>
        %add3A_541 = arith.addf %add3A_533, %mul3A_540 : vector<16xf32>
        %add3A_542 = arith.constant 0 : i32
        %add3A_543 = vector.broadcast %add3A_542 : i32 to vector<16xi32>
        %add3A_544 = arith.addi %and3A_138, %add3A_543 : vector<16xi32>
        %gather3A_545 = tpu.vector_load_idx %arg10[%add3A_495, %add3A_544] : memref<128x128xf32, #tpu.memory_space<vmem>>[vector<16xi32>, vector<16xi32>], vector<16xf32>,
        %gather3A_546 = tpu.vector_load_idx %arg11[%add3A_495, %add3A_544] : memref<128x128xf32, #tpu.memory_space<vmem>>[vector<16xi32>, vector<16xi32>], vector<16xf32>,
        %sub3A_547 = arith.subf %gather3A_546, %gather3A_545 : vector<16xf32>
        %mul3A_548 = arith.mulf %sub3A_547, %sub3A_547 : vector<16xf32>
        %add3A_549 = arith.addf %add3A_541, %mul3A_548 : vector<16xf32>
        %add3A_550 = arith.constant 0 : i32
        %add3A_551 = vector.broadcast %add3A_550 : i32 to vector<16xi32>
        %add3A_552 = arith.addi %and3A_144, %add3A_551 : vector<16xi32>
        %gather3A_553 = tpu.vector_load_idx %arg10[%add3A_495, %add3A_552] : memref<128x128xf32, #tpu.memory_space<vmem>>[vector<16xi32>, vector<16xi32>], vector<16xf32>,
        %gather3A_554 = tpu.vector_load_idx %arg11[%add3A_495, %add3A_552] : memref<128x128xf32, #tpu.memory_space<vmem>>[vector<16xi32>, vector<16xi32>], vector<16xf32>,
        %sub3A_555 = arith.subf %gather3A_554, %gather3A_553 : vector<16xf32>
        %mul3A_556 = arith.mulf %sub3A_555, %sub3A_555 : vector<16xf32>
        %add3A_557 = arith.addf %add3A_549, %mul3A_556 : vector<16xf32>
        %add3A_558 = arith.constant 0 : i32
        %add3A_559 = vector.broadcast %add3A_558 : i32 to vector<16xi32>
        %add3A_560 = arith.addi %and3A_150, %add3A_559 : vector<16xi32>
        %gather3A_561 = tpu.vector_load_idx %arg10[%add3A_495, %add3A_560] : memref<128x128xf32, #tpu.memory_space<vmem>>[vector<16xi32>, vector<16xi32>], vector<16xf32>,
        %gather3A_562 = tpu.vector_load_idx %arg11[%add3A_495, %add3A_560] : memref<128x128xf32, #tpu.memory_space<vmem>>[vector<16xi32>, vector<16xi32>], vector<16xf32>,
        %sub3A_563 = arith.subf %gather3A_562, %gather3A_561 : vector<16xf32>
        %mul3A_564 = arith.mulf %sub3A_563, %sub3A_563 : vector<16xf32>
        %add3A_565 = arith.addf %add3A_557, %mul3A_564 : vector<16xf32>
        %add3A_566 = arith.constant 0 : i32
        %add3A_567 = vector.broadcast %add3A_566 : i32 to vector<16xi32>
        %add3A_568 = arith.addi %and3A_156, %add3A_567 : vector<16xi32>
        %gather3A_569 = tpu.vector_load_idx %arg10[%add3A_495, %add3A_568] : memref<128x128xf32, #tpu.memory_space<vmem>>[vector<16xi32>, vector<16xi32>], vector<16xf32>,
        %gather3A_570 = tpu.vector_load_idx %arg11[%add3A_495, %add3A_568] : memref<128x128xf32, #tpu.memory_space<vmem>>[vector<16xi32>, vector<16xi32>], vector<16xf32>,
        %sub3A_571 = arith.subf %gather3A_570, %gather3A_569 : vector<16xf32>
        %mul3A_572 = arith.mulf %sub3A_571, %sub3A_571 : vector<16xf32>
        %add3A_573 = arith.addf %add3A_565, %mul3A_572 : vector<16xf32>
        %add3A_574 = arith.constant 0 : i32
        %add3A_575 = vector.broadcast %add3A_574 : i32 to vector<16xi32>
        %add3A_576 = arith.addi %and3A_162, %add3A_575 : vector<16xi32>
        %gather3A_577 = tpu.vector_load_idx %arg10[%add3A_495, %add3A_576] : memref<128x128xf32, #tpu.memory_space<vmem>>[vector<16xi32>, vector<16xi32>], vector<16xf32>,
        %gather3A_578 = tpu.vector_load_idx %arg11[%add3A_495, %add3A_576] : memref<128x128xf32, #tpu.memory_space<vmem>>[vector<16xi32>, vector<16xi32>], vector<16xf32>,
        %sub3A_579 = arith.subf %gather3A_578, %gather3A_577 : vector<16xf32>
        %mul3A_580 = arith.mulf %sub3A_579, %sub3A_579 : vector<16xf32>
        %add3A_581 = arith.addf %add3A_573, %mul3A_580 : vector<16xf32>
        %add3A_582 = arith.constant 0 : i32
        %add3A_583 = vector.broadcast %add3A_582 : i32 to vector<16xi32>
        %add3A_584 = arith.addi %and3A_168, %add3A_583 : vector<16xi32>
        %gather3A_585 = tpu.vector_load_idx %arg10[%add3A_495, %add3A_584] : memref<128x128xf32, #tpu.memory_space<vmem>>[vector<16xi32>, vector<16xi32>], vector<16xf32>,
        %gather3A_586 = tpu.vector_load_idx %arg11[%add3A_495, %add3A_584] : memref<128x128xf32, #tpu.memory_space<vmem>>[vector<16xi32>, vector<16xi32>], vector<16xf32>,
        %sub3A_587 = arith.subf %gather3A_586, %gather3A_585 : vector<16xf32>
        %mul3A_588 = arith.mulf %sub3A_587, %sub3A_587 : vector<16xf32>
        %add3A_589 = arith.addf %add3A_581, %mul3A_588 : vector<16xf32>
        %add3A_590 = arith.constant 0 : i32
        %add3A_591 = vector.broadcast %add3A_590 : i32 to vector<16xi32>
        %add3A_592 = arith.addi %and3A_174, %add3A_591 : vector<16xi32>
        %gather3A_593 = tpu.vector_load_idx %arg10[%add3A_495, %add3A_592] : memref<128x128xf32, #tpu.memory_space<vmem>>[vector<16xi32>, vector<16xi32>], vector<16xf32>,
        %gather3A_594 = tpu.vector_load_idx %arg11[%add3A_495, %add3A_592] : memref<128x128xf32, #tpu.memory_space<vmem>>[vector<16xi32>, vector<16xi32>], vector<16xf32>,
        %sub3A_595 = arith.subf %gather3A_594, %gather3A_593 : vector<16xf32>
        %mul3A_596 = arith.mulf %sub3A_595, %sub3A_595 : vector<16xf32>
        %add3A_597 = arith.addf %add3A_589, %mul3A_596 : vector<16xf32>
        %add3A_598 = arith.constant 0 : i32
        %add3A_599 = vector.broadcast %add3A_598 : i32 to vector<16xi32>
        %add3A_600 = arith.addi %and3A_180, %add3A_599 : vector<16xi32>
        %gather3A_601 = tpu.vector_load_idx %arg10[%add3A_495, %add3A_600] : memref<128x128xf32, #tpu.memory_space<vmem>>[vector<16xi32>, vector<16xi32>], vector<16xf32>,
        %gather3A_602 = tpu.vector_load_idx %arg11[%add3A_495, %add3A_600] : memref<128x128xf32, #tpu.memory_space<vmem>>[vector<16xi32>, vector<16xi32>], vector<16xf32>,
        %sub3A_603 = arith.subf %gather3A_602, %gather3A_601 : vector<16xf32>
        %mul3A_604 = arith.mulf %sub3A_603, %sub3A_603 : vector<16xf32>
        %add3A_605 = arith.addf %add3A_597, %mul3A_604 : vector<16xf32>
        %add3A_606 = arith.constant 0 : i32
        %add3A_607 = vector.broadcast %add3A_606 : i32 to vector<16xi32>
        %add3A_608 = arith.addi %and3A_186, %add3A_607 : vector<16xi32>
        %gather3A_609 = tpu.vector_load_idx %arg10[%add3A_495, %add3A_608] : memref<128x128xf32, #tpu.memory_space<vmem>>[vector<16xi32>, vector<16xi32>], vector<16xf32>,
        %gather3A_610 = tpu.vector_load_idx %arg11[%add3A_495, %add3A_608] : memref<128x128xf32, #tpu.memory_space<vmem>>[vector<16xi32>, vector<16xi32>], vector<16xf32>,
        %sub3A_611 = arith.subf %gather3A_610, %gather3A_609 : vector<16xf32>
        %mul3A_612 = arith.mulf %sub3A_611, %sub3A_611 : vector<16xf32>
        %add3A_613 = arith.addf %add3A_605, %mul3A_612 : vector<16xf32>
        %add3A_614 = arith.constant 0 : i32
        %add3A_615 = vector.broadcast %add3A_614 : i32 to vector<16xi32>
        %add3A_616 = arith.addi %and3A_192, %add3A_615 : vector<16xi32>
        %gather3A_617 = tpu.vector_load_idx %arg10[%add3A_495, %add3A_616] : memref<128x128xf32, #tpu.memory_space<vmem>>[vector<16xi32>, vector<16xi32>], vector<16xf32>,
        %gather3A_618 = tpu.vector_load_idx %arg11[%add3A_495, %add3A_616] : memref<128x128xf32, #tpu.memory_space<vmem>>[vector<16xi32>, vector<16xi32>], vector<16xf32>,
        %sub3A_619 = arith.subf %gather3A_618, %gather3A_617 : vector<16xf32>
        %mul3A_620 = arith.mulf %sub3A_619, %sub3A_619 : vector<16xf32>
        %add3A_621 = arith.addf %add3A_613, %mul3A_620 : vector<16xf32>
        %bitcast_convert_type3A = tpu.bitcast %add3A_621 : vector<16xf32> -> vector<16xi32>
        %shift_right_arithmetic3A = arith.constant 1 : i32
        %shift_right_arithmetic3A_622 = vector.broadcast %shift_right_arithmetic3A : i32 to vector<16xi32>
        %shift_right_arithmetic3A_623 = arith.shrsi %bitcast_convert_type3A, %shift_right_arithmetic3A_622 : vector<16xi32>
        %sub3A_624 = arith.constant 1597463007 : i32
        %sub3A_625 = vector.broadcast %sub3A_624 : i32 to vector<16xi32>
        %sub3A_626 = arith.subi %sub3A_625, %shift_right_arithmetic3A_623 : vector<16xi32>
        %bitcast_convert_type3A_627 = tpu.bitcast %sub3A_626 : vector<16xi32> -> vector<16xf32>
        %mul3A_628 = arith.constant 5.000000e-01 : f32
        %mul3A_629 = vector.broadcast %mul3A_628 : f32 to vector<16xf32>
        %mul3A_630 = arith.mulf %mul3A_629, %add3A_621 : vector<16xf32>
        %mul3A_631 = arith.mulf %mul3A_630, %bitcast_convert_type3A_627 : vector<16xf32>
        %mul3A_632 = arith.mulf %mul3A_631, %bitcast_convert_type3A_627 : vector<16xf32>
        %sub3A_633 = arith.constant 1.500000e+00 : f32
        %sub3A_634 = vector.broadcast %sub3A_633 : f32 to vector<16xf32>
        %sub3A_635 = arith.subf %sub3A_634, %mul3A_632 : vector<16xf32>
        %mul3A_636 = arith.mulf %bitcast_convert_type3A_627, %sub3A_635 : vector<16xf32>
        %mul3A_637 = arith.constant 5.000000e-01 : f32
        %mul3A_638 = vector.broadcast %mul3A_637 : f32 to vector<16xf32>
        %mul3A_639 = arith.mulf %mul3A_638, %add3A_621 : vector<16xf32>
        %mul3A_640 = arith.mulf %mul3A_639, %mul3A_636 : vector<16xf32>
        %mul3A_641 = arith.mulf %mul3A_640, %mul3A_636 : vector<16xf32>
        %sub3A_642 = arith.constant 1.500000e+00 : f32
        %sub3A_643 = vector.broadcast %sub3A_642 : f32 to vector<16xf32>
        %sub3A_644 = arith.subf %sub3A_643, %mul3A_641 : vector<16xf32>
        %mul3A_645 = arith.mulf %mul3A_636, %sub3A_644 : vector<16xf32>
        %mul3A_646 = arith.constant 5.000000e-01 : f32
        %mul3A_647 = vector.broadcast %mul3A_646 : f32 to vector<16xf32>
        %mul3A_648 = arith.mulf %mul3A_647, %add3A_621 : vector<16xf32>
        %mul3A_649 = arith.mulf %mul3A_648, %mul3A_645 : vector<16xf32>
        %mul3A_650 = arith.mulf %mul3A_649, %mul3A_645 : vector<16xf32>
        %sub3A_651 = arith.constant 1.500000e+00 : f32
        %sub3A_652 = vector.broadcast %sub3A_651 : f32 to vector<16xf32>
        %sub3A_653 = arith.subf %sub3A_652, %mul3A_650 : vector<16xf32>
        %mul3A_654 = arith.mulf %mul3A_645, %sub3A_653 : vector<16xf32>
        %mul3A_655 = arith.mulf %add3A_621, %mul3A_654 : vector<16xf32>
        %add3A_656 = arith.constant 16 : i32
        %add3A_657 = vector.broadcast %add3A_656 : i32 to vector<16xi32>
        %add3A_658 = arith.addi %and3A_102, %add3A_657 : vector<16xi32>
        %gather3A_659 = tpu.vector_load_idx %arg10[%add3A_495, %add3A_658] : memref<128x128xf32, #tpu.memory_space<vmem>>[vector<16xi32>, vector<16xi32>], vector<16xf32>,
        %gather3A_660 = tpu.vector_load_idx %arg11[%add3A_495, %add3A_658] : memref<128x128xf32, #tpu.memory_space<vmem>>[vector<16xi32>, vector<16xi32>], vector<16xf32>,
        %sub3A_661 = arith.subf %gather3A_660, %gather3A_659 : vector<16xf32>
        %mul3A_662 = arith.mulf %sub3A_661, %sub3A_661 : vector<16xf32>
        %add3A_663 = arith.constant 16 : i32
        %add3A_664 = vector.broadcast %add3A_663 : i32 to vector<16xi32>
        %add3A_665 = arith.addi %and3A_108, %add3A_664 : vector<16xi32>
        %gather3A_666 = tpu.vector_load_idx %arg10[%add3A_495, %add3A_665] : memref<128x128xf32, #tpu.memory_space<vmem>>[vector<16xi32>, vector<16xi32>], vector<16xf32>,
        %gather3A_667 = tpu.vector_load_idx %arg11[%add3A_495, %add3A_665] : memref<128x128xf32, #tpu.memory_space<vmem>>[vector<16xi32>, vector<16xi32>], vector<16xf32>,
        %sub3A_668 = arith.subf %gather3A_667, %gather3A_666 : vector<16xf32>
        %mul3A_669 = arith.mulf %sub3A_668, %sub3A_668 : vector<16xf32>
        %add3A_670 = arith.addf %mul3A_662, %mul3A_669 : vector<16xf32>
        %add3A_671 = arith.constant 16 : i32
        %add3A_672 = vector.broadcast %add3A_671 : i32 to vector<16xi32>
        %add3A_673 = arith.addi %and3A_114, %add3A_672 : vector<16xi32>
        %gather3A_674 = tpu.vector_load_idx %arg10[%add3A_495, %add3A_673] : memref<128x128xf32, #tpu.memory_space<vmem>>[vector<16xi32>, vector<16xi32>], vector<16xf32>,
        %gather3A_675 = tpu.vector_load_idx %arg11[%add3A_495, %add3A_673] : memref<128x128xf32, #tpu.memory_space<vmem>>[vector<16xi32>, vector<16xi32>], vector<16xf32>,
        %sub3A_676 = arith.subf %gather3A_675, %gather3A_674 : vector<16xf32>
        %mul3A_677 = arith.mulf %sub3A_676, %sub3A_676 : vector<16xf32>
        %add3A_678 = arith.addf %add3A_670, %mul3A_677 : vector<16xf32>
        %add3A_679 = arith.constant 16 : i32
        %add3A_680 = vector.broadcast %add3A_679 : i32 to vector<16xi32>
        %add3A_681 = arith.addi %and3A_120, %add3A_680 : vector<16xi32>
        %gather3A_682 = tpu.vector_load_idx %arg10[%add3A_495, %add3A_681] : memref<128x128xf32, #tpu.memory_space<vmem>>[vector<16xi32>, vector<16xi32>], vector<16xf32>,
        %gather3A_683 = tpu.vector_load_idx %arg11[%add3A_495, %add3A_681] : memref<128x128xf32, #tpu.memory_space<vmem>>[vector<16xi32>, vector<16xi32>], vector<16xf32>,
        %sub3A_684 = arith.subf %gather3A_683, %gather3A_682 : vector<16xf32>
        %mul3A_685 = arith.mulf %sub3A_684, %sub3A_684 : vector<16xf32>
        %add3A_686 = arith.addf %add3A_678, %mul3A_685 : vector<16xf32>
        %add3A_687 = arith.constant 16 : i32
        %add3A_688 = vector.broadcast %add3A_687 : i32 to vector<16xi32>
        %add3A_689 = arith.addi %and3A_126, %add3A_688 : vector<16xi32>
        %gather3A_690 = tpu.vector_load_idx %arg10[%add3A_495, %add3A_689] : memref<128x128xf32, #tpu.memory_space<vmem>>[vector<16xi32>, vector<16xi32>], vector<16xf32>,
        %gather3A_691 = tpu.vector_load_idx %arg11[%add3A_495, %add3A_689] : memref<128x128xf32, #tpu.memory_space<vmem>>[vector<16xi32>, vector<16xi32>], vector<16xf32>,
        %sub3A_692 = arith.subf %gather3A_691, %gather3A_690 : vector<16xf32>
        %mul3A_693 = arith.mulf %sub3A_692, %sub3A_692 : vector<16xf32>
        %add3A_694 = arith.addf %add3A_686, %mul3A_693 : vector<16xf32>
        %add3A_695 = arith.constant 16 : i32
        %add3A_696 = vector.broadcast %add3A_695 : i32 to vector<16xi32>
        %add3A_697 = arith.addi %and3A_132, %add3A_696 : vector<16xi32>
        %gather3A_698 = tpu.vector_load_idx %arg10[%add3A_495, %add3A_697] : memref<128x128xf32, #tpu.memory_space<vmem>>[vector<16xi32>, vector<16xi32>], vector<16xf32>,
        %gather3A_699 = tpu.vector_load_idx %arg11[%add3A_495, %add3A_697] : memref<128x128xf32, #tpu.memory_space<vmem>>[vector<16xi32>, vector<16xi32>], vector<16xf32>,
        %sub3A_700 = arith.subf %gather3A_699, %gather3A_698 : vector<16xf32>
        %mul3A_701 = arith.mulf %sub3A_700, %sub3A_700 : vector<16xf32>
        %add3A_702 = arith.addf %add3A_694, %mul3A_701 : vector<16xf32>
        %add3A_703 = arith.constant 16 : i32
        %add3A_704 = vector.broadcast %add3A_703 : i32 to vector<16xi32>
        %add3A_705 = arith.addi %and3A_138, %add3A_704 : vector<16xi32>
        %gather3A_706 = tpu.vector_load_idx %arg10[%add3A_495, %add3A_705] : memref<128x128xf32, #tpu.memory_space<vmem>>[vector<16xi32>, vector<16xi32>], vector<16xf32>,
        %gather3A_707 = tpu.vector_load_idx %arg11[%add3A_495, %add3A_705] : memref<128x128xf32, #tpu.memory_space<vmem>>[vector<16xi32>, vector<16xi32>], vector<16xf32>,
        %sub3A_708 = arith.subf %gather3A_707, %gather3A_706 : vector<16xf32>
        %mul3A_709 = arith.mulf %sub3A_708, %sub3A_708 : vector<16xf32>
        %add3A_710 = arith.addf %add3A_702, %mul3A_709 : vector<16xf32>
        %add3A_711 = arith.constant 16 : i32
        %add3A_712 = vector.broadcast %add3A_711 : i32 to vector<16xi32>
        %add3A_713 = arith.addi %and3A_144, %add3A_712 : vector<16xi32>
        %gather3A_714 = tpu.vector_load_idx %arg10[%add3A_495, %add3A_713] : memref<128x128xf32, #tpu.memory_space<vmem>>[vector<16xi32>, vector<16xi32>], vector<16xf32>,
        %gather3A_715 = tpu.vector_load_idx %arg11[%add3A_495, %add3A_713] : memref<128x128xf32, #tpu.memory_space<vmem>>[vector<16xi32>, vector<16xi32>], vector<16xf32>,
        %sub3A_716 = arith.subf %gather3A_715, %gather3A_714 : vector<16xf32>
        %mul3A_717 = arith.mulf %sub3A_716, %sub3A_716 : vector<16xf32>
        %add3A_718 = arith.addf %add3A_710, %mul3A_717 : vector<16xf32>
        %add3A_719 = arith.constant 16 : i32
        %add3A_720 = vector.broadcast %add3A_719 : i32 to vector<16xi32>
        %add3A_721 = arith.addi %and3A_150, %add3A_720 : vector<16xi32>
        %gather3A_722 = tpu.vector_load_idx %arg10[%add3A_495, %add3A_721] : memref<128x128xf32, #tpu.memory_space<vmem>>[vector<16xi32>, vector<16xi32>], vector<16xf32>,
        %gather3A_723 = tpu.vector_load_idx %arg11[%add3A_495, %add3A_721] : memref<128x128xf32, #tpu.memory_space<vmem>>[vector<16xi32>, vector<16xi32>], vector<16xf32>,
        %sub3A_724 = arith.subf %gather3A_723, %gather3A_722 : vector<16xf32>
        %mul3A_725 = arith.mulf %sub3A_724, %sub3A_724 : vector<16xf32>
        %add3A_726 = arith.addf %add3A_718, %mul3A_725 : vector<16xf32>
        %add3A_727 = arith.constant 16 : i32
        %add3A_728 = vector.broadcast %add3A_727 : i32 to vector<16xi32>
        %add3A_729 = arith.addi %and3A_156, %add3A_728 : vector<16xi32>
        %gather3A_730 = tpu.vector_load_idx %arg10[%add3A_495, %add3A_729] : memref<128x128xf32, #tpu.memory_space<vmem>>[vector<16xi32>, vector<16xi32>], vector<16xf32>,
        %gather3A_731 = tpu.vector_load_idx %arg11[%add3A_495, %add3A_729] : memref<128x128xf32, #tpu.memory_space<vmem>>[vector<16xi32>, vector<16xi32>], vector<16xf32>,
        %sub3A_732 = arith.subf %gather3A_731, %gather3A_730 : vector<16xf32>
        %mul3A_733 = arith.mulf %sub3A_732, %sub3A_732 : vector<16xf32>
        %add3A_734 = arith.addf %add3A_726, %mul3A_733 : vector<16xf32>
        %add3A_735 = arith.constant 16 : i32
        %add3A_736 = vector.broadcast %add3A_735 : i32 to vector<16xi32>
        %add3A_737 = arith.addi %and3A_162, %add3A_736 : vector<16xi32>
        %gather3A_738 = tpu.vector_load_idx %arg10[%add3A_495, %add3A_737] : memref<128x128xf32, #tpu.memory_space<vmem>>[vector<16xi32>, vector<16xi32>], vector<16xf32>,
        %gather3A_739 = tpu.vector_load_idx %arg11[%add3A_495, %add3A_737] : memref<128x128xf32, #tpu.memory_space<vmem>>[vector<16xi32>, vector<16xi32>], vector<16xf32>,
        %sub3A_740 = arith.subf %gather3A_739, %gather3A_738 : vector<16xf32>
        %mul3A_741 = arith.mulf %sub3A_740, %sub3A_740 : vector<16xf32>
        %add3A_742 = arith.addf %add3A_734, %mul3A_741 : vector<16xf32>
        %add3A_743 = arith.constant 16 : i32
        %add3A_744 = vector.broadcast %add3A_743 : i32 to vector<16xi32>
        %add3A_745 = arith.addi %and3A_168, %add3A_744 : vector<16xi32>
        %gather3A_746 = tpu.vector_load_idx %arg10[%add3A_495, %add3A_745] : memref<128x128xf32, #tpu.memory_space<vmem>>[vector<16xi32>, vector<16xi32>], vector<16xf32>,
        %gather3A_747 = tpu.vector_load_idx %arg11[%add3A_495, %add3A_745] : memref<128x128xf32, #tpu.memory_space<vmem>>[vector<16xi32>, vector<16xi32>], vector<16xf32>,
        %sub3A_748 = arith.subf %gather3A_747, %gather3A_746 : vector<16xf32>
        %mul3A_749 = arith.mulf %sub3A_748, %sub3A_748 : vector<16xf32>
        %add3A_750 = arith.addf %add3A_742, %mul3A_749 : vector<16xf32>
        %add3A_751 = arith.constant 16 : i32
        %add3A_752 = vector.broadcast %add3A_751 : i32 to vector<16xi32>
        %add3A_753 = arith.addi %and3A_174, %add3A_752 : vector<16xi32>
        %gather3A_754 = tpu.vector_load_idx %arg10[%add3A_495, %add3A_753] : memref<128x128xf32, #tpu.memory_space<vmem>>[vector<16xi32>, vector<16xi32>], vector<16xf32>,
        %gather3A_755 = tpu.vector_load_idx %arg11[%add3A_495, %add3A_753] : memref<128x128xf32, #tpu.memory_space<vmem>>[vector<16xi32>, vector<16xi32>], vector<16xf32>,
        %sub3A_756 = arith.subf %gather3A_755, %gather3A_754 : vector<16xf32>
        %mul3A_757 = arith.mulf %sub3A_756, %sub3A_756 : vector<16xf32>
        %add3A_758 = arith.addf %add3A_750, %mul3A_757 : vector<16xf32>
        %add3A_759 = arith.constant 16 : i32
        %add3A_760 = vector.broadcast %add3A_759 : i32 to vector<16xi32>
        %add3A_761 = arith.addi %and3A_180, %add3A_760 : vector<16xi32>
        %gather3A_762 = tpu.vector_load_idx %arg10[%add3A_495, %add3A_761] : memref<128x128xf32, #tpu.memory_space<vmem>>[vector<16xi32>, vector<16xi32>], vector<16xf32>,
        %gather3A_763 = tpu.vector_load_idx %arg11[%add3A_495, %add3A_761] : memref<128x128xf32, #tpu.memory_space<vmem>>[vector<16xi32>, vector<16xi32>], vector<16xf32>,
        %sub3A_764 = arith.subf %gather3A_763, %gather3A_762 : vector<16xf32>
        %mul3A_765 = arith.mulf %sub3A_764, %sub3A_764 : vector<16xf32>
        %add3A_766 = arith.addf %add3A_758, %mul3A_765 : vector<16xf32>
        %add3A_767 = arith.constant 16 : i32
        %add3A_768 = vector.broadcast %add3A_767 : i32 to vector<16xi32>
        %add3A_769 = arith.addi %and3A_186, %add3A_768 : vector<16xi32>
        %gather3A_770 = tpu.vector_load_idx %arg10[%add3A_495, %add3A_769] : memref<128x128xf32, #tpu.memory_space<vmem>>[vector<16xi32>, vector<16xi32>], vector<16xf32>,
        %gather3A_771 = tpu.vector_load_idx %arg11[%add3A_495, %add3A_769] : memref<128x128xf32, #tpu.memory_space<vmem>>[vector<16xi32>, vector<16xi32>], vector<16xf32>,
        %sub3A_772 = arith.subf %gather3A_771, %gather3A_770 : vector<16xf32>
        %mul3A_773 = arith.mulf %sub3A_772, %sub3A_772 : vector<16xf32>
        %add3A_774 = arith.addf %add3A_766, %mul3A_773 : vector<16xf32>
        %add3A_775 = arith.constant 16 : i32
        %add3A_776 = vector.broadcast %add3A_775 : i32 to vector<16xi32>
        %add3A_777 = arith.addi %and3A_192, %add3A_776 : vector<16xi32>
        %gather3A_778 = tpu.vector_load_idx %arg10[%add3A_495, %add3A_777] : memref<128x128xf32, #tpu.memory_space<vmem>>[vector<16xi32>, vector<16xi32>], vector<16xf32>,
        %gather3A_779 = tpu.vector_load_idx %arg11[%add3A_495, %add3A_777] : memref<128x128xf32, #tpu.memory_space<vmem>>[vector<16xi32>, vector<16xi32>], vector<16xf32>,
        %sub3A_780 = arith.subf %gather3A_779, %gather3A_778 : vector<16xf32>
        %mul3A_781 = arith.mulf %sub3A_780, %sub3A_780 : vector<16xf32>
        %add3A_782 = arith.addf %add3A_774, %mul3A_781 : vector<16xf32>
        %bitcast_convert_type3A_783 = tpu.bitcast %add3A_782 : vector<16xf32> -> vector<16xi32>
        %shift_right_arithmetic3A_784 = arith.constant 1 : i32
        %shift_right_arithmetic3A_785 = vector.broadcast %shift_right_arithmetic3A_784 : i32 to vector<16xi32>
        %shift_right_arithmetic3A_786 = arith.shrsi %bitcast_convert_type3A_783, %shift_right_arithmetic3A_785 : vector<16xi32>
        %sub3A_787 = arith.constant 1597463007 : i32
        %sub3A_788 = vector.broadcast %sub3A_787 : i32 to vector<16xi32>
        %sub3A_789 = arith.subi %sub3A_788, %shift_right_arithmetic3A_786 : vector<16xi32>
        %bitcast_convert_type3A_790 = tpu.bitcast %sub3A_789 : vector<16xi32> -> vector<16xf32>
        %mul3A_791 = arith.constant 5.000000e-01 : f32
        %mul3A_792 = vector.broadcast %mul3A_791 : f32 to vector<16xf32>
        %mul3A_793 = arith.mulf %mul3A_792, %add3A_782 : vector<16xf32>
        %mul3A_794 = arith.mulf %mul3A_793, %bitcast_convert_type3A_790 : vector<16xf32>
        %mul3A_795 = arith.mulf %mul3A_794, %bitcast_convert_type3A_790 : vector<16xf32>
        %sub3A_796 = arith.constant 1.500000e+00 : f32
        %sub3A_797 = vector.broadcast %sub3A_796 : f32 to vector<16xf32>
        %sub3A_798 = arith.subf %sub3A_797, %mul3A_795 : vector<16xf32>
        %mul3A_799 = arith.mulf %bitcast_convert_type3A_790, %sub3A_798 : vector<16xf32>
        %mul3A_800 = arith.constant 5.000000e-01 : f32
        %mul3A_801 = vector.broadcast %mul3A_800 : f32 to vector<16xf32>
        %mul3A_802 = arith.mulf %mul3A_801, %add3A_782 : vector<16xf32>
        %mul3A_803 = arith.mulf %mul3A_802, %mul3A_799 : vector<16xf32>
        %mul3A_804 = arith.mulf %mul3A_803, %mul3A_799 : vector<16xf32>
        %sub3A_805 = arith.constant 1.500000e+00 : f32
        %sub3A_806 = vector.broadcast %sub3A_805 : f32 to vector<16xf32>
        %sub3A_807 = arith.subf %sub3A_806, %mul3A_804 : vector<16xf32>
        %mul3A_808 = arith.mulf %mul3A_799, %sub3A_807 : vector<16xf32>
        %mul3A_809 = arith.constant 5.000000e-01 : f32
        %mul3A_810 = vector.broadcast %mul3A_809 : f32 to vector<16xf32>
        %mul3A_811 = arith.mulf %mul3A_810, %add3A_782 : vector<16xf32>
        %mul3A_812 = arith.mulf %mul3A_811, %mul3A_808 : vector<16xf32>
        %mul3A_813 = arith.mulf %mul3A_812, %mul3A_808 : vector<16xf32>
        %sub3A_814 = arith.constant 1.500000e+00 : f32
        %sub3A_815 = vector.broadcast %sub3A_814 : f32 to vector<16xf32>
        %sub3A_816 = arith.subf %sub3A_815, %mul3A_813 : vector<16xf32>
        %mul3A_817 = arith.mulf %mul3A_808, %sub3A_816 : vector<16xf32>
        %mul3A_818 = arith.mulf %add3A_782, %mul3A_817 : vector<16xf32>
        %add3A_819 = arith.constant 32 : i32
        %add3A_820 = vector.broadcast %add3A_819 : i32 to vector<16xi32>
        %add3A_821 = arith.addi %and3A_102, %add3A_820 : vector<16xi32>
        %gather3A_822 = tpu.vector_load_idx %arg10[%add3A_495, %add3A_821] : memref<128x128xf32, #tpu.memory_space<vmem>>[vector<16xi32>, vector<16xi32>], vector<16xf32>,
        %gather3A_823 = tpu.vector_load_idx %arg11[%add3A_495, %add3A_821] : memref<128x128xf32, #tpu.memory_space<vmem>>[vector<16xi32>, vector<16xi32>], vector<16xf32>,
        %sub3A_824 = arith.subf %gather3A_823, %gather3A_822 : vector<16xf32>
        %mul3A_825 = arith.mulf %sub3A_824, %sub3A_824 : vector<16xf32>
        %add3A_826 = arith.constant 32 : i32
        %add3A_827 = vector.broadcast %add3A_826 : i32 to vector<16xi32>
        %add3A_828 = arith.addi %and3A_108, %add3A_827 : vector<16xi32>
        %gather3A_829 = tpu.vector_load_idx %arg10[%add3A_495, %add3A_828] : memref<128x128xf32, #tpu.memory_space<vmem>>[vector<16xi32>, vector<16xi32>], vector<16xf32>,
        %gather3A_830 = tpu.vector_load_idx %arg11[%add3A_495, %add3A_828] : memref<128x128xf32, #tpu.memory_space<vmem>>[vector<16xi32>, vector<16xi32>], vector<16xf32>,
        %sub3A_831 = arith.subf %gather3A_830, %gather3A_829 : vector<16xf32>
        %mul3A_832 = arith.mulf %sub3A_831, %sub3A_831 : vector<16xf32>
        %add3A_833 = arith.addf %mul3A_825, %mul3A_832 : vector<16xf32>
        %add3A_834 = arith.constant 32 : i32
        %add3A_835 = vector.broadcast %add3A_834 : i32 to vector<16xi32>
        %add3A_836 = arith.addi %and3A_114, %add3A_835 : vector<16xi32>
        %gather3A_837 = tpu.vector_load_idx %arg10[%add3A_495, %add3A_836] : memref<128x128xf32, #tpu.memory_space<vmem>>[vector<16xi32>, vector<16xi32>], vector<16xf32>,
        %gather3A_838 = tpu.vector_load_idx %arg11[%add3A_495, %add3A_836] : memref<128x128xf32, #tpu.memory_space<vmem>>[vector<16xi32>, vector<16xi32>], vector<16xf32>,
        %sub3A_839 = arith.subf %gather3A_838, %gather3A_837 : vector<16xf32>
        %mul3A_840 = arith.mulf %sub3A_839, %sub3A_839 : vector<16xf32>
        %add3A_841 = arith.addf %add3A_833, %mul3A_840 : vector<16xf32>
        %add3A_842 = arith.constant 32 : i32
        %add3A_843 = vector.broadcast %add3A_842 : i32 to vector<16xi32>
        %add3A_844 = arith.addi %and3A_120, %add3A_843 : vector<16xi32>
        %gather3A_845 = tpu.vector_load_idx %arg10[%add3A_495, %add3A_844] : memref<128x128xf32, #tpu.memory_space<vmem>>[vector<16xi32>, vector<16xi32>], vector<16xf32>,
        %gather3A_846 = tpu.vector_load_idx %arg11[%add3A_495, %add3A_844] : memref<128x128xf32, #tpu.memory_space<vmem>>[vector<16xi32>, vector<16xi32>], vector<16xf32>,
        %sub3A_847 = arith.subf %gather3A_846, %gather3A_845 : vector<16xf32>
        %mul3A_848 = arith.mulf %sub3A_847, %sub3A_847 : vector<16xf32>
        %add3A_849 = arith.addf %add3A_841, %mul3A_848 : vector<16xf32>
        %add3A_850 = arith.constant 32 : i32
        %add3A_851 = vector.broadcast %add3A_850 : i32 to vector<16xi32>
        %add3A_852 = arith.addi %and3A_126, %add3A_851 : vector<16xi32>
        %gather3A_853 = tpu.vector_load_idx %arg10[%add3A_495, %add3A_852] : memref<128x128xf32, #tpu.memory_space<vmem>>[vector<16xi32>, vector<16xi32>], vector<16xf32>,
        %gather3A_854 = tpu.vector_load_idx %arg11[%add3A_495, %add3A_852] : memref<128x128xf32, #tpu.memory_space<vmem>>[vector<16xi32>, vector<16xi32>], vector<16xf32>,
        %sub3A_855 = arith.subf %gather3A_854, %gather3A_853 : vector<16xf32>
        %mul3A_856 = arith.mulf %sub3A_855, %sub3A_855 : vector<16xf32>
        %add3A_857 = arith.addf %add3A_849, %mul3A_856 : vector<16xf32>
        %add3A_858 = arith.constant 32 : i32
        %add3A_859 = vector.broadcast %add3A_858 : i32 to vector<16xi32>
        %add3A_860 = arith.addi %and3A_132, %add3A_859 : vector<16xi32>
        %gather3A_861 = tpu.vector_load_idx %arg10[%add3A_495, %add3A_860] : memref<128x128xf32, #tpu.memory_space<vmem>>[vector<16xi32>, vector<16xi32>], vector<16xf32>,
        %gather3A_862 = tpu.vector_load_idx %arg11[%add3A_495, %add3A_860] : memref<128x128xf32, #tpu.memory_space<vmem>>[vector<16xi32>, vector<16xi32>], vector<16xf32>,
        %sub3A_863 = arith.subf %gather3A_862, %gather3A_861 : vector<16xf32>
        %mul3A_864 = arith.mulf %sub3A_863, %sub3A_863 : vector<16xf32>
        %add3A_865 = arith.addf %add3A_857, %mul3A_864 : vector<16xf32>
        %add3A_866 = arith.constant 32 : i32
        %add3A_867 = vector.broadcast %add3A_866 : i32 to vector<16xi32>
        %add3A_868 = arith.addi %and3A_138, %add3A_867 : vector<16xi32>
        %gather3A_869 = tpu.vector_load_idx %arg10[%add3A_495, %add3A_868] : memref<128x128xf32, #tpu.memory_space<vmem>>[vector<16xi32>, vector<16xi32>], vector<16xf32>,
        %gather3A_870 = tpu.vector_load_idx %arg11[%add3A_495, %add3A_868] : memref<128x128xf32, #tpu.memory_space<vmem>>[vector<16xi32>, vector<16xi32>], vector<16xf32>,
        %sub3A_871 = arith.subf %gather3A_870, %gather3A_869 : vector<16xf32>
        %mul3A_872 = arith.mulf %sub3A_871, %sub3A_871 : vector<16xf32>
        %add3A_873 = arith.addf %add3A_865, %mul3A_872 : vector<16xf32>
        %add3A_874 = arith.constant 32 : i32
        %add3A_875 = vector.broadcast %add3A_874 : i32 to vector<16xi32>
        %add3A_876 = arith.addi %and3A_144, %add3A_875 : vector<16xi32>
        %gather3A_877 = tpu.vector_load_idx %arg10[%add3A_495, %add3A_876] : memref<128x128xf32, #tpu.memory_space<vmem>>[vector<16xi32>, vector<16xi32>], vector<16xf32>,
        %gather3A_878 = tpu.vector_load_idx %arg11[%add3A_495, %add3A_876] : memref<128x128xf32, #tpu.memory_space<vmem>>[vector<16xi32>, vector<16xi32>], vector<16xf32>,
        %sub3A_879 = arith.subf %gather3A_878, %gather3A_877 : vector<16xf32>
        %mul3A_880 = arith.mulf %sub3A_879, %sub3A_879 : vector<16xf32>
        %add3A_881 = arith.addf %add3A_873, %mul3A_880 : vector<16xf32>
        %add3A_882 = arith.constant 32 : i32
        %add3A_883 = vector.broadcast %add3A_882 : i32 to vector<16xi32>
        %add3A_884 = arith.addi %and3A_150, %add3A_883 : vector<16xi32>
        %gather3A_885 = tpu.vector_load_idx %arg10[%add3A_495, %add3A_884] : memref<128x128xf32, #tpu.memory_space<vmem>>[vector<16xi32>, vector<16xi32>], vector<16xf32>,
        %gather3A_886 = tpu.vector_load_idx %arg11[%add3A_495, %add3A_884] : memref<128x128xf32, #tpu.memory_space<vmem>>[vector<16xi32>, vector<16xi32>], vector<16xf32>,
        %sub3A_887 = arith.subf %gather3A_886, %gather3A_885 : vector<16xf32>
        %mul3A_888 = arith.mulf %sub3A_887, %sub3A_887 : vector<16xf32>
        %add3A_889 = arith.addf %add3A_881, %mul3A_888 : vector<16xf32>
        %add3A_890 = arith.constant 32 : i32
        %add3A_891 = vector.broadcast %add3A_890 : i32 to vector<16xi32>
        %add3A_892 = arith.addi %and3A_156, %add3A_891 : vector<16xi32>
        %gather3A_893 = tpu.vector_load_idx %arg10[%add3A_495, %add3A_892] : memref<128x128xf32, #tpu.memory_space<vmem>>[vector<16xi32>, vector<16xi32>], vector<16xf32>,
        %gather3A_894 = tpu.vector_load_idx %arg11[%add3A_495, %add3A_892] : memref<128x128xf32, #tpu.memory_space<vmem>>[vector<16xi32>, vector<16xi32>], vector<16xf32>,
        %sub3A_895 = arith.subf %gather3A_894, %gather3A_893 : vector<16xf32>
        %mul3A_896 = arith.mulf %sub3A_895, %sub3A_895 : vector<16xf32>
        %add3A_897 = arith.addf %add3A_889, %mul3A_896 : vector<16xf32>
        %add3A_898 = arith.constant 32 : i32
        %add3A_899 = vector.broadcast %add3A_898 : i32 to vector<16xi32>
        %add3A_900 = arith.addi %and3A_162, %add3A_899 : vector<16xi32>
        %gather3A_901 = tpu.vector_load_idx %arg10[%add3A_495, %add3A_900] : memref<128x128xf32, #tpu.memory_space<vmem>>[vector<16xi32>, vector<16xi32>], vector<16xf32>,
        %gather3A_902 = tpu.vector_load_idx %arg11[%add3A_495, %add3A_900] : memref<128x128xf32, #tpu.memory_space<vmem>>[vector<16xi32>, vector<16xi32>], vector<16xf32>,
        %sub3A_903 = arith.subf %gather3A_902, %gather3A_901 : vector<16xf32>
        %mul3A_904 = arith.mulf %sub3A_903, %sub3A_903 : vector<16xf32>
        %add3A_905 = arith.addf %add3A_897, %mul3A_904 : vector<16xf32>
        %add3A_906 = arith.constant 32 : i32
        %add3A_907 = vector.broadcast %add3A_906 : i32 to vector<16xi32>
        %add3A_908 = arith.addi %and3A_168, %add3A_907 : vector<16xi32>
        %gather3A_909 = tpu.vector_load_idx %arg10[%add3A_495, %add3A_908] : memref<128x128xf32, #tpu.memory_space<vmem>>[vector<16xi32>, vector<16xi32>], vector<16xf32>,
        %gather3A_910 = tpu.vector_load_idx %arg11[%add3A_495, %add3A_908] : memref<128x128xf32, #tpu.memory_space<vmem>>[vector<16xi32>, vector<16xi32>], vector<16xf32>,
        %sub3A_911 = arith.subf %gather3A_910, %gather3A_909 : vector<16xf32>
        %mul3A_912 = arith.mulf %sub3A_911, %sub3A_911 : vector<16xf32>
        %add3A_913 = arith.addf %add3A_905, %mul3A_912 : vector<16xf32>
        %add3A_914 = arith.constant 32 : i32
        %add3A_915 = vector.broadcast %add3A_914 : i32 to vector<16xi32>
        %add3A_916 = arith.addi %and3A_174, %add3A_915 : vector<16xi32>
        %gather3A_917 = tpu.vector_load_idx %arg10[%add3A_495, %add3A_916] : memref<128x128xf32, #tpu.memory_space<vmem>>[vector<16xi32>, vector<16xi32>], vector<16xf32>,
        %gather3A_918 = tpu.vector_load_idx %arg11[%add3A_495, %add3A_916] : memref<128x128xf32, #tpu.memory_space<vmem>>[vector<16xi32>, vector<16xi32>], vector<16xf32>,
        %sub3A_919 = arith.subf %gather3A_918, %gather3A_917 : vector<16xf32>
        %mul3A_920 = arith.mulf %sub3A_919, %sub3A_919 : vector<16xf32>
        %add3A_921 = arith.addf %add3A_913, %mul3A_920 : vector<16xf32>
        %add3A_922 = arith.constant 32 : i32
        %add3A_923 = vector.broadcast %add3A_922 : i32 to vector<16xi32>
        %add3A_924 = arith.addi %and3A_180, %add3A_923 : vector<16xi32>
        %gather3A_925 = tpu.vector_load_idx %arg10[%add3A_495, %add3A_924] : memref<128x128xf32, #tpu.memory_space<vmem>>[vector<16xi32>, vector<16xi32>], vector<16xf32>,
        %gather3A_926 = tpu.vector_load_idx %arg11[%add3A_495, %add3A_924] : memref<128x128xf32, #tpu.memory_space<vmem>>[vector<16xi32>, vector<16xi32>], vector<16xf32>,
        %sub3A_927 = arith.subf %gather3A_926, %gather3A_925 : vector<16xf32>
        %mul3A_928 = arith.mulf %sub3A_927, %sub3A_927 : vector<16xf32>
        %add3A_929 = arith.addf %add3A_921, %mul3A_928 : vector<16xf32>
        %add3A_930 = arith.constant 32 : i32
        %add3A_931 = vector.broadcast %add3A_930 : i32 to vector<16xi32>
        %add3A_932 = arith.addi %and3A_186, %add3A_931 : vector<16xi32>
        %gather3A_933 = tpu.vector_load_idx %arg10[%add3A_495, %add3A_932] : memref<128x128xf32, #tpu.memory_space<vmem>>[vector<16xi32>, vector<16xi32>], vector<16xf32>,
        %gather3A_934 = tpu.vector_load_idx %arg11[%add3A_495, %add3A_932] : memref<128x128xf32, #tpu.memory_space<vmem>>[vector<16xi32>, vector<16xi32>], vector<16xf32>,
        %sub3A_935 = arith.subf %gather3A_934, %gather3A_933 : vector<16xf32>
        %mul3A_936 = arith.mulf %sub3A_935, %sub3A_935 : vector<16xf32>
        %add3A_937 = arith.addf %add3A_929, %mul3A_936 : vector<16xf32>
        %add3A_938 = arith.constant 32 : i32
        %add3A_939 = vector.broadcast %add3A_938 : i32 to vector<16xi32>
        %add3A_940 = arith.addi %and3A_192, %add3A_939 : vector<16xi32>
        %gather3A_941 = tpu.vector_load_idx %arg10[%add3A_495, %add3A_940] : memref<128x128xf32, #tpu.memory_space<vmem>>[vector<16xi32>, vector<16xi32>], vector<16xf32>,
        %gather3A_942 = tpu.vector_load_idx %arg11[%add3A_495, %add3A_940] : memref<128x128xf32, #tpu.memory_space<vmem>>[vector<16xi32>, vector<16xi32>], vector<16xf32>,
        %sub3A_943 = arith.subf %gather3A_942, %gather3A_941 : vector<16xf32>
        %mul3A_944 = arith.mulf %sub3A_943, %sub3A_943 : vector<16xf32>
        %add3A_945 = arith.addf %add3A_937, %mul3A_944 : vector<16xf32>
        %bitcast_convert_type3A_946 = tpu.bitcast %add3A_945 : vector<16xf32> -> vector<16xi32>
        %shift_right_arithmetic3A_947 = arith.constant 1 : i32
        %shift_right_arithmetic3A_948 = vector.broadcast %shift_right_arithmetic3A_947 : i32 to vector<16xi32>
        %shift_right_arithmetic3A_949 = arith.shrsi %bitcast_convert_type3A_946, %shift_right_arithmetic3A_948 : vector<16xi32>
        %sub3A_950 = arith.constant 1597463007 : i32
        %sub3A_951 = vector.broadcast %sub3A_950 : i32 to vector<16xi32>
        %sub3A_952 = arith.subi %sub3A_951, %shift_right_arithmetic3A_949 : vector<16xi32>
        %bitcast_convert_type3A_953 = tpu.bitcast %sub3A_952 : vector<16xi32> -> vector<16xf32>
        %mul3A_954 = arith.constant 5.000000e-01 : f32
        %mul3A_955 = vector.broadcast %mul3A_954 : f32 to vector<16xf32>
        %mul3A_956 = arith.mulf %mul3A_955, %add3A_945 : vector<16xf32>
        %mul3A_957 = arith.mulf %mul3A_956, %bitcast_convert_type3A_953 : vector<16xf32>
        %mul3A_958 = arith.mulf %mul3A_957, %bitcast_convert_type3A_953 : vector<16xf32>
        %sub3A_959 = arith.constant 1.500000e+00 : f32
        %sub3A_960 = vector.broadcast %sub3A_959 : f32 to vector<16xf32>
        %sub3A_961 = arith.subf %sub3A_960, %mul3A_958 : vector<16xf32>
        %mul3A_962 = arith.mulf %bitcast_convert_type3A_953, %sub3A_961 : vector<16xf32>
        %mul3A_963 = arith.constant 5.000000e-01 : f32
        %mul3A_964 = vector.broadcast %mul3A_963 : f32 to vector<16xf32>
        %mul3A_965 = arith.mulf %mul3A_964, %add3A_945 : vector<16xf32>
        %mul3A_966 = arith.mulf %mul3A_965, %mul3A_962 : vector<16xf32>
        %mul3A_967 = arith.mulf %mul3A_966, %mul3A_962 : vector<16xf32>
        %sub3A_968 = arith.constant 1.500000e+00 : f32
        %sub3A_969 = vector.broadcast %sub3A_968 : f32 to vector<16xf32>
        %sub3A_970 = arith.subf %sub3A_969, %mul3A_967 : vector<16xf32>
        %mul3A_971 = arith.mulf %mul3A_962, %sub3A_970 : vector<16xf32>
        %mul3A_972 = arith.constant 5.000000e-01 : f32
        %mul3A_973 = vector.broadcast %mul3A_972 : f32 to vector<16xf32>
        %mul3A_974 = arith.mulf %mul3A_973, %add3A_945 : vector<16xf32>
        %mul3A_975 = arith.mulf %mul3A_974, %mul3A_971 : vector<16xf32>
        %mul3A_976 = arith.mulf %mul3A_975, %mul3A_971 : vector<16xf32>
        %sub3A_977 = arith.constant 1.500000e+00 : f32
        %sub3A_978 = vector.broadcast %sub3A_977 : f32 to vector<16xf32>
        %sub3A_979 = arith.subf %sub3A_978, %mul3A_976 : vector<16xf32>
        %mul3A_980 = arith.mulf %mul3A_971, %sub3A_979 : vector<16xf32>
        %mul3A_981 = arith.mulf %add3A_945, %mul3A_980 : vector<16xf32>
        %add3A_982 = arith.constant 48 : i32
        %add3A_983 = vector.broadcast %add3A_982 : i32 to vector<16xi32>
        %add3A_984 = arith.addi %and3A_102, %add3A_983 : vector<16xi32>
        %gather3A_985 = tpu.vector_load_idx %arg10[%add3A_495, %add3A_984] : memref<128x128xf32, #tpu.memory_space<vmem>>[vector<16xi32>, vector<16xi32>], vector<16xf32>,
        %gather3A_986 = tpu.vector_load_idx %arg11[%add3A_495, %add3A_984] : memref<128x128xf32, #tpu.memory_space<vmem>>[vector<16xi32>, vector<16xi32>], vector<16xf32>,
        %sub3A_987 = arith.subf %gather3A_986, %gather3A_985 : vector<16xf32>
        %mul3A_988 = arith.mulf %sub3A_987, %sub3A_987 : vector<16xf32>
        %add3A_989 = arith.constant 48 : i32
        %add3A_990 = vector.broadcast %add3A_989 : i32 to vector<16xi32>
        %add3A_991 = arith.addi %and3A_108, %add3A_990 : vector<16xi32>
        %gather3A_992 = tpu.vector_load_idx %arg10[%add3A_495, %add3A_991] : memref<128x128xf32, #tpu.memory_space<vmem>>[vector<16xi32>, vector<16xi32>], vector<16xf32>,
        %gather3A_993 = tpu.vector_load_idx %arg11[%add3A_495, %add3A_991] : memref<128x128xf32, #tpu.memory_space<vmem>>[vector<16xi32>, vector<16xi32>], vector<16xf32>,
        %sub3A_994 = arith.subf %gather3A_993, %gather3A_992 : vector<16xf32>
        %mul3A_995 = arith.mulf %sub3A_994, %sub3A_994 : vector<16xf32>
        %add3A_996 = arith.addf %mul3A_988, %mul3A_995 : vector<16xf32>
        %add3A_997 = arith.constant 48 : i32
        %add3A_998 = vector.broadcast %add3A_997 : i32 to vector<16xi32>
        %add3A_999 = arith.addi %and3A_114, %add3A_998 : vector<16xi32>
        %gather3A_1000 = tpu.vector_load_idx %arg10[%add3A_495, %add3A_999] : memref<128x128xf32, #tpu.memory_space<vmem>>[vector<16xi32>, vector<16xi32>], vector<16xf32>,
        %gather3A_1001 = tpu.vector_load_idx %arg11[%add3A_495, %add3A_999] : memref<128x128xf32, #tpu.memory_space<vmem>>[vector<16xi32>, vector<16xi32>], vector<16xf32>,
        %sub3A_1002 = arith.subf %gather3A_1001, %gather3A_1000 : vector<16xf32>
        %mul3A_1003 = arith.mulf %sub3A_1002, %sub3A_1002 : vector<16xf32>
        %add3A_1004 = arith.addf %add3A_996, %mul3A_1003 : vector<16xf32>
        %add3A_1005 = arith.constant 48 : i32
        %add3A_1006 = vector.broadcast %add3A_1005 : i32 to vector<16xi32>
        %add3A_1007 = arith.addi %and3A_120, %add3A_1006 : vector<16xi32>
        %gather3A_1008 = tpu.vector_load_idx %arg10[%add3A_495, %add3A_1007] : memref<128x128xf32, #tpu.memory_space<vmem>>[vector<16xi32>, vector<16xi32>], vector<16xf32>,
        %gather3A_1009 = tpu.vector_load_idx %arg11[%add3A_495, %add3A_1007] : memref<128x128xf32, #tpu.memory_space<vmem>>[vector<16xi32>, vector<16xi32>], vector<16xf32>,
        %sub3A_1010 = arith.subf %gather3A_1009, %gather3A_1008 : vector<16xf32>
        %mul3A_1011 = arith.mulf %sub3A_1010, %sub3A_1010 : vector<16xf32>
        %add3A_1012 = arith.addf %add3A_1004, %mul3A_1011 : vector<16xf32>
        %add3A_1013 = arith.constant 48 : i32
        %add3A_1014 = vector.broadcast %add3A_1013 : i32 to vector<16xi32>
        %add3A_1015 = arith.addi %and3A_126, %add3A_1014 : vector<16xi32>
        %gather3A_1016 = tpu.vector_load_idx %arg10[%add3A_495, %add3A_1015] : memref<128x128xf32, #tpu.memory_space<vmem>>[vector<16xi32>, vector<16xi32>], vector<16xf32>,
        %gather3A_1017 = tpu.vector_load_idx %arg11[%add3A_495, %add3A_1015] : memref<128x128xf32, #tpu.memory_space<vmem>>[vector<16xi32>, vector<16xi32>], vector<16xf32>,
        %sub3A_1018 = arith.subf %gather3A_1017, %gather3A_1016 : vector<16xf32>
        %mul3A_1019 = arith.mulf %sub3A_1018, %sub3A_1018 : vector<16xf32>
        %add3A_1020 = arith.addf %add3A_1012, %mul3A_1019 : vector<16xf32>
        %add3A_1021 = arith.constant 48 : i32
        %add3A_1022 = vector.broadcast %add3A_1021 : i32 to vector<16xi32>
        %add3A_1023 = arith.addi %and3A_132, %add3A_1022 : vector<16xi32>
        %gather3A_1024 = tpu.vector_load_idx %arg10[%add3A_495, %add3A_1023] : memref<128x128xf32, #tpu.memory_space<vmem>>[vector<16xi32>, vector<16xi32>], vector<16xf32>,
        %gather3A_1025 = tpu.vector_load_idx %arg11[%add3A_495, %add3A_1023] : memref<128x128xf32, #tpu.memory_space<vmem>>[vector<16xi32>, vector<16xi32>], vector<16xf32>,
        %sub3A_1026 = arith.subf %gather3A_1025, %gather3A_1024 : vector<16xf32>
        %mul3A_1027 = arith.mulf %sub3A_1026, %sub3A_1026 : vector<16xf32>
        %add3A_1028 = arith.addf %add3A_1020, %mul3A_1027 : vector<16xf32>
        %add3A_1029 = arith.constant 48 : i32
        %add3A_1030 = vector.broadcast %add3A_1029 : i32 to vector<16xi32>
        %add3A_1031 = arith.addi %and3A_138, %add3A_1030 : vector<16xi32>
        %gather3A_1032 = tpu.vector_load_idx %arg10[%add3A_495, %add3A_1031] : memref<128x128xf32, #tpu.memory_space<vmem>>[vector<16xi32>, vector<16xi32>], vector<16xf32>,
        %gather3A_1033 = tpu.vector_load_idx %arg11[%add3A_495, %add3A_1031] : memref<128x128xf32, #tpu.memory_space<vmem>>[vector<16xi32>, vector<16xi32>], vector<16xf32>,
        %sub3A_1034 = arith.subf %gather3A_1033, %gather3A_1032 : vector<16xf32>
        %mul3A_1035 = arith.mulf %sub3A_1034, %sub3A_1034 : vector<16xf32>
        %add3A_1036 = arith.addf %add3A_1028, %mul3A_1035 : vector<16xf32>
        %add3A_1037 = arith.constant 48 : i32
        %add3A_1038 = vector.broadcast %add3A_1037 : i32 to vector<16xi32>
        %add3A_1039 = arith.addi %and3A_144, %add3A_1038 : vector<16xi32>
        %gather3A_1040 = tpu.vector_load_idx %arg10[%add3A_495, %add3A_1039] : memref<128x128xf32, #tpu.memory_space<vmem>>[vector<16xi32>, vector<16xi32>], vector<16xf32>,
        %gather3A_1041 = tpu.vector_load_idx %arg11[%add3A_495, %add3A_1039] : memref<128x128xf32, #tpu.memory_space<vmem>>[vector<16xi32>, vector<16xi32>], vector<16xf32>,
        %sub3A_1042 = arith.subf %gather3A_1041, %gather3A_1040 : vector<16xf32>
        %mul3A_1043 = arith.mulf %sub3A_1042, %sub3A_1042 : vector<16xf32>
        %add3A_1044 = arith.addf %add3A_1036, %mul3A_1043 : vector<16xf32>
        %add3A_1045 = arith.constant 48 : i32
        %add3A_1046 = vector.broadcast %add3A_1045 : i32 to vector<16xi32>
        %add3A_1047 = arith.addi %and3A_150, %add3A_1046 : vector<16xi32>
        %gather3A_1048 = tpu.vector_load_idx %arg10[%add3A_495, %add3A_1047] : memref<128x128xf32, #tpu.memory_space<vmem>>[vector<16xi32>, vector<16xi32>], vector<16xf32>,
        %gather3A_1049 = tpu.vector_load_idx %arg11[%add3A_495, %add3A_1047] : memref<128x128xf32, #tpu.memory_space<vmem>>[vector<16xi32>, vector<16xi32>], vector<16xf32>,
        %sub3A_1050 = arith.subf %gather3A_1049, %gather3A_1048 : vector<16xf32>
        %mul3A_1051 = arith.mulf %sub3A_1050, %sub3A_1050 : vector<16xf32>
        %add3A_1052 = arith.addf %add3A_1044, %mul3A_1051 : vector<16xf32>
        %add3A_1053 = arith.constant 48 : i32
        %add3A_1054 = vector.broadcast %add3A_1053 : i32 to vector<16xi32>
        %add3A_1055 = arith.addi %and3A_156, %add3A_1054 : vector<16xi32>
        %gather3A_1056 = tpu.vector_load_idx %arg10[%add3A_495, %add3A_1055] : memref<128x128xf32, #tpu.memory_space<vmem>>[vector<16xi32>, vector<16xi32>], vector<16xf32>,
        %gather3A_1057 = tpu.vector_load_idx %arg11[%add3A_495, %add3A_1055] : memref<128x128xf32, #tpu.memory_space<vmem>>[vector<16xi32>, vector<16xi32>], vector<16xf32>,
        %sub3A_1058 = arith.subf %gather3A_1057, %gather3A_1056 : vector<16xf32>
        %mul3A_1059 = arith.mulf %sub3A_1058, %sub3A_1058 : vector<16xf32>
        %add3A_1060 = arith.addf %add3A_1052, %mul3A_1059 : vector<16xf32>
        %add3A_1061 = arith.constant 48 : i32
        %add3A_1062 = vector.broadcast %add3A_1061 : i32 to vector<16xi32>
        %add3A_1063 = arith.addi %and3A_162, %add3A_1062 : vector<16xi32>
        %gather3A_1064 = tpu.vector_load_idx %arg10[%add3A_495, %add3A_1063] : memref<128x128xf32, #tpu.memory_space<vmem>>[vector<16xi32>, vector<16xi32>], vector<16xf32>,
        %gather3A_1065 = tpu.vector_load_idx %arg11[%add3A_495, %add3A_1063] : memref<128x128xf32, #tpu.memory_space<vmem>>[vector<16xi32>, vector<16xi32>], vector<16xf32>,
        %sub3A_1066 = arith.subf %gather3A_1065, %gather3A_1064 : vector<16xf32>
        %mul3A_1067 = arith.mulf %sub3A_1066, %sub3A_1066 : vector<16xf32>
        %add3A_1068 = arith.addf %add3A_1060, %mul3A_1067 : vector<16xf32>
        %add3A_1069 = arith.constant 48 : i32
        %add3A_1070 = vector.broadcast %add3A_1069 : i32 to vector<16xi32>
        %add3A_1071 = arith.addi %and3A_168, %add3A_1070 : vector<16xi32>
        %gather3A_1072 = tpu.vector_load_idx %arg10[%add3A_495, %add3A_1071] : memref<128x128xf32, #tpu.memory_space<vmem>>[vector<16xi32>, vector<16xi32>], vector<16xf32>,
        %gather3A_1073 = tpu.vector_load_idx %arg11[%add3A_495, %add3A_1071] : memref<128x128xf32, #tpu.memory_space<vmem>>[vector<16xi32>, vector<16xi32>], vector<16xf32>,
        %sub3A_1074 = arith.subf %gather3A_1073, %gather3A_1072 : vector<16xf32>
        %mul3A_1075 = arith.mulf %sub3A_1074, %sub3A_1074 : vector<16xf32>
        %add3A_1076 = arith.addf %add3A_1068, %mul3A_1075 : vector<16xf32>
        %add3A_1077 = arith.constant 48 : i32
        %add3A_1078 = vector.broadcast %add3A_1077 : i32 to vector<16xi32>
        %add3A_1079 = arith.addi %and3A_174, %add3A_1078 : vector<16xi32>
        %gather3A_1080 = tpu.vector_load_idx %arg10[%add3A_495, %add3A_1079] : memref<128x128xf32, #tpu.memory_space<vmem>>[vector<16xi32>, vector<16xi32>], vector<16xf32>,
        %gather3A_1081 = tpu.vector_load_idx %arg11[%add3A_495, %add3A_1079] : memref<128x128xf32, #tpu.memory_space<vmem>>[vector<16xi32>, vector<16xi32>], vector<16xf32>,
        %sub3A_1082 = arith.subf %gather3A_1081, %gather3A_1080 : vector<16xf32>
        %mul3A_1083 = arith.mulf %sub3A_1082, %sub3A_1082 : vector<16xf32>
        %add3A_1084 = arith.addf %add3A_1076, %mul3A_1083 : vector<16xf32>
        %add3A_1085 = arith.constant 48 : i32
        %add3A_1086 = vector.broadcast %add3A_1085 : i32 to vector<16xi32>
        %add3A_1087 = arith.addi %and3A_180, %add3A_1086 : vector<16xi32>
        %gather3A_1088 = tpu.vector_load_idx %arg10[%add3A_495, %add3A_1087] : memref<128x128xf32, #tpu.memory_space<vmem>>[vector<16xi32>, vector<16xi32>], vector<16xf32>,
        %gather3A_1089 = tpu.vector_load_idx %arg11[%add3A_495, %add3A_1087] : memref<128x128xf32, #tpu.memory_space<vmem>>[vector<16xi32>, vector<16xi32>], vector<16xf32>,
        %sub3A_1090 = arith.subf %gather3A_1089, %gather3A_1088 : vector<16xf32>
        %mul3A_1091 = arith.mulf %sub3A_1090, %sub3A_1090 : vector<16xf32>
        %add3A_1092 = arith.addf %add3A_1084, %mul3A_1091 : vector<16xf32>
        %add3A_1093 = arith.constant 48 : i32
        %add3A_1094 = vector.broadcast %add3A_1093 : i32 to vector<16xi32>
        %add3A_1095 = arith.addi %and3A_186, %add3A_1094 : vector<16xi32>
        %gather3A_1096 = tpu.vector_load_idx %arg10[%add3A_495, %add3A_1095] : memref<128x128xf32, #tpu.memory_space<vmem>>[vector<16xi32>, vector<16xi32>], vector<16xf32>,
        %gather3A_1097 = tpu.vector_load_idx %arg11[%add3A_495, %add3A_1095] : memref<128x128xf32, #tpu.memory_space<vmem>>[vector<16xi32>, vector<16xi32>], vector<16xf32>,
        %sub3A_1098 = arith.subf %gather3A_1097, %gather3A_1096 : vector<16xf32>
        %mul3A_1099 = arith.mulf %sub3A_1098, %sub3A_1098 : vector<16xf32>
        %add3A_1100 = arith.addf %add3A_1092, %mul3A_1099 : vector<16xf32>
        %add3A_1101 = arith.constant 48 : i32
        %add3A_1102 = vector.broadcast %add3A_1101 : i32 to vector<16xi32>
        %add3A_1103 = arith.addi %and3A_192, %add3A_1102 : vector<16xi32>
        %gather3A_1104 = tpu.vector_load_idx %arg10[%add3A_495, %add3A_1103] : memref<128x128xf32, #tpu.memory_space<vmem>>[vector<16xi32>, vector<16xi32>], vector<16xf32>,
        %gather3A_1105 = tpu.vector_load_idx %arg11[%add3A_495, %add3A_1103] : memref<128x128xf32, #tpu.memory_space<vmem>>[vector<16xi32>, vector<16xi32>], vector<16xf32>,
        %sub3A_1106 = arith.subf %gather3A_1105, %gather3A_1104 : vector<16xf32>
        %mul3A_1107 = arith.mulf %sub3A_1106, %sub3A_1106 : vector<16xf32>
        %add3A_1108 = arith.addf %add3A_1100, %mul3A_1107 : vector<16xf32>
        %bitcast_convert_type3A_1109 = tpu.bitcast %add3A_1108 : vector<16xf32> -> vector<16xi32>
        %shift_right_arithmetic3A_1110 = arith.constant 1 : i32
        %shift_right_arithmetic3A_1111 = vector.broadcast %shift_right_arithmetic3A_1110 : i32 to vector<16xi32>
        %shift_right_arithmetic3A_1112 = arith.shrsi %bitcast_convert_type3A_1109, %shift_right_arithmetic3A_1111 : vector<16xi32>
        %sub3A_1113 = arith.constant 1597463007 : i32
        %sub3A_1114 = vector.broadcast %sub3A_1113 : i32 to vector<16xi32>
        %sub3A_1115 = arith.subi %sub3A_1114, %shift_right_arithmetic3A_1112 : vector<16xi32>
        %bitcast_convert_type3A_1116 = tpu.bitcast %sub3A_1115 : vector<16xi32> -> vector<16xf32>
        %mul3A_1117 = arith.constant 5.000000e-01 : f32
        %mul3A_1118 = vector.broadcast %mul3A_1117 : f32 to vector<16xf32>
        %mul3A_1119 = arith.mulf %mul3A_1118, %add3A_1108 : vector<16xf32>
        %mul3A_1120 = arith.mulf %mul3A_1119, %bitcast_convert_type3A_1116 : vector<16xf32>
        %mul3A_1121 = arith.mulf %mul3A_1120, %bitcast_convert_type3A_1116 : vector<16xf32>
        %sub3A_1122 = arith.constant 1.500000e+00 : f32
        %sub3A_1123 = vector.broadcast %sub3A_1122 : f32 to vector<16xf32>
        %sub3A_1124 = arith.subf %sub3A_1123, %mul3A_1121 : vector<16xf32>
        %mul3A_1125 = arith.mulf %bitcast_convert_type3A_1116, %sub3A_1124 : vector<16xf32>
        %mul3A_1126 = arith.constant 5.000000e-01 : f32
        %mul3A_1127 = vector.broadcast %mul3A_1126 : f32 to vector<16xf32>
        %mul3A_1128 = arith.mulf %mul3A_1127, %add3A_1108 : vector<16xf32>
        %mul3A_1129 = arith.mulf %mul3A_1128, %mul3A_1125 : vector<16xf32>
        %mul3A_1130 = arith.mulf %mul3A_1129, %mul3A_1125 : vector<16xf32>
        %sub3A_1131 = arith.constant 1.500000e+00 : f32
        %sub3A_1132 = vector.broadcast %sub3A_1131 : f32 to vector<16xf32>
        %sub3A_1133 = arith.subf %sub3A_1132, %mul3A_1130 : vector<16xf32>
        %mul3A_1134 = arith.mulf %mul3A_1125, %sub3A_1133 : vector<16xf32>
        %mul3A_1135 = arith.constant 5.000000e-01 : f32
        %mul3A_1136 = vector.broadcast %mul3A_1135 : f32 to vector<16xf32>
        %mul3A_1137 = arith.mulf %mul3A_1136, %add3A_1108 : vector<16xf32>
        %mul3A_1138 = arith.mulf %mul3A_1137, %mul3A_1134 : vector<16xf32>
        %mul3A_1139 = arith.mulf %mul3A_1138, %mul3A_1134 : vector<16xf32>
        %sub3A_1140 = arith.constant 1.500000e+00 : f32
        %sub3A_1141 = vector.broadcast %sub3A_1140 : f32 to vector<16xf32>
        %sub3A_1142 = arith.subf %sub3A_1141, %mul3A_1139 : vector<16xf32>
        %mul3A_1143 = arith.mulf %mul3A_1134, %sub3A_1142 : vector<16xf32>
        %mul3A_1144 = arith.mulf %add3A_1108, %mul3A_1143 : vector<16xf32>
        %add3A_1145 = arith.constant 64 : i32
        %add3A_1146 = vector.broadcast %add3A_1145 : i32 to vector<16xi32>
        %add3A_1147 = arith.addi %and3A_102, %add3A_1146 : vector<16xi32>
        %gather3A_1148 = tpu.vector_load_idx %arg10[%add3A_495, %add3A_1147] : memref<128x128xf32, #tpu.memory_space<vmem>>[vector<16xi32>, vector<16xi32>], vector<16xf32>,
        %gather3A_1149 = tpu.vector_load_idx %arg11[%add3A_495, %add3A_1147] : memref<128x128xf32, #tpu.memory_space<vmem>>[vector<16xi32>, vector<16xi32>], vector<16xf32>,
        %sub3A_1150 = arith.subf %gather3A_1149, %gather3A_1148 : vector<16xf32>
        %mul3A_1151 = arith.mulf %sub3A_1150, %sub3A_1150 : vector<16xf32>
        %add3A_1152 = arith.constant 64 : i32
        %add3A_1153 = vector.broadcast %add3A_1152 : i32 to vector<16xi32>
        %add3A_1154 = arith.addi %and3A_108, %add3A_1153 : vector<16xi32>
        %gather3A_1155 = tpu.vector_load_idx %arg10[%add3A_495, %add3A_1154] : memref<128x128xf32, #tpu.memory_space<vmem>>[vector<16xi32>, vector<16xi32>], vector<16xf32>,
        %gather3A_1156 = tpu.vector_load_idx %arg11[%add3A_495, %add3A_1154] : memref<128x128xf32, #tpu.memory_space<vmem>>[vector<16xi32>, vector<16xi32>], vector<16xf32>,
        %sub3A_1157 = arith.subf %gather3A_1156, %gather3A_1155 : vector<16xf32>
        %mul3A_1158 = arith.mulf %sub3A_1157, %sub3A_1157 : vector<16xf32>
        %add3A_1159 = arith.addf %mul3A_1151, %mul3A_1158 : vector<16xf32>
        %add3A_1160 = arith.constant 64 : i32
        %add3A_1161 = vector.broadcast %add3A_1160 : i32 to vector<16xi32>
        %add3A_1162 = arith.addi %and3A_114, %add3A_1161 : vector<16xi32>
        %gather3A_1163 = tpu.vector_load_idx %arg10[%add3A_495, %add3A_1162] : memref<128x128xf32, #tpu.memory_space<vmem>>[vector<16xi32>, vector<16xi32>], vector<16xf32>,
        %gather3A_1164 = tpu.vector_load_idx %arg11[%add3A_495, %add3A_1162] : memref<128x128xf32, #tpu.memory_space<vmem>>[vector<16xi32>, vector<16xi32>], vector<16xf32>,
        %sub3A_1165 = arith.subf %gather3A_1164, %gather3A_1163 : vector<16xf32>
        %mul3A_1166 = arith.mulf %sub3A_1165, %sub3A_1165 : vector<16xf32>
        %add3A_1167 = arith.addf %add3A_1159, %mul3A_1166 : vector<16xf32>
        %add3A_1168 = arith.constant 64 : i32
        %add3A_1169 = vector.broadcast %add3A_1168 : i32 to vector<16xi32>
        %add3A_1170 = arith.addi %and3A_120, %add3A_1169 : vector<16xi32>
        %gather3A_1171 = tpu.vector_load_idx %arg10[%add3A_495, %add3A_1170] : memref<128x128xf32, #tpu.memory_space<vmem>>[vector<16xi32>, vector<16xi32>], vector<16xf32>,
        %gather3A_1172 = tpu.vector_load_idx %arg11[%add3A_495, %add3A_1170] : memref<128x128xf32, #tpu.memory_space<vmem>>[vector<16xi32>, vector<16xi32>], vector<16xf32>,
        %sub3A_1173 = arith.subf %gather3A_1172, %gather3A_1171 : vector<16xf32>
        %mul3A_1174 = arith.mulf %sub3A_1173, %sub3A_1173 : vector<16xf32>
        %add3A_1175 = arith.addf %add3A_1167, %mul3A_1174 : vector<16xf32>
        %add3A_1176 = arith.constant 64 : i32
        %add3A_1177 = vector.broadcast %add3A_1176 : i32 to vector<16xi32>
        %add3A_1178 = arith.addi %and3A_126, %add3A_1177 : vector<16xi32>
        %gather3A_1179 = tpu.vector_load_idx %arg10[%add3A_495, %add3A_1178] : memref<128x128xf32, #tpu.memory_space<vmem>>[vector<16xi32>, vector<16xi32>], vector<16xf32>,
        %gather3A_1180 = tpu.vector_load_idx %arg11[%add3A_495, %add3A_1178] : memref<128x128xf32, #tpu.memory_space<vmem>>[vector<16xi32>, vector<16xi32>], vector<16xf32>,
        %sub3A_1181 = arith.subf %gather3A_1180, %gather3A_1179 : vector<16xf32>
        %mul3A_1182 = arith.mulf %sub3A_1181, %sub3A_1181 : vector<16xf32>
        %add3A_1183 = arith.addf %add3A_1175, %mul3A_1182 : vector<16xf32>
        %add3A_1184 = arith.constant 64 : i32
        %add3A_1185 = vector.broadcast %add3A_1184 : i32 to vector<16xi32>
        %add3A_1186 = arith.addi %and3A_132, %add3A_1185 : vector<16xi32>
        %gather3A_1187 = tpu.vector_load_idx %arg10[%add3A_495, %add3A_1186] : memref<128x128xf32, #tpu.memory_space<vmem>>[vector<16xi32>, vector<16xi32>], vector<16xf32>,
        %gather3A_1188 = tpu.vector_load_idx %arg11[%add3A_495, %add3A_1186] : memref<128x128xf32, #tpu.memory_space<vmem>>[vector<16xi32>, vector<16xi32>], vector<16xf32>,
        %sub3A_1189 = arith.subf %gather3A_1188, %gather3A_1187 : vector<16xf32>
        %mul3A_1190 = arith.mulf %sub3A_1189, %sub3A_1189 : vector<16xf32>
        %add3A_1191 = arith.addf %add3A_1183, %mul3A_1190 : vector<16xf32>
        %add3A_1192 = arith.constant 64 : i32
        %add3A_1193 = vector.broadcast %add3A_1192 : i32 to vector<16xi32>
        %add3A_1194 = arith.addi %and3A_138, %add3A_1193 : vector<16xi32>
        %gather3A_1195 = tpu.vector_load_idx %arg10[%add3A_495, %add3A_1194] : memref<128x128xf32, #tpu.memory_space<vmem>>[vector<16xi32>, vector<16xi32>], vector<16xf32>,
        %gather3A_1196 = tpu.vector_load_idx %arg11[%add3A_495, %add3A_1194] : memref<128x128xf32, #tpu.memory_space<vmem>>[vector<16xi32>, vector<16xi32>], vector<16xf32>,
        %sub3A_1197 = arith.subf %gather3A_1196, %gather3A_1195 : vector<16xf32>
        %mul3A_1198 = arith.mulf %sub3A_1197, %sub3A_1197 : vector<16xf32>
        %add3A_1199 = arith.addf %add3A_1191, %mul3A_1198 : vector<16xf32>
        %add3A_1200 = arith.constant 64 : i32
        %add3A_1201 = vector.broadcast %add3A_1200 : i32 to vector<16xi32>
        %add3A_1202 = arith.addi %and3A_144, %add3A_1201 : vector<16xi32>
        %gather3A_1203 = tpu.vector_load_idx %arg10[%add3A_495, %add3A_1202] : memref<128x128xf32, #tpu.memory_space<vmem>>[vector<16xi32>, vector<16xi32>], vector<16xf32>,
        %gather3A_1204 = tpu.vector_load_idx %arg11[%add3A_495, %add3A_1202] : memref<128x128xf32, #tpu.memory_space<vmem>>[vector<16xi32>, vector<16xi32>], vector<16xf32>,
        %sub3A_1205 = arith.subf %gather3A_1204, %gather3A_1203 : vector<16xf32>
        %mul3A_1206 = arith.mulf %sub3A_1205, %sub3A_1205 : vector<16xf32>
        %add3A_1207 = arith.addf %add3A_1199, %mul3A_1206 : vector<16xf32>
        %add3A_1208 = arith.constant 64 : i32
        %add3A_1209 = vector.broadcast %add3A_1208 : i32 to vector<16xi32>
        %add3A_1210 = arith.addi %and3A_150, %add3A_1209 : vector<16xi32>
        %gather3A_1211 = tpu.vector_load_idx %arg10[%add3A_495, %add3A_1210] : memref<128x128xf32, #tpu.memory_space<vmem>>[vector<16xi32>, vector<16xi32>], vector<16xf32>,
        %gather3A_1212 = tpu.vector_load_idx %arg11[%add3A_495, %add3A_1210] : memref<128x128xf32, #tpu.memory_space<vmem>>[vector<16xi32>, vector<16xi32>], vector<16xf32>,
        %sub3A_1213 = arith.subf %gather3A_1212, %gather3A_1211 : vector<16xf32>
        %mul3A_1214 = arith.mulf %sub3A_1213, %sub3A_1213 : vector<16xf32>
        %add3A_1215 = arith.addf %add3A_1207, %mul3A_1214 : vector<16xf32>
        %add3A_1216 = arith.constant 64 : i32
        %add3A_1217 = vector.broadcast %add3A_1216 : i32 to vector<16xi32>
        %add3A_1218 = arith.addi %and3A_156, %add3A_1217 : vector<16xi32>
        %gather3A_1219 = tpu.vector_load_idx %arg10[%add3A_495, %add3A_1218] : memref<128x128xf32, #tpu.memory_space<vmem>>[vector<16xi32>, vector<16xi32>], vector<16xf32>,
        %gather3A_1220 = tpu.vector_load_idx %arg11[%add3A_495, %add3A_1218] : memref<128x128xf32, #tpu.memory_space<vmem>>[vector<16xi32>, vector<16xi32>], vector<16xf32>,
        %sub3A_1221 = arith.subf %gather3A_1220, %gather3A_1219 : vector<16xf32>
        %mul3A_1222 = arith.mulf %sub3A_1221, %sub3A_1221 : vector<16xf32>
        %add3A_1223 = arith.addf %add3A_1215, %mul3A_1222 : vector<16xf32>
        %add3A_1224 = arith.constant 64 : i32
        %add3A_1225 = vector.broadcast %add3A_1224 : i32 to vector<16xi32>
        %add3A_1226 = arith.addi %and3A_162, %add3A_1225 : vector<16xi32>
        %gather3A_1227 = tpu.vector_load_idx %arg10[%add3A_495, %add3A_1226] : memref<128x128xf32, #tpu.memory_space<vmem>>[vector<16xi32>, vector<16xi32>], vector<16xf32>,
        %gather3A_1228 = tpu.vector_load_idx %arg11[%add3A_495, %add3A_1226] : memref<128x128xf32, #tpu.memory_space<vmem>>[vector<16xi32>, vector<16xi32>], vector<16xf32>,
        %sub3A_1229 = arith.subf %gather3A_1228, %gather3A_1227 : vector<16xf32>
        %mul3A_1230 = arith.mulf %sub3A_1229, %sub3A_1229 : vector<16xf32>
        %add3A_1231 = arith.addf %add3A_1223, %mul3A_1230 : vector<16xf32>
        %add3A_1232 = arith.constant 64 : i32
        %add3A_1233 = vector.broadcast %add3A_1232 : i32 to vector<16xi32>
        %add3A_1234 = arith.addi %and3A_168, %add3A_1233 : vector<16xi32>
        %gather3A_1235 = tpu.vector_load_idx %arg10[%add3A_495, %add3A_1234] : memref<128x128xf32, #tpu.memory_space<vmem>>[vector<16xi32>, vector<16xi32>], vector<16xf32>,
        %gather3A_1236 = tpu.vector_load_idx %arg11[%add3A_495, %add3A_1234] : memref<128x128xf32, #tpu.memory_space<vmem>>[vector<16xi32>, vector<16xi32>], vector<16xf32>,
        %sub3A_1237 = arith.subf %gather3A_1236, %gather3A_1235 : vector<16xf32>
        %mul3A_1238 = arith.mulf %sub3A_1237, %sub3A_1237 : vector<16xf32>
        %add3A_1239 = arith.addf %add3A_1231, %mul3A_1238 : vector<16xf32>
        %add3A_1240 = arith.constant 64 : i32
        %add3A_1241 = vector.broadcast %add3A_1240 : i32 to vector<16xi32>
        %add3A_1242 = arith.addi %and3A_174, %add3A_1241 : vector<16xi32>
        %gather3A_1243 = tpu.vector_load_idx %arg10[%add3A_495, %add3A_1242] : memref<128x128xf32, #tpu.memory_space<vmem>>[vector<16xi32>, vector<16xi32>], vector<16xf32>,
        %gather3A_1244 = tpu.vector_load_idx %arg11[%add3A_495, %add3A_1242] : memref<128x128xf32, #tpu.memory_space<vmem>>[vector<16xi32>, vector<16xi32>], vector<16xf32>,
        %sub3A_1245 = arith.subf %gather3A_1244, %gather3A_1243 : vector<16xf32>
        %mul3A_1246 = arith.mulf %sub3A_1245, %sub3A_1245 : vector<16xf32>
        %add3A_1247 = arith.addf %add3A_1239, %mul3A_1246 : vector<16xf32>
        %add3A_1248 = arith.constant 64 : i32
        %add3A_1249 = vector.broadcast %add3A_1248 : i32 to vector<16xi32>
        %add3A_1250 = arith.addi %and3A_180, %add3A_1249 : vector<16xi32>
        %gather3A_1251 = tpu.vector_load_idx %arg10[%add3A_495, %add3A_1250] : memref<128x128xf32, #tpu.memory_space<vmem>>[vector<16xi32>, vector<16xi32>], vector<16xf32>,
        %gather3A_1252 = tpu.vector_load_idx %arg11[%add3A_495, %add3A_1250] : memref<128x128xf32, #tpu.memory_space<vmem>>[vector<16xi32>, vector<16xi32>], vector<16xf32>,
        %sub3A_1253 = arith.subf %gather3A_1252, %gather3A_1251 : vector<16xf32>
        %mul3A_1254 = arith.mulf %sub3A_1253, %sub3A_1253 : vector<16xf32>
        %add3A_1255 = arith.addf %add3A_1247, %mul3A_1254 : vector<16xf32>
        %add3A_1256 = arith.constant 64 : i32
        %add3A_1257 = vector.broadcast %add3A_1256 : i32 to vector<16xi32>
        %add3A_1258 = arith.addi %and3A_186, %add3A_1257 : vector<16xi32>
        %gather3A_1259 = tpu.vector_load_idx %arg10[%add3A_495, %add3A_1258] : memref<128x128xf32, #tpu.memory_space<vmem>>[vector<16xi32>, vector<16xi32>], vector<16xf32>,
        %gather3A_1260 = tpu.vector_load_idx %arg11[%add3A_495, %add3A_1258] : memref<128x128xf32, #tpu.memory_space<vmem>>[vector<16xi32>, vector<16xi32>], vector<16xf32>,
        %sub3A_1261 = arith.subf %gather3A_1260, %gather3A_1259 : vector<16xf32>
        %mul3A_1262 = arith.mulf %sub3A_1261, %sub3A_1261 : vector<16xf32>
        %add3A_1263 = arith.addf %add3A_1255, %mul3A_1262 : vector<16xf32>
        %add3A_1264 = arith.constant 64 : i32
        %add3A_1265 = vector.broadcast %add3A_1264 : i32 to vector<16xi32>
        %add3A_1266 = arith.addi %and3A_192, %add3A_1265 : vector<16xi32>
        %gather3A_1267 = tpu.vector_load_idx %arg10[%add3A_495, %add3A_1266] : memref<128x128xf32, #tpu.memory_space<vmem>>[vector<16xi32>, vector<16xi32>], vector<16xf32>,
        %gather3A_1268 = tpu.vector_load_idx %arg11[%add3A_495, %add3A_1266] : memref<128x128xf32, #tpu.memory_space<vmem>>[vector<16xi32>, vector<16xi32>], vector<16xf32>,
        %sub3A_1269 = arith.subf %gather3A_1268, %gather3A_1267 : vector<16xf32>
        %mul3A_1270 = arith.mulf %sub3A_1269, %sub3A_1269 : vector<16xf32>
        %add3A_1271 = arith.addf %add3A_1263, %mul3A_1270 : vector<16xf32>
        %bitcast_convert_type3A_1272 = tpu.bitcast %add3A_1271 : vector<16xf32> -> vector<16xi32>
        %shift_right_arithmetic3A_1273 = arith.constant 1 : i32
        %shift_right_arithmetic3A_1274 = vector.broadcast %shift_right_arithmetic3A_1273 : i32 to vector<16xi32>
        %shift_right_arithmetic3A_1275 = arith.shrsi %bitcast_convert_type3A_1272, %shift_right_arithmetic3A_1274 : vector<16xi32>
        %sub3A_1276 = arith.constant 1597463007 : i32
        %sub3A_1277 = vector.broadcast %sub3A_1276 : i32 to vector<16xi32>
        %sub3A_1278 = arith.subi %sub3A_1277, %shift_right_arithmetic3A_1275 : vector<16xi32>
        %bitcast_convert_type3A_1279 = tpu.bitcast %sub3A_1278 : vector<16xi32> -> vector<16xf32>
        %mul3A_1280 = arith.constant 5.000000e-01 : f32
        %mul3A_1281 = vector.broadcast %mul3A_1280 : f32 to vector<16xf32>
        %mul3A_1282 = arith.mulf %mul3A_1281, %add3A_1271 : vector<16xf32>
        %mul3A_1283 = arith.mulf %mul3A_1282, %bitcast_convert_type3A_1279 : vector<16xf32>
        %mul3A_1284 = arith.mulf %mul3A_1283, %bitcast_convert_type3A_1279 : vector<16xf32>
        %sub3A_1285 = arith.constant 1.500000e+00 : f32
        %sub3A_1286 = vector.broadcast %sub3A_1285 : f32 to vector<16xf32>
        %sub3A_1287 = arith.subf %sub3A_1286, %mul3A_1284 : vector<16xf32>
        %mul3A_1288 = arith.mulf %bitcast_convert_type3A_1279, %sub3A_1287 : vector<16xf32>
        %mul3A_1289 = arith.constant 5.000000e-01 : f32
        %mul3A_1290 = vector.broadcast %mul3A_1289 : f32 to vector<16xf32>
        %mul3A_1291 = arith.mulf %mul3A_1290, %add3A_1271 : vector<16xf32>
        %mul3A_1292 = arith.mulf %mul3A_1291, %mul3A_1288 : vector<16xf32>
        %mul3A_1293 = arith.mulf %mul3A_1292, %mul3A_1288 : vector<16xf32>
        %sub3A_1294 = arith.constant 1.500000e+00 : f32
        %sub3A_1295 = vector.broadcast %sub3A_1294 : f32 to vector<16xf32>
        %sub3A_1296 = arith.subf %sub3A_1295, %mul3A_1293 : vector<16xf32>
        %mul3A_1297 = arith.mulf %mul3A_1288, %sub3A_1296 : vector<16xf32>
        %mul3A_1298 = arith.constant 5.000000e-01 : f32
        %mul3A_1299 = vector.broadcast %mul3A_1298 : f32 to vector<16xf32>
        %mul3A_1300 = arith.mulf %mul3A_1299, %add3A_1271 : vector<16xf32>
        %mul3A_1301 = arith.mulf %mul3A_1300, %mul3A_1297 : vector<16xf32>
        %mul3A_1302 = arith.mulf %mul3A_1301, %mul3A_1297 : vector<16xf32>
        %sub3A_1303 = arith.constant 1.500000e+00 : f32
        %sub3A_1304 = vector.broadcast %sub3A_1303 : f32 to vector<16xf32>
        %sub3A_1305 = arith.subf %sub3A_1304, %mul3A_1302 : vector<16xf32>
        %mul3A_1306 = arith.mulf %mul3A_1297, %sub3A_1305 : vector<16xf32>
        %mul3A_1307 = arith.mulf %add3A_1271, %mul3A_1306 : vector<16xf32>
        %add3A_1308 = arith.constant 80 : i32
        %add3A_1309 = vector.broadcast %add3A_1308 : i32 to vector<16xi32>
        %add3A_1310 = arith.addi %and3A_102, %add3A_1309 : vector<16xi32>
        %gather3A_1311 = tpu.vector_load_idx %arg10[%add3A_495, %add3A_1310] : memref<128x128xf32, #tpu.memory_space<vmem>>[vector<16xi32>, vector<16xi32>], vector<16xf32>,
        %gather3A_1312 = tpu.vector_load_idx %arg11[%add3A_495, %add3A_1310] : memref<128x128xf32, #tpu.memory_space<vmem>>[vector<16xi32>, vector<16xi32>], vector<16xf32>,
        %sub3A_1313 = arith.subf %gather3A_1312, %gather3A_1311 : vector<16xf32>
        %mul3A_1314 = arith.mulf %sub3A_1313, %sub3A_1313 : vector<16xf32>
        %add3A_1315 = arith.constant 80 : i32
        %add3A_1316 = vector.broadcast %add3A_1315 : i32 to vector<16xi32>
        %add3A_1317 = arith.addi %and3A_108, %add3A_1316 : vector<16xi32>
        %gather3A_1318 = tpu.vector_load_idx %arg10[%add3A_495, %add3A_1317] : memref<128x128xf32, #tpu.memory_space<vmem>>[vector<16xi32>, vector<16xi32>], vector<16xf32>,
        %gather3A_1319 = tpu.vector_load_idx %arg11[%add3A_495, %add3A_1317] : memref<128x128xf32, #tpu.memory_space<vmem>>[vector<16xi32>, vector<16xi32>], vector<16xf32>,
        %sub3A_1320 = arith.subf %gather3A_1319, %gather3A_1318 : vector<16xf32>
        %mul3A_1321 = arith.mulf %sub3A_1320, %sub3A_1320 : vector<16xf32>
        %add3A_1322 = arith.addf %mul3A_1314, %mul3A_1321 : vector<16xf32>
        %add3A_1323 = arith.constant 80 : i32
        %add3A_1324 = vector.broadcast %add3A_1323 : i32 to vector<16xi32>
        %add3A_1325 = arith.addi %and3A_114, %add3A_1324 : vector<16xi32>
        %gather3A_1326 = tpu.vector_load_idx %arg10[%add3A_495, %add3A_1325] : memref<128x128xf32, #tpu.memory_space<vmem>>[vector<16xi32>, vector<16xi32>], vector<16xf32>,
        %gather3A_1327 = tpu.vector_load_idx %arg11[%add3A_495, %add3A_1325] : memref<128x128xf32, #tpu.memory_space<vmem>>[vector<16xi32>, vector<16xi32>], vector<16xf32>,
        %sub3A_1328 = arith.subf %gather3A_1327, %gather3A_1326 : vector<16xf32>
        %mul3A_1329 = arith.mulf %sub3A_1328, %sub3A_1328 : vector<16xf32>
        %add3A_1330 = arith.addf %add3A_1322, %mul3A_1329 : vector<16xf32>
        %add3A_1331 = arith.constant 80 : i32
        %add3A_1332 = vector.broadcast %add3A_1331 : i32 to vector<16xi32>
        %add3A_1333 = arith.addi %and3A_120, %add3A_1332 : vector<16xi32>
        %gather3A_1334 = tpu.vector_load_idx %arg10[%add3A_495, %add3A_1333] : memref<128x128xf32, #tpu.memory_space<vmem>>[vector<16xi32>, vector<16xi32>], vector<16xf32>,
        %gather3A_1335 = tpu.vector_load_idx %arg11[%add3A_495, %add3A_1333] : memref<128x128xf32, #tpu.memory_space<vmem>>[vector<16xi32>, vector<16xi32>], vector<16xf32>,
        %sub3A_1336 = arith.subf %gather3A_1335, %gather3A_1334 : vector<16xf32>
        %mul3A_1337 = arith.mulf %sub3A_1336, %sub3A_1336 : vector<16xf32>
        %add3A_1338 = arith.addf %add3A_1330, %mul3A_1337 : vector<16xf32>
        %add3A_1339 = arith.constant 80 : i32
        %add3A_1340 = vector.broadcast %add3A_1339 : i32 to vector<16xi32>
        %add3A_1341 = arith.addi %and3A_126, %add3A_1340 : vector<16xi32>
        %gather3A_1342 = tpu.vector_load_idx %arg10[%add3A_495, %add3A_1341] : memref<128x128xf32, #tpu.memory_space<vmem>>[vector<16xi32>, vector<16xi32>], vector<16xf32>,
        %gather3A_1343 = tpu.vector_load_idx %arg11[%add3A_495, %add3A_1341] : memref<128x128xf32, #tpu.memory_space<vmem>>[vector<16xi32>, vector<16xi32>], vector<16xf32>,
        %sub3A_1344 = arith.subf %gather3A_1343, %gather3A_1342 : vector<16xf32>
        %mul3A_1345 = arith.mulf %sub3A_1344, %sub3A_1344 : vector<16xf32>
        %add3A_1346 = arith.addf %add3A_1338, %mul3A_1345 : vector<16xf32>
        %add3A_1347 = arith.constant 80 : i32
        %add3A_1348 = vector.broadcast %add3A_1347 : i32 to vector<16xi32>
        %add3A_1349 = arith.addi %and3A_132, %add3A_1348 : vector<16xi32>
        %gather3A_1350 = tpu.vector_load_idx %arg10[%add3A_495, %add3A_1349] : memref<128x128xf32, #tpu.memory_space<vmem>>[vector<16xi32>, vector<16xi32>], vector<16xf32>,
        %gather3A_1351 = tpu.vector_load_idx %arg11[%add3A_495, %add3A_1349] : memref<128x128xf32, #tpu.memory_space<vmem>>[vector<16xi32>, vector<16xi32>], vector<16xf32>,
        %sub3A_1352 = arith.subf %gather3A_1351, %gather3A_1350 : vector<16xf32>
        %mul3A_1353 = arith.mulf %sub3A_1352, %sub3A_1352 : vector<16xf32>
        %add3A_1354 = arith.addf %add3A_1346, %mul3A_1353 : vector<16xf32>
        %add3A_1355 = arith.constant 80 : i32
        %add3A_1356 = vector.broadcast %add3A_1355 : i32 to vector<16xi32>
        %add3A_1357 = arith.addi %and3A_138, %add3A_1356 : vector<16xi32>
        %gather3A_1358 = tpu.vector_load_idx %arg10[%add3A_495, %add3A_1357] : memref<128x128xf32, #tpu.memory_space<vmem>>[vector<16xi32>, vector<16xi32>], vector<16xf32>,
        %gather3A_1359 = tpu.vector_load_idx %arg11[%add3A_495, %add3A_1357] : memref<128x128xf32, #tpu.memory_space<vmem>>[vector<16xi32>, vector<16xi32>], vector<16xf32>,
        %sub3A_1360 = arith.subf %gather3A_1359, %gather3A_1358 : vector<16xf32>
        %mul3A_1361 = arith.mulf %sub3A_1360, %sub3A_1360 : vector<16xf32>
        %add3A_1362 = arith.addf %add3A_1354, %mul3A_1361 : vector<16xf32>
        %add3A_1363 = arith.constant 80 : i32
        %add3A_1364 = vector.broadcast %add3A_1363 : i32 to vector<16xi32>
        %add3A_1365 = arith.addi %and3A_144, %add3A_1364 : vector<16xi32>
        %gather3A_1366 = tpu.vector_load_idx %arg10[%add3A_495, %add3A_1365] : memref<128x128xf32, #tpu.memory_space<vmem>>[vector<16xi32>, vector<16xi32>], vector<16xf32>,
        %gather3A_1367 = tpu.vector_load_idx %arg11[%add3A_495, %add3A_1365] : memref<128x128xf32, #tpu.memory_space<vmem>>[vector<16xi32>, vector<16xi32>], vector<16xf32>,
        %sub3A_1368 = arith.subf %gather3A_1367, %gather3A_1366 : vector<16xf32>
        %mul3A_1369 = arith.mulf %sub3A_1368, %sub3A_1368 : vector<16xf32>
        %add3A_1370 = arith.addf %add3A_1362, %mul3A_1369 : vector<16xf32>
        %add3A_1371 = arith.constant 80 : i32
        %add3A_1372 = vector.broadcast %add3A_1371 : i32 to vector<16xi32>
        %add3A_1373 = arith.addi %and3A_150, %add3A_1372 : vector<16xi32>
        %gather3A_1374 = tpu.vector_load_idx %arg10[%add3A_495, %add3A_1373] : memref<128x128xf32, #tpu.memory_space<vmem>>[vector<16xi32>, vector<16xi32>], vector<16xf32>,
        %gather3A_1375 = tpu.vector_load_idx %arg11[%add3A_495, %add3A_1373] : memref<128x128xf32, #tpu.memory_space<vmem>>[vector<16xi32>, vector<16xi32>], vector<16xf32>,
        %sub3A_1376 = arith.subf %gather3A_1375, %gather3A_1374 : vector<16xf32>
        %mul3A_1377 = arith.mulf %sub3A_1376, %sub3A_1376 : vector<16xf32>
        %add3A_1378 = arith.addf %add3A_1370, %mul3A_1377 : vector<16xf32>
        %add3A_1379 = arith.constant 80 : i32
        %add3A_1380 = vector.broadcast %add3A_1379 : i32 to vector<16xi32>
        %add3A_1381 = arith.addi %and3A_156, %add3A_1380 : vector<16xi32>
        %gather3A_1382 = tpu.vector_load_idx %arg10[%add3A_495, %add3A_1381] : memref<128x128xf32, #tpu.memory_space<vmem>>[vector<16xi32>, vector<16xi32>], vector<16xf32>,
        %gather3A_1383 = tpu.vector_load_idx %arg11[%add3A_495, %add3A_1381] : memref<128x128xf32, #tpu.memory_space<vmem>>[vector<16xi32>, vector<16xi32>], vector<16xf32>,
        %sub3A_1384 = arith.subf %gather3A_1383, %gather3A_1382 : vector<16xf32>
        %mul3A_1385 = arith.mulf %sub3A_1384, %sub3A_1384 : vector<16xf32>
        %add3A_1386 = arith.addf %add3A_1378, %mul3A_1385 : vector<16xf32>
        %add3A_1387 = arith.constant 80 : i32
        %add3A_1388 = vector.broadcast %add3A_1387 : i32 to vector<16xi32>
        %add3A_1389 = arith.addi %and3A_162, %add3A_1388 : vector<16xi32>
        %gather3A_1390 = tpu.vector_load_idx %arg10[%add3A_495, %add3A_1389] : memref<128x128xf32, #tpu.memory_space<vmem>>[vector<16xi32>, vector<16xi32>], vector<16xf32>,
        %gather3A_1391 = tpu.vector_load_idx %arg11[%add3A_495, %add3A_1389] : memref<128x128xf32, #tpu.memory_space<vmem>>[vector<16xi32>, vector<16xi32>], vector<16xf32>,
        %sub3A_1392 = arith.subf %gather3A_1391, %gather3A_1390 : vector<16xf32>
        %mul3A_1393 = arith.mulf %sub3A_1392, %sub3A_1392 : vector<16xf32>
        %add3A_1394 = arith.addf %add3A_1386, %mul3A_1393 : vector<16xf32>
        %add3A_1395 = arith.constant 80 : i32
        %add3A_1396 = vector.broadcast %add3A_1395 : i32 to vector<16xi32>
        %add3A_1397 = arith.addi %and3A_168, %add3A_1396 : vector<16xi32>
        %gather3A_1398 = tpu.vector_load_idx %arg10[%add3A_495, %add3A_1397] : memref<128x128xf32, #tpu.memory_space<vmem>>[vector<16xi32>, vector<16xi32>], vector<16xf32>,
        %gather3A_1399 = tpu.vector_load_idx %arg11[%add3A_495, %add3A_1397] : memref<128x128xf32, #tpu.memory_space<vmem>>[vector<16xi32>, vector<16xi32>], vector<16xf32>,
        %sub3A_1400 = arith.subf %gather3A_1399, %gather3A_1398 : vector<16xf32>
        %mul3A_1401 = arith.mulf %sub3A_1400, %sub3A_1400 : vector<16xf32>
        %add3A_1402 = arith.addf %add3A_1394, %mul3A_1401 : vector<16xf32>
        %add3A_1403 = arith.constant 80 : i32
        %add3A_1404 = vector.broadcast %add3A_1403 : i32 to vector<16xi32>
        %add3A_1405 = arith.addi %and3A_174, %add3A_1404 : vector<16xi32>
        %gather3A_1406 = tpu.vector_load_idx %arg10[%add3A_495, %add3A_1405] : memref<128x128xf32, #tpu.memory_space<vmem>>[vector<16xi32>, vector<16xi32>], vector<16xf32>,
        %gather3A_1407 = tpu.vector_load_idx %arg11[%add3A_495, %add3A_1405] : memref<128x128xf32, #tpu.memory_space<vmem>>[vector<16xi32>, vector<16xi32>], vector<16xf32>,
        %sub3A_1408 = arith.subf %gather3A_1407, %gather3A_1406 : vector<16xf32>
        %mul3A_1409 = arith.mulf %sub3A_1408, %sub3A_1408 : vector<16xf32>
        %add3A_1410 = arith.addf %add3A_1402, %mul3A_1409 : vector<16xf32>
        %add3A_1411 = arith.constant 80 : i32
        %add3A_1412 = vector.broadcast %add3A_1411 : i32 to vector<16xi32>
        %add3A_1413 = arith.addi %and3A_180, %add3A_1412 : vector<16xi32>
        %gather3A_1414 = tpu.vector_load_idx %arg10[%add3A_495, %add3A_1413] : memref<128x128xf32, #tpu.memory_space<vmem>>[vector<16xi32>, vector<16xi32>], vector<16xf32>,
        %gather3A_1415 = tpu.vector_load_idx %arg11[%add3A_495, %add3A_1413] : memref<128x128xf32, #tpu.memory_space<vmem>>[vector<16xi32>, vector<16xi32>], vector<16xf32>,
        %sub3A_1416 = arith.subf %gather3A_1415, %gather3A_1414 : vector<16xf32>
        %mul3A_1417 = arith.mulf %sub3A_1416, %sub3A_1416 : vector<16xf32>
        %add3A_1418 = arith.addf %add3A_1410, %mul3A_1417 : vector<16xf32>
        %add3A_1419 = arith.constant 80 : i32
        %add3A_1420 = vector.broadcast %add3A_1419 : i32 to vector<16xi32>
        %add3A_1421 = arith.addi %and3A_186, %add3A_1420 : vector<16xi32>
        %gather3A_1422 = tpu.vector_load_idx %arg10[%add3A_495, %add3A_1421] : memref<128x128xf32, #tpu.memory_space<vmem>>[vector<16xi32>, vector<16xi32>], vector<16xf32>,
        %gather3A_1423 = tpu.vector_load_idx %arg11[%add3A_495, %add3A_1421] : memref<128x128xf32, #tpu.memory_space<vmem>>[vector<16xi32>, vector<16xi32>], vector<16xf32>,
        %sub3A_1424 = arith.subf %gather3A_1423, %gather3A_1422 : vector<16xf32>
        %mul3A_1425 = arith.mulf %sub3A_1424, %sub3A_1424 : vector<16xf32>
        %add3A_1426 = arith.addf %add3A_1418, %mul3A_1425 : vector<16xf32>
        %add3A_1427 = arith.constant 80 : i32
        %add3A_1428 = vector.broadcast %add3A_1427 : i32 to vector<16xi32>
        %add3A_1429 = arith.addi %and3A_192, %add3A_1428 : vector<16xi32>
        %gather3A_1430 = tpu.vector_load_idx %arg10[%add3A_495, %add3A_1429] : memref<128x128xf32, #tpu.memory_space<vmem>>[vector<16xi32>, vector<16xi32>], vector<16xf32>,
        %gather3A_1431 = tpu.vector_load_idx %arg11[%add3A_495, %add3A_1429] : memref<128x128xf32, #tpu.memory_space<vmem>>[vector<16xi32>, vector<16xi32>], vector<16xf32>,
        %sub3A_1432 = arith.subf %gather3A_1431, %gather3A_1430 : vector<16xf32>
        %mul3A_1433 = arith.mulf %sub3A_1432, %sub3A_1432 : vector<16xf32>
        %add3A_1434 = arith.addf %add3A_1426, %mul3A_1433 : vector<16xf32>
        %bitcast_convert_type3A_1435 = tpu.bitcast %add3A_1434 : vector<16xf32> -> vector<16xi32>
        %shift_right_arithmetic3A_1436 = arith.constant 1 : i32
        %shift_right_arithmetic3A_1437 = vector.broadcast %shift_right_arithmetic3A_1436 : i32 to vector<16xi32>
        %shift_right_arithmetic3A_1438 = arith.shrsi %bitcast_convert_type3A_1435, %shift_right_arithmetic3A_1437 : vector<16xi32>
        %sub3A_1439 = arith.constant 1597463007 : i32
        %sub3A_1440 = vector.broadcast %sub3A_1439 : i32 to vector<16xi32>
        %sub3A_1441 = arith.subi %sub3A_1440, %shift_right_arithmetic3A_1438 : vector<16xi32>
        %bitcast_convert_type3A_1442 = tpu.bitcast %sub3A_1441 : vector<16xi32> -> vector<16xf32>
        %mul3A_1443 = arith.constant 5.000000e-01 : f32
        %mul3A_1444 = vector.broadcast %mul3A_1443 : f32 to vector<16xf32>
        %mul3A_1445 = arith.mulf %mul3A_1444, %add3A_1434 : vector<16xf32>
        %mul3A_1446 = arith.mulf %mul3A_1445, %bitcast_convert_type3A_1442 : vector<16xf32>
        %mul3A_1447 = arith.mulf %mul3A_1446, %bitcast_convert_type3A_1442 : vector<16xf32>
        %sub3A_1448 = arith.constant 1.500000e+00 : f32
        %sub3A_1449 = vector.broadcast %sub3A_1448 : f32 to vector<16xf32>
        %sub3A_1450 = arith.subf %sub3A_1449, %mul3A_1447 : vector<16xf32>
        %mul3A_1451 = arith.mulf %bitcast_convert_type3A_1442, %sub3A_1450 : vector<16xf32>
        %mul3A_1452 = arith.constant 5.000000e-01 : f32
        %mul3A_1453 = vector.broadcast %mul3A_1452 : f32 to vector<16xf32>
        %mul3A_1454 = arith.mulf %mul3A_1453, %add3A_1434 : vector<16xf32>
        %mul3A_1455 = arith.mulf %mul3A_1454, %mul3A_1451 : vector<16xf32>
        %mul3A_1456 = arith.mulf %mul3A_1455, %mul3A_1451 : vector<16xf32>
        %sub3A_1457 = arith.constant 1.500000e+00 : f32
        %sub3A_1458 = vector.broadcast %sub3A_1457 : f32 to vector<16xf32>
        %sub3A_1459 = arith.subf %sub3A_1458, %mul3A_1456 : vector<16xf32>
        %mul3A_1460 = arith.mulf %mul3A_1451, %sub3A_1459 : vector<16xf32>
        %mul3A_1461 = arith.constant 5.000000e-01 : f32
        %mul3A_1462 = vector.broadcast %mul3A_1461 : f32 to vector<16xf32>
        %mul3A_1463 = arith.mulf %mul3A_1462, %add3A_1434 : vector<16xf32>
        %mul3A_1464 = arith.mulf %mul3A_1463, %mul3A_1460 : vector<16xf32>
        %mul3A_1465 = arith.mulf %mul3A_1464, %mul3A_1460 : vector<16xf32>
        %sub3A_1466 = arith.constant 1.500000e+00 : f32
        %sub3A_1467 = vector.broadcast %sub3A_1466 : f32 to vector<16xf32>
        %sub3A_1468 = arith.subf %sub3A_1467, %mul3A_1465 : vector<16xf32>
        %mul3A_1469 = arith.mulf %mul3A_1460, %sub3A_1468 : vector<16xf32>
        %mul3A_1470 = arith.mulf %add3A_1434, %mul3A_1469 : vector<16xf32>
        %add3A_1471 = arith.constant 96 : i32
        %add3A_1472 = vector.broadcast %add3A_1471 : i32 to vector<16xi32>
        %add3A_1473 = arith.addi %and3A_102, %add3A_1472 : vector<16xi32>
        %gather3A_1474 = tpu.vector_load_idx %arg10[%add3A_495, %add3A_1473] : memref<128x128xf32, #tpu.memory_space<vmem>>[vector<16xi32>, vector<16xi32>], vector<16xf32>,
        %gather3A_1475 = tpu.vector_load_idx %arg11[%add3A_495, %add3A_1473] : memref<128x128xf32, #tpu.memory_space<vmem>>[vector<16xi32>, vector<16xi32>], vector<16xf32>,
        %sub3A_1476 = arith.subf %gather3A_1475, %gather3A_1474 : vector<16xf32>
        %mul3A_1477 = arith.mulf %sub3A_1476, %sub3A_1476 : vector<16xf32>
        %add3A_1478 = arith.constant 96 : i32
        %add3A_1479 = vector.broadcast %add3A_1478 : i32 to vector<16xi32>
        %add3A_1480 = arith.addi %and3A_108, %add3A_1479 : vector<16xi32>
        %gather3A_1481 = tpu.vector_load_idx %arg10[%add3A_495, %add3A_1480] : memref<128x128xf32, #tpu.memory_space<vmem>>[vector<16xi32>, vector<16xi32>], vector<16xf32>,
        %gather3A_1482 = tpu.vector_load_idx %arg11[%add3A_495, %add3A_1480] : memref<128x128xf32, #tpu.memory_space<vmem>>[vector<16xi32>, vector<16xi32>], vector<16xf32>,
        %sub3A_1483 = arith.subf %gather3A_1482, %gather3A_1481 : vector<16xf32>
        %mul3A_1484 = arith.mulf %sub3A_1483, %sub3A_1483 : vector<16xf32>
        %add3A_1485 = arith.addf %mul3A_1477, %mul3A_1484 : vector<16xf32>
        %add3A_1486 = arith.constant 96 : i32
        %add3A_1487 = vector.broadcast %add3A_1486 : i32 to vector<16xi32>
        %add3A_1488 = arith.addi %and3A_114, %add3A_1487 : vector<16xi32>
        %gather3A_1489 = tpu.vector_load_idx %arg10[%add3A_495, %add3A_1488] : memref<128x128xf32, #tpu.memory_space<vmem>>[vector<16xi32>, vector<16xi32>], vector<16xf32>,
        %gather3A_1490 = tpu.vector_load_idx %arg11[%add3A_495, %add3A_1488] : memref<128x128xf32, #tpu.memory_space<vmem>>[vector<16xi32>, vector<16xi32>], vector<16xf32>,
        %sub3A_1491 = arith.subf %gather3A_1490, %gather3A_1489 : vector<16xf32>
        %mul3A_1492 = arith.mulf %sub3A_1491, %sub3A_1491 : vector<16xf32>
        %add3A_1493 = arith.addf %add3A_1485, %mul3A_1492 : vector<16xf32>
        %add3A_1494 = arith.constant 96 : i32
        %add3A_1495 = vector.broadcast %add3A_1494 : i32 to vector<16xi32>
        %add3A_1496 = arith.addi %and3A_120, %add3A_1495 : vector<16xi32>
        %gather3A_1497 = tpu.vector_load_idx %arg10[%add3A_495, %add3A_1496] : memref<128x128xf32, #tpu.memory_space<vmem>>[vector<16xi32>, vector<16xi32>], vector<16xf32>,
        %gather3A_1498 = tpu.vector_load_idx %arg11[%add3A_495, %add3A_1496] : memref<128x128xf32, #tpu.memory_space<vmem>>[vector<16xi32>, vector<16xi32>], vector<16xf32>,
        %sub3A_1499 = arith.subf %gather3A_1498, %gather3A_1497 : vector<16xf32>
        %mul3A_1500 = arith.mulf %sub3A_1499, %sub3A_1499 : vector<16xf32>
        %add3A_1501 = arith.addf %add3A_1493, %mul3A_1500 : vector<16xf32>
        %add3A_1502 = arith.constant 96 : i32
        %add3A_1503 = vector.broadcast %add3A_1502 : i32 to vector<16xi32>
        %add3A_1504 = arith.addi %and3A_126, %add3A_1503 : vector<16xi32>
        %gather3A_1505 = tpu.vector_load_idx %arg10[%add3A_495, %add3A_1504] : memref<128x128xf32, #tpu.memory_space<vmem>>[vector<16xi32>, vector<16xi32>], vector<16xf32>,
        %gather3A_1506 = tpu.vector_load_idx %arg11[%add3A_495, %add3A_1504] : memref<128x128xf32, #tpu.memory_space<vmem>>[vector<16xi32>, vector<16xi32>], vector<16xf32>,
        %sub3A_1507 = arith.subf %gather3A_1506, %gather3A_1505 : vector<16xf32>
        %mul3A_1508 = arith.mulf %sub3A_1507, %sub3A_1507 : vector<16xf32>
        %add3A_1509 = arith.addf %add3A_1501, %mul3A_1508 : vector<16xf32>
        %add3A_1510 = arith.constant 96 : i32
        %add3A_1511 = vector.broadcast %add3A_1510 : i32 to vector<16xi32>
        %add3A_1512 = arith.addi %and3A_132, %add3A_1511 : vector<16xi32>
        %gather3A_1513 = tpu.vector_load_idx %arg10[%add3A_495, %add3A_1512] : memref<128x128xf32, #tpu.memory_space<vmem>>[vector<16xi32>, vector<16xi32>], vector<16xf32>,
        %gather3A_1514 = tpu.vector_load_idx %arg11[%add3A_495, %add3A_1512] : memref<128x128xf32, #tpu.memory_space<vmem>>[vector<16xi32>, vector<16xi32>], vector<16xf32>,
        %sub3A_1515 = arith.subf %gather3A_1514, %gather3A_1513 : vector<16xf32>
        %mul3A_1516 = arith.mulf %sub3A_1515, %sub3A_1515 : vector<16xf32>
        %add3A_1517 = arith.addf %add3A_1509, %mul3A_1516 : vector<16xf32>
        %add3A_1518 = arith.constant 96 : i32
        %add3A_1519 = vector.broadcast %add3A_1518 : i32 to vector<16xi32>
        %add3A_1520 = arith.addi %and3A_138, %add3A_1519 : vector<16xi32>
        %gather3A_1521 = tpu.vector_load_idx %arg10[%add3A_495, %add3A_1520] : memref<128x128xf32, #tpu.memory_space<vmem>>[vector<16xi32>, vector<16xi32>], vector<16xf32>,
        %gather3A_1522 = tpu.vector_load_idx %arg11[%add3A_495, %add3A_1520] : memref<128x128xf32, #tpu.memory_space<vmem>>[vector<16xi32>, vector<16xi32>], vector<16xf32>,
        %sub3A_1523 = arith.subf %gather3A_1522, %gather3A_1521 : vector<16xf32>
        %mul3A_1524 = arith.mulf %sub3A_1523, %sub3A_1523 : vector<16xf32>
        %add3A_1525 = arith.addf %add3A_1517, %mul3A_1524 : vector<16xf32>
        %add3A_1526 = arith.constant 96 : i32
        %add3A_1527 = vector.broadcast %add3A_1526 : i32 to vector<16xi32>
        %add3A_1528 = arith.addi %and3A_144, %add3A_1527 : vector<16xi32>
        %gather3A_1529 = tpu.vector_load_idx %arg10[%add3A_495, %add3A_1528] : memref<128x128xf32, #tpu.memory_space<vmem>>[vector<16xi32>, vector<16xi32>], vector<16xf32>,
        %gather3A_1530 = tpu.vector_load_idx %arg11[%add3A_495, %add3A_1528] : memref<128x128xf32, #tpu.memory_space<vmem>>[vector<16xi32>, vector<16xi32>], vector<16xf32>,
        %sub3A_1531 = arith.subf %gather3A_1530, %gather3A_1529 : vector<16xf32>
        %mul3A_1532 = arith.mulf %sub3A_1531, %sub3A_1531 : vector<16xf32>
        %add3A_1533 = arith.addf %add3A_1525, %mul3A_1532 : vector<16xf32>
        %add3A_1534 = arith.constant 96 : i32
        %add3A_1535 = vector.broadcast %add3A_1534 : i32 to vector<16xi32>
        %add3A_1536 = arith.addi %and3A_150, %add3A_1535 : vector<16xi32>
        %gather3A_1537 = tpu.vector_load_idx %arg10[%add3A_495, %add3A_1536] : memref<128x128xf32, #tpu.memory_space<vmem>>[vector<16xi32>, vector<16xi32>], vector<16xf32>,
        %gather3A_1538 = tpu.vector_load_idx %arg11[%add3A_495, %add3A_1536] : memref<128x128xf32, #tpu.memory_space<vmem>>[vector<16xi32>, vector<16xi32>], vector<16xf32>,
        %sub3A_1539 = arith.subf %gather3A_1538, %gather3A_1537 : vector<16xf32>
        %mul3A_1540 = arith.mulf %sub3A_1539, %sub3A_1539 : vector<16xf32>
        %add3A_1541 = arith.addf %add3A_1533, %mul3A_1540 : vector<16xf32>
        %add3A_1542 = arith.constant 96 : i32
        %add3A_1543 = vector.broadcast %add3A_1542 : i32 to vector<16xi32>
        %add3A_1544 = arith.addi %and3A_156, %add3A_1543 : vector<16xi32>
        %gather3A_1545 = tpu.vector_load_idx %arg10[%add3A_495, %add3A_1544] : memref<128x128xf32, #tpu.memory_space<vmem>>[vector<16xi32>, vector<16xi32>], vector<16xf32>,
        %gather3A_1546 = tpu.vector_load_idx %arg11[%add3A_495, %add3A_1544] : memref<128x128xf32, #tpu.memory_space<vmem>>[vector<16xi32>, vector<16xi32>], vector<16xf32>,
        %sub3A_1547 = arith.subf %gather3A_1546, %gather3A_1545 : vector<16xf32>
        %mul3A_1548 = arith.mulf %sub3A_1547, %sub3A_1547 : vector<16xf32>
        %add3A_1549 = arith.addf %add3A_1541, %mul3A_1548 : vector<16xf32>
        %add3A_1550 = arith.constant 96 : i32
        %add3A_1551 = vector.broadcast %add3A_1550 : i32 to vector<16xi32>
        %add3A_1552 = arith.addi %and3A_162, %add3A_1551 : vector<16xi32>
        %gather3A_1553 = tpu.vector_load_idx %arg10[%add3A_495, %add3A_1552] : memref<128x128xf32, #tpu.memory_space<vmem>>[vector<16xi32>, vector<16xi32>], vector<16xf32>,
        %gather3A_1554 = tpu.vector_load_idx %arg11[%add3A_495, %add3A_1552] : memref<128x128xf32, #tpu.memory_space<vmem>>[vector<16xi32>, vector<16xi32>], vector<16xf32>,
        %sub3A_1555 = arith.subf %gather3A_1554, %gather3A_1553 : vector<16xf32>
        %mul3A_1556 = arith.mulf %sub3A_1555, %sub3A_1555 : vector<16xf32>
        %add3A_1557 = arith.addf %add3A_1549, %mul3A_1556 : vector<16xf32>
        %add3A_1558 = arith.constant 96 : i32
        %add3A_1559 = vector.broadcast %add3A_1558 : i32 to vector<16xi32>
        %add3A_1560 = arith.addi %and3A_168, %add3A_1559 : vector<16xi32>
        %gather3A_1561 = tpu.vector_load_idx %arg10[%add3A_495, %add3A_1560] : memref<128x128xf32, #tpu.memory_space<vmem>>[vector<16xi32>, vector<16xi32>], vector<16xf32>,
        %gather3A_1562 = tpu.vector_load_idx %arg11[%add3A_495, %add3A_1560] : memref<128x128xf32, #tpu.memory_space<vmem>>[vector<16xi32>, vector<16xi32>], vector<16xf32>,
        %sub3A_1563 = arith.subf %gather3A_1562, %gather3A_1561 : vector<16xf32>
        %mul3A_1564 = arith.mulf %sub3A_1563, %sub3A_1563 : vector<16xf32>
        %add3A_1565 = arith.addf %add3A_1557, %mul3A_1564 : vector<16xf32>
        %add3A_1566 = arith.constant 96 : i32
        %add3A_1567 = vector.broadcast %add3A_1566 : i32 to vector<16xi32>
        %add3A_1568 = arith.addi %and3A_174, %add3A_1567 : vector<16xi32>
        %gather3A_1569 = tpu.vector_load_idx %arg10[%add3A_495, %add3A_1568] : memref<128x128xf32, #tpu.memory_space<vmem>>[vector<16xi32>, vector<16xi32>], vector<16xf32>,
        %gather3A_1570 = tpu.vector_load_idx %arg11[%add3A_495, %add3A_1568] : memref<128x128xf32, #tpu.memory_space<vmem>>[vector<16xi32>, vector<16xi32>], vector<16xf32>,
        %sub3A_1571 = arith.subf %gather3A_1570, %gather3A_1569 : vector<16xf32>
        %mul3A_1572 = arith.mulf %sub3A_1571, %sub3A_1571 : vector<16xf32>
        %add3A_1573 = arith.addf %add3A_1565, %mul3A_1572 : vector<16xf32>
        %add3A_1574 = arith.constant 96 : i32
        %add3A_1575 = vector.broadcast %add3A_1574 : i32 to vector<16xi32>
        %add3A_1576 = arith.addi %and3A_180, %add3A_1575 : vector<16xi32>
        %gather3A_1577 = tpu.vector_load_idx %arg10[%add3A_495, %add3A_1576] : memref<128x128xf32, #tpu.memory_space<vmem>>[vector<16xi32>, vector<16xi32>], vector<16xf32>,
        %gather3A_1578 = tpu.vector_load_idx %arg11[%add3A_495, %add3A_1576] : memref<128x128xf32, #tpu.memory_space<vmem>>[vector<16xi32>, vector<16xi32>], vector<16xf32>,
        %sub3A_1579 = arith.subf %gather3A_1578, %gather3A_1577 : vector<16xf32>
        %mul3A_1580 = arith.mulf %sub3A_1579, %sub3A_1579 : vector<16xf32>
        %add3A_1581 = arith.addf %add3A_1573, %mul3A_1580 : vector<16xf32>
        %add3A_1582 = arith.constant 96 : i32
        %add3A_1583 = vector.broadcast %add3A_1582 : i32 to vector<16xi32>
        %add3A_1584 = arith.addi %and3A_186, %add3A_1583 : vector<16xi32>
        %gather3A_1585 = tpu.vector_load_idx %arg10[%add3A_495, %add3A_1584] : memref<128x128xf32, #tpu.memory_space<vmem>>[vector<16xi32>, vector<16xi32>], vector<16xf32>,
        %gather3A_1586 = tpu.vector_load_idx %arg11[%add3A_495, %add3A_1584] : memref<128x128xf32, #tpu.memory_space<vmem>>[vector<16xi32>, vector<16xi32>], vector<16xf32>,
        %sub3A_1587 = arith.subf %gather3A_1586, %gather3A_1585 : vector<16xf32>
        %mul3A_1588 = arith.mulf %sub3A_1587, %sub3A_1587 : vector<16xf32>
        %add3A_1589 = arith.addf %add3A_1581, %mul3A_1588 : vector<16xf32>
        %add3A_1590 = arith.constant 96 : i32
        %add3A_1591 = vector.broadcast %add3A_1590 : i32 to vector<16xi32>
        %add3A_1592 = arith.addi %and3A_192, %add3A_1591 : vector<16xi32>
        %gather3A_1593 = tpu.vector_load_idx %arg10[%add3A_495, %add3A_1592] : memref<128x128xf32, #tpu.memory_space<vmem>>[vector<16xi32>, vector<16xi32>], vector<16xf32>,
        %gather3A_1594 = tpu.vector_load_idx %arg11[%add3A_495, %add3A_1592] : memref<128x128xf32, #tpu.memory_space<vmem>>[vector<16xi32>, vector<16xi32>], vector<16xf32>,
        %sub3A_1595 = arith.subf %gather3A_1594, %gather3A_1593 : vector<16xf32>
        %mul3A_1596 = arith.mulf %sub3A_1595, %sub3A_1595 : vector<16xf32>
        %add3A_1597 = arith.addf %add3A_1589, %mul3A_1596 : vector<16xf32>
        %bitcast_convert_type3A_1598 = tpu.bitcast %add3A_1597 : vector<16xf32> -> vector<16xi32>
        %shift_right_arithmetic3A_1599 = arith.constant 1 : i32
        %shift_right_arithmetic3A_1600 = vector.broadcast %shift_right_arithmetic3A_1599 : i32 to vector<16xi32>
        %shift_right_arithmetic3A_1601 = arith.shrsi %bitcast_convert_type3A_1598, %shift_right_arithmetic3A_1600 : vector<16xi32>
        %sub3A_1602 = arith.constant 1597463007 : i32
        %sub3A_1603 = vector.broadcast %sub3A_1602 : i32 to vector<16xi32>
        %sub3A_1604 = arith.subi %sub3A_1603, %shift_right_arithmetic3A_1601 : vector<16xi32>
        %bitcast_convert_type3A_1605 = tpu.bitcast %sub3A_1604 : vector<16xi32> -> vector<16xf32>
        %mul3A_1606 = arith.constant 5.000000e-01 : f32
        %mul3A_1607 = vector.broadcast %mul3A_1606 : f32 to vector<16xf32>
        %mul3A_1608 = arith.mulf %mul3A_1607, %add3A_1597 : vector<16xf32>
        %mul3A_1609 = arith.mulf %mul3A_1608, %bitcast_convert_type3A_1605 : vector<16xf32>
        %mul3A_1610 = arith.mulf %mul3A_1609, %bitcast_convert_type3A_1605 : vector<16xf32>
        %sub3A_1611 = arith.constant 1.500000e+00 : f32
        %sub3A_1612 = vector.broadcast %sub3A_1611 : f32 to vector<16xf32>
        %sub3A_1613 = arith.subf %sub3A_1612, %mul3A_1610 : vector<16xf32>
        %mul3A_1614 = arith.mulf %bitcast_convert_type3A_1605, %sub3A_1613 : vector<16xf32>
        %mul3A_1615 = arith.constant 5.000000e-01 : f32
        %mul3A_1616 = vector.broadcast %mul3A_1615 : f32 to vector<16xf32>
        %mul3A_1617 = arith.mulf %mul3A_1616, %add3A_1597 : vector<16xf32>
        %mul3A_1618 = arith.mulf %mul3A_1617, %mul3A_1614 : vector<16xf32>
        %mul3A_1619 = arith.mulf %mul3A_1618, %mul3A_1614 : vector<16xf32>
        %sub3A_1620 = arith.constant 1.500000e+00 : f32
        %sub3A_1621 = vector.broadcast %sub3A_1620 : f32 to vector<16xf32>
        %sub3A_1622 = arith.subf %sub3A_1621, %mul3A_1619 : vector<16xf32>
        %mul3A_1623 = arith.mulf %mul3A_1614, %sub3A_1622 : vector<16xf32>
        %mul3A_1624 = arith.constant 5.000000e-01 : f32
        %mul3A_1625 = vector.broadcast %mul3A_1624 : f32 to vector<16xf32>
        %mul3A_1626 = arith.mulf %mul3A_1625, %add3A_1597 : vector<16xf32>
        %mul3A_1627 = arith.mulf %mul3A_1626, %mul3A_1623 : vector<16xf32>
        %mul3A_1628 = arith.mulf %mul3A_1627, %mul3A_1623 : vector<16xf32>
        %sub3A_1629 = arith.constant 1.500000e+00 : f32
        %sub3A_1630 = vector.broadcast %sub3A_1629 : f32 to vector<16xf32>
        %sub3A_1631 = arith.subf %sub3A_1630, %mul3A_1628 : vector<16xf32>
        %mul3A_1632 = arith.mulf %mul3A_1623, %sub3A_1631 : vector<16xf32>
        %mul3A_1633 = arith.mulf %add3A_1597, %mul3A_1632 : vector<16xf32>
        %add3A_1634 = arith.constant 112 : i32
        %add3A_1635 = vector.broadcast %add3A_1634 : i32 to vector<16xi32>
        %add3A_1636 = arith.addi %and3A_102, %add3A_1635 : vector<16xi32>
        %gather3A_1637 = tpu.vector_load_idx %arg10[%add3A_495, %add3A_1636] : memref<128x128xf32, #tpu.memory_space<vmem>>[vector<16xi32>, vector<16xi32>], vector<16xf32>,
        %gather3A_1638 = tpu.vector_load_idx %arg11[%add3A_495, %add3A_1636] : memref<128x128xf32, #tpu.memory_space<vmem>>[vector<16xi32>, vector<16xi32>], vector<16xf32>,
        %sub3A_1639 = arith.subf %gather3A_1638, %gather3A_1637 : vector<16xf32>
        %mul3A_1640 = arith.mulf %sub3A_1639, %sub3A_1639 : vector<16xf32>
        %add3A_1641 = arith.constant 112 : i32
        %add3A_1642 = vector.broadcast %add3A_1641 : i32 to vector<16xi32>
        %add3A_1643 = arith.addi %and3A_108, %add3A_1642 : vector<16xi32>
        %gather3A_1644 = tpu.vector_load_idx %arg10[%add3A_495, %add3A_1643] : memref<128x128xf32, #tpu.memory_space<vmem>>[vector<16xi32>, vector<16xi32>], vector<16xf32>,
        %gather3A_1645 = tpu.vector_load_idx %arg11[%add3A_495, %add3A_1643] : memref<128x128xf32, #tpu.memory_space<vmem>>[vector<16xi32>, vector<16xi32>], vector<16xf32>,
        %sub3A_1646 = arith.subf %gather3A_1645, %gather3A_1644 : vector<16xf32>
        %mul3A_1647 = arith.mulf %sub3A_1646, %sub3A_1646 : vector<16xf32>
        %add3A_1648 = arith.addf %mul3A_1640, %mul3A_1647 : vector<16xf32>
        %add3A_1649 = arith.constant 112 : i32
        %add3A_1650 = vector.broadcast %add3A_1649 : i32 to vector<16xi32>
        %add3A_1651 = arith.addi %and3A_114, %add3A_1650 : vector<16xi32>
        %gather3A_1652 = tpu.vector_load_idx %arg10[%add3A_495, %add3A_1651] : memref<128x128xf32, #tpu.memory_space<vmem>>[vector<16xi32>, vector<16xi32>], vector<16xf32>,
        %gather3A_1653 = tpu.vector_load_idx %arg11[%add3A_495, %add3A_1651] : memref<128x128xf32, #tpu.memory_space<vmem>>[vector<16xi32>, vector<16xi32>], vector<16xf32>,
        %sub3A_1654 = arith.subf %gather3A_1653, %gather3A_1652 : vector<16xf32>
        %mul3A_1655 = arith.mulf %sub3A_1654, %sub3A_1654 : vector<16xf32>
        %add3A_1656 = arith.addf %add3A_1648, %mul3A_1655 : vector<16xf32>
        %add3A_1657 = arith.constant 112 : i32
        %add3A_1658 = vector.broadcast %add3A_1657 : i32 to vector<16xi32>
        %add3A_1659 = arith.addi %and3A_120, %add3A_1658 : vector<16xi32>
        %gather3A_1660 = tpu.vector_load_idx %arg10[%add3A_495, %add3A_1659] : memref<128x128xf32, #tpu.memory_space<vmem>>[vector<16xi32>, vector<16xi32>], vector<16xf32>,
        %gather3A_1661 = tpu.vector_load_idx %arg11[%add3A_495, %add3A_1659] : memref<128x128xf32, #tpu.memory_space<vmem>>[vector<16xi32>, vector<16xi32>], vector<16xf32>,
        %sub3A_1662 = arith.subf %gather3A_1661, %gather3A_1660 : vector<16xf32>
        %mul3A_1663 = arith.mulf %sub3A_1662, %sub3A_1662 : vector<16xf32>
        %add3A_1664 = arith.addf %add3A_1656, %mul3A_1663 : vector<16xf32>
        %add3A_1665 = arith.constant 112 : i32
        %add3A_1666 = vector.broadcast %add3A_1665 : i32 to vector<16xi32>
        %add3A_1667 = arith.addi %and3A_126, %add3A_1666 : vector<16xi32>
        %gather3A_1668 = tpu.vector_load_idx %arg10[%add3A_495, %add3A_1667] : memref<128x128xf32, #tpu.memory_space<vmem>>[vector<16xi32>, vector<16xi32>], vector<16xf32>,
        %gather3A_1669 = tpu.vector_load_idx %arg11[%add3A_495, %add3A_1667] : memref<128x128xf32, #tpu.memory_space<vmem>>[vector<16xi32>, vector<16xi32>], vector<16xf32>,
        %sub3A_1670 = arith.subf %gather3A_1669, %gather3A_1668 : vector<16xf32>
        %mul3A_1671 = arith.mulf %sub3A_1670, %sub3A_1670 : vector<16xf32>
        %add3A_1672 = arith.addf %add3A_1664, %mul3A_1671 : vector<16xf32>
        %add3A_1673 = arith.constant 112 : i32
        %add3A_1674 = vector.broadcast %add3A_1673 : i32 to vector<16xi32>
        %add3A_1675 = arith.addi %and3A_132, %add3A_1674 : vector<16xi32>
        %gather3A_1676 = tpu.vector_load_idx %arg10[%add3A_495, %add3A_1675] : memref<128x128xf32, #tpu.memory_space<vmem>>[vector<16xi32>, vector<16xi32>], vector<16xf32>,
        %gather3A_1677 = tpu.vector_load_idx %arg11[%add3A_495, %add3A_1675] : memref<128x128xf32, #tpu.memory_space<vmem>>[vector<16xi32>, vector<16xi32>], vector<16xf32>,
        %sub3A_1678 = arith.subf %gather3A_1677, %gather3A_1676 : vector<16xf32>
        %mul3A_1679 = arith.mulf %sub3A_1678, %sub3A_1678 : vector<16xf32>
        %add3A_1680 = arith.addf %add3A_1672, %mul3A_1679 : vector<16xf32>
        %add3A_1681 = arith.constant 112 : i32
        %add3A_1682 = vector.broadcast %add3A_1681 : i32 to vector<16xi32>
        %add3A_1683 = arith.addi %and3A_138, %add3A_1682 : vector<16xi32>
        %gather3A_1684 = tpu.vector_load_idx %arg10[%add3A_495, %add3A_1683] : memref<128x128xf32, #tpu.memory_space<vmem>>[vector<16xi32>, vector<16xi32>], vector<16xf32>,
        %gather3A_1685 = tpu.vector_load_idx %arg11[%add3A_495, %add3A_1683] : memref<128x128xf32, #tpu.memory_space<vmem>>[vector<16xi32>, vector<16xi32>], vector<16xf32>,
        %sub3A_1686 = arith.subf %gather3A_1685, %gather3A_1684 : vector<16xf32>
        %mul3A_1687 = arith.mulf %sub3A_1686, %sub3A_1686 : vector<16xf32>
        %add3A_1688 = arith.addf %add3A_1680, %mul3A_1687 : vector<16xf32>
        %add3A_1689 = arith.constant 112 : i32
        %add3A_1690 = vector.broadcast %add3A_1689 : i32 to vector<16xi32>
        %add3A_1691 = arith.addi %and3A_144, %add3A_1690 : vector<16xi32>
        %gather3A_1692 = tpu.vector_load_idx %arg10[%add3A_495, %add3A_1691] : memref<128x128xf32, #tpu.memory_space<vmem>>[vector<16xi32>, vector<16xi32>], vector<16xf32>,
        %gather3A_1693 = tpu.vector_load_idx %arg11[%add3A_495, %add3A_1691] : memref<128x128xf32, #tpu.memory_space<vmem>>[vector<16xi32>, vector<16xi32>], vector<16xf32>,
        %sub3A_1694 = arith.subf %gather3A_1693, %gather3A_1692 : vector<16xf32>
        %mul3A_1695 = arith.mulf %sub3A_1694, %sub3A_1694 : vector<16xf32>
        %add3A_1696 = arith.addf %add3A_1688, %mul3A_1695 : vector<16xf32>
        %add3A_1697 = arith.constant 112 : i32
        %add3A_1698 = vector.broadcast %add3A_1697 : i32 to vector<16xi32>
        %add3A_1699 = arith.addi %and3A_150, %add3A_1698 : vector<16xi32>
        %gather3A_1700 = tpu.vector_load_idx %arg10[%add3A_495, %add3A_1699] : memref<128x128xf32, #tpu.memory_space<vmem>>[vector<16xi32>, vector<16xi32>], vector<16xf32>,
        %gather3A_1701 = tpu.vector_load_idx %arg11[%add3A_495, %add3A_1699] : memref<128x128xf32, #tpu.memory_space<vmem>>[vector<16xi32>, vector<16xi32>], vector<16xf32>,
        %sub3A_1702 = arith.subf %gather3A_1701, %gather3A_1700 : vector<16xf32>
        %mul3A_1703 = arith.mulf %sub3A_1702, %sub3A_1702 : vector<16xf32>
        %add3A_1704 = arith.addf %add3A_1696, %mul3A_1703 : vector<16xf32>
        %add3A_1705 = arith.constant 112 : i32
        %add3A_1706 = vector.broadcast %add3A_1705 : i32 to vector<16xi32>
        %add3A_1707 = arith.addi %and3A_156, %add3A_1706 : vector<16xi32>
        %gather3A_1708 = tpu.vector_load_idx %arg10[%add3A_495, %add3A_1707] : memref<128x128xf32, #tpu.memory_space<vmem>>[vector<16xi32>, vector<16xi32>], vector<16xf32>,
        %gather3A_1709 = tpu.vector_load_idx %arg11[%add3A_495, %add3A_1707] : memref<128x128xf32, #tpu.memory_space<vmem>>[vector<16xi32>, vector<16xi32>], vector<16xf32>,
        %sub3A_1710 = arith.subf %gather3A_1709, %gather3A_1708 : vector<16xf32>
        %mul3A_1711 = arith.mulf %sub3A_1710, %sub3A_1710 : vector<16xf32>
        %add3A_1712 = arith.addf %add3A_1704, %mul3A_1711 : vector<16xf32>
        %add3A_1713 = arith.constant 112 : i32
        %add3A_1714 = vector.broadcast %add3A_1713 : i32 to vector<16xi32>
        %add3A_1715 = arith.addi %and3A_162, %add3A_1714 : vector<16xi32>
        %gather3A_1716 = tpu.vector_load_idx %arg10[%add3A_495, %add3A_1715] : memref<128x128xf32, #tpu.memory_space<vmem>>[vector<16xi32>, vector<16xi32>], vector<16xf32>,
        %gather3A_1717 = tpu.vector_load_idx %arg11[%add3A_495, %add3A_1715] : memref<128x128xf32, #tpu.memory_space<vmem>>[vector<16xi32>, vector<16xi32>], vector<16xf32>,
        %sub3A_1718 = arith.subf %gather3A_1717, %gather3A_1716 : vector<16xf32>
        %mul3A_1719 = arith.mulf %sub3A_1718, %sub3A_1718 : vector<16xf32>
        %add3A_1720 = arith.addf %add3A_1712, %mul3A_1719 : vector<16xf32>
        %add3A_1721 = arith.constant 112 : i32
        %add3A_1722 = vector.broadcast %add3A_1721 : i32 to vector<16xi32>
        %add3A_1723 = arith.addi %and3A_168, %add3A_1722 : vector<16xi32>
        %gather3A_1724 = tpu.vector_load_idx %arg10[%add3A_495, %add3A_1723] : memref<128x128xf32, #tpu.memory_space<vmem>>[vector<16xi32>, vector<16xi32>], vector<16xf32>,
        %gather3A_1725 = tpu.vector_load_idx %arg11[%add3A_495, %add3A_1723] : memref<128x128xf32, #tpu.memory_space<vmem>>[vector<16xi32>, vector<16xi32>], vector<16xf32>,
        %sub3A_1726 = arith.subf %gather3A_1725, %gather3A_1724 : vector<16xf32>
        %mul3A_1727 = arith.mulf %sub3A_1726, %sub3A_1726 : vector<16xf32>
        %add3A_1728 = arith.addf %add3A_1720, %mul3A_1727 : vector<16xf32>
        %add3A_1729 = arith.constant 112 : i32
        %add3A_1730 = vector.broadcast %add3A_1729 : i32 to vector<16xi32>
        %add3A_1731 = arith.addi %and3A_174, %add3A_1730 : vector<16xi32>
        %gather3A_1732 = tpu.vector_load_idx %arg10[%add3A_495, %add3A_1731] : memref<128x128xf32, #tpu.memory_space<vmem>>[vector<16xi32>, vector<16xi32>], vector<16xf32>,
        %gather3A_1733 = tpu.vector_load_idx %arg11[%add3A_495, %add3A_1731] : memref<128x128xf32, #tpu.memory_space<vmem>>[vector<16xi32>, vector<16xi32>], vector<16xf32>,
        %sub3A_1734 = arith.subf %gather3A_1733, %gather3A_1732 : vector<16xf32>
        %mul3A_1735 = arith.mulf %sub3A_1734, %sub3A_1734 : vector<16xf32>
        %add3A_1736 = arith.addf %add3A_1728, %mul3A_1735 : vector<16xf32>
        %add3A_1737 = arith.constant 112 : i32
        %add3A_1738 = vector.broadcast %add3A_1737 : i32 to vector<16xi32>
        %add3A_1739 = arith.addi %and3A_180, %add3A_1738 : vector<16xi32>
        %gather3A_1740 = tpu.vector_load_idx %arg10[%add3A_495, %add3A_1739] : memref<128x128xf32, #tpu.memory_space<vmem>>[vector<16xi32>, vector<16xi32>], vector<16xf32>,
        %gather3A_1741 = tpu.vector_load_idx %arg11[%add3A_495, %add3A_1739] : memref<128x128xf32, #tpu.memory_space<vmem>>[vector<16xi32>, vector<16xi32>], vector<16xf32>,
        %sub3A_1742 = arith.subf %gather3A_1741, %gather3A_1740 : vector<16xf32>
        %mul3A_1743 = arith.mulf %sub3A_1742, %sub3A_1742 : vector<16xf32>
        %add3A_1744 = arith.addf %add3A_1736, %mul3A_1743 : vector<16xf32>
        %add3A_1745 = arith.constant 112 : i32
        %add3A_1746 = vector.broadcast %add3A_1745 : i32 to vector<16xi32>
        %add3A_1747 = arith.addi %and3A_186, %add3A_1746 : vector<16xi32>
        %gather3A_1748 = tpu.vector_load_idx %arg10[%add3A_495, %add3A_1747] : memref<128x128xf32, #tpu.memory_space<vmem>>[vector<16xi32>, vector<16xi32>], vector<16xf32>,
        %gather3A_1749 = tpu.vector_load_idx %arg11[%add3A_495, %add3A_1747] : memref<128x128xf32, #tpu.memory_space<vmem>>[vector<16xi32>, vector<16xi32>], vector<16xf32>,
        %sub3A_1750 = arith.subf %gather3A_1749, %gather3A_1748 : vector<16xf32>
        %mul3A_1751 = arith.mulf %sub3A_1750, %sub3A_1750 : vector<16xf32>
        %add3A_1752 = arith.addf %add3A_1744, %mul3A_1751 : vector<16xf32>
        %add3A_1753 = arith.constant 112 : i32
        %add3A_1754 = vector.broadcast %add3A_1753 : i32 to vector<16xi32>
        %add3A_1755 = arith.addi %and3A_192, %add3A_1754 : vector<16xi32>
        %gather3A_1756 = tpu.vector_load_idx %arg10[%add3A_495, %add3A_1755] : memref<128x128xf32, #tpu.memory_space<vmem>>[vector<16xi32>, vector<16xi32>], vector<16xf32>,
        %gather3A_1757 = tpu.vector_load_idx %arg11[%add3A_495, %add3A_1755] : memref<128x128xf32, #tpu.memory_space<vmem>>[vector<16xi32>, vector<16xi32>], vector<16xf32>,
        %sub3A_1758 = arith.subf %gather3A_1757, %gather3A_1756 : vector<16xf32>
        %mul3A_1759 = arith.mulf %sub3A_1758, %sub3A_1758 : vector<16xf32>
        %add3A_1760 = arith.addf %add3A_1752, %mul3A_1759 : vector<16xf32>
        %bitcast_convert_type3A_1761 = tpu.bitcast %add3A_1760 : vector<16xf32> -> vector<16xi32>
        %shift_right_arithmetic3A_1762 = arith.constant 1 : i32
        %shift_right_arithmetic3A_1763 = vector.broadcast %shift_right_arithmetic3A_1762 : i32 to vector<16xi32>
        %shift_right_arithmetic3A_1764 = arith.shrsi %bitcast_convert_type3A_1761, %shift_right_arithmetic3A_1763 : vector<16xi32>
        %sub3A_1765 = arith.constant 1597463007 : i32
        %sub3A_1766 = vector.broadcast %sub3A_1765 : i32 to vector<16xi32>
        %sub3A_1767 = arith.subi %sub3A_1766, %shift_right_arithmetic3A_1764 : vector<16xi32>
        %bitcast_convert_type3A_1768 = tpu.bitcast %sub3A_1767 : vector<16xi32> -> vector<16xf32>
        %mul3A_1769 = arith.constant 5.000000e-01 : f32
        %mul3A_1770 = vector.broadcast %mul3A_1769 : f32 to vector<16xf32>
        %mul3A_1771 = arith.mulf %mul3A_1770, %add3A_1760 : vector<16xf32>
        %mul3A_1772 = arith.mulf %mul3A_1771, %bitcast_convert_type3A_1768 : vector<16xf32>
        %mul3A_1773 = arith.mulf %mul3A_1772, %bitcast_convert_type3A_1768 : vector<16xf32>
        %sub3A_1774 = arith.constant 1.500000e+00 : f32
        %sub3A_1775 = vector.broadcast %sub3A_1774 : f32 to vector<16xf32>
        %sub3A_1776 = arith.subf %sub3A_1775, %mul3A_1773 : vector<16xf32>
        %mul3A_1777 = arith.mulf %bitcast_convert_type3A_1768, %sub3A_1776 : vector<16xf32>
        %mul3A_1778 = arith.constant 5.000000e-01 : f32
        %mul3A_1779 = vector.broadcast %mul3A_1778 : f32 to vector<16xf32>
        %mul3A_1780 = arith.mulf %mul3A_1779, %add3A_1760 : vector<16xf32>
        %mul3A_1781 = arith.mulf %mul3A_1780, %mul3A_1777 : vector<16xf32>
        %mul3A_1782 = arith.mulf %mul3A_1781, %mul3A_1777 : vector<16xf32>
        %sub3A_1783 = arith.constant 1.500000e+00 : f32
        %sub3A_1784 = vector.broadcast %sub3A_1783 : f32 to vector<16xf32>
        %sub3A_1785 = arith.subf %sub3A_1784, %mul3A_1782 : vector<16xf32>
        %mul3A_1786 = arith.mulf %mul3A_1777, %sub3A_1785 : vector<16xf32>
        %mul3A_1787 = arith.constant 5.000000e-01 : f32
        %mul3A_1788 = vector.broadcast %mul3A_1787 : f32 to vector<16xf32>
        %mul3A_1789 = arith.mulf %mul3A_1788, %add3A_1760 : vector<16xf32>
        %mul3A_1790 = arith.mulf %mul3A_1789, %mul3A_1786 : vector<16xf32>
        %mul3A_1791 = arith.mulf %mul3A_1790, %mul3A_1786 : vector<16xf32>
        %sub3A_1792 = arith.constant 1.500000e+00 : f32
        %sub3A_1793 = vector.broadcast %sub3A_1792 : f32 to vector<16xf32>
        %sub3A_1794 = arith.subf %sub3A_1793, %mul3A_1791 : vector<16xf32>
        %mul3A_1795 = arith.mulf %mul3A_1786, %sub3A_1794 : vector<16xf32>
        %mul3A_1796 = arith.mulf %add3A_1760, %mul3A_1795 : vector<16xf32>
        %mul3A_1797 = vector.broadcast %squeeze3A : f32 to vector<16xf32>
        %mul3A_1798 = arith.mulf %mul3A_655, %mul3A_1797 : vector<16xf32>
        %mul3A_1799 = vector.broadcast %squeeze3A_25 : f32 to vector<16xf32>
        %mul3A_1800 = arith.mulf %mul3A_818, %mul3A_1799 : vector<16xf32>
        %add3A_1801 = arith.addf %mul3A_1798, %mul3A_1800 : vector<16xf32>
        %mul3A_1802 = vector.broadcast %squeeze3A_27 : f32 to vector<16xf32>
        %mul3A_1803 = arith.mulf %mul3A_981, %mul3A_1802 : vector<16xf32>
        %add3A_1804 = arith.addf %add3A_1801, %mul3A_1803 : vector<16xf32>
        %mul3A_1805 = vector.broadcast %squeeze3A_29 : f32 to vector<16xf32>
        %mul3A_1806 = arith.mulf %mul3A_1144, %mul3A_1805 : vector<16xf32>
        %add3A_1807 = arith.addf %add3A_1804, %mul3A_1806 : vector<16xf32>
        %mul3A_1808 = vector.broadcast %squeeze3A_31 : f32 to vector<16xf32>
        %mul3A_1809 = arith.mulf %mul3A_1307, %mul3A_1808 : vector<16xf32>
        %add3A_1810 = arith.addf %add3A_1807, %mul3A_1809 : vector<16xf32>
        %mul3A_1811 = vector.broadcast %squeeze3A_33 : f32 to vector<16xf32>
        %mul3A_1812 = arith.mulf %mul3A_1470, %mul3A_1811 : vector<16xf32>
        %add3A_1813 = arith.addf %add3A_1810, %mul3A_1812 : vector<16xf32>
        %mul3A_1814 = vector.broadcast %squeeze3A_35 : f32 to vector<16xf32>
        %mul3A_1815 = arith.mulf %mul3A_1633, %mul3A_1814 : vector<16xf32>
        %add3A_1816 = arith.addf %add3A_1813, %mul3A_1815 : vector<16xf32>
        %mul3A_1817 = vector.broadcast %squeeze3A_37 : f32 to vector<16xf32>
        %mul3A_1818 = arith.mulf %mul3A_1796, %mul3A_1817 : vector<16xf32>
        %add3A_1819 = arith.addf %add3A_1816, %mul3A_1818 : vector<16xf32>
        %sub3A_1820 = arith.subf %mul3A_655, %add3A_1819 : vector<16xf32>
        %mul3A_1821 = arith.mulf %sub3A_1820, %sub3A_1820 : vector<16xf32>
        %sub3A_1822 = arith.subf %mul3A_818, %add3A_1819 : vector<16xf32>
        %mul3A_1823 = arith.mulf %sub3A_1822, %sub3A_1822 : vector<16xf32>
        %add3A_1824 = arith.addf %mul3A_1821, %mul3A_1823 : vector<16xf32>
        %sub3A_1825 = arith.subf %mul3A_981, %add3A_1819 : vector<16xf32>
        %mul3A_1826 = arith.mulf %sub3A_1825, %sub3A_1825 : vector<16xf32>
        %add3A_1827 = arith.addf %add3A_1824, %mul3A_1826 : vector<16xf32>
        %sub3A_1828 = arith.subf %mul3A_1144, %add3A_1819 : vector<16xf32>
        %mul3A_1829 = arith.mulf %sub3A_1828, %sub3A_1828 : vector<16xf32>
        %add3A_1830 = arith.addf %add3A_1827, %mul3A_1829 : vector<16xf32>
        %sub3A_1831 = arith.subf %mul3A_1307, %add3A_1819 : vector<16xf32>
        %mul3A_1832 = arith.mulf %sub3A_1831, %sub3A_1831 : vector<16xf32>
        %add3A_1833 = arith.addf %add3A_1830, %mul3A_1832 : vector<16xf32>
        %sub3A_1834 = arith.subf %mul3A_1470, %add3A_1819 : vector<16xf32>
        %mul3A_1835 = arith.mulf %sub3A_1834, %sub3A_1834 : vector<16xf32>
        %add3A_1836 = arith.addf %add3A_1833, %mul3A_1835 : vector<16xf32>
        %sub3A_1837 = arith.subf %mul3A_1633, %add3A_1819 : vector<16xf32>
        %mul3A_1838 = arith.mulf %sub3A_1837, %sub3A_1837 : vector<16xf32>
        %add3A_1839 = arith.addf %add3A_1836, %mul3A_1838 : vector<16xf32>
        %sub3A_1840 = arith.subf %mul3A_1796, %add3A_1819 : vector<16xf32>
        %mul3A_1841 = arith.mulf %sub3A_1840, %sub3A_1840 : vector<16xf32>
        %add3A_1842 = arith.addf %add3A_1839, %mul3A_1841 : vector<16xf32>
        %mul3A_1843 = arith.constant 1.250000e-01 : f32
        %mul3A_1844 = vector.broadcast %mul3A_1843 : f32 to vector<16xf32>
        %mul3A_1845 = arith.mulf %add3A_1842, %mul3A_1844 : vector<16xf32>
        %bitcast_convert_type3A_1846 = tpu.bitcast %mul3A_1845 : vector<16xf32> -> vector<16xi32>
        %shift_right_arithmetic3A_1847 = arith.constant 1 : i32
        %shift_right_arithmetic3A_1848 = vector.broadcast %shift_right_arithmetic3A_1847 : i32 to vector<16xi32>
        %shift_right_arithmetic3A_1849 = arith.shrsi %bitcast_convert_type3A_1846, %shift_right_arithmetic3A_1848 : vector<16xi32>
        %sub3A_1850 = arith.constant 1597463007 : i32
        %sub3A_1851 = vector.broadcast %sub3A_1850 : i32 to vector<16xi32>
        %sub3A_1852 = arith.subi %sub3A_1851, %shift_right_arithmetic3A_1849 : vector<16xi32>
        %bitcast_convert_type3A_1853 = tpu.bitcast %sub3A_1852 : vector<16xi32> -> vector<16xf32>
        %mul3A_1854 = arith.constant 5.000000e-01 : f32
        %mul3A_1855 = vector.broadcast %mul3A_1854 : f32 to vector<16xf32>
        %mul3A_1856 = arith.mulf %mul3A_1855, %mul3A_1845 : vector<16xf32>
        %mul3A_1857 = arith.mulf %mul3A_1856, %bitcast_convert_type3A_1853 : vector<16xf32>
        %mul3A_1858 = arith.mulf %mul3A_1857, %bitcast_convert_type3A_1853 : vector<16xf32>
        %sub3A_1859 = arith.constant 1.500000e+00 : f32
        %sub3A_1860 = vector.broadcast %sub3A_1859 : f32 to vector<16xf32>
        %sub3A_1861 = arith.subf %sub3A_1860, %mul3A_1858 : vector<16xf32>
        %mul3A_1862 = arith.mulf %bitcast_convert_type3A_1853, %sub3A_1861 : vector<16xf32>
        %mul3A_1863 = arith.constant 5.000000e-01 : f32
        %mul3A_1864 = vector.broadcast %mul3A_1863 : f32 to vector<16xf32>
        %mul3A_1865 = arith.mulf %mul3A_1864, %mul3A_1845 : vector<16xf32>
        %mul3A_1866 = arith.mulf %mul3A_1865, %mul3A_1862 : vector<16xf32>
        %mul3A_1867 = arith.mulf %mul3A_1866, %mul3A_1862 : vector<16xf32>
        %sub3A_1868 = arith.constant 1.500000e+00 : f32
        %sub3A_1869 = vector.broadcast %sub3A_1868 : f32 to vector<16xf32>
        %sub3A_1870 = arith.subf %sub3A_1869, %mul3A_1867 : vector<16xf32>
        %mul3A_1871 = arith.mulf %mul3A_1862, %sub3A_1870 : vector<16xf32>
        %mul3A_1872 = arith.constant 5.000000e-01 : f32
        %mul3A_1873 = vector.broadcast %mul3A_1872 : f32 to vector<16xf32>
        %mul3A_1874 = arith.mulf %mul3A_1873, %mul3A_1845 : vector<16xf32>
        %mul3A_1875 = arith.mulf %mul3A_1874, %mul3A_1871 : vector<16xf32>
        %mul3A_1876 = arith.mulf %mul3A_1875, %mul3A_1871 : vector<16xf32>
        %sub3A_1877 = arith.constant 1.500000e+00 : f32
        %sub3A_1878 = vector.broadcast %sub3A_1877 : f32 to vector<16xf32>
        %sub3A_1879 = arith.subf %sub3A_1878, %mul3A_1876 : vector<16xf32>
        %mul3A_1880 = arith.mulf %mul3A_1871, %sub3A_1879 : vector<16xf32>
        %mul3A_1881 = arith.mulf %mul3A_1845, %mul3A_1880 : vector<16xf32>
        %mul3A_1882 = arith.constant 16 : i32
        %mul3A_1883 = arith.muli %scan3A_490, %mul3A_1882 : i32
        %swap3A = arith.index_cast %mul3A_1883 : i32 to index
        %swap3A_1884 = tpu.vector_load %arg15[%swap3A] {strides = array<i32>} : memref<128xf32, #tpu.memory_space<vmem>>, vector<16xf32>,
        tpu.vector_store %arg15[%swap3A], %mul3A_1881 {strides = array<i32>} : memref<128xf32, #tpu.memory_space<vmem>>, vector<16xf32>,
        %sub3A_1885 = vector.broadcast %squeeze3A_39 : f32 to vector<16xf32>
        %sub3A_1886 = arith.subf %sub3A_1885, %add3A_1819 : vector<16xf32>
        %sub3A_1887 = vector.broadcast %squeeze3A_59 : f32 to vector<16xf32>
        %sub3A_1888 = arith.subf %add3A_1819, %sub3A_1887 : vector<16xf32>
        %mul3A_1889 = arith.mulf %sub3A_1886, %sub3A_1888 : vector<16xf32>
        %mul3A_1890 = vector.broadcast %squeeze3A_79 : f32 to vector<16xf32>
        %mul3A_1891 = arith.mulf %mul3A_1889, %mul3A_1890 : vector<16xf32>
        tpu.vector_store_idx %arg14[%add3A_495, %broadcast_in_dim3A_194], %mul3A_1891 : memref<128x10xf32, #tpu.memory_space<vmem>>[vector<16xi32>, vector<16xi32>], vector<16xf32>,
        %sub3A_1892 = vector.broadcast %squeeze3A_41 : f32 to vector<16xf32>
        %sub3A_1893 = arith.subf %sub3A_1892, %add3A_1819 : vector<16xf32>
        %sub3A_1894 = vector.broadcast %squeeze3A_61 : f32 to vector<16xf32>
        %sub3A_1895 = arith.subf %add3A_1819, %sub3A_1894 : vector<16xf32>
        %mul3A_1896 = arith.mulf %sub3A_1893, %sub3A_1895 : vector<16xf32>
        %mul3A_1897 = vector.broadcast %squeeze3A_81 : f32 to vector<16xf32>
        %mul3A_1898 = arith.mulf %mul3A_1896, %mul3A_1897 : vector<16xf32>
        tpu.vector_store_idx %arg14[%add3A_495, %broadcast_in_dim3A_196], %mul3A_1898 : memref<128x10xf32, #tpu.memory_space<vmem>>[vector<16xi32>, vector<16xi32>], vector<16xf32>,
        %sub3A_1899 = vector.broadcast %squeeze3A_43 : f32 to vector<16xf32>
        %sub3A_1900 = arith.subf %sub3A_1899, %add3A_1819 : vector<16xf32>
        %sub3A_1901 = vector.broadcast %squeeze3A_63 : f32 to vector<16xf32>
        %sub3A_1902 = arith.subf %add3A_1819, %sub3A_1901 : vector<16xf32>
        %mul3A_1903 = arith.mulf %sub3A_1900, %sub3A_1902 : vector<16xf32>
        %mul3A_1904 = vector.broadcast %squeeze3A_83 : f32 to vector<16xf32>
        %mul3A_1905 = arith.mulf %mul3A_1903, %mul3A_1904 : vector<16xf32>
        tpu.vector_store_idx %arg14[%add3A_495, %broadcast_in_dim3A_198], %mul3A_1905 : memref<128x10xf32, #tpu.memory_space<vmem>>[vector<16xi32>, vector<16xi32>], vector<16xf32>,
        %sub3A_1906 = vector.broadcast %squeeze3A_45 : f32 to vector<16xf32>
        %sub3A_1907 = arith.subf %sub3A_1906, %add3A_1819 : vector<16xf32>
        %sub3A_1908 = vector.broadcast %squeeze3A_65 : f32 to vector<16xf32>
        %sub3A_1909 = arith.subf %add3A_1819, %sub3A_1908 : vector<16xf32>
        %mul3A_1910 = arith.mulf %sub3A_1907, %sub3A_1909 : vector<16xf32>
        %mul3A_1911 = vector.broadcast %squeeze3A_85 : f32 to vector<16xf32>
        %mul3A_1912 = arith.mulf %mul3A_1910, %mul3A_1911 : vector<16xf32>
        tpu.vector_store_idx %arg14[%add3A_495, %broadcast_in_dim3A_200], %mul3A_1912 : memref<128x10xf32, #tpu.memory_space<vmem>>[vector<16xi32>, vector<16xi32>], vector<16xf32>,
        %sub3A_1913 = vector.broadcast %squeeze3A_47 : f32 to vector<16xf32>
        %sub3A_1914 = arith.subf %sub3A_1913, %add3A_1819 : vector<16xf32>
        %sub3A_1915 = vector.broadcast %squeeze3A_67 : f32 to vector<16xf32>
        %sub3A_1916 = arith.subf %add3A_1819, %sub3A_1915 : vector<16xf32>
        %mul3A_1917 = arith.mulf %sub3A_1914, %sub3A_1916 : vector<16xf32>
        %mul3A_1918 = vector.broadcast %squeeze3A_87 : f32 to vector<16xf32>
        %mul3A_1919 = arith.mulf %mul3A_1917, %mul3A_1918 : vector<16xf32>
        tpu.vector_store_idx %arg14[%add3A_495, %broadcast_in_dim3A_202], %mul3A_1919 : memref<128x10xf32, #tpu.memory_space<vmem>>[vector<16xi32>, vector<16xi32>], vector<16xf32>,
        %sub3A_1920 = vector.broadcast %squeeze3A_49 : f32 to vector<16xf32>
        %sub3A_1921 = arith.subf %sub3A_1920, %add3A_1819 : vector<16xf32>
        %sub3A_1922 = vector.broadcast %squeeze3A_69 : f32 to vector<16xf32>
        %sub3A_1923 = arith.subf %add3A_1819, %sub3A_1922 : vector<16xf32>
        %mul3A_1924 = arith.mulf %sub3A_1921, %sub3A_1923 : vector<16xf32>
        %mul3A_1925 = vector.broadcast %squeeze3A_89 : f32 to vector<16xf32>
        %mul3A_1926 = arith.mulf %mul3A_1924, %mul3A_1925 : vector<16xf32>
        tpu.vector_store_idx %arg14[%add3A_495, %broadcast_in_dim3A_204], %mul3A_1926 : memref<128x10xf32, #tpu.memory_space<vmem>>[vector<16xi32>, vector<16xi32>], vector<16xf32>,
        %sub3A_1927 = vector.broadcast %squeeze3A_51 : f32 to vector<16xf32>
        %sub3A_1928 = arith.subf %sub3A_1927, %add3A_1819 : vector<16xf32>
        %sub3A_1929 = vector.broadcast %squeeze3A_71 : f32 to vector<16xf32>
        %sub3A_1930 = arith.subf %add3A_1819, %sub3A_1929 : vector<16xf32>
        %mul3A_1931 = arith.mulf %sub3A_1928, %sub3A_1930 : vector<16xf32>
        %mul3A_1932 = vector.broadcast %squeeze3A_91 : f32 to vector<16xf32>
        %mul3A_1933 = arith.mulf %mul3A_1931, %mul3A_1932 : vector<16xf32>
        tpu.vector_store_idx %arg14[%add3A_495, %broadcast_in_dim3A_206], %mul3A_1933 : memref<128x10xf32, #tpu.memory_space<vmem>>[vector<16xi32>, vector<16xi32>], vector<16xf32>,
        %sub3A_1934 = vector.broadcast %squeeze3A_53 : f32 to vector<16xf32>
        %sub3A_1935 = arith.subf %sub3A_1934, %add3A_1819 : vector<16xf32>
        %sub3A_1936 = vector.broadcast %squeeze3A_73 : f32 to vector<16xf32>
        %sub3A_1937 = arith.subf %add3A_1819, %sub3A_1936 : vector<16xf32>
        %mul3A_1938 = arith.mulf %sub3A_1935, %sub3A_1937 : vector<16xf32>
        %mul3A_1939 = vector.broadcast %squeeze3A_93 : f32 to vector<16xf32>
        %mul3A_1940 = arith.mulf %mul3A_1938, %mul3A_1939 : vector<16xf32>
        tpu.vector_store_idx %arg14[%add3A_495, %broadcast_in_dim3A_208], %mul3A_1940 : memref<128x10xf32, #tpu.memory_space<vmem>>[vector<16xi32>, vector<16xi32>], vector<16xf32>,
        %sub3A_1941 = vector.broadcast %squeeze3A_55 : f32 to vector<16xf32>
        %sub3A_1942 = arith.subf %sub3A_1941, %add3A_1819 : vector<16xf32>
        %sub3A_1943 = vector.broadcast %squeeze3A_75 : f32 to vector<16xf32>
        %sub3A_1944 = arith.subf %add3A_1819, %sub3A_1943 : vector<16xf32>
        %mul3A_1945 = arith.mulf %sub3A_1942, %sub3A_1944 : vector<16xf32>
        %mul3A_1946 = vector.broadcast %squeeze3A_95 : f32 to vector<16xf32>
        %mul3A_1947 = arith.mulf %mul3A_1945, %mul3A_1946 : vector<16xf32>
        tpu.vector_store_idx %arg14[%add3A_495, %broadcast_in_dim3A_210], %mul3A_1947 : memref<128x10xf32, #tpu.memory_space<vmem>>[vector<16xi32>, vector<16xi32>], vector<16xf32>,
        %sub3A_1948 = vector.broadcast %squeeze3A_57 : f32 to vector<16xf32>
        %sub3A_1949 = arith.subf %sub3A_1948, %add3A_1819 : vector<16xf32>
        %sub3A_1950 = vector.broadcast %squeeze3A_77 : f32 to vector<16xf32>
        %sub3A_1951 = arith.subf %add3A_1819, %sub3A_1950 : vector<16xf32>
        %mul3A_1952 = arith.mulf %sub3A_1949, %sub3A_1951 : vector<16xf32>
        %mul3A_1953 = vector.broadcast %squeeze3A_97 : f32 to vector<16xf32>
        %mul3A_1954 = arith.mulf %mul3A_1952, %mul3A_1953 : vector<16xf32>
        tpu.vector_store_idx %arg14[%add3A_495, %broadcast_in_dim3A_212], %mul3A_1954 : memref<128x10xf32, #tpu.memory_space<vmem>>[vector<16xi32>, vector<16xi32>], vector<16xf32>,
        %scan3A_1955 = arith.constant 0 : i32
        scf.yield %scan3A_1955 : i32
      }
      %scan3A_395 = arith.constant 8 : i32
      %dma_start3A_396 = arith.constant 0 : i32
      %dma_start3A_397 = tpu.memref_slice %arg6[%mul3A_388, %dma_start3A_396] : memref<320000x10xf32, #tpu.memory_space<hbm>> -> memref<128x10xf32, #tpu.memory_space<hbm>>
      %dma_start3A_398 = arith.constant 0 : i32
      %dma_start3A_399 = tpu.memref_slice %arg6[%mul3A_388, %dma_start3A_398] : memref<320000x10xf32, #tpu.memory_space<hbm>> -> memref<128x10xf32, #tpu.memory_space<hbm>>
      tpu.enqueue_dma source(%arg14 : memref<128x10xf32, #tpu.memory_space<vmem>>) target(%dma_start3A_399 : memref<128x10xf32, #tpu.memory_space<hbm>>) target_semaphore(%arg24 : memref<!tpu.dma_semaphore, #tpu.memory_space<semaphore_mem>>)
      %dma_start3A_400 = tpu.memref_slice %arg7[%mul3A_388] : memref<320000xf32, #tpu.memory_space<hbm>> -> memref<128xf32, #tpu.memory_space<hbm>>
      %dma_start3A_401 = tpu.memref_slice %arg7[%mul3A_388] : memref<320000xf32, #tpu.memory_space<hbm>> -> memref<128xf32, #tpu.memory_space<hbm>>
      tpu.enqueue_dma source(%arg15 : memref<128xf32, #tpu.memory_space<vmem>>) target(%dma_start3A_401 : memref<128xf32, #tpu.memory_space<hbm>>) target_semaphore(%arg24 : memref<!tpu.dma_semaphore, #tpu.memory_space<semaphore_mem>>)
      %mul3A_402 = arith.constant 2 : i32
      %mul3A_403 = arith.muli %mul3A_402, %scan3A_316 : i32
      %add3A_404 = arith.constant 1 : i32
      %add3A_405 = arith.addi %mul3A_403, %add3A_404 : i32
      %dma_wait3A_406 = arith.constant 0 : i32
      %dma_wait3A_407 = arith.constant 0 : i32
      %dma_wait3A_408 = tpu.memref_slice %arg9[%dma_wait3A_406, %dma_wait3A_407] : memref<2x128xi32, #tpu.memory_space<vmem>> -> memref<1x128xi32, #tpu.memory_space<vmem>>
      %dma_wait3A_409 = tpu.memref_squeeze %dma_wait3A_408 : memref<1x128xi32, #tpu.memory_space<vmem>> -> memref<128xi32, #tpu.memory_space<vmem>>
      %dma_wait3A_410 = arith.constant 0 : i32
      %dma_wait3A_411 = arith.constant 0 : i32
      %dma_wait3A_412 = tpu.memref_slice %arg2[%dma_wait3A_410, %dma_wait3A_411] : memref<10000x128xf32, #tpu.memory_space<hbm>> -> memref<10000x128xf32, #tpu.memory_space<hbm>>
      tpu.wait_indirect_dma semaphore(%arg23 : memref<!tpu.dma_semaphore, #tpu.memory_space<semaphore_mem>>) src(%dma_wait3A_412 : memref<10000x128xf32, #tpu.memory_space<hbm>>) dst(%arg12 : memref<128x128xf32, #tpu.memory_space<vmem>>)
      %dma_wait3A_413 = arith.constant 1 : i32
      %dma_wait3A_414 = arith.constant 0 : i32
      %dma_wait3A_415 = tpu.memref_slice %arg9[%dma_wait3A_413, %dma_wait3A_414] : memref<2x128xi32, #tpu.memory_space<vmem>> -> memref<1x128xi32, #tpu.memory_space<vmem>>
      %dma_wait3A_416 = tpu.memref_squeeze %dma_wait3A_415 : memref<1x128xi32, #tpu.memory_space<vmem>> -> memref<128xi32, #tpu.memory_space<vmem>>
      %dma_wait3A_417 = arith.constant 0 : i32
      %dma_wait3A_418 = arith.constant 0 : i32
      %dma_wait3A_419 = tpu.memref_slice %arg2[%dma_wait3A_417, %dma_wait3A_418] : memref<10000x128xf32, #tpu.memory_space<hbm>> -> memref<10000x128xf32, #tpu.memory_space<hbm>>
      tpu.wait_indirect_dma semaphore(%arg23 : memref<!tpu.dma_semaphore, #tpu.memory_space<semaphore_mem>>) src(%dma_wait3A_419 : memref<10000x128xf32, #tpu.memory_space<hbm>>) dst(%arg13 : memref<128x128xf32, #tpu.memory_space<vmem>>)
      %add3A_420 = arith.constant 1 : i32
      %add3A_421 = arith.addi %add3A_405, %add3A_420 : i32
      %mul3A_422 = arith.constant 32 : i32
      %mul3A_423 = arith.muli %add3A_421, %mul3A_422 : i32
      %add3A_424 = arith.addi %add3A, %mul3A_423 : i32
      %min3A_425 = arith.constant 2499 : i32
      %min3A_426 = arith.minsi %add3A_424, %min3A_425 : i32
      %dma_wait3A_427 = arith.constant 0 : i32
      %dma_wait3A_428 = arith.constant 0 : i32
      %dma_wait3A_429 = tpu.memref_slice %arg3[%min3A_426, %dma_wait3A_427, %dma_wait3A_428] : memref<2500x2x128xi32, #tpu.memory_space<hbm>> -> memref<1x2x128xi32, #tpu.memory_space<hbm>>
      %dma_wait3A_430 = tpu.memref_squeeze %dma_wait3A_429 : memref<1x2x128xi32, #tpu.memory_space<hbm>> -> memref<2x128xi32, #tpu.memory_space<hbm>>
      %dma_wait3A_431 = arith.constant 0 : i32
      %dma_wait3A_432 = arith.constant 0 : i32
      %dma_wait3A_433 = tpu.memref_slice %arg3[%min3A_426, %dma_wait3A_431, %dma_wait3A_432] : memref<2500x2x128xi32, #tpu.memory_space<hbm>> -> memref<1x2x128xi32, #tpu.memory_space<hbm>>
      %dma_wait3A_434 = tpu.memref_squeeze %dma_wait3A_433 : memref<1x2x128xi32, #tpu.memory_space<hbm>> -> memref<2x128xi32, #tpu.memory_space<hbm>>
      tpu.wait_dma2 semaphore(%arg20 : memref<!tpu.dma_semaphore, #tpu.memory_space<semaphore_mem>>) src(%dma_wait3A_434 : memref<2x128xi32, #tpu.memory_space<hbm>>) dst(%arg8 : memref<2x128xi32, #tpu.memory_space<vmem>>)
      %dma_start3A_435 = arith.constant 0 : i32
      %dma_start3A_436 = arith.constant 0 : i32
      %dma_start3A_437 = tpu.memref_slice %arg8[%dma_start3A_435, %dma_start3A_436] : memref<2x128xi32, #tpu.memory_space<vmem>> -> memref<1x128xi32, #tpu.memory_space<vmem>>
      %dma_start3A_438 = tpu.memref_squeeze %dma_start3A_437 : memref<1x128xi32, #tpu.memory_space<vmem>> -> memref<128xi32, #tpu.memory_space<vmem>>
      %dma_start3A_439 = arith.constant 0 : i32
      %dma_start3A_440 = arith.constant 0 : i32
      %dma_start3A_441 = tpu.memref_slice %arg2[%dma_start3A_439, %dma_start3A_440] : memref<10000x128xf32, #tpu.memory_space<hbm>> -> memref<10000x128xf32, #tpu.memory_space<hbm>>
      tpu.enqueue_indirect_dma source(%dma_start3A_441 : memref<10000x128xf32, #tpu.memory_space<hbm>>) target(%arg10 : memref<128x128xf32, #tpu.memory_space<vmem>>) offsets(%dma_start3A_438 : memref<128xi32, #tpu.memory_space<vmem>>) semaphore(%arg22 : memref<!tpu.dma_semaphore, #tpu.memory_space<semaphore_mem>>)
      %dma_start3A_442 = arith.constant 1 : i32
      %dma_start3A_443 = arith.constant 0 : i32
      %dma_start3A_444 = tpu.memref_slice %arg8[%dma_start3A_442, %dma_start3A_443] : memref<2x128xi32, #tpu.memory_space<vmem>> -> memref<1x128xi32, #tpu.memory_space<vmem>>
      %dma_start3A_445 = tpu.memref_squeeze %dma_start3A_444 : memref<1x128xi32, #tpu.memory_space<vmem>> -> memref<128xi32, #tpu.memory_space<vmem>>
      %dma_start3A_446 = arith.constant 0 : i32
      %dma_start3A_447 = arith.constant 0 : i32
      %dma_start3A_448 = tpu.memref_slice %arg2[%dma_start3A_446, %dma_start3A_447] : memref<10000x128xf32, #tpu.memory_space<hbm>> -> memref<10000x128xf32, #tpu.memory_space<hbm>>
      tpu.enqueue_indirect_dma source(%dma_start3A_448 : memref<10000x128xf32, #tpu.memory_space<hbm>>) target(%arg11 : memref<128x128xf32, #tpu.memory_space<vmem>>) offsets(%dma_start3A_445 : memref<128xi32, #tpu.memory_space<vmem>>) semaphore(%arg22 : memref<!tpu.dma_semaphore, #tpu.memory_space<semaphore_mem>>)
      %add3A_449 = arith.constant 2 : i32
      %add3A_450 = arith.addi %add3A_405, %add3A_449 : i32
      %mul3A_451 = arith.constant 32 : i32
      %mul3A_452 = arith.muli %add3A_450, %mul3A_451 : i32
      %add3A_453 = arith.addi %add3A, %mul3A_452 : i32
      %min3A_454 = arith.constant 2499 : i32
      %min3A_455 = arith.minsi %add3A_453, %min3A_454 : i32
      %dma_start3A_456 = arith.constant 0 : i32
      %dma_start3A_457 = arith.constant 0 : i32
      %dma_start3A_458 = tpu.memref_slice %arg3[%min3A_455, %dma_start3A_456, %dma_start3A_457] : memref<2500x2x128xi32, #tpu.memory_space<hbm>> -> memref<1x2x128xi32, #tpu.memory_space<hbm>>
      %dma_start3A_459 = tpu.memref_squeeze %dma_start3A_458 : memref<1x2x128xi32, #tpu.memory_space<hbm>> -> memref<2x128xi32, #tpu.memory_space<hbm>>
      %dma_start3A_460 = arith.constant 0 : i32
      %dma_start3A_461 = arith.constant 0 : i32
      %dma_start3A_462 = tpu.memref_slice %arg3[%min3A_455, %dma_start3A_460, %dma_start3A_461] : memref<2500x2x128xi32, #tpu.memory_space<hbm>> -> memref<1x2x128xi32, #tpu.memory_space<hbm>>
      %dma_start3A_463 = tpu.memref_squeeze %dma_start3A_462 : memref<1x2x128xi32, #tpu.memory_space<hbm>> -> memref<2x128xi32, #tpu.memory_space<hbm>>
      tpu.enqueue_dma source(%dma_start3A_463 : memref<2x128xi32, #tpu.memory_space<hbm>>) target(%arg9 : memref<2x128xi32, #tpu.memory_space<vmem>>) target_semaphore(%arg21 : memref<!tpu.dma_semaphore, #tpu.memory_space<semaphore_mem>>)
      %ge3A_464 = arith.constant 1 : i32
      %ge3A_465 = arith.cmpi sge, %scan3A_316, %ge3A_464 : i32
      %convert_element_type3A_466 = arith.extui %ge3A_465 : i1 to i32
      %cond3A_467 = arith.constant 0 : i32
      %cond3A_468 = arith.cmpi ne, %convert_element_type3A_466, %cond3A_467 : i32
      scf.if %cond3A_468 {
        %sub3A_490 = arith.constant 2 : i32
        %sub3A_491 = arith.subi %add3A_405, %sub3A_490 : i32
        %mul3A_492 = arith.constant 32 : i32
        %mul3A_493 = arith.muli %sub3A_491, %mul3A_492 : i32
        %add3A_494 = arith.addi %add3A, %mul3A_493 : i32
        %min3A_495 = arith.constant 2499 : i32
        %min3A_496 = arith.minsi %add3A_494, %min3A_495 : i32
        %mul3A_497 = arith.constant 128 : i32
        %mul3A_498 = arith.muli %min3A_496, %mul3A_497 : i32
        %dma_wait3A_499 = arith.constant 0 : i32
        %dma_wait3A_500 = tpu.memref_slice %arg6[%mul3A_498, %dma_wait3A_499] : memref<320000x10xf32, #tpu.memory_space<hbm>> -> memref<128x10xf32, #tpu.memory_space<hbm>>
        %dma_wait3A_501 = arith.constant 0 : i32
        %dma_wait3A_502 = tpu.memref_slice %arg6[%mul3A_498, %dma_wait3A_501] : memref<320000x10xf32, #tpu.memory_space<hbm>> -> memref<128x10xf32, #tpu.memory_space<hbm>>
        tpu.wait_dma2 semaphore(%arg25 : memref<!tpu.dma_semaphore, #tpu.memory_space<semaphore_mem>>) src(%arg16 : memref<128x10xf32, #tpu.memory_space<vmem>>) dst(%dma_wait3A_502 : memref<128x10xf32, #tpu.memory_space<hbm>>)
        %dma_wait3A_503 = tpu.memref_slice %arg7[%mul3A_498] : memref<320000xf32, #tpu.memory_space<hbm>> -> memref<128xf32, #tpu.memory_space<hbm>>
        %dma_wait3A_504 = tpu.memref_slice %arg7[%mul3A_498] : memref<320000xf32, #tpu.memory_space<hbm>> -> memref<128xf32, #tpu.memory_space<hbm>>
        tpu.wait_dma2 semaphore(%arg25 : memref<!tpu.dma_semaphore, #tpu.memory_space<semaphore_mem>>) src(%arg17 : memref<128xf32, #tpu.memory_space<vmem>>) dst(%dma_wait3A_504 : memref<128xf32, #tpu.memory_space<hbm>>)
      } else {
      }
      %mul3A_469 = arith.constant 32 : i32
      %mul3A_470 = arith.muli %add3A_405, %mul3A_469 : i32
      %add3A_471 = arith.addi %add3A, %mul3A_470 : i32
      %min3A_472 = arith.constant 2499 : i32
      %min3A_473 = arith.minsi %add3A_471, %min3A_472 : i32
      %mul3A_474 = arith.constant 128 : i32
      %mul3A_475 = arith.muli %min3A_473, %mul3A_474 : i32
      %scan3A_476 = arith.constant 0 : i32
      %scan3A_477 = arith.constant 0 : i32
      %scan3A_478 = arith.constant 8 : i32
      %scan3A_479 = arith.addi %scan3A_477, %scan3A_478 : i32
      %scan3A_480 = arith.constant 1 : i32
      %scan3A_481 = scf.for %scan3A_490 = %scan3A_477 to %scan3A_479 step %scan3A_480 iter_args(%scan3A_491 = %scan3A_476) -> (i32)  : i32 {
        %mul3A_492 = arith.constant 16 : i32
        %mul3A_493 = arith.muli %scan3A_490, %mul3A_492 : i32
        %add3A_494 = vector.broadcast %mul3A_493 : i32 to vector<16xi32>
        %add3A_495 = arith.addi %iota3A, %add3A_494 : vector<16xi32>
        %add3A_496 = arith.constant 0 : i32
        %add3A_497 = vector.broadcast %add3A_496 : i32 to vector<16xi32>
        %add3A_498 = arith.addi %and3A_102, %add3A_497 : vector<16xi32>
        %gather3A = tpu.vector_load_idx %arg12[%add3A_495, %add3A_498] : memref<128x128xf32, #tpu.memory_space<vmem>>[vector<16xi32>, vector<16xi32>], vector<16xf32>,
        %gather3A_499 = tpu.vector_load_idx %arg13[%add3A_495, %add3A_498] : memref<128x128xf32, #tpu.memory_space<vmem>>[vector<16xi32>, vector<16xi32>], vector<16xf32>,
        %sub3A_500 = arith.subf %gather3A_499, %gather3A : vector<16xf32>
        %mul3A_501 = arith.mulf %sub3A_500, %sub3A_500 : vector<16xf32>
        %add3A_502 = arith.constant 0 : i32
        %add3A_503 = vector.broadcast %add3A_502 : i32 to vector<16xi32>
        %add3A_504 = arith.addi %and3A_108, %add3A_503 : vector<16xi32>
        %gather3A_505 = tpu.vector_load_idx %arg12[%add3A_495, %add3A_504] : memref<128x128xf32, #tpu.memory_space<vmem>>[vector<16xi32>, vector<16xi32>], vector<16xf32>,
        %gather3A_506 = tpu.vector_load_idx %arg13[%add3A_495, %add3A_504] : memref<128x128xf32, #tpu.memory_space<vmem>>[vector<16xi32>, vector<16xi32>], vector<16xf32>,
        %sub3A_507 = arith.subf %gather3A_506, %gather3A_505 : vector<16xf32>
        %mul3A_508 = arith.mulf %sub3A_507, %sub3A_507 : vector<16xf32>
        %add3A_509 = arith.addf %mul3A_501, %mul3A_508 : vector<16xf32>
        %add3A_510 = arith.constant 0 : i32
        %add3A_511 = vector.broadcast %add3A_510 : i32 to vector<16xi32>
        %add3A_512 = arith.addi %and3A_114, %add3A_511 : vector<16xi32>
        %gather3A_513 = tpu.vector_load_idx %arg12[%add3A_495, %add3A_512] : memref<128x128xf32, #tpu.memory_space<vmem>>[vector<16xi32>, vector<16xi32>], vector<16xf32>,
        %gather3A_514 = tpu.vector_load_idx %arg13[%add3A_495, %add3A_512] : memref<128x128xf32, #tpu.memory_space<vmem>>[vector<16xi32>, vector<16xi32>], vector<16xf32>,
        %sub3A_515 = arith.subf %gather3A_514, %gather3A_513 : vector<16xf32>
        %mul3A_516 = arith.mulf %sub3A_515, %sub3A_515 : vector<16xf32>
        %add3A_517 = arith.addf %add3A_509, %mul3A_516 : vector<16xf32>
        %add3A_518 = arith.constant 0 : i32
        %add3A_519 = vector.broadcast %add3A_518 : i32 to vector<16xi32>
        %add3A_520 = arith.addi %and3A_120, %add3A_519 : vector<16xi32>
        %gather3A_521 = tpu.vector_load_idx %arg12[%add3A_495, %add3A_520] : memref<128x128xf32, #tpu.memory_space<vmem>>[vector<16xi32>, vector<16xi32>], vector<16xf32>,
        %gather3A_522 = tpu.vector_load_idx %arg13[%add3A_495, %add3A_520] : memref<128x128xf32, #tpu.memory_space<vmem>>[vector<16xi32>, vector<16xi32>], vector<16xf32>,
        %sub3A_523 = arith.subf %gather3A_522, %gather3A_521 : vector<16xf32>
        %mul3A_524 = arith.mulf %sub3A_523, %sub3A_523 : vector<16xf32>
        %add3A_525 = arith.addf %add3A_517, %mul3A_524 : vector<16xf32>
        %add3A_526 = arith.constant 0 : i32
        %add3A_527 = vector.broadcast %add3A_526 : i32 to vector<16xi32>
        %add3A_528 = arith.addi %and3A_126, %add3A_527 : vector<16xi32>
        %gather3A_529 = tpu.vector_load_idx %arg12[%add3A_495, %add3A_528] : memref<128x128xf32, #tpu.memory_space<vmem>>[vector<16xi32>, vector<16xi32>], vector<16xf32>,
        %gather3A_530 = tpu.vector_load_idx %arg13[%add3A_495, %add3A_528] : memref<128x128xf32, #tpu.memory_space<vmem>>[vector<16xi32>, vector<16xi32>], vector<16xf32>,
        %sub3A_531 = arith.subf %gather3A_530, %gather3A_529 : vector<16xf32>
        %mul3A_532 = arith.mulf %sub3A_531, %sub3A_531 : vector<16xf32>
        %add3A_533 = arith.addf %add3A_525, %mul3A_532 : vector<16xf32>
        %add3A_534 = arith.constant 0 : i32
        %add3A_535 = vector.broadcast %add3A_534 : i32 to vector<16xi32>
        %add3A_536 = arith.addi %and3A_132, %add3A_535 : vector<16xi32>
        %gather3A_537 = tpu.vector_load_idx %arg12[%add3A_495, %add3A_536] : memref<128x128xf32, #tpu.memory_space<vmem>>[vector<16xi32>, vector<16xi32>], vector<16xf32>,
        %gather3A_538 = tpu.vector_load_idx %arg13[%add3A_495, %add3A_536] : memref<128x128xf32, #tpu.memory_space<vmem>>[vector<16xi32>, vector<16xi32>], vector<16xf32>,
        %sub3A_539 = arith.subf %gather3A_538, %gather3A_537 : vector<16xf32>
        %mul3A_540 = arith.mulf %sub3A_539, %sub3A_539 : vector<16xf32>
        %add3A_541 = arith.addf %add3A_533, %mul3A_540 : vector<16xf32>
        %add3A_542 = arith.constant 0 : i32
        %add3A_543 = vector.broadcast %add3A_542 : i32 to vector<16xi32>
        %add3A_544 = arith.addi %and3A_138, %add3A_543 : vector<16xi32>
        %gather3A_545 = tpu.vector_load_idx %arg12[%add3A_495, %add3A_544] : memref<128x128xf32, #tpu.memory_space<vmem>>[vector<16xi32>, vector<16xi32>], vector<16xf32>,
        %gather3A_546 = tpu.vector_load_idx %arg13[%add3A_495, %add3A_544] : memref<128x128xf32, #tpu.memory_space<vmem>>[vector<16xi32>, vector<16xi32>], vector<16xf32>,
        %sub3A_547 = arith.subf %gather3A_546, %gather3A_545 : vector<16xf32>
        %mul3A_548 = arith.mulf %sub3A_547, %sub3A_547 : vector<16xf32>
        %add3A_549 = arith.addf %add3A_541, %mul3A_548 : vector<16xf32>
        %add3A_550 = arith.constant 0 : i32
        %add3A_551 = vector.broadcast %add3A_550 : i32 to vector<16xi32>
        %add3A_552 = arith.addi %and3A_144, %add3A_551 : vector<16xi32>
        %gather3A_553 = tpu.vector_load_idx %arg12[%add3A_495, %add3A_552] : memref<128x128xf32, #tpu.memory_space<vmem>>[vector<16xi32>, vector<16xi32>], vector<16xf32>,
        %gather3A_554 = tpu.vector_load_idx %arg13[%add3A_495, %add3A_552] : memref<128x128xf32, #tpu.memory_space<vmem>>[vector<16xi32>, vector<16xi32>], vector<16xf32>,
        %sub3A_555 = arith.subf %gather3A_554, %gather3A_553 : vector<16xf32>
        %mul3A_556 = arith.mulf %sub3A_555, %sub3A_555 : vector<16xf32>
        %add3A_557 = arith.addf %add3A_549, %mul3A_556 : vector<16xf32>
        %add3A_558 = arith.constant 0 : i32
        %add3A_559 = vector.broadcast %add3A_558 : i32 to vector<16xi32>
        %add3A_560 = arith.addi %and3A_150, %add3A_559 : vector<16xi32>
        %gather3A_561 = tpu.vector_load_idx %arg12[%add3A_495, %add3A_560] : memref<128x128xf32, #tpu.memory_space<vmem>>[vector<16xi32>, vector<16xi32>], vector<16xf32>,
        %gather3A_562 = tpu.vector_load_idx %arg13[%add3A_495, %add3A_560] : memref<128x128xf32, #tpu.memory_space<vmem>>[vector<16xi32>, vector<16xi32>], vector<16xf32>,
        %sub3A_563 = arith.subf %gather3A_562, %gather3A_561 : vector<16xf32>
        %mul3A_564 = arith.mulf %sub3A_563, %sub3A_563 : vector<16xf32>
        %add3A_565 = arith.addf %add3A_557, %mul3A_564 : vector<16xf32>
        %add3A_566 = arith.constant 0 : i32
        %add3A_567 = vector.broadcast %add3A_566 : i32 to vector<16xi32>
        %add3A_568 = arith.addi %and3A_156, %add3A_567 : vector<16xi32>
        %gather3A_569 = tpu.vector_load_idx %arg12[%add3A_495, %add3A_568] : memref<128x128xf32, #tpu.memory_space<vmem>>[vector<16xi32>, vector<16xi32>], vector<16xf32>,
        %gather3A_570 = tpu.vector_load_idx %arg13[%add3A_495, %add3A_568] : memref<128x128xf32, #tpu.memory_space<vmem>>[vector<16xi32>, vector<16xi32>], vector<16xf32>,
        %sub3A_571 = arith.subf %gather3A_570, %gather3A_569 : vector<16xf32>
        %mul3A_572 = arith.mulf %sub3A_571, %sub3A_571 : vector<16xf32>
        %add3A_573 = arith.addf %add3A_565, %mul3A_572 : vector<16xf32>
        %add3A_574 = arith.constant 0 : i32
        %add3A_575 = vector.broadcast %add3A_574 : i32 to vector<16xi32>
        %add3A_576 = arith.addi %and3A_162, %add3A_575 : vector<16xi32>
        %gather3A_577 = tpu.vector_load_idx %arg12[%add3A_495, %add3A_576] : memref<128x128xf32, #tpu.memory_space<vmem>>[vector<16xi32>, vector<16xi32>], vector<16xf32>,
        %gather3A_578 = tpu.vector_load_idx %arg13[%add3A_495, %add3A_576] : memref<128x128xf32, #tpu.memory_space<vmem>>[vector<16xi32>, vector<16xi32>], vector<16xf32>,
        %sub3A_579 = arith.subf %gather3A_578, %gather3A_577 : vector<16xf32>
        %mul3A_580 = arith.mulf %sub3A_579, %sub3A_579 : vector<16xf32>
        %add3A_581 = arith.addf %add3A_573, %mul3A_580 : vector<16xf32>
        %add3A_582 = arith.constant 0 : i32
        %add3A_583 = vector.broadcast %add3A_582 : i32 to vector<16xi32>
        %add3A_584 = arith.addi %and3A_168, %add3A_583 : vector<16xi32>
        %gather3A_585 = tpu.vector_load_idx %arg12[%add3A_495, %add3A_584] : memref<128x128xf32, #tpu.memory_space<vmem>>[vector<16xi32>, vector<16xi32>], vector<16xf32>,
        %gather3A_586 = tpu.vector_load_idx %arg13[%add3A_495, %add3A_584] : memref<128x128xf32, #tpu.memory_space<vmem>>[vector<16xi32>, vector<16xi32>], vector<16xf32>,
        %sub3A_587 = arith.subf %gather3A_586, %gather3A_585 : vector<16xf32>
        %mul3A_588 = arith.mulf %sub3A_587, %sub3A_587 : vector<16xf32>
        %add3A_589 = arith.addf %add3A_581, %mul3A_588 : vector<16xf32>
        %add3A_590 = arith.constant 0 : i32
        %add3A_591 = vector.broadcast %add3A_590 : i32 to vector<16xi32>
        %add3A_592 = arith.addi %and3A_174, %add3A_591 : vector<16xi32>
        %gather3A_593 = tpu.vector_load_idx %arg12[%add3A_495, %add3A_592] : memref<128x128xf32, #tpu.memory_space<vmem>>[vector<16xi32>, vector<16xi32>], vector<16xf32>,
        %gather3A_594 = tpu.vector_load_idx %arg13[%add3A_495, %add3A_592] : memref<128x128xf32, #tpu.memory_space<vmem>>[vector<16xi32>, vector<16xi32>], vector<16xf32>,
        %sub3A_595 = arith.subf %gather3A_594, %gather3A_593 : vector<16xf32>
        %mul3A_596 = arith.mulf %sub3A_595, %sub3A_595 : vector<16xf32>
        %add3A_597 = arith.addf %add3A_589, %mul3A_596 : vector<16xf32>
        %add3A_598 = arith.constant 0 : i32
        %add3A_599 = vector.broadcast %add3A_598 : i32 to vector<16xi32>
        %add3A_600 = arith.addi %and3A_180, %add3A_599 : vector<16xi32>
        %gather3A_601 = tpu.vector_load_idx %arg12[%add3A_495, %add3A_600] : memref<128x128xf32, #tpu.memory_space<vmem>>[vector<16xi32>, vector<16xi32>], vector<16xf32>,
        %gather3A_602 = tpu.vector_load_idx %arg13[%add3A_495, %add3A_600] : memref<128x128xf32, #tpu.memory_space<vmem>>[vector<16xi32>, vector<16xi32>], vector<16xf32>,
        %sub3A_603 = arith.subf %gather3A_602, %gather3A_601 : vector<16xf32>
        %mul3A_604 = arith.mulf %sub3A_603, %sub3A_603 : vector<16xf32>
        %add3A_605 = arith.addf %add3A_597, %mul3A_604 : vector<16xf32>
        %add3A_606 = arith.constant 0 : i32
        %add3A_607 = vector.broadcast %add3A_606 : i32 to vector<16xi32>
        %add3A_608 = arith.addi %and3A_186, %add3A_607 : vector<16xi32>
        %gather3A_609 = tpu.vector_load_idx %arg12[%add3A_495, %add3A_608] : memref<128x128xf32, #tpu.memory_space<vmem>>[vector<16xi32>, vector<16xi32>], vector<16xf32>,
        %gather3A_610 = tpu.vector_load_idx %arg13[%add3A_495, %add3A_608] : memref<128x128xf32, #tpu.memory_space<vmem>>[vector<16xi32>, vector<16xi32>], vector<16xf32>,
        %sub3A_611 = arith.subf %gather3A_610, %gather3A_609 : vector<16xf32>
        %mul3A_612 = arith.mulf %sub3A_611, %sub3A_611 : vector<16xf32>
        %add3A_613 = arith.addf %add3A_605, %mul3A_612 : vector<16xf32>
        %add3A_614 = arith.constant 0 : i32
        %add3A_615 = vector.broadcast %add3A_614 : i32 to vector<16xi32>
        %add3A_616 = arith.addi %and3A_192, %add3A_615 : vector<16xi32>
        %gather3A_617 = tpu.vector_load_idx %arg12[%add3A_495, %add3A_616] : memref<128x128xf32, #tpu.memory_space<vmem>>[vector<16xi32>, vector<16xi32>], vector<16xf32>,
        %gather3A_618 = tpu.vector_load_idx %arg13[%add3A_495, %add3A_616] : memref<128x128xf32, #tpu.memory_space<vmem>>[vector<16xi32>, vector<16xi32>], vector<16xf32>,
        %sub3A_619 = arith.subf %gather3A_618, %gather3A_617 : vector<16xf32>
        %mul3A_620 = arith.mulf %sub3A_619, %sub3A_619 : vector<16xf32>
        %add3A_621 = arith.addf %add3A_613, %mul3A_620 : vector<16xf32>
        %bitcast_convert_type3A = tpu.bitcast %add3A_621 : vector<16xf32> -> vector<16xi32>
        %shift_right_arithmetic3A = arith.constant 1 : i32
        %shift_right_arithmetic3A_622 = vector.broadcast %shift_right_arithmetic3A : i32 to vector<16xi32>
        %shift_right_arithmetic3A_623 = arith.shrsi %bitcast_convert_type3A, %shift_right_arithmetic3A_622 : vector<16xi32>
        %sub3A_624 = arith.constant 1597463007 : i32
        %sub3A_625 = vector.broadcast %sub3A_624 : i32 to vector<16xi32>
        %sub3A_626 = arith.subi %sub3A_625, %shift_right_arithmetic3A_623 : vector<16xi32>
        %bitcast_convert_type3A_627 = tpu.bitcast %sub3A_626 : vector<16xi32> -> vector<16xf32>
        %mul3A_628 = arith.constant 5.000000e-01 : f32
        %mul3A_629 = vector.broadcast %mul3A_628 : f32 to vector<16xf32>
        %mul3A_630 = arith.mulf %mul3A_629, %add3A_621 : vector<16xf32>
        %mul3A_631 = arith.mulf %mul3A_630, %bitcast_convert_type3A_627 : vector<16xf32>
        %mul3A_632 = arith.mulf %mul3A_631, %bitcast_convert_type3A_627 : vector<16xf32>
        %sub3A_633 = arith.constant 1.500000e+00 : f32
        %sub3A_634 = vector.broadcast %sub3A_633 : f32 to vector<16xf32>
        %sub3A_635 = arith.subf %sub3A_634, %mul3A_632 : vector<16xf32>
        %mul3A_636 = arith.mulf %bitcast_convert_type3A_627, %sub3A_635 : vector<16xf32>
        %mul3A_637 = arith.constant 5.000000e-01 : f32
        %mul3A_638 = vector.broadcast %mul3A_637 : f32 to vector<16xf32>
        %mul3A_639 = arith.mulf %mul3A_638, %add3A_621 : vector<16xf32>
        %mul3A_640 = arith.mulf %mul3A_639, %mul3A_636 : vector<16xf32>
        %mul3A_641 = arith.mulf %mul3A_640, %mul3A_636 : vector<16xf32>
        %sub3A_642 = arith.constant 1.500000e+00 : f32
        %sub3A_643 = vector.broadcast %sub3A_642 : f32 to vector<16xf32>
        %sub3A_644 = arith.subf %sub3A_643, %mul3A_641 : vector<16xf32>
        %mul3A_645 = arith.mulf %mul3A_636, %sub3A_644 : vector<16xf32>
        %mul3A_646 = arith.constant 5.000000e-01 : f32
        %mul3A_647 = vector.broadcast %mul3A_646 : f32 to vector<16xf32>
        %mul3A_648 = arith.mulf %mul3A_647, %add3A_621 : vector<16xf32>
        %mul3A_649 = arith.mulf %mul3A_648, %mul3A_645 : vector<16xf32>
        %mul3A_650 = arith.mulf %mul3A_649, %mul3A_645 : vector<16xf32>
        %sub3A_651 = arith.constant 1.500000e+00 : f32
        %sub3A_652 = vector.broadcast %sub3A_651 : f32 to vector<16xf32>
        %sub3A_653 = arith.subf %sub3A_652, %mul3A_650 : vector<16xf32>
        %mul3A_654 = arith.mulf %mul3A_645, %sub3A_653 : vector<16xf32>
        %mul3A_655 = arith.mulf %add3A_621, %mul3A_654 : vector<16xf32>
        %add3A_656 = arith.constant 16 : i32
        %add3A_657 = vector.broadcast %add3A_656 : i32 to vector<16xi32>
        %add3A_658 = arith.addi %and3A_102, %add3A_657 : vector<16xi32>
        %gather3A_659 = tpu.vector_load_idx %arg12[%add3A_495, %add3A_658] : memref<128x128xf32, #tpu.memory_space<vmem>>[vector<16xi32>, vector<16xi32>], vector<16xf32>,
        %gather3A_660 = tpu.vector_load_idx %arg13[%add3A_495, %add3A_658] : memref<128x128xf32, #tpu.memory_space<vmem>>[vector<16xi32>, vector<16xi32>], vector<16xf32>,
        %sub3A_661 = arith.subf %gather3A_660, %gather3A_659 : vector<16xf32>
        %mul3A_662 = arith.mulf %sub3A_661, %sub3A_661 : vector<16xf32>
        %add3A_663 = arith.constant 16 : i32
        %add3A_664 = vector.broadcast %add3A_663 : i32 to vector<16xi32>
        %add3A_665 = arith.addi %and3A_108, %add3A_664 : vector<16xi32>
        %gather3A_666 = tpu.vector_load_idx %arg12[%add3A_495, %add3A_665] : memref<128x128xf32, #tpu.memory_space<vmem>>[vector<16xi32>, vector<16xi32>], vector<16xf32>,
        %gather3A_667 = tpu.vector_load_idx %arg13[%add3A_495, %add3A_665] : memref<128x128xf32, #tpu.memory_space<vmem>>[vector<16xi32>, vector<16xi32>], vector<16xf32>,
        %sub3A_668 = arith.subf %gather3A_667, %gather3A_666 : vector<16xf32>
        %mul3A_669 = arith.mulf %sub3A_668, %sub3A_668 : vector<16xf32>
        %add3A_670 = arith.addf %mul3A_662, %mul3A_669 : vector<16xf32>
        %add3A_671 = arith.constant 16 : i32
        %add3A_672 = vector.broadcast %add3A_671 : i32 to vector<16xi32>
        %add3A_673 = arith.addi %and3A_114, %add3A_672 : vector<16xi32>
        %gather3A_674 = tpu.vector_load_idx %arg12[%add3A_495, %add3A_673] : memref<128x128xf32, #tpu.memory_space<vmem>>[vector<16xi32>, vector<16xi32>], vector<16xf32>,
        %gather3A_675 = tpu.vector_load_idx %arg13[%add3A_495, %add3A_673] : memref<128x128xf32, #tpu.memory_space<vmem>>[vector<16xi32>, vector<16xi32>], vector<16xf32>,
        %sub3A_676 = arith.subf %gather3A_675, %gather3A_674 : vector<16xf32>
        %mul3A_677 = arith.mulf %sub3A_676, %sub3A_676 : vector<16xf32>
        %add3A_678 = arith.addf %add3A_670, %mul3A_677 : vector<16xf32>
        %add3A_679 = arith.constant 16 : i32
        %add3A_680 = vector.broadcast %add3A_679 : i32 to vector<16xi32>
        %add3A_681 = arith.addi %and3A_120, %add3A_680 : vector<16xi32>
        %gather3A_682 = tpu.vector_load_idx %arg12[%add3A_495, %add3A_681] : memref<128x128xf32, #tpu.memory_space<vmem>>[vector<16xi32>, vector<16xi32>], vector<16xf32>,
        %gather3A_683 = tpu.vector_load_idx %arg13[%add3A_495, %add3A_681] : memref<128x128xf32, #tpu.memory_space<vmem>>[vector<16xi32>, vector<16xi32>], vector<16xf32>,
        %sub3A_684 = arith.subf %gather3A_683, %gather3A_682 : vector<16xf32>
        %mul3A_685 = arith.mulf %sub3A_684, %sub3A_684 : vector<16xf32>
        %add3A_686 = arith.addf %add3A_678, %mul3A_685 : vector<16xf32>
        %add3A_687 = arith.constant 16 : i32
        %add3A_688 = vector.broadcast %add3A_687 : i32 to vector<16xi32>
        %add3A_689 = arith.addi %and3A_126, %add3A_688 : vector<16xi32>
        %gather3A_690 = tpu.vector_load_idx %arg12[%add3A_495, %add3A_689] : memref<128x128xf32, #tpu.memory_space<vmem>>[vector<16xi32>, vector<16xi32>], vector<16xf32>,
        %gather3A_691 = tpu.vector_load_idx %arg13[%add3A_495, %add3A_689] : memref<128x128xf32, #tpu.memory_space<vmem>>[vector<16xi32>, vector<16xi32>], vector<16xf32>,
        %sub3A_692 = arith.subf %gather3A_691, %gather3A_690 : vector<16xf32>
        %mul3A_693 = arith.mulf %sub3A_692, %sub3A_692 : vector<16xf32>
        %add3A_694 = arith.addf %add3A_686, %mul3A_693 : vector<16xf32>
        %add3A_695 = arith.constant 16 : i32
        %add3A_696 = vector.broadcast %add3A_695 : i32 to vector<16xi32>
        %add3A_697 = arith.addi %and3A_132, %add3A_696 : vector<16xi32>
        %gather3A_698 = tpu.vector_load_idx %arg12[%add3A_495, %add3A_697] : memref<128x128xf32, #tpu.memory_space<vmem>>[vector<16xi32>, vector<16xi32>], vector<16xf32>,
        %gather3A_699 = tpu.vector_load_idx %arg13[%add3A_495, %add3A_697] : memref<128x128xf32, #tpu.memory_space<vmem>>[vector<16xi32>, vector<16xi32>], vector<16xf32>,
        %sub3A_700 = arith.subf %gather3A_699, %gather3A_698 : vector<16xf32>
        %mul3A_701 = arith.mulf %sub3A_700, %sub3A_700 : vector<16xf32>
        %add3A_702 = arith.addf %add3A_694, %mul3A_701 : vector<16xf32>
        %add3A_703 = arith.constant 16 : i32
        %add3A_704 = vector.broadcast %add3A_703 : i32 to vector<16xi32>
        %add3A_705 = arith.addi %and3A_138, %add3A_704 : vector<16xi32>
        %gather3A_706 = tpu.vector_load_idx %arg12[%add3A_495, %add3A_705] : memref<128x128xf32, #tpu.memory_space<vmem>>[vector<16xi32>, vector<16xi32>], vector<16xf32>,
        %gather3A_707 = tpu.vector_load_idx %arg13[%add3A_495, %add3A_705] : memref<128x128xf32, #tpu.memory_space<vmem>>[vector<16xi32>, vector<16xi32>], vector<16xf32>,
        %sub3A_708 = arith.subf %gather3A_707, %gather3A_706 : vector<16xf32>
        %mul3A_709 = arith.mulf %sub3A_708, %sub3A_708 : vector<16xf32>
        %add3A_710 = arith.addf %add3A_702, %mul3A_709 : vector<16xf32>
        %add3A_711 = arith.constant 16 : i32
        %add3A_712 = vector.broadcast %add3A_711 : i32 to vector<16xi32>
        %add3A_713 = arith.addi %and3A_144, %add3A_712 : vector<16xi32>
        %gather3A_714 = tpu.vector_load_idx %arg12[%add3A_495, %add3A_713] : memref<128x128xf32, #tpu.memory_space<vmem>>[vector<16xi32>, vector<16xi32>], vector<16xf32>,
        %gather3A_715 = tpu.vector_load_idx %arg13[%add3A_495, %add3A_713] : memref<128x128xf32, #tpu.memory_space<vmem>>[vector<16xi32>, vector<16xi32>], vector<16xf32>,
        %sub3A_716 = arith.subf %gather3A_715, %gather3A_714 : vector<16xf32>
        %mul3A_717 = arith.mulf %sub3A_716, %sub3A_716 : vector<16xf32>
        %add3A_718 = arith.addf %add3A_710, %mul3A_717 : vector<16xf32>
        %add3A_719 = arith.constant 16 : i32
        %add3A_720 = vector.broadcast %add3A_719 : i32 to vector<16xi32>
        %add3A_721 = arith.addi %and3A_150, %add3A_720 : vector<16xi32>
        %gather3A_722 = tpu.vector_load_idx %arg12[%add3A_495, %add3A_721] : memref<128x128xf32, #tpu.memory_space<vmem>>[vector<16xi32>, vector<16xi32>], vector<16xf32>,
        %gather3A_723 = tpu.vector_load_idx %arg13[%add3A_495, %add3A_721] : memref<128x128xf32, #tpu.memory_space<vmem>>[vector<16xi32>, vector<16xi32>], vector<16xf32>,
        %sub3A_724 = arith.subf %gather3A_723, %gather3A_722 : vector<16xf32>
        %mul3A_725 = arith.mulf %sub3A_724, %sub3A_724 : vector<16xf32>
        %add3A_726 = arith.addf %add3A_718, %mul3A_725 : vector<16xf32>
        %add3A_727 = arith.constant 16 : i32
        %add3A_728 = vector.broadcast %add3A_727 : i32 to vector<16xi32>
        %add3A_729 = arith.addi %and3A_156, %add3A_728 : vector<16xi32>
        %gather3A_730 = tpu.vector_load_idx %arg12[%add3A_495, %add3A_729] : memref<128x128xf32, #tpu.memory_space<vmem>>[vector<16xi32>, vector<16xi32>], vector<16xf32>,
        %gather3A_731 = tpu.vector_load_idx %arg13[%add3A_495, %add3A_729] : memref<128x128xf32, #tpu.memory_space<vmem>>[vector<16xi32>, vector<16xi32>], vector<16xf32>,
        %sub3A_732 = arith.subf %gather3A_731, %gather3A_730 : vector<16xf32>
        %mul3A_733 = arith.mulf %sub3A_732, %sub3A_732 : vector<16xf32>
        %add3A_734 = arith.addf %add3A_726, %mul3A_733 : vector<16xf32>
        %add3A_735 = arith.constant 16 : i32
        %add3A_736 = vector.broadcast %add3A_735 : i32 to vector<16xi32>
        %add3A_737 = arith.addi %and3A_162, %add3A_736 : vector<16xi32>
        %gather3A_738 = tpu.vector_load_idx %arg12[%add3A_495, %add3A_737] : memref<128x128xf32, #tpu.memory_space<vmem>>[vector<16xi32>, vector<16xi32>], vector<16xf32>,
        %gather3A_739 = tpu.vector_load_idx %arg13[%add3A_495, %add3A_737] : memref<128x128xf32, #tpu.memory_space<vmem>>[vector<16xi32>, vector<16xi32>], vector<16xf32>,
        %sub3A_740 = arith.subf %gather3A_739, %gather3A_738 : vector<16xf32>
        %mul3A_741 = arith.mulf %sub3A_740, %sub3A_740 : vector<16xf32>
        %add3A_742 = arith.addf %add3A_734, %mul3A_741 : vector<16xf32>
        %add3A_743 = arith.constant 16 : i32
        %add3A_744 = vector.broadcast %add3A_743 : i32 to vector<16xi32>
        %add3A_745 = arith.addi %and3A_168, %add3A_744 : vector<16xi32>
        %gather3A_746 = tpu.vector_load_idx %arg12[%add3A_495, %add3A_745] : memref<128x128xf32, #tpu.memory_space<vmem>>[vector<16xi32>, vector<16xi32>], vector<16xf32>,
        %gather3A_747 = tpu.vector_load_idx %arg13[%add3A_495, %add3A_745] : memref<128x128xf32, #tpu.memory_space<vmem>>[vector<16xi32>, vector<16xi32>], vector<16xf32>,
        %sub3A_748 = arith.subf %gather3A_747, %gather3A_746 : vector<16xf32>
        %mul3A_749 = arith.mulf %sub3A_748, %sub3A_748 : vector<16xf32>
        %add3A_750 = arith.addf %add3A_742, %mul3A_749 : vector<16xf32>
        %add3A_751 = arith.constant 16 : i32
        %add3A_752 = vector.broadcast %add3A_751 : i32 to vector<16xi32>
        %add3A_753 = arith.addi %and3A_174, %add3A_752 : vector<16xi32>
        %gather3A_754 = tpu.vector_load_idx %arg12[%add3A_495, %add3A_753] : memref<128x128xf32, #tpu.memory_space<vmem>>[vector<16xi32>, vector<16xi32>], vector<16xf32>,
        %gather3A_755 = tpu.vector_load_idx %arg13[%add3A_495, %add3A_753] : memref<128x128xf32, #tpu.memory_space<vmem>>[vector<16xi32>, vector<16xi32>], vector<16xf32>,
        %sub3A_756 = arith.subf %gather3A_755, %gather3A_754 : vector<16xf32>
        %mul3A_757 = arith.mulf %sub3A_756, %sub3A_756 : vector<16xf32>
        %add3A_758 = arith.addf %add3A_750, %mul3A_757 : vector<16xf32>
        %add3A_759 = arith.constant 16 : i32
        %add3A_760 = vector.broadcast %add3A_759 : i32 to vector<16xi32>
        %add3A_761 = arith.addi %and3A_180, %add3A_760 : vector<16xi32>
        %gather3A_762 = tpu.vector_load_idx %arg12[%add3A_495, %add3A_761] : memref<128x128xf32, #tpu.memory_space<vmem>>[vector<16xi32>, vector<16xi32>], vector<16xf32>,
        %gather3A_763 = tpu.vector_load_idx %arg13[%add3A_495, %add3A_761] : memref<128x128xf32, #tpu.memory_space<vmem>>[vector<16xi32>, vector<16xi32>], vector<16xf32>,
        %sub3A_764 = arith.subf %gather3A_763, %gather3A_762 : vector<16xf32>
        %mul3A_765 = arith.mulf %sub3A_764, %sub3A_764 : vector<16xf32>
        %add3A_766 = arith.addf %add3A_758, %mul3A_765 : vector<16xf32>
        %add3A_767 = arith.constant 16 : i32
        %add3A_768 = vector.broadcast %add3A_767 : i32 to vector<16xi32>
        %add3A_769 = arith.addi %and3A_186, %add3A_768 : vector<16xi32>
        %gather3A_770 = tpu.vector_load_idx %arg12[%add3A_495, %add3A_769] : memref<128x128xf32, #tpu.memory_space<vmem>>[vector<16xi32>, vector<16xi32>], vector<16xf32>,
        %gather3A_771 = tpu.vector_load_idx %arg13[%add3A_495, %add3A_769] : memref<128x128xf32, #tpu.memory_space<vmem>>[vector<16xi32>, vector<16xi32>], vector<16xf32>,
        %sub3A_772 = arith.subf %gather3A_771, %gather3A_770 : vector<16xf32>
        %mul3A_773 = arith.mulf %sub3A_772, %sub3A_772 : vector<16xf32>
        %add3A_774 = arith.addf %add3A_766, %mul3A_773 : vector<16xf32>
        %add3A_775 = arith.constant 16 : i32
        %add3A_776 = vector.broadcast %add3A_775 : i32 to vector<16xi32>
        %add3A_777 = arith.addi %and3A_192, %add3A_776 : vector<16xi32>
        %gather3A_778 = tpu.vector_load_idx %arg12[%add3A_495, %add3A_777] : memref<128x128xf32, #tpu.memory_space<vmem>>[vector<16xi32>, vector<16xi32>], vector<16xf32>,
        %gather3A_779 = tpu.vector_load_idx %arg13[%add3A_495, %add3A_777] : memref<128x128xf32, #tpu.memory_space<vmem>>[vector<16xi32>, vector<16xi32>], vector<16xf32>,
        %sub3A_780 = arith.subf %gather3A_779, %gather3A_778 : vector<16xf32>
        %mul3A_781 = arith.mulf %sub3A_780, %sub3A_780 : vector<16xf32>
        %add3A_782 = arith.addf %add3A_774, %mul3A_781 : vector<16xf32>
        %bitcast_convert_type3A_783 = tpu.bitcast %add3A_782 : vector<16xf32> -> vector<16xi32>
        %shift_right_arithmetic3A_784 = arith.constant 1 : i32
        %shift_right_arithmetic3A_785 = vector.broadcast %shift_right_arithmetic3A_784 : i32 to vector<16xi32>
        %shift_right_arithmetic3A_786 = arith.shrsi %bitcast_convert_type3A_783, %shift_right_arithmetic3A_785 : vector<16xi32>
        %sub3A_787 = arith.constant 1597463007 : i32
        %sub3A_788 = vector.broadcast %sub3A_787 : i32 to vector<16xi32>
        %sub3A_789 = arith.subi %sub3A_788, %shift_right_arithmetic3A_786 : vector<16xi32>
        %bitcast_convert_type3A_790 = tpu.bitcast %sub3A_789 : vector<16xi32> -> vector<16xf32>
        %mul3A_791 = arith.constant 5.000000e-01 : f32
        %mul3A_792 = vector.broadcast %mul3A_791 : f32 to vector<16xf32>
        %mul3A_793 = arith.mulf %mul3A_792, %add3A_782 : vector<16xf32>
        %mul3A_794 = arith.mulf %mul3A_793, %bitcast_convert_type3A_790 : vector<16xf32>
        %mul3A_795 = arith.mulf %mul3A_794, %bitcast_convert_type3A_790 : vector<16xf32>
        %sub3A_796 = arith.constant 1.500000e+00 : f32
        %sub3A_797 = vector.broadcast %sub3A_796 : f32 to vector<16xf32>
        %sub3A_798 = arith.subf %sub3A_797, %mul3A_795 : vector<16xf32>
        %mul3A_799 = arith.mulf %bitcast_convert_type3A_790, %sub3A_798 : vector<16xf32>
        %mul3A_800 = arith.constant 5.000000e-01 : f32
        %mul3A_801 = vector.broadcast %mul3A_800 : f32 to vector<16xf32>
        %mul3A_802 = arith.mulf %mul3A_801, %add3A_782 : vector<16xf32>
        %mul3A_803 = arith.mulf %mul3A_802, %mul3A_799 : vector<16xf32>
        %mul3A_804 = arith.mulf %mul3A_803, %mul3A_799 : vector<16xf32>
        %sub3A_805 = arith.constant 1.500000e+00 : f32
        %sub3A_806 = vector.broadcast %sub3A_805 : f32 to vector<16xf32>
        %sub3A_807 = arith.subf %sub3A_806, %mul3A_804 : vector<16xf32>
        %mul3A_808 = arith.mulf %mul3A_799, %sub3A_807 : vector<16xf32>
        %mul3A_809 = arith.constant 5.000000e-01 : f32
        %mul3A_810 = vector.broadcast %mul3A_809 : f32 to vector<16xf32>
        %mul3A_811 = arith.mulf %mul3A_810, %add3A_782 : vector<16xf32>
        %mul3A_812 = arith.mulf %mul3A_811, %mul3A_808 : vector<16xf32>
        %mul3A_813 = arith.mulf %mul3A_812, %mul3A_808 : vector<16xf32>
        %sub3A_814 = arith.constant 1.500000e+00 : f32
        %sub3A_815 = vector.broadcast %sub3A_814 : f32 to vector<16xf32>
        %sub3A_816 = arith.subf %sub3A_815, %mul3A_813 : vector<16xf32>
        %mul3A_817 = arith.mulf %mul3A_808, %sub3A_816 : vector<16xf32>
        %mul3A_818 = arith.mulf %add3A_782, %mul3A_817 : vector<16xf32>
        %add3A_819 = arith.constant 32 : i32
        %add3A_820 = vector.broadcast %add3A_819 : i32 to vector<16xi32>
        %add3A_821 = arith.addi %and3A_102, %add3A_820 : vector<16xi32>
        %gather3A_822 = tpu.vector_load_idx %arg12[%add3A_495, %add3A_821] : memref<128x128xf32, #tpu.memory_space<vmem>>[vector<16xi32>, vector<16xi32>], vector<16xf32>,
        %gather3A_823 = tpu.vector_load_idx %arg13[%add3A_495, %add3A_821] : memref<128x128xf32, #tpu.memory_space<vmem>>[vector<16xi32>, vector<16xi32>], vector<16xf32>,
        %sub3A_824 = arith.subf %gather3A_823, %gather3A_822 : vector<16xf32>
        %mul3A_825 = arith.mulf %sub3A_824, %sub3A_824 : vector<16xf32>
        %add3A_826 = arith.constant 32 : i32
        %add3A_827 = vector.broadcast %add3A_826 : i32 to vector<16xi32>
        %add3A_828 = arith.addi %and3A_108, %add3A_827 : vector<16xi32>
        %gather3A_829 = tpu.vector_load_idx %arg12[%add3A_495, %add3A_828] : memref<128x128xf32, #tpu.memory_space<vmem>>[vector<16xi32>, vector<16xi32>], vector<16xf32>,
        %gather3A_830 = tpu.vector_load_idx %arg13[%add3A_495, %add3A_828] : memref<128x128xf32, #tpu.memory_space<vmem>>[vector<16xi32>, vector<16xi32>], vector<16xf32>,
        %sub3A_831 = arith.subf %gather3A_830, %gather3A_829 : vector<16xf32>
        %mul3A_832 = arith.mulf %sub3A_831, %sub3A_831 : vector<16xf32>
        %add3A_833 = arith.addf %mul3A_825, %mul3A_832 : vector<16xf32>
        %add3A_834 = arith.constant 32 : i32
        %add3A_835 = vector.broadcast %add3A_834 : i32 to vector<16xi32>
        %add3A_836 = arith.addi %and3A_114, %add3A_835 : vector<16xi32>
        %gather3A_837 = tpu.vector_load_idx %arg12[%add3A_495, %add3A_836] : memref<128x128xf32, #tpu.memory_space<vmem>>[vector<16xi32>, vector<16xi32>], vector<16xf32>,
        %gather3A_838 = tpu.vector_load_idx %arg13[%add3A_495, %add3A_836] : memref<128x128xf32, #tpu.memory_space<vmem>>[vector<16xi32>, vector<16xi32>], vector<16xf32>,
        %sub3A_839 = arith.subf %gather3A_838, %gather3A_837 : vector<16xf32>
        %mul3A_840 = arith.mulf %sub3A_839, %sub3A_839 : vector<16xf32>
        %add3A_841 = arith.addf %add3A_833, %mul3A_840 : vector<16xf32>
        %add3A_842 = arith.constant 32 : i32
        %add3A_843 = vector.broadcast %add3A_842 : i32 to vector<16xi32>
        %add3A_844 = arith.addi %and3A_120, %add3A_843 : vector<16xi32>
        %gather3A_845 = tpu.vector_load_idx %arg12[%add3A_495, %add3A_844] : memref<128x128xf32, #tpu.memory_space<vmem>>[vector<16xi32>, vector<16xi32>], vector<16xf32>,
        %gather3A_846 = tpu.vector_load_idx %arg13[%add3A_495, %add3A_844] : memref<128x128xf32, #tpu.memory_space<vmem>>[vector<16xi32>, vector<16xi32>], vector<16xf32>,
        %sub3A_847 = arith.subf %gather3A_846, %gather3A_845 : vector<16xf32>
        %mul3A_848 = arith.mulf %sub3A_847, %sub3A_847 : vector<16xf32>
        %add3A_849 = arith.addf %add3A_841, %mul3A_848 : vector<16xf32>
        %add3A_850 = arith.constant 32 : i32
        %add3A_851 = vector.broadcast %add3A_850 : i32 to vector<16xi32>
        %add3A_852 = arith.addi %and3A_126, %add3A_851 : vector<16xi32>
        %gather3A_853 = tpu.vector_load_idx %arg12[%add3A_495, %add3A_852] : memref<128x128xf32, #tpu.memory_space<vmem>>[vector<16xi32>, vector<16xi32>], vector<16xf32>,
        %gather3A_854 = tpu.vector_load_idx %arg13[%add3A_495, %add3A_852] : memref<128x128xf32, #tpu.memory_space<vmem>>[vector<16xi32>, vector<16xi32>], vector<16xf32>,
        %sub3A_855 = arith.subf %gather3A_854, %gather3A_853 : vector<16xf32>
        %mul3A_856 = arith.mulf %sub3A_855, %sub3A_855 : vector<16xf32>
        %add3A_857 = arith.addf %add3A_849, %mul3A_856 : vector<16xf32>
        %add3A_858 = arith.constant 32 : i32
        %add3A_859 = vector.broadcast %add3A_858 : i32 to vector<16xi32>
        %add3A_860 = arith.addi %and3A_132, %add3A_859 : vector<16xi32>
        %gather3A_861 = tpu.vector_load_idx %arg12[%add3A_495, %add3A_860] : memref<128x128xf32, #tpu.memory_space<vmem>>[vector<16xi32>, vector<16xi32>], vector<16xf32>,
        %gather3A_862 = tpu.vector_load_idx %arg13[%add3A_495, %add3A_860] : memref<128x128xf32, #tpu.memory_space<vmem>>[vector<16xi32>, vector<16xi32>], vector<16xf32>,
        %sub3A_863 = arith.subf %gather3A_862, %gather3A_861 : vector<16xf32>
        %mul3A_864 = arith.mulf %sub3A_863, %sub3A_863 : vector<16xf32>
        %add3A_865 = arith.addf %add3A_857, %mul3A_864 : vector<16xf32>
        %add3A_866 = arith.constant 32 : i32
        %add3A_867 = vector.broadcast %add3A_866 : i32 to vector<16xi32>
        %add3A_868 = arith.addi %and3A_138, %add3A_867 : vector<16xi32>
        %gather3A_869 = tpu.vector_load_idx %arg12[%add3A_495, %add3A_868] : memref<128x128xf32, #tpu.memory_space<vmem>>[vector<16xi32>, vector<16xi32>], vector<16xf32>,
        %gather3A_870 = tpu.vector_load_idx %arg13[%add3A_495, %add3A_868] : memref<128x128xf32, #tpu.memory_space<vmem>>[vector<16xi32>, vector<16xi32>], vector<16xf32>,
        %sub3A_871 = arith.subf %gather3A_870, %gather3A_869 : vector<16xf32>
        %mul3A_872 = arith.mulf %sub3A_871, %sub3A_871 : vector<16xf32>
        %add3A_873 = arith.addf %add3A_865, %mul3A_872 : vector<16xf32>
        %add3A_874 = arith.constant 32 : i32
        %add3A_875 = vector.broadcast %add3A_874 : i32 to vector<16xi32>
        %add3A_876 = arith.addi %and3A_144, %add3A_875 : vector<16xi32>
        %gather3A_877 = tpu.vector_load_idx %arg12[%add3A_495, %add3A_876] : memref<128x128xf32, #tpu.memory_space<vmem>>[vector<16xi32>, vector<16xi32>], vector<16xf32>,
        %gather3A_878 = tpu.vector_load_idx %arg13[%add3A_495, %add3A_876] : memref<128x128xf32, #tpu.memory_space<vmem>>[vector<16xi32>, vector<16xi32>], vector<16xf32>,
        %sub3A_879 = arith.subf %gather3A_878, %gather3A_877 : vector<16xf32>
        %mul3A_880 = arith.mulf %sub3A_879, %sub3A_879 : vector<16xf32>
        %add3A_881 = arith.addf %add3A_873, %mul3A_880 : vector<16xf32>
        %add3A_882 = arith.constant 32 : i32
        %add3A_883 = vector.broadcast %add3A_882 : i32 to vector<16xi32>
        %add3A_884 = arith.addi %and3A_150, %add3A_883 : vector<16xi32>
        %gather3A_885 = tpu.vector_load_idx %arg12[%add3A_495, %add3A_884] : memref<128x128xf32, #tpu.memory_space<vmem>>[vector<16xi32>, vector<16xi32>], vector<16xf32>,
        %gather3A_886 = tpu.vector_load_idx %arg13[%add3A_495, %add3A_884] : memref<128x128xf32, #tpu.memory_space<vmem>>[vector<16xi32>, vector<16xi32>], vector<16xf32>,
        %sub3A_887 = arith.subf %gather3A_886, %gather3A_885 : vector<16xf32>
        %mul3A_888 = arith.mulf %sub3A_887, %sub3A_887 : vector<16xf32>
        %add3A_889 = arith.addf %add3A_881, %mul3A_888 : vector<16xf32>
        %add3A_890 = arith.constant 32 : i32
        %add3A_891 = vector.broadcast %add3A_890 : i32 to vector<16xi32>
        %add3A_892 = arith.addi %and3A_156, %add3A_891 : vector<16xi32>
        %gather3A_893 = tpu.vector_load_idx %arg12[%add3A_495, %add3A_892] : memref<128x128xf32, #tpu.memory_space<vmem>>[vector<16xi32>, vector<16xi32>], vector<16xf32>,
        %gather3A_894 = tpu.vector_load_idx %arg13[%add3A_495, %add3A_892] : memref<128x128xf32, #tpu.memory_space<vmem>>[vector<16xi32>, vector<16xi32>], vector<16xf32>,
        %sub3A_895 = arith.subf %gather3A_894, %gather3A_893 : vector<16xf32>
        %mul3A_896 = arith.mulf %sub3A_895, %sub3A_895 : vector<16xf32>
        %add3A_897 = arith.addf %add3A_889, %mul3A_896 : vector<16xf32>
        %add3A_898 = arith.constant 32 : i32
        %add3A_899 = vector.broadcast %add3A_898 : i32 to vector<16xi32>
        %add3A_900 = arith.addi %and3A_162, %add3A_899 : vector<16xi32>
        %gather3A_901 = tpu.vector_load_idx %arg12[%add3A_495, %add3A_900] : memref<128x128xf32, #tpu.memory_space<vmem>>[vector<16xi32>, vector<16xi32>], vector<16xf32>,
        %gather3A_902 = tpu.vector_load_idx %arg13[%add3A_495, %add3A_900] : memref<128x128xf32, #tpu.memory_space<vmem>>[vector<16xi32>, vector<16xi32>], vector<16xf32>,
        %sub3A_903 = arith.subf %gather3A_902, %gather3A_901 : vector<16xf32>
        %mul3A_904 = arith.mulf %sub3A_903, %sub3A_903 : vector<16xf32>
        %add3A_905 = arith.addf %add3A_897, %mul3A_904 : vector<16xf32>
        %add3A_906 = arith.constant 32 : i32
        %add3A_907 = vector.broadcast %add3A_906 : i32 to vector<16xi32>
        %add3A_908 = arith.addi %and3A_168, %add3A_907 : vector<16xi32>
        %gather3A_909 = tpu.vector_load_idx %arg12[%add3A_495, %add3A_908] : memref<128x128xf32, #tpu.memory_space<vmem>>[vector<16xi32>, vector<16xi32>], vector<16xf32>,
        %gather3A_910 = tpu.vector_load_idx %arg13[%add3A_495, %add3A_908] : memref<128x128xf32, #tpu.memory_space<vmem>>[vector<16xi32>, vector<16xi32>], vector<16xf32>,
        %sub3A_911 = arith.subf %gather3A_910, %gather3A_909 : vector<16xf32>
        %mul3A_912 = arith.mulf %sub3A_911, %sub3A_911 : vector<16xf32>
        %add3A_913 = arith.addf %add3A_905, %mul3A_912 : vector<16xf32>
        %add3A_914 = arith.constant 32 : i32
        %add3A_915 = vector.broadcast %add3A_914 : i32 to vector<16xi32>
        %add3A_916 = arith.addi %and3A_174, %add3A_915 : vector<16xi32>
        %gather3A_917 = tpu.vector_load_idx %arg12[%add3A_495, %add3A_916] : memref<128x128xf32, #tpu.memory_space<vmem>>[vector<16xi32>, vector<16xi32>], vector<16xf32>,
        %gather3A_918 = tpu.vector_load_idx %arg13[%add3A_495, %add3A_916] : memref<128x128xf32, #tpu.memory_space<vmem>>[vector<16xi32>, vector<16xi32>], vector<16xf32>,
        %sub3A_919 = arith.subf %gather3A_918, %gather3A_917 : vector<16xf32>
        %mul3A_920 = arith.mulf %sub3A_919, %sub3A_919 : vector<16xf32>
        %add3A_921 = arith.addf %add3A_913, %mul3A_920 : vector<16xf32>
        %add3A_922 = arith.constant 32 : i32
        %add3A_923 = vector.broadcast %add3A_922 : i32 to vector<16xi32>
        %add3A_924 = arith.addi %and3A_180, %add3A_923 : vector<16xi32>
        %gather3A_925 = tpu.vector_load_idx %arg12[%add3A_495, %add3A_924] : memref<128x128xf32, #tpu.memory_space<vmem>>[vector<16xi32>, vector<16xi32>], vector<16xf32>,
        %gather3A_926 = tpu.vector_load_idx %arg13[%add3A_495, %add3A_924] : memref<128x128xf32, #tpu.memory_space<vmem>>[vector<16xi32>, vector<16xi32>], vector<16xf32>,
        %sub3A_927 = arith.subf %gather3A_926, %gather3A_925 : vector<16xf32>
        %mul3A_928 = arith.mulf %sub3A_927, %sub3A_927 : vector<16xf32>
        %add3A_929 = arith.addf %add3A_921, %mul3A_928 : vector<16xf32>
        %add3A_930 = arith.constant 32 : i32
        %add3A_931 = vector.broadcast %add3A_930 : i32 to vector<16xi32>
        %add3A_932 = arith.addi %and3A_186, %add3A_931 : vector<16xi32>
        %gather3A_933 = tpu.vector_load_idx %arg12[%add3A_495, %add3A_932] : memref<128x128xf32, #tpu.memory_space<vmem>>[vector<16xi32>, vector<16xi32>], vector<16xf32>,
        %gather3A_934 = tpu.vector_load_idx %arg13[%add3A_495, %add3A_932] : memref<128x128xf32, #tpu.memory_space<vmem>>[vector<16xi32>, vector<16xi32>], vector<16xf32>,
        %sub3A_935 = arith.subf %gather3A_934, %gather3A_933 : vector<16xf32>
        %mul3A_936 = arith.mulf %sub3A_935, %sub3A_935 : vector<16xf32>
        %add3A_937 = arith.addf %add3A_929, %mul3A_936 : vector<16xf32>
        %add3A_938 = arith.constant 32 : i32
        %add3A_939 = vector.broadcast %add3A_938 : i32 to vector<16xi32>
        %add3A_940 = arith.addi %and3A_192, %add3A_939 : vector<16xi32>
        %gather3A_941 = tpu.vector_load_idx %arg12[%add3A_495, %add3A_940] : memref<128x128xf32, #tpu.memory_space<vmem>>[vector<16xi32>, vector<16xi32>], vector<16xf32>,
        %gather3A_942 = tpu.vector_load_idx %arg13[%add3A_495, %add3A_940] : memref<128x128xf32, #tpu.memory_space<vmem>>[vector<16xi32>, vector<16xi32>], vector<16xf32>,
        %sub3A_943 = arith.subf %gather3A_942, %gather3A_941 : vector<16xf32>
        %mul3A_944 = arith.mulf %sub3A_943, %sub3A_943 : vector<16xf32>
        %add3A_945 = arith.addf %add3A_937, %mul3A_944 : vector<16xf32>
        %bitcast_convert_type3A_946 = tpu.bitcast %add3A_945 : vector<16xf32> -> vector<16xi32>
        %shift_right_arithmetic3A_947 = arith.constant 1 : i32
        %shift_right_arithmetic3A_948 = vector.broadcast %shift_right_arithmetic3A_947 : i32 to vector<16xi32>
        %shift_right_arithmetic3A_949 = arith.shrsi %bitcast_convert_type3A_946, %shift_right_arithmetic3A_948 : vector<16xi32>
        %sub3A_950 = arith.constant 1597463007 : i32
        %sub3A_951 = vector.broadcast %sub3A_950 : i32 to vector<16xi32>
        %sub3A_952 = arith.subi %sub3A_951, %shift_right_arithmetic3A_949 : vector<16xi32>
        %bitcast_convert_type3A_953 = tpu.bitcast %sub3A_952 : vector<16xi32> -> vector<16xf32>
        %mul3A_954 = arith.constant 5.000000e-01 : f32
        %mul3A_955 = vector.broadcast %mul3A_954 : f32 to vector<16xf32>
        %mul3A_956 = arith.mulf %mul3A_955, %add3A_945 : vector<16xf32>
        %mul3A_957 = arith.mulf %mul3A_956, %bitcast_convert_type3A_953 : vector<16xf32>
        %mul3A_958 = arith.mulf %mul3A_957, %bitcast_convert_type3A_953 : vector<16xf32>
        %sub3A_959 = arith.constant 1.500000e+00 : f32
        %sub3A_960 = vector.broadcast %sub3A_959 : f32 to vector<16xf32>
        %sub3A_961 = arith.subf %sub3A_960, %mul3A_958 : vector<16xf32>
        %mul3A_962 = arith.mulf %bitcast_convert_type3A_953, %sub3A_961 : vector<16xf32>
        %mul3A_963 = arith.constant 5.000000e-01 : f32
        %mul3A_964 = vector.broadcast %mul3A_963 : f32 to vector<16xf32>
        %mul3A_965 = arith.mulf %mul3A_964, %add3A_945 : vector<16xf32>
        %mul3A_966 = arith.mulf %mul3A_965, %mul3A_962 : vector<16xf32>
        %mul3A_967 = arith.mulf %mul3A_966, %mul3A_962 : vector<16xf32>
        %sub3A_968 = arith.constant 1.500000e+00 : f32
        %sub3A_969 = vector.broadcast %sub3A_968 : f32 to vector<16xf32>
        %sub3A_970 = arith.subf %sub3A_969, %mul3A_967 : vector<16xf32>
        %mul3A_971 = arith.mulf %mul3A_962, %sub3A_970 : vector<16xf32>
        %mul3A_972 = arith.constant 5.000000e-01 : f32
        %mul3A_973 = vector.broadcast %mul3A_972 : f32 to vector<16xf32>
        %mul3A_974 = arith.mulf %mul3A_973, %add3A_945 : vector<16xf32>
        %mul3A_975 = arith.mulf %mul3A_974, %mul3A_971 : vector<16xf32>
        %mul3A_976 = arith.mulf %mul3A_975, %mul3A_971 : vector<16xf32>
        %sub3A_977 = arith.constant 1.500000e+00 : f32
        %sub3A_978 = vector.broadcast %sub3A_977 : f32 to vector<16xf32>
        %sub3A_979 = arith.subf %sub3A_978, %mul3A_976 : vector<16xf32>
        %mul3A_980 = arith.mulf %mul3A_971, %sub3A_979 : vector<16xf32>
        %mul3A_981 = arith.mulf %add3A_945, %mul3A_980 : vector<16xf32>
        %add3A_982 = arith.constant 48 : i32
        %add3A_983 = vector.broadcast %add3A_982 : i32 to vector<16xi32>
        %add3A_984 = arith.addi %and3A_102, %add3A_983 : vector<16xi32>
        %gather3A_985 = tpu.vector_load_idx %arg12[%add3A_495, %add3A_984] : memref<128x128xf32, #tpu.memory_space<vmem>>[vector<16xi32>, vector<16xi32>], vector<16xf32>,
        %gather3A_986 = tpu.vector_load_idx %arg13[%add3A_495, %add3A_984] : memref<128x128xf32, #tpu.memory_space<vmem>>[vector<16xi32>, vector<16xi32>], vector<16xf32>,
        %sub3A_987 = arith.subf %gather3A_986, %gather3A_985 : vector<16xf32>
        %mul3A_988 = arith.mulf %sub3A_987, %sub3A_987 : vector<16xf32>
        %add3A_989 = arith.constant 48 : i32
        %add3A_990 = vector.broadcast %add3A_989 : i32 to vector<16xi32>
        %add3A_991 = arith.addi %and3A_108, %add3A_990 : vector<16xi32>
        %gather3A_992 = tpu.vector_load_idx %arg12[%add3A_495, %add3A_991] : memref<128x128xf32, #tpu.memory_space<vmem>>[vector<16xi32>, vector<16xi32>], vector<16xf32>,
        %gather3A_993 = tpu.vector_load_idx %arg13[%add3A_495, %add3A_991] : memref<128x128xf32, #tpu.memory_space<vmem>>[vector<16xi32>, vector<16xi32>], vector<16xf32>,
        %sub3A_994 = arith.subf %gather3A_993, %gather3A_992 : vector<16xf32>
        %mul3A_995 = arith.mulf %sub3A_994, %sub3A_994 : vector<16xf32>
        %add3A_996 = arith.addf %mul3A_988, %mul3A_995 : vector<16xf32>
        %add3A_997 = arith.constant 48 : i32
        %add3A_998 = vector.broadcast %add3A_997 : i32 to vector<16xi32>
        %add3A_999 = arith.addi %and3A_114, %add3A_998 : vector<16xi32>
        %gather3A_1000 = tpu.vector_load_idx %arg12[%add3A_495, %add3A_999] : memref<128x128xf32, #tpu.memory_space<vmem>>[vector<16xi32>, vector<16xi32>], vector<16xf32>,
        %gather3A_1001 = tpu.vector_load_idx %arg13[%add3A_495, %add3A_999] : memref<128x128xf32, #tpu.memory_space<vmem>>[vector<16xi32>, vector<16xi32>], vector<16xf32>,
        %sub3A_1002 = arith.subf %gather3A_1001, %gather3A_1000 : vector<16xf32>
        %mul3A_1003 = arith.mulf %sub3A_1002, %sub3A_1002 : vector<16xf32>
        %add3A_1004 = arith.addf %add3A_996, %mul3A_1003 : vector<16xf32>
        %add3A_1005 = arith.constant 48 : i32
        %add3A_1006 = vector.broadcast %add3A_1005 : i32 to vector<16xi32>
        %add3A_1007 = arith.addi %and3A_120, %add3A_1006 : vector<16xi32>
        %gather3A_1008 = tpu.vector_load_idx %arg12[%add3A_495, %add3A_1007] : memref<128x128xf32, #tpu.memory_space<vmem>>[vector<16xi32>, vector<16xi32>], vector<16xf32>,
        %gather3A_1009 = tpu.vector_load_idx %arg13[%add3A_495, %add3A_1007] : memref<128x128xf32, #tpu.memory_space<vmem>>[vector<16xi32>, vector<16xi32>], vector<16xf32>,
        %sub3A_1010 = arith.subf %gather3A_1009, %gather3A_1008 : vector<16xf32>
        %mul3A_1011 = arith.mulf %sub3A_1010, %sub3A_1010 : vector<16xf32>
        %add3A_1012 = arith.addf %add3A_1004, %mul3A_1011 : vector<16xf32>
        %add3A_1013 = arith.constant 48 : i32
        %add3A_1014 = vector.broadcast %add3A_1013 : i32 to vector<16xi32>
        %add3A_1015 = arith.addi %and3A_126, %add3A_1014 : vector<16xi32>
        %gather3A_1016 = tpu.vector_load_idx %arg12[%add3A_495, %add3A_1015] : memref<128x128xf32, #tpu.memory_space<vmem>>[vector<16xi32>, vector<16xi32>], vector<16xf32>,
        %gather3A_1017 = tpu.vector_load_idx %arg13[%add3A_495, %add3A_1015] : memref<128x128xf32, #tpu.memory_space<vmem>>[vector<16xi32>, vector<16xi32>], vector<16xf32>,
        %sub3A_1018 = arith.subf %gather3A_1017, %gather3A_1016 : vector<16xf32>
        %mul3A_1019 = arith.mulf %sub3A_1018, %sub3A_1018 : vector<16xf32>
        %add3A_1020 = arith.addf %add3A_1012, %mul3A_1019 : vector<16xf32>
        %add3A_1021 = arith.constant 48 : i32
        %add3A_1022 = vector.broadcast %add3A_1021 : i32 to vector<16xi32>
        %add3A_1023 = arith.addi %and3A_132, %add3A_1022 : vector<16xi32>
        %gather3A_1024 = tpu.vector_load_idx %arg12[%add3A_495, %add3A_1023] : memref<128x128xf32, #tpu.memory_space<vmem>>[vector<16xi32>, vector<16xi32>], vector<16xf32>,
        %gather3A_1025 = tpu.vector_load_idx %arg13[%add3A_495, %add3A_1023] : memref<128x128xf32, #tpu.memory_space<vmem>>[vector<16xi32>, vector<16xi32>], vector<16xf32>,
        %sub3A_1026 = arith.subf %gather3A_1025, %gather3A_1024 : vector<16xf32>
        %mul3A_1027 = arith.mulf %sub3A_1026, %sub3A_1026 : vector<16xf32>
        %add3A_1028 = arith.addf %add3A_1020, %mul3A_1027 : vector<16xf32>
        %add3A_1029 = arith.constant 48 : i32
        %add3A_1030 = vector.broadcast %add3A_1029 : i32 to vector<16xi32>
        %add3A_1031 = arith.addi %and3A_138, %add3A_1030 : vector<16xi32>
        %gather3A_1032 = tpu.vector_load_idx %arg12[%add3A_495, %add3A_1031] : memref<128x128xf32, #tpu.memory_space<vmem>>[vector<16xi32>, vector<16xi32>], vector<16xf32>,
        %gather3A_1033 = tpu.vector_load_idx %arg13[%add3A_495, %add3A_1031] : memref<128x128xf32, #tpu.memory_space<vmem>>[vector<16xi32>, vector<16xi32>], vector<16xf32>,
        %sub3A_1034 = arith.subf %gather3A_1033, %gather3A_1032 : vector<16xf32>
        %mul3A_1035 = arith.mulf %sub3A_1034, %sub3A_1034 : vector<16xf32>
        %add3A_1036 = arith.addf %add3A_1028, %mul3A_1035 : vector<16xf32>
        %add3A_1037 = arith.constant 48 : i32
        %add3A_1038 = vector.broadcast %add3A_1037 : i32 to vector<16xi32>
        %add3A_1039 = arith.addi %and3A_144, %add3A_1038 : vector<16xi32>
        %gather3A_1040 = tpu.vector_load_idx %arg12[%add3A_495, %add3A_1039] : memref<128x128xf32, #tpu.memory_space<vmem>>[vector<16xi32>, vector<16xi32>], vector<16xf32>,
        %gather3A_1041 = tpu.vector_load_idx %arg13[%add3A_495, %add3A_1039] : memref<128x128xf32, #tpu.memory_space<vmem>>[vector<16xi32>, vector<16xi32>], vector<16xf32>,
        %sub3A_1042 = arith.subf %gather3A_1041, %gather3A_1040 : vector<16xf32>
        %mul3A_1043 = arith.mulf %sub3A_1042, %sub3A_1042 : vector<16xf32>
        %add3A_1044 = arith.addf %add3A_1036, %mul3A_1043 : vector<16xf32>
        %add3A_1045 = arith.constant 48 : i32
        %add3A_1046 = vector.broadcast %add3A_1045 : i32 to vector<16xi32>
        %add3A_1047 = arith.addi %and3A_150, %add3A_1046 : vector<16xi32>
        %gather3A_1048 = tpu.vector_load_idx %arg12[%add3A_495, %add3A_1047] : memref<128x128xf32, #tpu.memory_space<vmem>>[vector<16xi32>, vector<16xi32>], vector<16xf32>,
        %gather3A_1049 = tpu.vector_load_idx %arg13[%add3A_495, %add3A_1047] : memref<128x128xf32, #tpu.memory_space<vmem>>[vector<16xi32>, vector<16xi32>], vector<16xf32>,
        %sub3A_1050 = arith.subf %gather3A_1049, %gather3A_1048 : vector<16xf32>
        %mul3A_1051 = arith.mulf %sub3A_1050, %sub3A_1050 : vector<16xf32>
        %add3A_1052 = arith.addf %add3A_1044, %mul3A_1051 : vector<16xf32>
        %add3A_1053 = arith.constant 48 : i32
        %add3A_1054 = vector.broadcast %add3A_1053 : i32 to vector<16xi32>
        %add3A_1055 = arith.addi %and3A_156, %add3A_1054 : vector<16xi32>
        %gather3A_1056 = tpu.vector_load_idx %arg12[%add3A_495, %add3A_1055] : memref<128x128xf32, #tpu.memory_space<vmem>>[vector<16xi32>, vector<16xi32>], vector<16xf32>,
        %gather3A_1057 = tpu.vector_load_idx %arg13[%add3A_495, %add3A_1055] : memref<128x128xf32, #tpu.memory_space<vmem>>[vector<16xi32>, vector<16xi32>], vector<16xf32>,
        %sub3A_1058 = arith.subf %gather3A_1057, %gather3A_1056 : vector<16xf32>
        %mul3A_1059 = arith.mulf %sub3A_1058, %sub3A_1058 : vector<16xf32>
        %add3A_1060 = arith.addf %add3A_1052, %mul3A_1059 : vector<16xf32>
        %add3A_1061 = arith.constant 48 : i32
        %add3A_1062 = vector.broadcast %add3A_1061 : i32 to vector<16xi32>
        %add3A_1063 = arith.addi %and3A_162, %add3A_1062 : vector<16xi32>
        %gather3A_1064 = tpu.vector_load_idx %arg12[%add3A_495, %add3A_1063] : memref<128x128xf32, #tpu.memory_space<vmem>>[vector<16xi32>, vector<16xi32>], vector<16xf32>,
        %gather3A_1065 = tpu.vector_load_idx %arg13[%add3A_495, %add3A_1063] : memref<128x128xf32, #tpu.memory_space<vmem>>[vector<16xi32>, vector<16xi32>], vector<16xf32>,
        %sub3A_1066 = arith.subf %gather3A_1065, %gather3A_1064 : vector<16xf32>
        %mul3A_1067 = arith.mulf %sub3A_1066, %sub3A_1066 : vector<16xf32>
        %add3A_1068 = arith.addf %add3A_1060, %mul3A_1067 : vector<16xf32>
        %add3A_1069 = arith.constant 48 : i32
        %add3A_1070 = vector.broadcast %add3A_1069 : i32 to vector<16xi32>
        %add3A_1071 = arith.addi %and3A_168, %add3A_1070 : vector<16xi32>
        %gather3A_1072 = tpu.vector_load_idx %arg12[%add3A_495, %add3A_1071] : memref<128x128xf32, #tpu.memory_space<vmem>>[vector<16xi32>, vector<16xi32>], vector<16xf32>,
        %gather3A_1073 = tpu.vector_load_idx %arg13[%add3A_495, %add3A_1071] : memref<128x128xf32, #tpu.memory_space<vmem>>[vector<16xi32>, vector<16xi32>], vector<16xf32>,
        %sub3A_1074 = arith.subf %gather3A_1073, %gather3A_1072 : vector<16xf32>
        %mul3A_1075 = arith.mulf %sub3A_1074, %sub3A_1074 : vector<16xf32>
        %add3A_1076 = arith.addf %add3A_1068, %mul3A_1075 : vector<16xf32>
        %add3A_1077 = arith.constant 48 : i32
        %add3A_1078 = vector.broadcast %add3A_1077 : i32 to vector<16xi32>
        %add3A_1079 = arith.addi %and3A_174, %add3A_1078 : vector<16xi32>
        %gather3A_1080 = tpu.vector_load_idx %arg12[%add3A_495, %add3A_1079] : memref<128x128xf32, #tpu.memory_space<vmem>>[vector<16xi32>, vector<16xi32>], vector<16xf32>,
        %gather3A_1081 = tpu.vector_load_idx %arg13[%add3A_495, %add3A_1079] : memref<128x128xf32, #tpu.memory_space<vmem>>[vector<16xi32>, vector<16xi32>], vector<16xf32>,
        %sub3A_1082 = arith.subf %gather3A_1081, %gather3A_1080 : vector<16xf32>
        %mul3A_1083 = arith.mulf %sub3A_1082, %sub3A_1082 : vector<16xf32>
        %add3A_1084 = arith.addf %add3A_1076, %mul3A_1083 : vector<16xf32>
        %add3A_1085 = arith.constant 48 : i32
        %add3A_1086 = vector.broadcast %add3A_1085 : i32 to vector<16xi32>
        %add3A_1087 = arith.addi %and3A_180, %add3A_1086 : vector<16xi32>
        %gather3A_1088 = tpu.vector_load_idx %arg12[%add3A_495, %add3A_1087] : memref<128x128xf32, #tpu.memory_space<vmem>>[vector<16xi32>, vector<16xi32>], vector<16xf32>,
        %gather3A_1089 = tpu.vector_load_idx %arg13[%add3A_495, %add3A_1087] : memref<128x128xf32, #tpu.memory_space<vmem>>[vector<16xi32>, vector<16xi32>], vector<16xf32>,
        %sub3A_1090 = arith.subf %gather3A_1089, %gather3A_1088 : vector<16xf32>
        %mul3A_1091 = arith.mulf %sub3A_1090, %sub3A_1090 : vector<16xf32>
        %add3A_1092 = arith.addf %add3A_1084, %mul3A_1091 : vector<16xf32>
        %add3A_1093 = arith.constant 48 : i32
        %add3A_1094 = vector.broadcast %add3A_1093 : i32 to vector<16xi32>
        %add3A_1095 = arith.addi %and3A_186, %add3A_1094 : vector<16xi32>
        %gather3A_1096 = tpu.vector_load_idx %arg12[%add3A_495, %add3A_1095] : memref<128x128xf32, #tpu.memory_space<vmem>>[vector<16xi32>, vector<16xi32>], vector<16xf32>,
        %gather3A_1097 = tpu.vector_load_idx %arg13[%add3A_495, %add3A_1095] : memref<128x128xf32, #tpu.memory_space<vmem>>[vector<16xi32>, vector<16xi32>], vector<16xf32>,
        %sub3A_1098 = arith.subf %gather3A_1097, %gather3A_1096 : vector<16xf32>
        %mul3A_1099 = arith.mulf %sub3A_1098, %sub3A_1098 : vector<16xf32>
        %add3A_1100 = arith.addf %add3A_1092, %mul3A_1099 : vector<16xf32>
        %add3A_1101 = arith.constant 48 : i32
        %add3A_1102 = vector.broadcast %add3A_1101 : i32 to vector<16xi32>
        %add3A_1103 = arith.addi %and3A_192, %add3A_1102 : vector<16xi32>
        %gather3A_1104 = tpu.vector_load_idx %arg12[%add3A_495, %add3A_1103] : memref<128x128xf32, #tpu.memory_space<vmem>>[vector<16xi32>, vector<16xi32>], vector<16xf32>,
        %gather3A_1105 = tpu.vector_load_idx %arg13[%add3A_495, %add3A_1103] : memref<128x128xf32, #tpu.memory_space<vmem>>[vector<16xi32>, vector<16xi32>], vector<16xf32>,
        %sub3A_1106 = arith.subf %gather3A_1105, %gather3A_1104 : vector<16xf32>
        %mul3A_1107 = arith.mulf %sub3A_1106, %sub3A_1106 : vector<16xf32>
        %add3A_1108 = arith.addf %add3A_1100, %mul3A_1107 : vector<16xf32>
        %bitcast_convert_type3A_1109 = tpu.bitcast %add3A_1108 : vector<16xf32> -> vector<16xi32>
        %shift_right_arithmetic3A_1110 = arith.constant 1 : i32
        %shift_right_arithmetic3A_1111 = vector.broadcast %shift_right_arithmetic3A_1110 : i32 to vector<16xi32>
        %shift_right_arithmetic3A_1112 = arith.shrsi %bitcast_convert_type3A_1109, %shift_right_arithmetic3A_1111 : vector<16xi32>
        %sub3A_1113 = arith.constant 1597463007 : i32
        %sub3A_1114 = vector.broadcast %sub3A_1113 : i32 to vector<16xi32>
        %sub3A_1115 = arith.subi %sub3A_1114, %shift_right_arithmetic3A_1112 : vector<16xi32>
        %bitcast_convert_type3A_1116 = tpu.bitcast %sub3A_1115 : vector<16xi32> -> vector<16xf32>
        %mul3A_1117 = arith.constant 5.000000e-01 : f32
        %mul3A_1118 = vector.broadcast %mul3A_1117 : f32 to vector<16xf32>
        %mul3A_1119 = arith.mulf %mul3A_1118, %add3A_1108 : vector<16xf32>
        %mul3A_1120 = arith.mulf %mul3A_1119, %bitcast_convert_type3A_1116 : vector<16xf32>
        %mul3A_1121 = arith.mulf %mul3A_1120, %bitcast_convert_type3A_1116 : vector<16xf32>
        %sub3A_1122 = arith.constant 1.500000e+00 : f32
        %sub3A_1123 = vector.broadcast %sub3A_1122 : f32 to vector<16xf32>
        %sub3A_1124 = arith.subf %sub3A_1123, %mul3A_1121 : vector<16xf32>
        %mul3A_1125 = arith.mulf %bitcast_convert_type3A_1116, %sub3A_1124 : vector<16xf32>
        %mul3A_1126 = arith.constant 5.000000e-01 : f32
        %mul3A_1127 = vector.broadcast %mul3A_1126 : f32 to vector<16xf32>
        %mul3A_1128 = arith.mulf %mul3A_1127, %add3A_1108 : vector<16xf32>
        %mul3A_1129 = arith.mulf %mul3A_1128, %mul3A_1125 : vector<16xf32>
        %mul3A_1130 = arith.mulf %mul3A_1129, %mul3A_1125 : vector<16xf32>
        %sub3A_1131 = arith.constant 1.500000e+00 : f32
        %sub3A_1132 = vector.broadcast %sub3A_1131 : f32 to vector<16xf32>
        %sub3A_1133 = arith.subf %sub3A_1132, %mul3A_1130 : vector<16xf32>
        %mul3A_1134 = arith.mulf %mul3A_1125, %sub3A_1133 : vector<16xf32>
        %mul3A_1135 = arith.constant 5.000000e-01 : f32
        %mul3A_1136 = vector.broadcast %mul3A_1135 : f32 to vector<16xf32>
        %mul3A_1137 = arith.mulf %mul3A_1136, %add3A_1108 : vector<16xf32>
        %mul3A_1138 = arith.mulf %mul3A_1137, %mul3A_1134 : vector<16xf32>
        %mul3A_1139 = arith.mulf %mul3A_1138, %mul3A_1134 : vector<16xf32>
        %sub3A_1140 = arith.constant 1.500000e+00 : f32
        %sub3A_1141 = vector.broadcast %sub3A_1140 : f32 to vector<16xf32>
        %sub3A_1142 = arith.subf %sub3A_1141, %mul3A_1139 : vector<16xf32>
        %mul3A_1143 = arith.mulf %mul3A_1134, %sub3A_1142 : vector<16xf32>
        %mul3A_1144 = arith.mulf %add3A_1108, %mul3A_1143 : vector<16xf32>
        %add3A_1145 = arith.constant 64 : i32
        %add3A_1146 = vector.broadcast %add3A_1145 : i32 to vector<16xi32>
        %add3A_1147 = arith.addi %and3A_102, %add3A_1146 : vector<16xi32>
        %gather3A_1148 = tpu.vector_load_idx %arg12[%add3A_495, %add3A_1147] : memref<128x128xf32, #tpu.memory_space<vmem>>[vector<16xi32>, vector<16xi32>], vector<16xf32>,
        %gather3A_1149 = tpu.vector_load_idx %arg13[%add3A_495, %add3A_1147] : memref<128x128xf32, #tpu.memory_space<vmem>>[vector<16xi32>, vector<16xi32>], vector<16xf32>,
        %sub3A_1150 = arith.subf %gather3A_1149, %gather3A_1148 : vector<16xf32>
        %mul3A_1151 = arith.mulf %sub3A_1150, %sub3A_1150 : vector<16xf32>
        %add3A_1152 = arith.constant 64 : i32
        %add3A_1153 = vector.broadcast %add3A_1152 : i32 to vector<16xi32>
        %add3A_1154 = arith.addi %and3A_108, %add3A_1153 : vector<16xi32>
        %gather3A_1155 = tpu.vector_load_idx %arg12[%add3A_495, %add3A_1154] : memref<128x128xf32, #tpu.memory_space<vmem>>[vector<16xi32>, vector<16xi32>], vector<16xf32>,
        %gather3A_1156 = tpu.vector_load_idx %arg13[%add3A_495, %add3A_1154] : memref<128x128xf32, #tpu.memory_space<vmem>>[vector<16xi32>, vector<16xi32>], vector<16xf32>,
        %sub3A_1157 = arith.subf %gather3A_1156, %gather3A_1155 : vector<16xf32>
        %mul3A_1158 = arith.mulf %sub3A_1157, %sub3A_1157 : vector<16xf32>
        %add3A_1159 = arith.addf %mul3A_1151, %mul3A_1158 : vector<16xf32>
        %add3A_1160 = arith.constant 64 : i32
        %add3A_1161 = vector.broadcast %add3A_1160 : i32 to vector<16xi32>
        %add3A_1162 = arith.addi %and3A_114, %add3A_1161 : vector<16xi32>
        %gather3A_1163 = tpu.vector_load_idx %arg12[%add3A_495, %add3A_1162] : memref<128x128xf32, #tpu.memory_space<vmem>>[vector<16xi32>, vector<16xi32>], vector<16xf32>,
        %gather3A_1164 = tpu.vector_load_idx %arg13[%add3A_495, %add3A_1162] : memref<128x128xf32, #tpu.memory_space<vmem>>[vector<16xi32>, vector<16xi32>], vector<16xf32>,
        %sub3A_1165 = arith.subf %gather3A_1164, %gather3A_1163 : vector<16xf32>
        %mul3A_1166 = arith.mulf %sub3A_1165, %sub3A_1165 : vector<16xf32>
        %add3A_1167 = arith.addf %add3A_1159, %mul3A_1166 : vector<16xf32>
        %add3A_1168 = arith.constant 64 : i32
        %add3A_1169 = vector.broadcast %add3A_1168 : i32 to vector<16xi32>
        %add3A_1170 = arith.addi %and3A_120, %add3A_1169 : vector<16xi32>
        %gather3A_1171 = tpu.vector_load_idx %arg12[%add3A_495, %add3A_1170] : memref<128x128xf32, #tpu.memory_space<vmem>>[vector<16xi32>, vector<16xi32>], vector<16xf32>,
        %gather3A_1172 = tpu.vector_load_idx %arg13[%add3A_495, %add3A_1170] : memref<128x128xf32, #tpu.memory_space<vmem>>[vector<16xi32>, vector<16xi32>], vector<16xf32>,
        %sub3A_1173 = arith.subf %gather3A_1172, %gather3A_1171 : vector<16xf32>
        %mul3A_1174 = arith.mulf %sub3A_1173, %sub3A_1173 : vector<16xf32>
        %add3A_1175 = arith.addf %add3A_1167, %mul3A_1174 : vector<16xf32>
        %add3A_1176 = arith.constant 64 : i32
        %add3A_1177 = vector.broadcast %add3A_1176 : i32 to vector<16xi32>
        %add3A_1178 = arith.addi %and3A_126, %add3A_1177 : vector<16xi32>
        %gather3A_1179 = tpu.vector_load_idx %arg12[%add3A_495, %add3A_1178] : memref<128x128xf32, #tpu.memory_space<vmem>>[vector<16xi32>, vector<16xi32>], vector<16xf32>,
        %gather3A_1180 = tpu.vector_load_idx %arg13[%add3A_495, %add3A_1178] : memref<128x128xf32, #tpu.memory_space<vmem>>[vector<16xi32>, vector<16xi32>], vector<16xf32>,
        %sub3A_1181 = arith.subf %gather3A_1180, %gather3A_1179 : vector<16xf32>
        %mul3A_1182 = arith.mulf %sub3A_1181, %sub3A_1181 : vector<16xf32>
        %add3A_1183 = arith.addf %add3A_1175, %mul3A_1182 : vector<16xf32>
        %add3A_1184 = arith.constant 64 : i32
        %add3A_1185 = vector.broadcast %add3A_1184 : i32 to vector<16xi32>
        %add3A_1186 = arith.addi %and3A_132, %add3A_1185 : vector<16xi32>
        %gather3A_1187 = tpu.vector_load_idx %arg12[%add3A_495, %add3A_1186] : memref<128x128xf32, #tpu.memory_space<vmem>>[vector<16xi32>, vector<16xi32>], vector<16xf32>,
        %gather3A_1188 = tpu.vector_load_idx %arg13[%add3A_495, %add3A_1186] : memref<128x128xf32, #tpu.memory_space<vmem>>[vector<16xi32>, vector<16xi32>], vector<16xf32>,
        %sub3A_1189 = arith.subf %gather3A_1188, %gather3A_1187 : vector<16xf32>
        %mul3A_1190 = arith.mulf %sub3A_1189, %sub3A_1189 : vector<16xf32>
        %add3A_1191 = arith.addf %add3A_1183, %mul3A_1190 : vector<16xf32>
        %add3A_1192 = arith.constant 64 : i32
        %add3A_1193 = vector.broadcast %add3A_1192 : i32 to vector<16xi32>
        %add3A_1194 = arith.addi %and3A_138, %add3A_1193 : vector<16xi32>
        %gather3A_1195 = tpu.vector_load_idx %arg12[%add3A_495, %add3A_1194] : memref<128x128xf32, #tpu.memory_space<vmem>>[vector<16xi32>, vector<16xi32>], vector<16xf32>,
        %gather3A_1196 = tpu.vector_load_idx %arg13[%add3A_495, %add3A_1194] : memref<128x128xf32, #tpu.memory_space<vmem>>[vector<16xi32>, vector<16xi32>], vector<16xf32>,
        %sub3A_1197 = arith.subf %gather3A_1196, %gather3A_1195 : vector<16xf32>
        %mul3A_1198 = arith.mulf %sub3A_1197, %sub3A_1197 : vector<16xf32>
        %add3A_1199 = arith.addf %add3A_1191, %mul3A_1198 : vector<16xf32>
        %add3A_1200 = arith.constant 64 : i32
        %add3A_1201 = vector.broadcast %add3A_1200 : i32 to vector<16xi32>
        %add3A_1202 = arith.addi %and3A_144, %add3A_1201 : vector<16xi32>
        %gather3A_1203 = tpu.vector_load_idx %arg12[%add3A_495, %add3A_1202] : memref<128x128xf32, #tpu.memory_space<vmem>>[vector<16xi32>, vector<16xi32>], vector<16xf32>,
        %gather3A_1204 = tpu.vector_load_idx %arg13[%add3A_495, %add3A_1202] : memref<128x128xf32, #tpu.memory_space<vmem>>[vector<16xi32>, vector<16xi32>], vector<16xf32>,
        %sub3A_1205 = arith.subf %gather3A_1204, %gather3A_1203 : vector<16xf32>
        %mul3A_1206 = arith.mulf %sub3A_1205, %sub3A_1205 : vector<16xf32>
        %add3A_1207 = arith.addf %add3A_1199, %mul3A_1206 : vector<16xf32>
        %add3A_1208 = arith.constant 64 : i32
        %add3A_1209 = vector.broadcast %add3A_1208 : i32 to vector<16xi32>
        %add3A_1210 = arith.addi %and3A_150, %add3A_1209 : vector<16xi32>
        %gather3A_1211 = tpu.vector_load_idx %arg12[%add3A_495, %add3A_1210] : memref<128x128xf32, #tpu.memory_space<vmem>>[vector<16xi32>, vector<16xi32>], vector<16xf32>,
        %gather3A_1212 = tpu.vector_load_idx %arg13[%add3A_495, %add3A_1210] : memref<128x128xf32, #tpu.memory_space<vmem>>[vector<16xi32>, vector<16xi32>], vector<16xf32>,
        %sub3A_1213 = arith.subf %gather3A_1212, %gather3A_1211 : vector<16xf32>
        %mul3A_1214 = arith.mulf %sub3A_1213, %sub3A_1213 : vector<16xf32>
        %add3A_1215 = arith.addf %add3A_1207, %mul3A_1214 : vector<16xf32>
        %add3A_1216 = arith.constant 64 : i32
        %add3A_1217 = vector.broadcast %add3A_1216 : i32 to vector<16xi32>
        %add3A_1218 = arith.addi %and3A_156, %add3A_1217 : vector<16xi32>
        %gather3A_1219 = tpu.vector_load_idx %arg12[%add3A_495, %add3A_1218] : memref<128x128xf32, #tpu.memory_space<vmem>>[vector<16xi32>, vector<16xi32>], vector<16xf32>,
        %gather3A_1220 = tpu.vector_load_idx %arg13[%add3A_495, %add3A_1218] : memref<128x128xf32, #tpu.memory_space<vmem>>[vector<16xi32>, vector<16xi32>], vector<16xf32>,
        %sub3A_1221 = arith.subf %gather3A_1220, %gather3A_1219 : vector<16xf32>
        %mul3A_1222 = arith.mulf %sub3A_1221, %sub3A_1221 : vector<16xf32>
        %add3A_1223 = arith.addf %add3A_1215, %mul3A_1222 : vector<16xf32>
        %add3A_1224 = arith.constant 64 : i32
        %add3A_1225 = vector.broadcast %add3A_1224 : i32 to vector<16xi32>
        %add3A_1226 = arith.addi %and3A_162, %add3A_1225 : vector<16xi32>
        %gather3A_1227 = tpu.vector_load_idx %arg12[%add3A_495, %add3A_1226] : memref<128x128xf32, #tpu.memory_space<vmem>>[vector<16xi32>, vector<16xi32>], vector<16xf32>,
        %gather3A_1228 = tpu.vector_load_idx %arg13[%add3A_495, %add3A_1226] : memref<128x128xf32, #tpu.memory_space<vmem>>[vector<16xi32>, vector<16xi32>], vector<16xf32>,
        %sub3A_1229 = arith.subf %gather3A_1228, %gather3A_1227 : vector<16xf32>
        %mul3A_1230 = arith.mulf %sub3A_1229, %sub3A_1229 : vector<16xf32>
        %add3A_1231 = arith.addf %add3A_1223, %mul3A_1230 : vector<16xf32>
        %add3A_1232 = arith.constant 64 : i32
        %add3A_1233 = vector.broadcast %add3A_1232 : i32 to vector<16xi32>
        %add3A_1234 = arith.addi %and3A_168, %add3A_1233 : vector<16xi32>
        %gather3A_1235 = tpu.vector_load_idx %arg12[%add3A_495, %add3A_1234] : memref<128x128xf32, #tpu.memory_space<vmem>>[vector<16xi32>, vector<16xi32>], vector<16xf32>,
        %gather3A_1236 = tpu.vector_load_idx %arg13[%add3A_495, %add3A_1234] : memref<128x128xf32, #tpu.memory_space<vmem>>[vector<16xi32>, vector<16xi32>], vector<16xf32>,
        %sub3A_1237 = arith.subf %gather3A_1236, %gather3A_1235 : vector<16xf32>
        %mul3A_1238 = arith.mulf %sub3A_1237, %sub3A_1237 : vector<16xf32>
        %add3A_1239 = arith.addf %add3A_1231, %mul3A_1238 : vector<16xf32>
        %add3A_1240 = arith.constant 64 : i32
        %add3A_1241 = vector.broadcast %add3A_1240 : i32 to vector<16xi32>
        %add3A_1242 = arith.addi %and3A_174, %add3A_1241 : vector<16xi32>
        %gather3A_1243 = tpu.vector_load_idx %arg12[%add3A_495, %add3A_1242] : memref<128x128xf32, #tpu.memory_space<vmem>>[vector<16xi32>, vector<16xi32>], vector<16xf32>,
        %gather3A_1244 = tpu.vector_load_idx %arg13[%add3A_495, %add3A_1242] : memref<128x128xf32, #tpu.memory_space<vmem>>[vector<16xi32>, vector<16xi32>], vector<16xf32>,
        %sub3A_1245 = arith.subf %gather3A_1244, %gather3A_1243 : vector<16xf32>
        %mul3A_1246 = arith.mulf %sub3A_1245, %sub3A_1245 : vector<16xf32>
        %add3A_1247 = arith.addf %add3A_1239, %mul3A_1246 : vector<16xf32>
        %add3A_1248 = arith.constant 64 : i32
        %add3A_1249 = vector.broadcast %add3A_1248 : i32 to vector<16xi32>
        %add3A_1250 = arith.addi %and3A_180, %add3A_1249 : vector<16xi32>
        %gather3A_1251 = tpu.vector_load_idx %arg12[%add3A_495, %add3A_1250] : memref<128x128xf32, #tpu.memory_space<vmem>>[vector<16xi32>, vector<16xi32>], vector<16xf32>,
        %gather3A_1252 = tpu.vector_load_idx %arg13[%add3A_495, %add3A_1250] : memref<128x128xf32, #tpu.memory_space<vmem>>[vector<16xi32>, vector<16xi32>], vector<16xf32>,
        %sub3A_1253 = arith.subf %gather3A_1252, %gather3A_1251 : vector<16xf32>
        %mul3A_1254 = arith.mulf %sub3A_1253, %sub3A_1253 : vector<16xf32>
        %add3A_1255 = arith.addf %add3A_1247, %mul3A_1254 : vector<16xf32>
        %add3A_1256 = arith.constant 64 : i32
        %add3A_1257 = vector.broadcast %add3A_1256 : i32 to vector<16xi32>
        %add3A_1258 = arith.addi %and3A_186, %add3A_1257 : vector<16xi32>
        %gather3A_1259 = tpu.vector_load_idx %arg12[%add3A_495, %add3A_1258] : memref<128x128xf32, #tpu.memory_space<vmem>>[vector<16xi32>, vector<16xi32>], vector<16xf32>,
        %gather3A_1260 = tpu.vector_load_idx %arg13[%add3A_495, %add3A_1258] : memref<128x128xf32, #tpu.memory_space<vmem>>[vector<16xi32>, vector<16xi32>], vector<16xf32>,
        %sub3A_1261 = arith.subf %gather3A_1260, %gather3A_1259 : vector<16xf32>
        %mul3A_1262 = arith.mulf %sub3A_1261, %sub3A_1261 : vector<16xf32>
        %add3A_1263 = arith.addf %add3A_1255, %mul3A_1262 : vector<16xf32>
        %add3A_1264 = arith.constant 64 : i32
        %add3A_1265 = vector.broadcast %add3A_1264 : i32 to vector<16xi32>
        %add3A_1266 = arith.addi %and3A_192, %add3A_1265 : vector<16xi32>
        %gather3A_1267 = tpu.vector_load_idx %arg12[%add3A_495, %add3A_1266] : memref<128x128xf32, #tpu.memory_space<vmem>>[vector<16xi32>, vector<16xi32>], vector<16xf32>,
        %gather3A_1268 = tpu.vector_load_idx %arg13[%add3A_495, %add3A_1266] : memref<128x128xf32, #tpu.memory_space<vmem>>[vector<16xi32>, vector<16xi32>], vector<16xf32>,
        %sub3A_1269 = arith.subf %gather3A_1268, %gather3A_1267 : vector<16xf32>
        %mul3A_1270 = arith.mulf %sub3A_1269, %sub3A_1269 : vector<16xf32>
        %add3A_1271 = arith.addf %add3A_1263, %mul3A_1270 : vector<16xf32>
        %bitcast_convert_type3A_1272 = tpu.bitcast %add3A_1271 : vector<16xf32> -> vector<16xi32>
        %shift_right_arithmetic3A_1273 = arith.constant 1 : i32
        %shift_right_arithmetic3A_1274 = vector.broadcast %shift_right_arithmetic3A_1273 : i32 to vector<16xi32>
        %shift_right_arithmetic3A_1275 = arith.shrsi %bitcast_convert_type3A_1272, %shift_right_arithmetic3A_1274 : vector<16xi32>
        %sub3A_1276 = arith.constant 1597463007 : i32
        %sub3A_1277 = vector.broadcast %sub3A_1276 : i32 to vector<16xi32>
        %sub3A_1278 = arith.subi %sub3A_1277, %shift_right_arithmetic3A_1275 : vector<16xi32>
        %bitcast_convert_type3A_1279 = tpu.bitcast %sub3A_1278 : vector<16xi32> -> vector<16xf32>
        %mul3A_1280 = arith.constant 5.000000e-01 : f32
        %mul3A_1281 = vector.broadcast %mul3A_1280 : f32 to vector<16xf32>
        %mul3A_1282 = arith.mulf %mul3A_1281, %add3A_1271 : vector<16xf32>
        %mul3A_1283 = arith.mulf %mul3A_1282, %bitcast_convert_type3A_1279 : vector<16xf32>
        %mul3A_1284 = arith.mulf %mul3A_1283, %bitcast_convert_type3A_1279 : vector<16xf32>
        %sub3A_1285 = arith.constant 1.500000e+00 : f32
        %sub3A_1286 = vector.broadcast %sub3A_1285 : f32 to vector<16xf32>
        %sub3A_1287 = arith.subf %sub3A_1286, %mul3A_1284 : vector<16xf32>
        %mul3A_1288 = arith.mulf %bitcast_convert_type3A_1279, %sub3A_1287 : vector<16xf32>
        %mul3A_1289 = arith.constant 5.000000e-01 : f32
        %mul3A_1290 = vector.broadcast %mul3A_1289 : f32 to vector<16xf32>
        %mul3A_1291 = arith.mulf %mul3A_1290, %add3A_1271 : vector<16xf32>
        %mul3A_1292 = arith.mulf %mul3A_1291, %mul3A_1288 : vector<16xf32>
        %mul3A_1293 = arith.mulf %mul3A_1292, %mul3A_1288 : vector<16xf32>
        %sub3A_1294 = arith.constant 1.500000e+00 : f32
        %sub3A_1295 = vector.broadcast %sub3A_1294 : f32 to vector<16xf32>
        %sub3A_1296 = arith.subf %sub3A_1295, %mul3A_1293 : vector<16xf32>
        %mul3A_1297 = arith.mulf %mul3A_1288, %sub3A_1296 : vector<16xf32>
        %mul3A_1298 = arith.constant 5.000000e-01 : f32
        %mul3A_1299 = vector.broadcast %mul3A_1298 : f32 to vector<16xf32>
        %mul3A_1300 = arith.mulf %mul3A_1299, %add3A_1271 : vector<16xf32>
        %mul3A_1301 = arith.mulf %mul3A_1300, %mul3A_1297 : vector<16xf32>
        %mul3A_1302 = arith.mulf %mul3A_1301, %mul3A_1297 : vector<16xf32>
        %sub3A_1303 = arith.constant 1.500000e+00 : f32
        %sub3A_1304 = vector.broadcast %sub3A_1303 : f32 to vector<16xf32>
        %sub3A_1305 = arith.subf %sub3A_1304, %mul3A_1302 : vector<16xf32>
        %mul3A_1306 = arith.mulf %mul3A_1297, %sub3A_1305 : vector<16xf32>
        %mul3A_1307 = arith.mulf %add3A_1271, %mul3A_1306 : vector<16xf32>
        %add3A_1308 = arith.constant 80 : i32
        %add3A_1309 = vector.broadcast %add3A_1308 : i32 to vector<16xi32>
        %add3A_1310 = arith.addi %and3A_102, %add3A_1309 : vector<16xi32>
        %gather3A_1311 = tpu.vector_load_idx %arg12[%add3A_495, %add3A_1310] : memref<128x128xf32, #tpu.memory_space<vmem>>[vector<16xi32>, vector<16xi32>], vector<16xf32>,
        %gather3A_1312 = tpu.vector_load_idx %arg13[%add3A_495, %add3A_1310] : memref<128x128xf32, #tpu.memory_space<vmem>>[vector<16xi32>, vector<16xi32>], vector<16xf32>,
        %sub3A_1313 = arith.subf %gather3A_1312, %gather3A_1311 : vector<16xf32>
        %mul3A_1314 = arith.mulf %sub3A_1313, %sub3A_1313 : vector<16xf32>
        %add3A_1315 = arith.constant 80 : i32
        %add3A_1316 = vector.broadcast %add3A_1315 : i32 to vector<16xi32>
        %add3A_1317 = arith.addi %and3A_108, %add3A_1316 : vector<16xi32>
        %gather3A_1318 = tpu.vector_load_idx %arg12[%add3A_495, %add3A_1317] : memref<128x128xf32, #tpu.memory_space<vmem>>[vector<16xi32>, vector<16xi32>], vector<16xf32>,
        %gather3A_1319 = tpu.vector_load_idx %arg13[%add3A_495, %add3A_1317] : memref<128x128xf32, #tpu.memory_space<vmem>>[vector<16xi32>, vector<16xi32>], vector<16xf32>,
        %sub3A_1320 = arith.subf %gather3A_1319, %gather3A_1318 : vector<16xf32>
        %mul3A_1321 = arith.mulf %sub3A_1320, %sub3A_1320 : vector<16xf32>
        %add3A_1322 = arith.addf %mul3A_1314, %mul3A_1321 : vector<16xf32>
        %add3A_1323 = arith.constant 80 : i32
        %add3A_1324 = vector.broadcast %add3A_1323 : i32 to vector<16xi32>
        %add3A_1325 = arith.addi %and3A_114, %add3A_1324 : vector<16xi32>
        %gather3A_1326 = tpu.vector_load_idx %arg12[%add3A_495, %add3A_1325] : memref<128x128xf32, #tpu.memory_space<vmem>>[vector<16xi32>, vector<16xi32>], vector<16xf32>,
        %gather3A_1327 = tpu.vector_load_idx %arg13[%add3A_495, %add3A_1325] : memref<128x128xf32, #tpu.memory_space<vmem>>[vector<16xi32>, vector<16xi32>], vector<16xf32>,
        %sub3A_1328 = arith.subf %gather3A_1327, %gather3A_1326 : vector<16xf32>
        %mul3A_1329 = arith.mulf %sub3A_1328, %sub3A_1328 : vector<16xf32>
        %add3A_1330 = arith.addf %add3A_1322, %mul3A_1329 : vector<16xf32>
        %add3A_1331 = arith.constant 80 : i32
        %add3A_1332 = vector.broadcast %add3A_1331 : i32 to vector<16xi32>
        %add3A_1333 = arith.addi %and3A_120, %add3A_1332 : vector<16xi32>
        %gather3A_1334 = tpu.vector_load_idx %arg12[%add3A_495, %add3A_1333] : memref<128x128xf32, #tpu.memory_space<vmem>>[vector<16xi32>, vector<16xi32>], vector<16xf32>,
        %gather3A_1335 = tpu.vector_load_idx %arg13[%add3A_495, %add3A_1333] : memref<128x128xf32, #tpu.memory_space<vmem>>[vector<16xi32>, vector<16xi32>], vector<16xf32>,
        %sub3A_1336 = arith.subf %gather3A_1335, %gather3A_1334 : vector<16xf32>
        %mul3A_1337 = arith.mulf %sub3A_1336, %sub3A_1336 : vector<16xf32>
        %add3A_1338 = arith.addf %add3A_1330, %mul3A_1337 : vector<16xf32>
        %add3A_1339 = arith.constant 80 : i32
        %add3A_1340 = vector.broadcast %add3A_1339 : i32 to vector<16xi32>
        %add3A_1341 = arith.addi %and3A_126, %add3A_1340 : vector<16xi32>
        %gather3A_1342 = tpu.vector_load_idx %arg12[%add3A_495, %add3A_1341] : memref<128x128xf32, #tpu.memory_space<vmem>>[vector<16xi32>, vector<16xi32>], vector<16xf32>,
        %gather3A_1343 = tpu.vector_load_idx %arg13[%add3A_495, %add3A_1341] : memref<128x128xf32, #tpu.memory_space<vmem>>[vector<16xi32>, vector<16xi32>], vector<16xf32>,
        %sub3A_1344 = arith.subf %gather3A_1343, %gather3A_1342 : vector<16xf32>
        %mul3A_1345 = arith.mulf %sub3A_1344, %sub3A_1344 : vector<16xf32>
        %add3A_1346 = arith.addf %add3A_1338, %mul3A_1345 : vector<16xf32>
        %add3A_1347 = arith.constant 80 : i32
        %add3A_1348 = vector.broadcast %add3A_1347 : i32 to vector<16xi32>
        %add3A_1349 = arith.addi %and3A_132, %add3A_1348 : vector<16xi32>
        %gather3A_1350 = tpu.vector_load_idx %arg12[%add3A_495, %add3A_1349] : memref<128x128xf32, #tpu.memory_space<vmem>>[vector<16xi32>, vector<16xi32>], vector<16xf32>,
        %gather3A_1351 = tpu.vector_load_idx %arg13[%add3A_495, %add3A_1349] : memref<128x128xf32, #tpu.memory_space<vmem>>[vector<16xi32>, vector<16xi32>], vector<16xf32>,
        %sub3A_1352 = arith.subf %gather3A_1351, %gather3A_1350 : vector<16xf32>
        %mul3A_1353 = arith.mulf %sub3A_1352, %sub3A_1352 : vector<16xf32>
        %add3A_1354 = arith.addf %add3A_1346, %mul3A_1353 : vector<16xf32>
        %add3A_1355 = arith.constant 80 : i32
        %add3A_1356 = vector.broadcast %add3A_1355 : i32 to vector<16xi32>
        %add3A_1357 = arith.addi %and3A_138, %add3A_1356 : vector<16xi32>
        %gather3A_1358 = tpu.vector_load_idx %arg12[%add3A_495, %add3A_1357] : memref<128x128xf32, #tpu.memory_space<vmem>>[vector<16xi32>, vector<16xi32>], vector<16xf32>,
        %gather3A_1359 = tpu.vector_load_idx %arg13[%add3A_495, %add3A_1357] : memref<128x128xf32, #tpu.memory_space<vmem>>[vector<16xi32>, vector<16xi32>], vector<16xf32>,
        %sub3A_1360 = arith.subf %gather3A_1359, %gather3A_1358 : vector<16xf32>
        %mul3A_1361 = arith.mulf %sub3A_1360, %sub3A_1360 : vector<16xf32>
        %add3A_1362 = arith.addf %add3A_1354, %mul3A_1361 : vector<16xf32>
        %add3A_1363 = arith.constant 80 : i32
        %add3A_1364 = vector.broadcast %add3A_1363 : i32 to vector<16xi32>
        %add3A_1365 = arith.addi %and3A_144, %add3A_1364 : vector<16xi32>
        %gather3A_1366 = tpu.vector_load_idx %arg12[%add3A_495, %add3A_1365] : memref<128x128xf32, #tpu.memory_space<vmem>>[vector<16xi32>, vector<16xi32>], vector<16xf32>,
        %gather3A_1367 = tpu.vector_load_idx %arg13[%add3A_495, %add3A_1365] : memref<128x128xf32, #tpu.memory_space<vmem>>[vector<16xi32>, vector<16xi32>], vector<16xf32>,
        %sub3A_1368 = arith.subf %gather3A_1367, %gather3A_1366 : vector<16xf32>
        %mul3A_1369 = arith.mulf %sub3A_1368, %sub3A_1368 : vector<16xf32>
        %add3A_1370 = arith.addf %add3A_1362, %mul3A_1369 : vector<16xf32>
        %add3A_1371 = arith.constant 80 : i32
        %add3A_1372 = vector.broadcast %add3A_1371 : i32 to vector<16xi32>
        %add3A_1373 = arith.addi %and3A_150, %add3A_1372 : vector<16xi32>
        %gather3A_1374 = tpu.vector_load_idx %arg12[%add3A_495, %add3A_1373] : memref<128x128xf32, #tpu.memory_space<vmem>>[vector<16xi32>, vector<16xi32>], vector<16xf32>,
        %gather3A_1375 = tpu.vector_load_idx %arg13[%add3A_495, %add3A_1373] : memref<128x128xf32, #tpu.memory_space<vmem>>[vector<16xi32>, vector<16xi32>], vector<16xf32>,
        %sub3A_1376 = arith.subf %gather3A_1375, %gather3A_1374 : vector<16xf32>
        %mul3A_1377 = arith.mulf %sub3A_1376, %sub3A_1376 : vector<16xf32>
        %add3A_1378 = arith.addf %add3A_1370, %mul3A_1377 : vector<16xf32>
        %add3A_1379 = arith.constant 80 : i32
        %add3A_1380 = vector.broadcast %add3A_1379 : i32 to vector<16xi32>
        %add3A_1381 = arith.addi %and3A_156, %add3A_1380 : vector<16xi32>
        %gather3A_1382 = tpu.vector_load_idx %arg12[%add3A_495, %add3A_1381] : memref<128x128xf32, #tpu.memory_space<vmem>>[vector<16xi32>, vector<16xi32>], vector<16xf32>,
        %gather3A_1383 = tpu.vector_load_idx %arg13[%add3A_495, %add3A_1381] : memref<128x128xf32, #tpu.memory_space<vmem>>[vector<16xi32>, vector<16xi32>], vector<16xf32>,
        %sub3A_1384 = arith.subf %gather3A_1383, %gather3A_1382 : vector<16xf32>
        %mul3A_1385 = arith.mulf %sub3A_1384, %sub3A_1384 : vector<16xf32>
        %add3A_1386 = arith.addf %add3A_1378, %mul3A_1385 : vector<16xf32>
        %add3A_1387 = arith.constant 80 : i32
        %add3A_1388 = vector.broadcast %add3A_1387 : i32 to vector<16xi32>
        %add3A_1389 = arith.addi %and3A_162, %add3A_1388 : vector<16xi32>
        %gather3A_1390 = tpu.vector_load_idx %arg12[%add3A_495, %add3A_1389] : memref<128x128xf32, #tpu.memory_space<vmem>>[vector<16xi32>, vector<16xi32>], vector<16xf32>,
        %gather3A_1391 = tpu.vector_load_idx %arg13[%add3A_495, %add3A_1389] : memref<128x128xf32, #tpu.memory_space<vmem>>[vector<16xi32>, vector<16xi32>], vector<16xf32>,
        %sub3A_1392 = arith.subf %gather3A_1391, %gather3A_1390 : vector<16xf32>
        %mul3A_1393 = arith.mulf %sub3A_1392, %sub3A_1392 : vector<16xf32>
        %add3A_1394 = arith.addf %add3A_1386, %mul3A_1393 : vector<16xf32>
        %add3A_1395 = arith.constant 80 : i32
        %add3A_1396 = vector.broadcast %add3A_1395 : i32 to vector<16xi32>
        %add3A_1397 = arith.addi %and3A_168, %add3A_1396 : vector<16xi32>
        %gather3A_1398 = tpu.vector_load_idx %arg12[%add3A_495, %add3A_1397] : memref<128x128xf32, #tpu.memory_space<vmem>>[vector<16xi32>, vector<16xi32>], vector<16xf32>,
        %gather3A_1399 = tpu.vector_load_idx %arg13[%add3A_495, %add3A_1397] : memref<128x128xf32, #tpu.memory_space<vmem>>[vector<16xi32>, vector<16xi32>], vector<16xf32>,
        %sub3A_1400 = arith.subf %gather3A_1399, %gather3A_1398 : vector<16xf32>
        %mul3A_1401 = arith.mulf %sub3A_1400, %sub3A_1400 : vector<16xf32>
        %add3A_1402 = arith.addf %add3A_1394, %mul3A_1401 : vector<16xf32>
        %add3A_1403 = arith.constant 80 : i32
        %add3A_1404 = vector.broadcast %add3A_1403 : i32 to vector<16xi32>
        %add3A_1405 = arith.addi %and3A_174, %add3A_1404 : vector<16xi32>
        %gather3A_1406 = tpu.vector_load_idx %arg12[%add3A_495, %add3A_1405] : memref<128x128xf32, #tpu.memory_space<vmem>>[vector<16xi32>, vector<16xi32>], vector<16xf32>,
        %gather3A_1407 = tpu.vector_load_idx %arg13[%add3A_495, %add3A_1405] : memref<128x128xf32, #tpu.memory_space<vmem>>[vector<16xi32>, vector<16xi32>], vector<16xf32>,
        %sub3A_1408 = arith.subf %gather3A_1407, %gather3A_1406 : vector<16xf32>
        %mul3A_1409 = arith.mulf %sub3A_1408, %sub3A_1408 : vector<16xf32>
        %add3A_1410 = arith.addf %add3A_1402, %mul3A_1409 : vector<16xf32>
        %add3A_1411 = arith.constant 80 : i32
        %add3A_1412 = vector.broadcast %add3A_1411 : i32 to vector<16xi32>
        %add3A_1413 = arith.addi %and3A_180, %add3A_1412 : vector<16xi32>
        %gather3A_1414 = tpu.vector_load_idx %arg12[%add3A_495, %add3A_1413] : memref<128x128xf32, #tpu.memory_space<vmem>>[vector<16xi32>, vector<16xi32>], vector<16xf32>,
        %gather3A_1415 = tpu.vector_load_idx %arg13[%add3A_495, %add3A_1413] : memref<128x128xf32, #tpu.memory_space<vmem>>[vector<16xi32>, vector<16xi32>], vector<16xf32>,
        %sub3A_1416 = arith.subf %gather3A_1415, %gather3A_1414 : vector<16xf32>
        %mul3A_1417 = arith.mulf %sub3A_1416, %sub3A_1416 : vector<16xf32>
        %add3A_1418 = arith.addf %add3A_1410, %mul3A_1417 : vector<16xf32>
        %add3A_1419 = arith.constant 80 : i32
        %add3A_1420 = vector.broadcast %add3A_1419 : i32 to vector<16xi32>
        %add3A_1421 = arith.addi %and3A_186, %add3A_1420 : vector<16xi32>
        %gather3A_1422 = tpu.vector_load_idx %arg12[%add3A_495, %add3A_1421] : memref<128x128xf32, #tpu.memory_space<vmem>>[vector<16xi32>, vector<16xi32>], vector<16xf32>,
        %gather3A_1423 = tpu.vector_load_idx %arg13[%add3A_495, %add3A_1421] : memref<128x128xf32, #tpu.memory_space<vmem>>[vector<16xi32>, vector<16xi32>], vector<16xf32>,
        %sub3A_1424 = arith.subf %gather3A_1423, %gather3A_1422 : vector<16xf32>
        %mul3A_1425 = arith.mulf %sub3A_1424, %sub3A_1424 : vector<16xf32>
        %add3A_1426 = arith.addf %add3A_1418, %mul3A_1425 : vector<16xf32>
        %add3A_1427 = arith.constant 80 : i32
        %add3A_1428 = vector.broadcast %add3A_1427 : i32 to vector<16xi32>
        %add3A_1429 = arith.addi %and3A_192, %add3A_1428 : vector<16xi32>
        %gather3A_1430 = tpu.vector_load_idx %arg12[%add3A_495, %add3A_1429] : memref<128x128xf32, #tpu.memory_space<vmem>>[vector<16xi32>, vector<16xi32>], vector<16xf32>,
        %gather3A_1431 = tpu.vector_load_idx %arg13[%add3A_495, %add3A_1429] : memref<128x128xf32, #tpu.memory_space<vmem>>[vector<16xi32>, vector<16xi32>], vector<16xf32>,
        %sub3A_1432 = arith.subf %gather3A_1431, %gather3A_1430 : vector<16xf32>
        %mul3A_1433 = arith.mulf %sub3A_1432, %sub3A_1432 : vector<16xf32>
        %add3A_1434 = arith.addf %add3A_1426, %mul3A_1433 : vector<16xf32>
        %bitcast_convert_type3A_1435 = tpu.bitcast %add3A_1434 : vector<16xf32> -> vector<16xi32>
        %shift_right_arithmetic3A_1436 = arith.constant 1 : i32
        %shift_right_arithmetic3A_1437 = vector.broadcast %shift_right_arithmetic3A_1436 : i32 to vector<16xi32>
        %shift_right_arithmetic3A_1438 = arith.shrsi %bitcast_convert_type3A_1435, %shift_right_arithmetic3A_1437 : vector<16xi32>
        %sub3A_1439 = arith.constant 1597463007 : i32
        %sub3A_1440 = vector.broadcast %sub3A_1439 : i32 to vector<16xi32>
        %sub3A_1441 = arith.subi %sub3A_1440, %shift_right_arithmetic3A_1438 : vector<16xi32>
        %bitcast_convert_type3A_1442 = tpu.bitcast %sub3A_1441 : vector<16xi32> -> vector<16xf32>
        %mul3A_1443 = arith.constant 5.000000e-01 : f32
        %mul3A_1444 = vector.broadcast %mul3A_1443 : f32 to vector<16xf32>
        %mul3A_1445 = arith.mulf %mul3A_1444, %add3A_1434 : vector<16xf32>
        %mul3A_1446 = arith.mulf %mul3A_1445, %bitcast_convert_type3A_1442 : vector<16xf32>
        %mul3A_1447 = arith.mulf %mul3A_1446, %bitcast_convert_type3A_1442 : vector<16xf32>
        %sub3A_1448 = arith.constant 1.500000e+00 : f32
        %sub3A_1449 = vector.broadcast %sub3A_1448 : f32 to vector<16xf32>
        %sub3A_1450 = arith.subf %sub3A_1449, %mul3A_1447 : vector<16xf32>
        %mul3A_1451 = arith.mulf %bitcast_convert_type3A_1442, %sub3A_1450 : vector<16xf32>
        %mul3A_1452 = arith.constant 5.000000e-01 : f32
        %mul3A_1453 = vector.broadcast %mul3A_1452 : f32 to vector<16xf32>
        %mul3A_1454 = arith.mulf %mul3A_1453, %add3A_1434 : vector<16xf32>
        %mul3A_1455 = arith.mulf %mul3A_1454, %mul3A_1451 : vector<16xf32>
        %mul3A_1456 = arith.mulf %mul3A_1455, %mul3A_1451 : vector<16xf32>
        %sub3A_1457 = arith.constant 1.500000e+00 : f32
        %sub3A_1458 = vector.broadcast %sub3A_1457 : f32 to vector<16xf32>
        %sub3A_1459 = arith.subf %sub3A_1458, %mul3A_1456 : vector<16xf32>
        %mul3A_1460 = arith.mulf %mul3A_1451, %sub3A_1459 : vector<16xf32>
        %mul3A_1461 = arith.constant 5.000000e-01 : f32
        %mul3A_1462 = vector.broadcast %mul3A_1461 : f32 to vector<16xf32>
        %mul3A_1463 = arith.mulf %mul3A_1462, %add3A_1434 : vector<16xf32>
        %mul3A_1464 = arith.mulf %mul3A_1463, %mul3A_1460 : vector<16xf32>
        %mul3A_1465 = arith.mulf %mul3A_1464, %mul3A_1460 : vector<16xf32>
        %sub3A_1466 = arith.constant 1.500000e+00 : f32
        %sub3A_1467 = vector.broadcast %sub3A_1466 : f32 to vector<16xf32>
        %sub3A_1468 = arith.subf %sub3A_1467, %mul3A_1465 : vector<16xf32>
        %mul3A_1469 = arith.mulf %mul3A_1460, %sub3A_1468 : vector<16xf32>
        %mul3A_1470 = arith.mulf %add3A_1434, %mul3A_1469 : vector<16xf32>
        %add3A_1471 = arith.constant 96 : i32
        %add3A_1472 = vector.broadcast %add3A_1471 : i32 to vector<16xi32>
        %add3A_1473 = arith.addi %and3A_102, %add3A_1472 : vector<16xi32>
        %gather3A_1474 = tpu.vector_load_idx %arg12[%add3A_495, %add3A_1473] : memref<128x128xf32, #tpu.memory_space<vmem>>[vector<16xi32>, vector<16xi32>], vector<16xf32>,
        %gather3A_1475 = tpu.vector_load_idx %arg13[%add3A_495, %add3A_1473] : memref<128x128xf32, #tpu.memory_space<vmem>>[vector<16xi32>, vector<16xi32>], vector<16xf32>,
        %sub3A_1476 = arith.subf %gather3A_1475, %gather3A_1474 : vector<16xf32>
        %mul3A_1477 = arith.mulf %sub3A_1476, %sub3A_1476 : vector<16xf32>
        %add3A_1478 = arith.constant 96 : i32
        %add3A_1479 = vector.broadcast %add3A_1478 : i32 to vector<16xi32>
        %add3A_1480 = arith.addi %and3A_108, %add3A_1479 : vector<16xi32>
        %gather3A_1481 = tpu.vector_load_idx %arg12[%add3A_495, %add3A_1480] : memref<128x128xf32, #tpu.memory_space<vmem>>[vector<16xi32>, vector<16xi32>], vector<16xf32>,
        %gather3A_1482 = tpu.vector_load_idx %arg13[%add3A_495, %add3A_1480] : memref<128x128xf32, #tpu.memory_space<vmem>>[vector<16xi32>, vector<16xi32>], vector<16xf32>,
        %sub3A_1483 = arith.subf %gather3A_1482, %gather3A_1481 : vector<16xf32>
        %mul3A_1484 = arith.mulf %sub3A_1483, %sub3A_1483 : vector<16xf32>
        %add3A_1485 = arith.addf %mul3A_1477, %mul3A_1484 : vector<16xf32>
        %add3A_1486 = arith.constant 96 : i32
        %add3A_1487 = vector.broadcast %add3A_1486 : i32 to vector<16xi32>
        %add3A_1488 = arith.addi %and3A_114, %add3A_1487 : vector<16xi32>
        %gather3A_1489 = tpu.vector_load_idx %arg12[%add3A_495, %add3A_1488] : memref<128x128xf32, #tpu.memory_space<vmem>>[vector<16xi32>, vector<16xi32>], vector<16xf32>,
        %gather3A_1490 = tpu.vector_load_idx %arg13[%add3A_495, %add3A_1488] : memref<128x128xf32, #tpu.memory_space<vmem>>[vector<16xi32>, vector<16xi32>], vector<16xf32>,
        %sub3A_1491 = arith.subf %gather3A_1490, %gather3A_1489 : vector<16xf32>
        %mul3A_1492 = arith.mulf %sub3A_1491, %sub3A_1491 : vector<16xf32>
        %add3A_1493 = arith.addf %add3A_1485, %mul3A_1492 : vector<16xf32>
        %add3A_1494 = arith.constant 96 : i32
        %add3A_1495 = vector.broadcast %add3A_1494 : i32 to vector<16xi32>
        %add3A_1496 = arith.addi %and3A_120, %add3A_1495 : vector<16xi32>
        %gather3A_1497 = tpu.vector_load_idx %arg12[%add3A_495, %add3A_1496] : memref<128x128xf32, #tpu.memory_space<vmem>>[vector<16xi32>, vector<16xi32>], vector<16xf32>,
        %gather3A_1498 = tpu.vector_load_idx %arg13[%add3A_495, %add3A_1496] : memref<128x128xf32, #tpu.memory_space<vmem>>[vector<16xi32>, vector<16xi32>], vector<16xf32>,
        %sub3A_1499 = arith.subf %gather3A_1498, %gather3A_1497 : vector<16xf32>
        %mul3A_1500 = arith.mulf %sub3A_1499, %sub3A_1499 : vector<16xf32>
        %add3A_1501 = arith.addf %add3A_1493, %mul3A_1500 : vector<16xf32>
        %add3A_1502 = arith.constant 96 : i32
        %add3A_1503 = vector.broadcast %add3A_1502 : i32 to vector<16xi32>
        %add3A_1504 = arith.addi %and3A_126, %add3A_1503 : vector<16xi32>
        %gather3A_1505 = tpu.vector_load_idx %arg12[%add3A_495, %add3A_1504] : memref<128x128xf32, #tpu.memory_space<vmem>>[vector<16xi32>, vector<16xi32>], vector<16xf32>,
        %gather3A_1506 = tpu.vector_load_idx %arg13[%add3A_495, %add3A_1504] : memref<128x128xf32, #tpu.memory_space<vmem>>[vector<16xi32>, vector<16xi32>], vector<16xf32>,
        %sub3A_1507 = arith.subf %gather3A_1506, %gather3A_1505 : vector<16xf32>
        %mul3A_1508 = arith.mulf %sub3A_1507, %sub3A_1507 : vector<16xf32>
        %add3A_1509 = arith.addf %add3A_1501, %mul3A_1508 : vector<16xf32>
        %add3A_1510 = arith.constant 96 : i32
        %add3A_1511 = vector.broadcast %add3A_1510 : i32 to vector<16xi32>
        %add3A_1512 = arith.addi %and3A_132, %add3A_1511 : vector<16xi32>
        %gather3A_1513 = tpu.vector_load_idx %arg12[%add3A_495, %add3A_1512] : memref<128x128xf32, #tpu.memory_space<vmem>>[vector<16xi32>, vector<16xi32>], vector<16xf32>,
        %gather3A_1514 = tpu.vector_load_idx %arg13[%add3A_495, %add3A_1512] : memref<128x128xf32, #tpu.memory_space<vmem>>[vector<16xi32>, vector<16xi32>], vector<16xf32>,
        %sub3A_1515 = arith.subf %gather3A_1514, %gather3A_1513 : vector<16xf32>
        %mul3A_1516 = arith.mulf %sub3A_1515, %sub3A_1515 : vector<16xf32>
        %add3A_1517 = arith.addf %add3A_1509, %mul3A_1516 : vector<16xf32>
        %add3A_1518 = arith.constant 96 : i32
        %add3A_1519 = vector.broadcast %add3A_1518 : i32 to vector<16xi32>
        %add3A_1520 = arith.addi %and3A_138, %add3A_1519 : vector<16xi32>
        %gather3A_1521 = tpu.vector_load_idx %arg12[%add3A_495, %add3A_1520] : memref<128x128xf32, #tpu.memory_space<vmem>>[vector<16xi32>, vector<16xi32>], vector<16xf32>,
        %gather3A_1522 = tpu.vector_load_idx %arg13[%add3A_495, %add3A_1520] : memref<128x128xf32, #tpu.memory_space<vmem>>[vector<16xi32>, vector<16xi32>], vector<16xf32>,
        %sub3A_1523 = arith.subf %gather3A_1522, %gather3A_1521 : vector<16xf32>
        %mul3A_1524 = arith.mulf %sub3A_1523, %sub3A_1523 : vector<16xf32>
        %add3A_1525 = arith.addf %add3A_1517, %mul3A_1524 : vector<16xf32>
        %add3A_1526 = arith.constant 96 : i32
        %add3A_1527 = vector.broadcast %add3A_1526 : i32 to vector<16xi32>
        %add3A_1528 = arith.addi %and3A_144, %add3A_1527 : vector<16xi32>
        %gather3A_1529 = tpu.vector_load_idx %arg12[%add3A_495, %add3A_1528] : memref<128x128xf32, #tpu.memory_space<vmem>>[vector<16xi32>, vector<16xi32>], vector<16xf32>,
        %gather3A_1530 = tpu.vector_load_idx %arg13[%add3A_495, %add3A_1528] : memref<128x128xf32, #tpu.memory_space<vmem>>[vector<16xi32>, vector<16xi32>], vector<16xf32>,
        %sub3A_1531 = arith.subf %gather3A_1530, %gather3A_1529 : vector<16xf32>
        %mul3A_1532 = arith.mulf %sub3A_1531, %sub3A_1531 : vector<16xf32>
        %add3A_1533 = arith.addf %add3A_1525, %mul3A_1532 : vector<16xf32>
        %add3A_1534 = arith.constant 96 : i32
        %add3A_1535 = vector.broadcast %add3A_1534 : i32 to vector<16xi32>
        %add3A_1536 = arith.addi %and3A_150, %add3A_1535 : vector<16xi32>
        %gather3A_1537 = tpu.vector_load_idx %arg12[%add3A_495, %add3A_1536] : memref<128x128xf32, #tpu.memory_space<vmem>>[vector<16xi32>, vector<16xi32>], vector<16xf32>,
        %gather3A_1538 = tpu.vector_load_idx %arg13[%add3A_495, %add3A_1536] : memref<128x128xf32, #tpu.memory_space<vmem>>[vector<16xi32>, vector<16xi32>], vector<16xf32>,
        %sub3A_1539 = arith.subf %gather3A_1538, %gather3A_1537 : vector<16xf32>
        %mul3A_1540 = arith.mulf %sub3A_1539, %sub3A_1539 : vector<16xf32>
        %add3A_1541 = arith.addf %add3A_1533, %mul3A_1540 : vector<16xf32>
        %add3A_1542 = arith.constant 96 : i32
        %add3A_1543 = vector.broadcast %add3A_1542 : i32 to vector<16xi32>
        %add3A_1544 = arith.addi %and3A_156, %add3A_1543 : vector<16xi32>
        %gather3A_1545 = tpu.vector_load_idx %arg12[%add3A_495, %add3A_1544] : memref<128x128xf32, #tpu.memory_space<vmem>>[vector<16xi32>, vector<16xi32>], vector<16xf32>,
        %gather3A_1546 = tpu.vector_load_idx %arg13[%add3A_495, %add3A_1544] : memref<128x128xf32, #tpu.memory_space<vmem>>[vector<16xi32>, vector<16xi32>], vector<16xf32>,
        %sub3A_1547 = arith.subf %gather3A_1546, %gather3A_1545 : vector<16xf32>
        %mul3A_1548 = arith.mulf %sub3A_1547, %sub3A_1547 : vector<16xf32>
        %add3A_1549 = arith.addf %add3A_1541, %mul3A_1548 : vector<16xf32>
        %add3A_1550 = arith.constant 96 : i32
        %add3A_1551 = vector.broadcast %add3A_1550 : i32 to vector<16xi32>
        %add3A_1552 = arith.addi %and3A_162, %add3A_1551 : vector<16xi32>
        %gather3A_1553 = tpu.vector_load_idx %arg12[%add3A_495, %add3A_1552] : memref<128x128xf32, #tpu.memory_space<vmem>>[vector<16xi32>, vector<16xi32>], vector<16xf32>,
        %gather3A_1554 = tpu.vector_load_idx %arg13[%add3A_495, %add3A_1552] : memref<128x128xf32, #tpu.memory_space<vmem>>[vector<16xi32>, vector<16xi32>], vector<16xf32>,
        %sub3A_1555 = arith.subf %gather3A_1554, %gather3A_1553 : vector<16xf32>
        %mul3A_1556 = arith.mulf %sub3A_1555, %sub3A_1555 : vector<16xf32>
        %add3A_1557 = arith.addf %add3A_1549, %mul3A_1556 : vector<16xf32>
        %add3A_1558 = arith.constant 96 : i32
        %add3A_1559 = vector.broadcast %add3A_1558 : i32 to vector<16xi32>
        %add3A_1560 = arith.addi %and3A_168, %add3A_1559 : vector<16xi32>
        %gather3A_1561 = tpu.vector_load_idx %arg12[%add3A_495, %add3A_1560] : memref<128x128xf32, #tpu.memory_space<vmem>>[vector<16xi32>, vector<16xi32>], vector<16xf32>,
        %gather3A_1562 = tpu.vector_load_idx %arg13[%add3A_495, %add3A_1560] : memref<128x128xf32, #tpu.memory_space<vmem>>[vector<16xi32>, vector<16xi32>], vector<16xf32>,
        %sub3A_1563 = arith.subf %gather3A_1562, %gather3A_1561 : vector<16xf32>
        %mul3A_1564 = arith.mulf %sub3A_1563, %sub3A_1563 : vector<16xf32>
        %add3A_1565 = arith.addf %add3A_1557, %mul3A_1564 : vector<16xf32>
        %add3A_1566 = arith.constant 96 : i32
        %add3A_1567 = vector.broadcast %add3A_1566 : i32 to vector<16xi32>
        %add3A_1568 = arith.addi %and3A_174, %add3A_1567 : vector<16xi32>
        %gather3A_1569 = tpu.vector_load_idx %arg12[%add3A_495, %add3A_1568] : memref<128x128xf32, #tpu.memory_space<vmem>>[vector<16xi32>, vector<16xi32>], vector<16xf32>,
        %gather3A_1570 = tpu.vector_load_idx %arg13[%add3A_495, %add3A_1568] : memref<128x128xf32, #tpu.memory_space<vmem>>[vector<16xi32>, vector<16xi32>], vector<16xf32>,
        %sub3A_1571 = arith.subf %gather3A_1570, %gather3A_1569 : vector<16xf32>
        %mul3A_1572 = arith.mulf %sub3A_1571, %sub3A_1571 : vector<16xf32>
        %add3A_1573 = arith.addf %add3A_1565, %mul3A_1572 : vector<16xf32>
        %add3A_1574 = arith.constant 96 : i32
        %add3A_1575 = vector.broadcast %add3A_1574 : i32 to vector<16xi32>
        %add3A_1576 = arith.addi %and3A_180, %add3A_1575 : vector<16xi32>
        %gather3A_1577 = tpu.vector_load_idx %arg12[%add3A_495, %add3A_1576] : memref<128x128xf32, #tpu.memory_space<vmem>>[vector<16xi32>, vector<16xi32>], vector<16xf32>,
        %gather3A_1578 = tpu.vector_load_idx %arg13[%add3A_495, %add3A_1576] : memref<128x128xf32, #tpu.memory_space<vmem>>[vector<16xi32>, vector<16xi32>], vector<16xf32>,
        %sub3A_1579 = arith.subf %gather3A_1578, %gather3A_1577 : vector<16xf32>
        %mul3A_1580 = arith.mulf %sub3A_1579, %sub3A_1579 : vector<16xf32>
        %add3A_1581 = arith.addf %add3A_1573, %mul3A_1580 : vector<16xf32>
        %add3A_1582 = arith.constant 96 : i32
        %add3A_1583 = vector.broadcast %add3A_1582 : i32 to vector<16xi32>
        %add3A_1584 = arith.addi %and3A_186, %add3A_1583 : vector<16xi32>
        %gather3A_1585 = tpu.vector_load_idx %arg12[%add3A_495, %add3A_1584] : memref<128x128xf32, #tpu.memory_space<vmem>>[vector<16xi32>, vector<16xi32>], vector<16xf32>,
        %gather3A_1586 = tpu.vector_load_idx %arg13[%add3A_495, %add3A_1584] : memref<128x128xf32, #tpu.memory_space<vmem>>[vector<16xi32>, vector<16xi32>], vector<16xf32>,
        %sub3A_1587 = arith.subf %gather3A_1586, %gather3A_1585 : vector<16xf32>
        %mul3A_1588 = arith.mulf %sub3A_1587, %sub3A_1587 : vector<16xf32>
        %add3A_1589 = arith.addf %add3A_1581, %mul3A_1588 : vector<16xf32>
        %add3A_1590 = arith.constant 96 : i32
        %add3A_1591 = vector.broadcast %add3A_1590 : i32 to vector<16xi32>
        %add3A_1592 = arith.addi %and3A_192, %add3A_1591 : vector<16xi32>
        %gather3A_1593 = tpu.vector_load_idx %arg12[%add3A_495, %add3A_1592] : memref<128x128xf32, #tpu.memory_space<vmem>>[vector<16xi32>, vector<16xi32>], vector<16xf32>,
        %gather3A_1594 = tpu.vector_load_idx %arg13[%add3A_495, %add3A_1592] : memref<128x128xf32, #tpu.memory_space<vmem>>[vector<16xi32>, vector<16xi32>], vector<16xf32>,
        %sub3A_1595 = arith.subf %gather3A_1594, %gather3A_1593 : vector<16xf32>
        %mul3A_1596 = arith.mulf %sub3A_1595, %sub3A_1595 : vector<16xf32>
        %add3A_1597 = arith.addf %add3A_1589, %mul3A_1596 : vector<16xf32>
        %bitcast_convert_type3A_1598 = tpu.bitcast %add3A_1597 : vector<16xf32> -> vector<16xi32>
        %shift_right_arithmetic3A_1599 = arith.constant 1 : i32
        %shift_right_arithmetic3A_1600 = vector.broadcast %shift_right_arithmetic3A_1599 : i32 to vector<16xi32>
        %shift_right_arithmetic3A_1601 = arith.shrsi %bitcast_convert_type3A_1598, %shift_right_arithmetic3A_1600 : vector<16xi32>
        %sub3A_1602 = arith.constant 1597463007 : i32
        %sub3A_1603 = vector.broadcast %sub3A_1602 : i32 to vector<16xi32>
        %sub3A_1604 = arith.subi %sub3A_1603, %shift_right_arithmetic3A_1601 : vector<16xi32>
        %bitcast_convert_type3A_1605 = tpu.bitcast %sub3A_1604 : vector<16xi32> -> vector<16xf32>
        %mul3A_1606 = arith.constant 5.000000e-01 : f32
        %mul3A_1607 = vector.broadcast %mul3A_1606 : f32 to vector<16xf32>
        %mul3A_1608 = arith.mulf %mul3A_1607, %add3A_1597 : vector<16xf32>
        %mul3A_1609 = arith.mulf %mul3A_1608, %bitcast_convert_type3A_1605 : vector<16xf32>
        %mul3A_1610 = arith.mulf %mul3A_1609, %bitcast_convert_type3A_1605 : vector<16xf32>
        %sub3A_1611 = arith.constant 1.500000e+00 : f32
        %sub3A_1612 = vector.broadcast %sub3A_1611 : f32 to vector<16xf32>
        %sub3A_1613 = arith.subf %sub3A_1612, %mul3A_1610 : vector<16xf32>
        %mul3A_1614 = arith.mulf %bitcast_convert_type3A_1605, %sub3A_1613 : vector<16xf32>
        %mul3A_1615 = arith.constant 5.000000e-01 : f32
        %mul3A_1616 = vector.broadcast %mul3A_1615 : f32 to vector<16xf32>
        %mul3A_1617 = arith.mulf %mul3A_1616, %add3A_1597 : vector<16xf32>
        %mul3A_1618 = arith.mulf %mul3A_1617, %mul3A_1614 : vector<16xf32>
        %mul3A_1619 = arith.mulf %mul3A_1618, %mul3A_1614 : vector<16xf32>
        %sub3A_1620 = arith.constant 1.500000e+00 : f32
        %sub3A_1621 = vector.broadcast %sub3A_1620 : f32 to vector<16xf32>
        %sub3A_1622 = arith.subf %sub3A_1621, %mul3A_1619 : vector<16xf32>
        %mul3A_1623 = arith.mulf %mul3A_1614, %sub3A_1622 : vector<16xf32>
        %mul3A_1624 = arith.constant 5.000000e-01 : f32
        %mul3A_1625 = vector.broadcast %mul3A_1624 : f32 to vector<16xf32>
        %mul3A_1626 = arith.mulf %mul3A_1625, %add3A_1597 : vector<16xf32>
        %mul3A_1627 = arith.mulf %mul3A_1626, %mul3A_1623 : vector<16xf32>
        %mul3A_1628 = arith.mulf %mul3A_1627, %mul3A_1623 : vector<16xf32>
        %sub3A_1629 = arith.constant 1.500000e+00 : f32
        %sub3A_1630 = vector.broadcast %sub3A_1629 : f32 to vector<16xf32>
        %sub3A_1631 = arith.subf %sub3A_1630, %mul3A_1628 : vector<16xf32>
        %mul3A_1632 = arith.mulf %mul3A_1623, %sub3A_1631 : vector<16xf32>
        %mul3A_1633 = arith.mulf %add3A_1597, %mul3A_1632 : vector<16xf32>
        %add3A_1634 = arith.constant 112 : i32
        %add3A_1635 = vector.broadcast %add3A_1634 : i32 to vector<16xi32>
        %add3A_1636 = arith.addi %and3A_102, %add3A_1635 : vector<16xi32>
        %gather3A_1637 = tpu.vector_load_idx %arg12[%add3A_495, %add3A_1636] : memref<128x128xf32, #tpu.memory_space<vmem>>[vector<16xi32>, vector<16xi32>], vector<16xf32>,
        %gather3A_1638 = tpu.vector_load_idx %arg13[%add3A_495, %add3A_1636] : memref<128x128xf32, #tpu.memory_space<vmem>>[vector<16xi32>, vector<16xi32>], vector<16xf32>,
        %sub3A_1639 = arith.subf %gather3A_1638, %gather3A_1637 : vector<16xf32>
        %mul3A_1640 = arith.mulf %sub3A_1639, %sub3A_1639 : vector<16xf32>
        %add3A_1641 = arith.constant 112 : i32
        %add3A_1642 = vector.broadcast %add3A_1641 : i32 to vector<16xi32>
        %add3A_1643 = arith.addi %and3A_108, %add3A_1642 : vector<16xi32>
        %gather3A_1644 = tpu.vector_load_idx %arg12[%add3A_495, %add3A_1643] : memref<128x128xf32, #tpu.memory_space<vmem>>[vector<16xi32>, vector<16xi32>], vector<16xf32>,
        %gather3A_1645 = tpu.vector_load_idx %arg13[%add3A_495, %add3A_1643] : memref<128x128xf32, #tpu.memory_space<vmem>>[vector<16xi32>, vector<16xi32>], vector<16xf32>,
        %sub3A_1646 = arith.subf %gather3A_1645, %gather3A_1644 : vector<16xf32>
        %mul3A_1647 = arith.mulf %sub3A_1646, %sub3A_1646 : vector<16xf32>
        %add3A_1648 = arith.addf %mul3A_1640, %mul3A_1647 : vector<16xf32>
        %add3A_1649 = arith.constant 112 : i32
        %add3A_1650 = vector.broadcast %add3A_1649 : i32 to vector<16xi32>
        %add3A_1651 = arith.addi %and3A_114, %add3A_1650 : vector<16xi32>
        %gather3A_1652 = tpu.vector_load_idx %arg12[%add3A_495, %add3A_1651] : memref<128x128xf32, #tpu.memory_space<vmem>>[vector<16xi32>, vector<16xi32>], vector<16xf32>,
        %gather3A_1653 = tpu.vector_load_idx %arg13[%add3A_495, %add3A_1651] : memref<128x128xf32, #tpu.memory_space<vmem>>[vector<16xi32>, vector<16xi32>], vector<16xf32>,
        %sub3A_1654 = arith.subf %gather3A_1653, %gather3A_1652 : vector<16xf32>
        %mul3A_1655 = arith.mulf %sub3A_1654, %sub3A_1654 : vector<16xf32>
        %add3A_1656 = arith.addf %add3A_1648, %mul3A_1655 : vector<16xf32>
        %add3A_1657 = arith.constant 112 : i32
        %add3A_1658 = vector.broadcast %add3A_1657 : i32 to vector<16xi32>
        %add3A_1659 = arith.addi %and3A_120, %add3A_1658 : vector<16xi32>
        %gather3A_1660 = tpu.vector_load_idx %arg12[%add3A_495, %add3A_1659] : memref<128x128xf32, #tpu.memory_space<vmem>>[vector<16xi32>, vector<16xi32>], vector<16xf32>,
        %gather3A_1661 = tpu.vector_load_idx %arg13[%add3A_495, %add3A_1659] : memref<128x128xf32, #tpu.memory_space<vmem>>[vector<16xi32>, vector<16xi32>], vector<16xf32>,
        %sub3A_1662 = arith.subf %gather3A_1661, %gather3A_1660 : vector<16xf32>
        %mul3A_1663 = arith.mulf %sub3A_1662, %sub3A_1662 : vector<16xf32>
        %add3A_1664 = arith.addf %add3A_1656, %mul3A_1663 : vector<16xf32>
        %add3A_1665 = arith.constant 112 : i32
        %add3A_1666 = vector.broadcast %add3A_1665 : i32 to vector<16xi32>
        %add3A_1667 = arith.addi %and3A_126, %add3A_1666 : vector<16xi32>
        %gather3A_1668 = tpu.vector_load_idx %arg12[%add3A_495, %add3A_1667] : memref<128x128xf32, #tpu.memory_space<vmem>>[vector<16xi32>, vector<16xi32>], vector<16xf32>,
        %gather3A_1669 = tpu.vector_load_idx %arg13[%add3A_495, %add3A_1667] : memref<128x128xf32, #tpu.memory_space<vmem>>[vector<16xi32>, vector<16xi32>], vector<16xf32>,
        %sub3A_1670 = arith.subf %gather3A_1669, %gather3A_1668 : vector<16xf32>
        %mul3A_1671 = arith.mulf %sub3A_1670, %sub3A_1670 : vector<16xf32>
        %add3A_1672 = arith.addf %add3A_1664, %mul3A_1671 : vector<16xf32>
        %add3A_1673 = arith.constant 112 : i32
        %add3A_1674 = vector.broadcast %add3A_1673 : i32 to vector<16xi32>
        %add3A_1675 = arith.addi %and3A_132, %add3A_1674 : vector<16xi32>
        %gather3A_1676 = tpu.vector_load_idx %arg12[%add3A_495, %add3A_1675] : memref<128x128xf32, #tpu.memory_space<vmem>>[vector<16xi32>, vector<16xi32>], vector<16xf32>,
        %gather3A_1677 = tpu.vector_load_idx %arg13[%add3A_495, %add3A_1675] : memref<128x128xf32, #tpu.memory_space<vmem>>[vector<16xi32>, vector<16xi32>], vector<16xf32>,
        %sub3A_1678 = arith.subf %gather3A_1677, %gather3A_1676 : vector<16xf32>
        %mul3A_1679 = arith.mulf %sub3A_1678, %sub3A_1678 : vector<16xf32>
        %add3A_1680 = arith.addf %add3A_1672, %mul3A_1679 : vector<16xf32>
        %add3A_1681 = arith.constant 112 : i32
        %add3A_1682 = vector.broadcast %add3A_1681 : i32 to vector<16xi32>
        %add3A_1683 = arith.addi %and3A_138, %add3A_1682 : vector<16xi32>
        %gather3A_1684 = tpu.vector_load_idx %arg12[%add3A_495, %add3A_1683] : memref<128x128xf32, #tpu.memory_space<vmem>>[vector<16xi32>, vector<16xi32>], vector<16xf32>,
        %gather3A_1685 = tpu.vector_load_idx %arg13[%add3A_495, %add3A_1683] : memref<128x128xf32, #tpu.memory_space<vmem>>[vector<16xi32>, vector<16xi32>], vector<16xf32>,
        %sub3A_1686 = arith.subf %gather3A_1685, %gather3A_1684 : vector<16xf32>
        %mul3A_1687 = arith.mulf %sub3A_1686, %sub3A_1686 : vector<16xf32>
        %add3A_1688 = arith.addf %add3A_1680, %mul3A_1687 : vector<16xf32>
        %add3A_1689 = arith.constant 112 : i32
        %add3A_1690 = vector.broadcast %add3A_1689 : i32 to vector<16xi32>
        %add3A_1691 = arith.addi %and3A_144, %add3A_1690 : vector<16xi32>
        %gather3A_1692 = tpu.vector_load_idx %arg12[%add3A_495, %add3A_1691] : memref<128x128xf32, #tpu.memory_space<vmem>>[vector<16xi32>, vector<16xi32>], vector<16xf32>,
        %gather3A_1693 = tpu.vector_load_idx %arg13[%add3A_495, %add3A_1691] : memref<128x128xf32, #tpu.memory_space<vmem>>[vector<16xi32>, vector<16xi32>], vector<16xf32>,
        %sub3A_1694 = arith.subf %gather3A_1693, %gather3A_1692 : vector<16xf32>
        %mul3A_1695 = arith.mulf %sub3A_1694, %sub3A_1694 : vector<16xf32>
        %add3A_1696 = arith.addf %add3A_1688, %mul3A_1695 : vector<16xf32>
        %add3A_1697 = arith.constant 112 : i32
        %add3A_1698 = vector.broadcast %add3A_1697 : i32 to vector<16xi32>
        %add3A_1699 = arith.addi %and3A_150, %add3A_1698 : vector<16xi32>
        %gather3A_1700 = tpu.vector_load_idx %arg12[%add3A_495, %add3A_1699] : memref<128x128xf32, #tpu.memory_space<vmem>>[vector<16xi32>, vector<16xi32>], vector<16xf32>,
        %gather3A_1701 = tpu.vector_load_idx %arg13[%add3A_495, %add3A_1699] : memref<128x128xf32, #tpu.memory_space<vmem>>[vector<16xi32>, vector<16xi32>], vector<16xf32>,
        %sub3A_1702 = arith.subf %gather3A_1701, %gather3A_1700 : vector<16xf32>
        %mul3A_1703 = arith.mulf %sub3A_1702, %sub3A_1702 : vector<16xf32>
        %add3A_1704 = arith.addf %add3A_1696, %mul3A_1703 : vector<16xf32>
        %add3A_1705 = arith.constant 112 : i32
        %add3A_1706 = vector.broadcast %add3A_1705 : i32 to vector<16xi32>
        %add3A_1707 = arith.addi %and3A_156, %add3A_1706 : vector<16xi32>
        %gather3A_1708 = tpu.vector_load_idx %arg12[%add3A_495, %add3A_1707] : memref<128x128xf32, #tpu.memory_space<vmem>>[vector<16xi32>, vector<16xi32>], vector<16xf32>,
        %gather3A_1709 = tpu.vector_load_idx %arg13[%add3A_495, %add3A_1707] : memref<128x128xf32, #tpu.memory_space<vmem>>[vector<16xi32>, vector<16xi32>], vector<16xf32>,
        %sub3A_1710 = arith.subf %gather3A_1709, %gather3A_1708 : vector<16xf32>
        %mul3A_1711 = arith.mulf %sub3A_1710, %sub3A_1710 : vector<16xf32>
        %add3A_1712 = arith.addf %add3A_1704, %mul3A_1711 : vector<16xf32>
        %add3A_1713 = arith.constant 112 : i32
        %add3A_1714 = vector.broadcast %add3A_1713 : i32 to vector<16xi32>
        %add3A_1715 = arith.addi %and3A_162, %add3A_1714 : vector<16xi32>
        %gather3A_1716 = tpu.vector_load_idx %arg12[%add3A_495, %add3A_1715] : memref<128x128xf32, #tpu.memory_space<vmem>>[vector<16xi32>, vector<16xi32>], vector<16xf32>,
        %gather3A_1717 = tpu.vector_load_idx %arg13[%add3A_495, %add3A_1715] : memref<128x128xf32, #tpu.memory_space<vmem>>[vector<16xi32>, vector<16xi32>], vector<16xf32>,
        %sub3A_1718 = arith.subf %gather3A_1717, %gather3A_1716 : vector<16xf32>
        %mul3A_1719 = arith.mulf %sub3A_1718, %sub3A_1718 : vector<16xf32>
        %add3A_1720 = arith.addf %add3A_1712, %mul3A_1719 : vector<16xf32>
        %add3A_1721 = arith.constant 112 : i32
        %add3A_1722 = vector.broadcast %add3A_1721 : i32 to vector<16xi32>
        %add3A_1723 = arith.addi %and3A_168, %add3A_1722 : vector<16xi32>
        %gather3A_1724 = tpu.vector_load_idx %arg12[%add3A_495, %add3A_1723] : memref<128x128xf32, #tpu.memory_space<vmem>>[vector<16xi32>, vector<16xi32>], vector<16xf32>,
        %gather3A_1725 = tpu.vector_load_idx %arg13[%add3A_495, %add3A_1723] : memref<128x128xf32, #tpu.memory_space<vmem>>[vector<16xi32>, vector<16xi32>], vector<16xf32>,
        %sub3A_1726 = arith.subf %gather3A_1725, %gather3A_1724 : vector<16xf32>
        %mul3A_1727 = arith.mulf %sub3A_1726, %sub3A_1726 : vector<16xf32>
        %add3A_1728 = arith.addf %add3A_1720, %mul3A_1727 : vector<16xf32>
        %add3A_1729 = arith.constant 112 : i32
        %add3A_1730 = vector.broadcast %add3A_1729 : i32 to vector<16xi32>
        %add3A_1731 = arith.addi %and3A_174, %add3A_1730 : vector<16xi32>
        %gather3A_1732 = tpu.vector_load_idx %arg12[%add3A_495, %add3A_1731] : memref<128x128xf32, #tpu.memory_space<vmem>>[vector<16xi32>, vector<16xi32>], vector<16xf32>,
        %gather3A_1733 = tpu.vector_load_idx %arg13[%add3A_495, %add3A_1731] : memref<128x128xf32, #tpu.memory_space<vmem>>[vector<16xi32>, vector<16xi32>], vector<16xf32>,
        %sub3A_1734 = arith.subf %gather3A_1733, %gather3A_1732 : vector<16xf32>
        %mul3A_1735 = arith.mulf %sub3A_1734, %sub3A_1734 : vector<16xf32>
        %add3A_1736 = arith.addf %add3A_1728, %mul3A_1735 : vector<16xf32>
        %add3A_1737 = arith.constant 112 : i32
        %add3A_1738 = vector.broadcast %add3A_1737 : i32 to vector<16xi32>
        %add3A_1739 = arith.addi %and3A_180, %add3A_1738 : vector<16xi32>
        %gather3A_1740 = tpu.vector_load_idx %arg12[%add3A_495, %add3A_1739] : memref<128x128xf32, #tpu.memory_space<vmem>>[vector<16xi32>, vector<16xi32>], vector<16xf32>,
        %gather3A_1741 = tpu.vector_load_idx %arg13[%add3A_495, %add3A_1739] : memref<128x128xf32, #tpu.memory_space<vmem>>[vector<16xi32>, vector<16xi32>], vector<16xf32>,
        %sub3A_1742 = arith.subf %gather3A_1741, %gather3A_1740 : vector<16xf32>
        %mul3A_1743 = arith.mulf %sub3A_1742, %sub3A_1742 : vector<16xf32>
        %add3A_1744 = arith.addf %add3A_1736, %mul3A_1743 : vector<16xf32>
        %add3A_1745 = arith.constant 112 : i32
        %add3A_1746 = vector.broadcast %add3A_1745 : i32 to vector<16xi32>
        %add3A_1747 = arith.addi %and3A_186, %add3A_1746 : vector<16xi32>
        %gather3A_1748 = tpu.vector_load_idx %arg12[%add3A_495, %add3A_1747] : memref<128x128xf32, #tpu.memory_space<vmem>>[vector<16xi32>, vector<16xi32>], vector<16xf32>,
        %gather3A_1749 = tpu.vector_load_idx %arg13[%add3A_495, %add3A_1747] : memref<128x128xf32, #tpu.memory_space<vmem>>[vector<16xi32>, vector<16xi32>], vector<16xf32>,
        %sub3A_1750 = arith.subf %gather3A_1749, %gather3A_1748 : vector<16xf32>
        %mul3A_1751 = arith.mulf %sub3A_1750, %sub3A_1750 : vector<16xf32>
        %add3A_1752 = arith.addf %add3A_1744, %mul3A_1751 : vector<16xf32>
        %add3A_1753 = arith.constant 112 : i32
        %add3A_1754 = vector.broadcast %add3A_1753 : i32 to vector<16xi32>
        %add3A_1755 = arith.addi %and3A_192, %add3A_1754 : vector<16xi32>
        %gather3A_1756 = tpu.vector_load_idx %arg12[%add3A_495, %add3A_1755] : memref<128x128xf32, #tpu.memory_space<vmem>>[vector<16xi32>, vector<16xi32>], vector<16xf32>,
        %gather3A_1757 = tpu.vector_load_idx %arg13[%add3A_495, %add3A_1755] : memref<128x128xf32, #tpu.memory_space<vmem>>[vector<16xi32>, vector<16xi32>], vector<16xf32>,
        %sub3A_1758 = arith.subf %gather3A_1757, %gather3A_1756 : vector<16xf32>
        %mul3A_1759 = arith.mulf %sub3A_1758, %sub3A_1758 : vector<16xf32>
        %add3A_1760 = arith.addf %add3A_1752, %mul3A_1759 : vector<16xf32>
        %bitcast_convert_type3A_1761 = tpu.bitcast %add3A_1760 : vector<16xf32> -> vector<16xi32>
        %shift_right_arithmetic3A_1762 = arith.constant 1 : i32
        %shift_right_arithmetic3A_1763 = vector.broadcast %shift_right_arithmetic3A_1762 : i32 to vector<16xi32>
        %shift_right_arithmetic3A_1764 = arith.shrsi %bitcast_convert_type3A_1761, %shift_right_arithmetic3A_1763 : vector<16xi32>
        %sub3A_1765 = arith.constant 1597463007 : i32
        %sub3A_1766 = vector.broadcast %sub3A_1765 : i32 to vector<16xi32>
        %sub3A_1767 = arith.subi %sub3A_1766, %shift_right_arithmetic3A_1764 : vector<16xi32>
        %bitcast_convert_type3A_1768 = tpu.bitcast %sub3A_1767 : vector<16xi32> -> vector<16xf32>
        %mul3A_1769 = arith.constant 5.000000e-01 : f32
        %mul3A_1770 = vector.broadcast %mul3A_1769 : f32 to vector<16xf32>
        %mul3A_1771 = arith.mulf %mul3A_1770, %add3A_1760 : vector<16xf32>
        %mul3A_1772 = arith.mulf %mul3A_1771, %bitcast_convert_type3A_1768 : vector<16xf32>
        %mul3A_1773 = arith.mulf %mul3A_1772, %bitcast_convert_type3A_1768 : vector<16xf32>
        %sub3A_1774 = arith.constant 1.500000e+00 : f32
        %sub3A_1775 = vector.broadcast %sub3A_1774 : f32 to vector<16xf32>
        %sub3A_1776 = arith.subf %sub3A_1775, %mul3A_1773 : vector<16xf32>
        %mul3A_1777 = arith.mulf %bitcast_convert_type3A_1768, %sub3A_1776 : vector<16xf32>
        %mul3A_1778 = arith.constant 5.000000e-01 : f32
        %mul3A_1779 = vector.broadcast %mul3A_1778 : f32 to vector<16xf32>
        %mul3A_1780 = arith.mulf %mul3A_1779, %add3A_1760 : vector<16xf32>
        %mul3A_1781 = arith.mulf %mul3A_1780, %mul3A_1777 : vector<16xf32>
        %mul3A_1782 = arith.mulf %mul3A_1781, %mul3A_1777 : vector<16xf32>
        %sub3A_1783 = arith.constant 1.500000e+00 : f32
        %sub3A_1784 = vector.broadcast %sub3A_1783 : f32 to vector<16xf32>
        %sub3A_1785 = arith.subf %sub3A_1784, %mul3A_1782 : vector<16xf32>
        %mul3A_1786 = arith.mulf %mul3A_1777, %sub3A_1785 : vector<16xf32>
        %mul3A_1787 = arith.constant 5.000000e-01 : f32
        %mul3A_1788 = vector.broadcast %mul3A_1787 : f32 to vector<16xf32>
        %mul3A_1789 = arith.mulf %mul3A_1788, %add3A_1760 : vector<16xf32>
        %mul3A_1790 = arith.mulf %mul3A_1789, %mul3A_1786 : vector<16xf32>
        %mul3A_1791 = arith.mulf %mul3A_1790, %mul3A_1786 : vector<16xf32>
        %sub3A_1792 = arith.constant 1.500000e+00 : f32
        %sub3A_1793 = vector.broadcast %sub3A_1792 : f32 to vector<16xf32>
        %sub3A_1794 = arith.subf %sub3A_1793, %mul3A_1791 : vector<16xf32>
        %mul3A_1795 = arith.mulf %mul3A_1786, %sub3A_1794 : vector<16xf32>
        %mul3A_1796 = arith.mulf %add3A_1760, %mul3A_1795 : vector<16xf32>
        %mul3A_1797 = vector.broadcast %squeeze3A : f32 to vector<16xf32>
        %mul3A_1798 = arith.mulf %mul3A_655, %mul3A_1797 : vector<16xf32>
        %mul3A_1799 = vector.broadcast %squeeze3A_25 : f32 to vector<16xf32>
        %mul3A_1800 = arith.mulf %mul3A_818, %mul3A_1799 : vector<16xf32>
        %add3A_1801 = arith.addf %mul3A_1798, %mul3A_1800 : vector<16xf32>
        %mul3A_1802 = vector.broadcast %squeeze3A_27 : f32 to vector<16xf32>
        %mul3A_1803 = arith.mulf %mul3A_981, %mul3A_1802 : vector<16xf32>
        %add3A_1804 = arith.addf %add3A_1801, %mul3A_1803 : vector<16xf32>
        %mul3A_1805 = vector.broadcast %squeeze3A_29 : f32 to vector<16xf32>
        %mul3A_1806 = arith.mulf %mul3A_1144, %mul3A_1805 : vector<16xf32>
        %add3A_1807 = arith.addf %add3A_1804, %mul3A_1806 : vector<16xf32>
        %mul3A_1808 = vector.broadcast %squeeze3A_31 : f32 to vector<16xf32>
        %mul3A_1809 = arith.mulf %mul3A_1307, %mul3A_1808 : vector<16xf32>
        %add3A_1810 = arith.addf %add3A_1807, %mul3A_1809 : vector<16xf32>
        %mul3A_1811 = vector.broadcast %squeeze3A_33 : f32 to vector<16xf32>
        %mul3A_1812 = arith.mulf %mul3A_1470, %mul3A_1811 : vector<16xf32>
        %add3A_1813 = arith.addf %add3A_1810, %mul3A_1812 : vector<16xf32>
        %mul3A_1814 = vector.broadcast %squeeze3A_35 : f32 to vector<16xf32>
        %mul3A_1815 = arith.mulf %mul3A_1633, %mul3A_1814 : vector<16xf32>
        %add3A_1816 = arith.addf %add3A_1813, %mul3A_1815 : vector<16xf32>
        %mul3A_1817 = vector.broadcast %squeeze3A_37 : f32 to vector<16xf32>
        %mul3A_1818 = arith.mulf %mul3A_1796, %mul3A_1817 : vector<16xf32>
        %add3A_1819 = arith.addf %add3A_1816, %mul3A_1818 : vector<16xf32>
        %sub3A_1820 = arith.subf %mul3A_655, %add3A_1819 : vector<16xf32>
        %mul3A_1821 = arith.mulf %sub3A_1820, %sub3A_1820 : vector<16xf32>
        %sub3A_1822 = arith.subf %mul3A_818, %add3A_1819 : vector<16xf32>
        %mul3A_1823 = arith.mulf %sub3A_1822, %sub3A_1822 : vector<16xf32>
        %add3A_1824 = arith.addf %mul3A_1821, %mul3A_1823 : vector<16xf32>
        %sub3A_1825 = arith.subf %mul3A_981, %add3A_1819 : vector<16xf32>
        %mul3A_1826 = arith.mulf %sub3A_1825, %sub3A_1825 : vector<16xf32>
        %add3A_1827 = arith.addf %add3A_1824, %mul3A_1826 : vector<16xf32>
        %sub3A_1828 = arith.subf %mul3A_1144, %add3A_1819 : vector<16xf32>
        %mul3A_1829 = arith.mulf %sub3A_1828, %sub3A_1828 : vector<16xf32>
        %add3A_1830 = arith.addf %add3A_1827, %mul3A_1829 : vector<16xf32>
        %sub3A_1831 = arith.subf %mul3A_1307, %add3A_1819 : vector<16xf32>
        %mul3A_1832 = arith.mulf %sub3A_1831, %sub3A_1831 : vector<16xf32>
        %add3A_1833 = arith.addf %add3A_1830, %mul3A_1832 : vector<16xf32>
        %sub3A_1834 = arith.subf %mul3A_1470, %add3A_1819 : vector<16xf32>
        %mul3A_1835 = arith.mulf %sub3A_1834, %sub3A_1834 : vector<16xf32>
        %add3A_1836 = arith.addf %add3A_1833, %mul3A_1835 : vector<16xf32>
        %sub3A_1837 = arith.subf %mul3A_1633, %add3A_1819 : vector<16xf32>
        %mul3A_1838 = arith.mulf %sub3A_1837, %sub3A_1837 : vector<16xf32>
        %add3A_1839 = arith.addf %add3A_1836, %mul3A_1838 : vector<16xf32>
        %sub3A_1840 = arith.subf %mul3A_1796, %add3A_1819 : vector<16xf32>
        %mul3A_1841 = arith.mulf %sub3A_1840, %sub3A_1840 : vector<16xf32>
        %add3A_1842 = arith.addf %add3A_1839, %mul3A_1841 : vector<16xf32>
        %mul3A_1843 = arith.constant 1.250000e-01 : f32
        %mul3A_1844 = vector.broadcast %mul3A_1843 : f32 to vector<16xf32>
        %mul3A_1845 = arith.mulf %add3A_1842, %mul3A_1844 : vector<16xf32>
        %bitcast_convert_type3A_1846 = tpu.bitcast %mul3A_1845 : vector<16xf32> -> vector<16xi32>
        %shift_right_arithmetic3A_1847 = arith.constant 1 : i32
        %shift_right_arithmetic3A_1848 = vector.broadcast %shift_right_arithmetic3A_1847 : i32 to vector<16xi32>
        %shift_right_arithmetic3A_1849 = arith.shrsi %bitcast_convert_type3A_1846, %shift_right_arithmetic3A_1848 : vector<16xi32>
        %sub3A_1850 = arith.constant 1597463007 : i32
        %sub3A_1851 = vector.broadcast %sub3A_1850 : i32 to vector<16xi32>
        %sub3A_1852 = arith.subi %sub3A_1851, %shift_right_arithmetic3A_1849 : vector<16xi32>
        %bitcast_convert_type3A_1853 = tpu.bitcast %sub3A_1852 : vector<16xi32> -> vector<16xf32>
        %mul3A_1854 = arith.constant 5.000000e-01 : f32
        %mul3A_1855 = vector.broadcast %mul3A_1854 : f32 to vector<16xf32>
        %mul3A_1856 = arith.mulf %mul3A_1855, %mul3A_1845 : vector<16xf32>
        %mul3A_1857 = arith.mulf %mul3A_1856, %bitcast_convert_type3A_1853 : vector<16xf32>
        %mul3A_1858 = arith.mulf %mul3A_1857, %bitcast_convert_type3A_1853 : vector<16xf32>
        %sub3A_1859 = arith.constant 1.500000e+00 : f32
        %sub3A_1860 = vector.broadcast %sub3A_1859 : f32 to vector<16xf32>
        %sub3A_1861 = arith.subf %sub3A_1860, %mul3A_1858 : vector<16xf32>
        %mul3A_1862 = arith.mulf %bitcast_convert_type3A_1853, %sub3A_1861 : vector<16xf32>
        %mul3A_1863 = arith.constant 5.000000e-01 : f32
        %mul3A_1864 = vector.broadcast %mul3A_1863 : f32 to vector<16xf32>
        %mul3A_1865 = arith.mulf %mul3A_1864, %mul3A_1845 : vector<16xf32>
        %mul3A_1866 = arith.mulf %mul3A_1865, %mul3A_1862 : vector<16xf32>
        %mul3A_1867 = arith.mulf %mul3A_1866, %mul3A_1862 : vector<16xf32>
        %sub3A_1868 = arith.constant 1.500000e+00 : f32
        %sub3A_1869 = vector.broadcast %sub3A_1868 : f32 to vector<16xf32>
        %sub3A_1870 = arith.subf %sub3A_1869, %mul3A_1867 : vector<16xf32>
        %mul3A_1871 = arith.mulf %mul3A_1862, %sub3A_1870 : vector<16xf32>
        %mul3A_1872 = arith.constant 5.000000e-01 : f32
        %mul3A_1873 = vector.broadcast %mul3A_1872 : f32 to vector<16xf32>
        %mul3A_1874 = arith.mulf %mul3A_1873, %mul3A_1845 : vector<16xf32>
        %mul3A_1875 = arith.mulf %mul3A_1874, %mul3A_1871 : vector<16xf32>
        %mul3A_1876 = arith.mulf %mul3A_1875, %mul3A_1871 : vector<16xf32>
        %sub3A_1877 = arith.constant 1.500000e+00 : f32
        %sub3A_1878 = vector.broadcast %sub3A_1877 : f32 to vector<16xf32>
        %sub3A_1879 = arith.subf %sub3A_1878, %mul3A_1876 : vector<16xf32>
        %mul3A_1880 = arith.mulf %mul3A_1871, %sub3A_1879 : vector<16xf32>
        %mul3A_1881 = arith.mulf %mul3A_1845, %mul3A_1880 : vector<16xf32>
        %mul3A_1882 = arith.constant 16 : i32
        %mul3A_1883 = arith.muli %scan3A_490, %mul3A_1882 : i32
        %swap3A = arith.index_cast %mul3A_1883 : i32 to index
        %swap3A_1884 = tpu.vector_load %arg17[%swap3A] {strides = array<i32>} : memref<128xf32, #tpu.memory_space<vmem>>, vector<16xf32>,
        tpu.vector_store %arg17[%swap3A], %mul3A_1881 {strides = array<i32>} : memref<128xf32, #tpu.memory_space<vmem>>, vector<16xf32>,
        %sub3A_1885 = vector.broadcast %squeeze3A_39 : f32 to vector<16xf32>
        %sub3A_1886 = arith.subf %sub3A_1885, %add3A_1819 : vector<16xf32>
        %sub3A_1887 = vector.broadcast %squeeze3A_59 : f32 to vector<16xf32>
        %sub3A_1888 = arith.subf %add3A_1819, %sub3A_1887 : vector<16xf32>
        %mul3A_1889 = arith.mulf %sub3A_1886, %sub3A_1888 : vector<16xf32>
        %mul3A_1890 = vector.broadcast %squeeze3A_79 : f32 to vector<16xf32>
        %mul3A_1891 = arith.mulf %mul3A_1889, %mul3A_1890 : vector<16xf32>
        tpu.vector_store_idx %arg16[%add3A_495, %broadcast_in_dim3A_194], %mul3A_1891 : memref<128x10xf32, #tpu.memory_space<vmem>>[vector<16xi32>, vector<16xi32>], vector<16xf32>,
        %sub3A_1892 = vector.broadcast %squeeze3A_41 : f32 to vector<16xf32>
        %sub3A_1893 = arith.subf %sub3A_1892, %add3A_1819 : vector<16xf32>
        %sub3A_1894 = vector.broadcast %squeeze3A_61 : f32 to vector<16xf32>
        %sub3A_1895 = arith.subf %add3A_1819, %sub3A_1894 : vector<16xf32>
        %mul3A_1896 = arith.mulf %sub3A_1893, %sub3A_1895 : vector<16xf32>
        %mul3A_1897 = vector.broadcast %squeeze3A_81 : f32 to vector<16xf32>
        %mul3A_1898 = arith.mulf %mul3A_1896, %mul3A_1897 : vector<16xf32>
        tpu.vector_store_idx %arg16[%add3A_495, %broadcast_in_dim3A_196], %mul3A_1898 : memref<128x10xf32, #tpu.memory_space<vmem>>[vector<16xi32>, vector<16xi32>], vector<16xf32>,
        %sub3A_1899 = vector.broadcast %squeeze3A_43 : f32 to vector<16xf32>
        %sub3A_1900 = arith.subf %sub3A_1899, %add3A_1819 : vector<16xf32>
        %sub3A_1901 = vector.broadcast %squeeze3A_63 : f32 to vector<16xf32>
        %sub3A_1902 = arith.subf %add3A_1819, %sub3A_1901 : vector<16xf32>
        %mul3A_1903 = arith.mulf %sub3A_1900, %sub3A_1902 : vector<16xf32>
        %mul3A_1904 = vector.broadcast %squeeze3A_83 : f32 to vector<16xf32>
        %mul3A_1905 = arith.mulf %mul3A_1903, %mul3A_1904 : vector<16xf32>
        tpu.vector_store_idx %arg16[%add3A_495, %broadcast_in_dim3A_198], %mul3A_1905 : memref<128x10xf32, #tpu.memory_space<vmem>>[vector<16xi32>, vector<16xi32>], vector<16xf32>,
        %sub3A_1906 = vector.broadcast %squeeze3A_45 : f32 to vector<16xf32>
        %sub3A_1907 = arith.subf %sub3A_1906, %add3A_1819 : vector<16xf32>
        %sub3A_1908 = vector.broadcast %squeeze3A_65 : f32 to vector<16xf32>
        %sub3A_1909 = arith.subf %add3A_1819, %sub3A_1908 : vector<16xf32>
        %mul3A_1910 = arith.mulf %sub3A_1907, %sub3A_1909 : vector<16xf32>
        %mul3A_1911 = vector.broadcast %squeeze3A_85 : f32 to vector<16xf32>
        %mul3A_1912 = arith.mulf %mul3A_1910, %mul3A_1911 : vector<16xf32>
        tpu.vector_store_idx %arg16[%add3A_495, %broadcast_in_dim3A_200], %mul3A_1912 : memref<128x10xf32, #tpu.memory_space<vmem>>[vector<16xi32>, vector<16xi32>], vector<16xf32>,
        %sub3A_1913 = vector.broadcast %squeeze3A_47 : f32 to vector<16xf32>
        %sub3A_1914 = arith.subf %sub3A_1913, %add3A_1819 : vector<16xf32>
        %sub3A_1915 = vector.broadcast %squeeze3A_67 : f32 to vector<16xf32>
        %sub3A_1916 = arith.subf %add3A_1819, %sub3A_1915 : vector<16xf32>
        %mul3A_1917 = arith.mulf %sub3A_1914, %sub3A_1916 : vector<16xf32>
        %mul3A_1918 = vector.broadcast %squeeze3A_87 : f32 to vector<16xf32>
        %mul3A_1919 = arith.mulf %mul3A_1917, %mul3A_1918 : vector<16xf32>
        tpu.vector_store_idx %arg16[%add3A_495, %broadcast_in_dim3A_202], %mul3A_1919 : memref<128x10xf32, #tpu.memory_space<vmem>>[vector<16xi32>, vector<16xi32>], vector<16xf32>,
        %sub3A_1920 = vector.broadcast %squeeze3A_49 : f32 to vector<16xf32>
        %sub3A_1921 = arith.subf %sub3A_1920, %add3A_1819 : vector<16xf32>
        %sub3A_1922 = vector.broadcast %squeeze3A_69 : f32 to vector<16xf32>
        %sub3A_1923 = arith.subf %add3A_1819, %sub3A_1922 : vector<16xf32>
        %mul3A_1924 = arith.mulf %sub3A_1921, %sub3A_1923 : vector<16xf32>
        %mul3A_1925 = vector.broadcast %squeeze3A_89 : f32 to vector<16xf32>
        %mul3A_1926 = arith.mulf %mul3A_1924, %mul3A_1925 : vector<16xf32>
        tpu.vector_store_idx %arg16[%add3A_495, %broadcast_in_dim3A_204], %mul3A_1926 : memref<128x10xf32, #tpu.memory_space<vmem>>[vector<16xi32>, vector<16xi32>], vector<16xf32>,
        %sub3A_1927 = vector.broadcast %squeeze3A_51 : f32 to vector<16xf32>
        %sub3A_1928 = arith.subf %sub3A_1927, %add3A_1819 : vector<16xf32>
        %sub3A_1929 = vector.broadcast %squeeze3A_71 : f32 to vector<16xf32>
        %sub3A_1930 = arith.subf %add3A_1819, %sub3A_1929 : vector<16xf32>
        %mul3A_1931 = arith.mulf %sub3A_1928, %sub3A_1930 : vector<16xf32>
        %mul3A_1932 = vector.broadcast %squeeze3A_91 : f32 to vector<16xf32>
        %mul3A_1933 = arith.mulf %mul3A_1931, %mul3A_1932 : vector<16xf32>
        tpu.vector_store_idx %arg16[%add3A_495, %broadcast_in_dim3A_206], %mul3A_1933 : memref<128x10xf32, #tpu.memory_space<vmem>>[vector<16xi32>, vector<16xi32>], vector<16xf32>,
        %sub3A_1934 = vector.broadcast %squeeze3A_53 : f32 to vector<16xf32>
        %sub3A_1935 = arith.subf %sub3A_1934, %add3A_1819 : vector<16xf32>
        %sub3A_1936 = vector.broadcast %squeeze3A_73 : f32 to vector<16xf32>
        %sub3A_1937 = arith.subf %add3A_1819, %sub3A_1936 : vector<16xf32>
        %mul3A_1938 = arith.mulf %sub3A_1935, %sub3A_1937 : vector<16xf32>
        %mul3A_1939 = vector.broadcast %squeeze3A_93 : f32 to vector<16xf32>
        %mul3A_1940 = arith.mulf %mul3A_1938, %mul3A_1939 : vector<16xf32>
        tpu.vector_store_idx %arg16[%add3A_495, %broadcast_in_dim3A_208], %mul3A_1940 : memref<128x10xf32, #tpu.memory_space<vmem>>[vector<16xi32>, vector<16xi32>], vector<16xf32>,
        %sub3A_1941 = vector.broadcast %squeeze3A_55 : f32 to vector<16xf32>
        %sub3A_1942 = arith.subf %sub3A_1941, %add3A_1819 : vector<16xf32>
        %sub3A_1943 = vector.broadcast %squeeze3A_75 : f32 to vector<16xf32>
        %sub3A_1944 = arith.subf %add3A_1819, %sub3A_1943 : vector<16xf32>
        %mul3A_1945 = arith.mulf %sub3A_1942, %sub3A_1944 : vector<16xf32>
        %mul3A_1946 = vector.broadcast %squeeze3A_95 : f32 to vector<16xf32>
        %mul3A_1947 = arith.mulf %mul3A_1945, %mul3A_1946 : vector<16xf32>
        tpu.vector_store_idx %arg16[%add3A_495, %broadcast_in_dim3A_210], %mul3A_1947 : memref<128x10xf32, #tpu.memory_space<vmem>>[vector<16xi32>, vector<16xi32>], vector<16xf32>,
        %sub3A_1948 = vector.broadcast %squeeze3A_57 : f32 to vector<16xf32>
        %sub3A_1949 = arith.subf %sub3A_1948, %add3A_1819 : vector<16xf32>
        %sub3A_1950 = vector.broadcast %squeeze3A_77 : f32 to vector<16xf32>
        %sub3A_1951 = arith.subf %add3A_1819, %sub3A_1950 : vector<16xf32>
        %mul3A_1952 = arith.mulf %sub3A_1949, %sub3A_1951 : vector<16xf32>
        %mul3A_1953 = vector.broadcast %squeeze3A_97 : f32 to vector<16xf32>
        %mul3A_1954 = arith.mulf %mul3A_1952, %mul3A_1953 : vector<16xf32>
        tpu.vector_store_idx %arg16[%add3A_495, %broadcast_in_dim3A_212], %mul3A_1954 : memref<128x10xf32, #tpu.memory_space<vmem>>[vector<16xi32>, vector<16xi32>], vector<16xf32>,
        %scan3A_1955 = arith.constant 0 : i32
        scf.yield %scan3A_1955 : i32
      }
      %scan3A_482 = arith.constant 8 : i32
      %dma_start3A_483 = arith.constant 0 : i32
      %dma_start3A_484 = tpu.memref_slice %arg6[%mul3A_475, %dma_start3A_483] : memref<320000x10xf32, #tpu.memory_space<hbm>> -> memref<128x10xf32, #tpu.memory_space<hbm>>
      %dma_start3A_485 = arith.constant 0 : i32
      %dma_start3A_486 = tpu.memref_slice %arg6[%mul3A_475, %dma_start3A_485] : memref<320000x10xf32, #tpu.memory_space<hbm>> -> memref<128x10xf32, #tpu.memory_space<hbm>>
      tpu.enqueue_dma source(%arg16 : memref<128x10xf32, #tpu.memory_space<vmem>>) target(%dma_start3A_486 : memref<128x10xf32, #tpu.memory_space<hbm>>) target_semaphore(%arg25 : memref<!tpu.dma_semaphore, #tpu.memory_space<semaphore_mem>>)
      %dma_start3A_487 = tpu.memref_slice %arg7[%mul3A_475] : memref<320000xf32, #tpu.memory_space<hbm>> -> memref<128xf32, #tpu.memory_space<hbm>>
      %dma_start3A_488 = tpu.memref_slice %arg7[%mul3A_475] : memref<320000xf32, #tpu.memory_space<hbm>> -> memref<128xf32, #tpu.memory_space<hbm>>
      tpu.enqueue_dma source(%arg17 : memref<128xf32, #tpu.memory_space<vmem>>) target(%dma_start3A_488 : memref<128xf32, #tpu.memory_space<hbm>>) target_semaphore(%arg25 : memref<!tpu.dma_semaphore, #tpu.memory_space<semaphore_mem>>)
      %scan3A_489 = arith.constant 0 : i32
      scf.yield %scan3A_489 : i32
    }
    %scan3A_265 = arith.constant 40 : i32
    %dma_wait3A_266 = arith.constant 0 : i32
    %dma_wait3A_267 = arith.constant 0 : i32
    %dma_wait3A_268 = tpu.memref_slice %arg8[%dma_wait3A_266, %dma_wait3A_267] : memref<2x128xi32, #tpu.memory_space<vmem>> -> memref<1x128xi32, #tpu.memory_space<vmem>>
    %dma_wait3A_269 = tpu.memref_squeeze %dma_wait3A_268 : memref<1x128xi32, #tpu.memory_space<vmem>> -> memref<128xi32, #tpu.memory_space<vmem>>
    %dma_wait3A_270 = arith.constant 0 : i32
    %dma_wait3A_271 = arith.constant 0 : i32
    %dma_wait3A_272 = tpu.memref_slice %arg2[%dma_wait3A_270, %dma_wait3A_271] : memref<10000x128xf32, #tpu.memory_space<hbm>> -> memref<10000x128xf32, #tpu.memory_space<hbm>>
    tpu.wait_indirect_dma semaphore(%arg22 : memref<!tpu.dma_semaphore, #tpu.memory_space<semaphore_mem>>) src(%dma_wait3A_272 : memref<10000x128xf32, #tpu.memory_space<hbm>>) dst(%arg10 : memref<128x128xf32, #tpu.memory_space<vmem>>)
    %dma_wait3A_273 = arith.constant 1 : i32
    %dma_wait3A_274 = arith.constant 0 : i32
    %dma_wait3A_275 = tpu.memref_slice %arg8[%dma_wait3A_273, %dma_wait3A_274] : memref<2x128xi32, #tpu.memory_space<vmem>> -> memref<1x128xi32, #tpu.memory_space<vmem>>
    %dma_wait3A_276 = tpu.memref_squeeze %dma_wait3A_275 : memref<1x128xi32, #tpu.memory_space<vmem>> -> memref<128xi32, #tpu.memory_space<vmem>>
    %dma_wait3A_277 = arith.constant 0 : i32
    %dma_wait3A_278 = arith.constant 0 : i32
    %dma_wait3A_279 = tpu.memref_slice %arg2[%dma_wait3A_277, %dma_wait3A_278] : memref<10000x128xf32, #tpu.memory_space<hbm>> -> memref<10000x128xf32, #tpu.memory_space<hbm>>
    tpu.wait_indirect_dma semaphore(%arg22 : memref<!tpu.dma_semaphore, #tpu.memory_space<semaphore_mem>>) src(%dma_wait3A_279 : memref<10000x128xf32, #tpu.memory_space<hbm>>) dst(%arg11 : memref<128x128xf32, #tpu.memory_space<vmem>>)
    %add3A_280 = arith.constant 2592 : i32
    %add3A_281 = arith.addi %add3A, %add3A_280 : i32
    %min3A_282 = arith.constant 2499 : i32
    %min3A_283 = arith.minsi %add3A_281, %min3A_282 : i32
    %dma_wait3A_284 = arith.constant 0 : i32
    %dma_wait3A_285 = arith.constant 0 : i32
    %dma_wait3A_286 = tpu.memref_slice %arg3[%min3A_283, %dma_wait3A_284, %dma_wait3A_285] : memref<2500x2x128xi32, #tpu.memory_space<hbm>> -> memref<1x2x128xi32, #tpu.memory_space<hbm>>
    %dma_wait3A_287 = tpu.memref_squeeze %dma_wait3A_286 : memref<1x2x128xi32, #tpu.memory_space<hbm>> -> memref<2x128xi32, #tpu.memory_space<hbm>>
    %dma_wait3A_288 = arith.constant 0 : i32
    %dma_wait3A_289 = arith.constant 0 : i32
    %dma_wait3A_290 = tpu.memref_slice %arg3[%min3A_283, %dma_wait3A_288, %dma_wait3A_289] : memref<2500x2x128xi32, #tpu.memory_space<hbm>> -> memref<1x2x128xi32, #tpu.memory_space<hbm>>
    %dma_wait3A_291 = tpu.memref_squeeze %dma_wait3A_290 : memref<1x2x128xi32, #tpu.memory_space<hbm>> -> memref<2x128xi32, #tpu.memory_space<hbm>>
    tpu.wait_dma2 semaphore(%arg21 : memref<!tpu.dma_semaphore, #tpu.memory_space<semaphore_mem>>) src(%dma_wait3A_291 : memref<2x128xi32, #tpu.memory_space<hbm>>) dst(%arg9 : memref<2x128xi32, #tpu.memory_space<vmem>>)
    %add3A_292 = arith.constant 2496 : i32
    %add3A_293 = arith.addi %add3A, %add3A_292 : i32
    %min3A_294 = arith.constant 2499 : i32
    %min3A_295 = arith.minsi %add3A_293, %min3A_294 : i32
    %mul3A_296 = arith.constant 128 : i32
    %mul3A_297 = arith.muli %min3A_295, %mul3A_296 : i32
    %dma_wait3A_298 = arith.constant 0 : i32
    %dma_wait3A_299 = tpu.memref_slice %arg6[%mul3A_297, %dma_wait3A_298] : memref<320000x10xf32, #tpu.memory_space<hbm>> -> memref<128x10xf32, #tpu.memory_space<hbm>>
    %dma_wait3A_300 = arith.constant 0 : i32
    %dma_wait3A_301 = tpu.memref_slice %arg6[%mul3A_297, %dma_wait3A_300] : memref<320000x10xf32, #tpu.memory_space<hbm>> -> memref<128x10xf32, #tpu.memory_space<hbm>>
    tpu.wait_dma2 semaphore(%arg24 : memref<!tpu.dma_semaphore, #tpu.memory_space<semaphore_mem>>) src(%arg14 : memref<128x10xf32, #tpu.memory_space<vmem>>) dst(%dma_wait3A_301 : memref<128x10xf32, #tpu.memory_space<hbm>>)
    %dma_wait3A_302 = tpu.memref_slice %arg7[%mul3A_297] : memref<320000xf32, #tpu.memory_space<hbm>> -> memref<128xf32, #tpu.memory_space<hbm>>
    %dma_wait3A_303 = tpu.memref_slice %arg7[%mul3A_297] : memref<320000xf32, #tpu.memory_space<hbm>> -> memref<128xf32, #tpu.memory_space<hbm>>
    tpu.wait_dma2 semaphore(%arg24 : memref<!tpu.dma_semaphore, #tpu.memory_space<semaphore_mem>>) src(%arg15 : memref<128xf32, #tpu.memory_space<vmem>>) dst(%dma_wait3A_303 : memref<128xf32, #tpu.memory_space<hbm>>)
    %add3A_304 = arith.constant 2528 : i32
    %add3A_305 = arith.addi %add3A, %add3A_304 : i32
    %min3A_306 = arith.constant 2499 : i32
    %min3A_307 = arith.minsi %add3A_305, %min3A_306 : i32
    %mul3A_308 = arith.constant 128 : i32
    %mul3A_309 = arith.muli %min3A_307, %mul3A_308 : i32
    %dma_wait3A_310 = arith.constant 0 : i32
    %dma_wait3A_311 = tpu.memref_slice %arg6[%mul3A_309, %dma_wait3A_310] : memref<320000x10xf32, #tpu.memory_space<hbm>> -> memref<128x10xf32, #tpu.memory_space<hbm>>
    %dma_wait3A_312 = arith.constant 0 : i32
    %dma_wait3A_313 = tpu.memref_slice %arg6[%mul3A_309, %dma_wait3A_312] : memref<320000x10xf32, #tpu.memory_space<hbm>> -> memref<128x10xf32, #tpu.memory_space<hbm>>
    tpu.wait_dma2 semaphore(%arg25 : memref<!tpu.dma_semaphore, #tpu.memory_space<semaphore_mem>>) src(%arg16 : memref<128x10xf32, #tpu.memory_space<vmem>>) dst(%dma_wait3A_313 : memref<128x10xf32, #tpu.memory_space<hbm>>)
    %dma_wait3A_314 = tpu.memref_slice %arg7[%mul3A_309] : memref<320000xf32, #tpu.memory_space<hbm>> -> memref<128xf32, #tpu.memory_space<hbm>>
    %dma_wait3A_315 = tpu.memref_slice %arg7[%mul3A_309] : memref<320000xf32, #tpu.memory_space<hbm>> -> memref<128xf32, #tpu.memory_space<hbm>>
    tpu.wait_dma2 semaphore(%arg25 : memref<!tpu.dma_semaphore, #tpu.memory_space<semaphore_mem>>) src(%arg17 : memref<128xf32, #tpu.memory_space<vmem>>) dst(%dma_wait3A_315 : memref<128xf32, #tpu.memory_space<hbm>>)
    return
  }
}

</mosaic_0001>

<sc_bundles>
// kernel: kernel.3.cloned.1.call-start
scs
__scs_entry_jumppad:
0x0: {  	(pc) =	sbr.rel $0x88, $3  }
0x1: {  	(tag) =	ssettag $0x0;
	lr =	simm.s32 $0x1  }
0x2: {  	[smem:$0x3F9D] =	sst lr;
	_ =	strace $0xD0000000  }
0x3: {  	_ = 	snop  }
0x4: {  	_ = 	snop  }
0x5: {  	_ = 	snop  }
0x6: {  	_ = 	snop  }
0x7: {  	_ = 	snop  }
__scs_overlays_trampoline_lowered:
0x8: {  	[smem:$0x3FAC] =	sst s0  }
0x9: {  	[smem:$0x3FAD] =	sst s1  }
0xa: {  	[smem:$0x3FAE] =	sst s2  }
0xb: {  	[smem:$0x3FAF] =	sst s3  }
0xc: {  	[smem:$0x3FB0] =	sst s4  }
0xd: {  	[smem:$0x3FB1] =	sst s5  }
0xe: {  	[smem:$0x3FB2] =	sst s6  }
0xf: {  	[smem:$0x3FB3] =	sst s7  }
0x10: {  	[smem:$0x3FB4] =	sst s8  }
0x11: {  	[smem:$0x3FB5] =	sst s9;
	s0 =	simm.s32 @!p0 $0x0  }
0x12: {  	s1 =	sld [smem:$0x3F9B];
	s0 =	simm.s32 @p0 $0x1  }
0x13: {  	[smem:$0x3FB6] =	sst s0;
	s0 =	simm.s32 @!p1 $0x0  }
0x14: {  	s2 =	sld [smem:$0x3F9A];
	s0 =	simm.s32 @p1 $0x1  }
0x15: {  	[smem:$0x3FB7] =	sst s0;
	s0 =	simm.s32 @!p2 $0x0  }
0x16: {  	s3 =	sld [smem:$0x3FDB];
	s0 =	simm.s32 @p2 $0x1  }
0x17: {  	s4 =	simm.s32 $0x1BF5;
	[smem:$0x3FB9] =	sst s0  }
0x18: {  	s0 =	sld [smem:$0x3F9C];
	_ =	swait.ge [sflag:s4], $0x0  }
0x19: {  	s7 =	sld [smem:$0x3F9D]  }
0x1a: {  	s8 =	sadd.s32 $0xFFFFE003, lr  }
0x1b: {  	s9 =	sadd.s32 $0xFFFFFEF7, lr;
	s5 =	simm.s32 $0xFFFFFFFF;
	p2 =	slt.u32 s8, $0xFFFFF086  }
0x1c: {  	p1 =	slt.u32 s9, $0xF7A;
	s5 =	simm.s32 @!p2 $0x0  }
0x1d: {  	s5 =	simm.s32 @p1 $0x1;
	p0 =	seq.s32 s7, s2  }
0x1e: {  	s7 =	smul.u32 @!p0 $0xF7A, s2;
	p2 =	seq.s32 @!p0 s5, $0x0  }
0x1f: {  	s9 =	smul.u32 $0xF7A, s1;
	s8 =	simm.s32 @!p0 $0x1BF5;
	p2 =	por !p2, p0  }
0x20: {  	[sflag:s8] =	ssyncset.s32 @!p0 $0xFFFFF086;
	s6 =	sadd.s32 @!p0 s3, s7;
	s7 =	simm.s32 @!p0 $0x108  }
0x21: {  	s3 =	sadd.s32 s3, s9;
	s6 =	sadd.s32 @!p0 $0x88, s6;
	s7 =	simm.s32 @p2 $0x1082  }
0x22: {  	[simem:s7], [sflag:s8] =	dma.local @!p0 [hbm:s6], $0xF7A  }
0x23: {  	s9 =	sor.u32 $0xD0000000, s2;
	s6 =	simm.s32 $0x108;
	_ =	swait.ge @!p0 [sflag:s8], $0x0  }
0x24: {  	s3 =	sadd.s32 $0x88, s3;
	s6 =	simm.s32 @!p1 $0x1082;
	[sflag:s4] =	ssyncset.s32 $0xFFFFF086  }
0x25: {  	[simem:s6], [sflag:s4] =	dma.local [hbm:s3], $0xF7A  }
0x26: {  	[smem:$0x3F9D] =	sst s1;
	(tag) =	ssettag s2;
	_ =	strace s9  }
0x27: {  	s1 =	sld [smem:$0x3FAD]  }
0x28: {  	s2 =	sld [smem:$0x3FAE]  }
0x29: {  	s4 =	sld [smem:$0x3FB0]  }
0x2a: {  	p0 =	seq.s32 s5, $0x0;
	s5 =	sld [smem:$0x3FB1]  }
0x2b: {  	s6 =	sld [smem:$0x3FB2]  }
0x2c: {  	s7 =	sld [smem:$0x3FB3]  }
0x2d: {  	s3 =	simm.s32 $0x108;
	s8 =	sld [smem:$0x3FB4]  }
0x2e: {  	s3 =	simm.s32 @!p0 $0x1082;
	s9 =	sld [smem:$0x3FB5]  }
0x2f: {  	lr =	sadd.s32 s0, s3;
	s0 =	sld [smem:$0x3FAC]  }
0x30: {  	s3 =	sld [smem:$0x3FAF]  }
0x31: {  	[smem:$0x3FB8] =	sst s10  }
0x32: {  	s10 =	sld [smem:$0x3FB6];
	_ =	sdelay $0x3  }
0x33: {  	p0 =	seq.s32 s10, $0x1;
	s10 =	sld [smem:$0x3FB8];
	_ =	sdelay $0x3  }
0x34: {  	[smem:$0x3FB8] =	sst s10  }
0x35: {  	s10 =	sld [smem:$0x3FB7];
	_ =	sdelay $0x3  }
0x36: {  	p1 =	seq.s32 s10, $0x1;
	s10 =	sld [smem:$0x3FB8];
	_ =	sdelay $0x3  }
0x37: {  	[smem:$0x3FB8] =	sst s10  }
0x38: {  	s10 =	sld [smem:$0x3FB9]  }
0x39: {  	_ = 	snop;
	(pc) =	sbr.ind lr, $3  }
0x3a: {  	_ = 	snop  }
0x3b: {  	_ = 	snop  }
0x3c: {  	p2 =	seq.s32 s10, $0x1;
	s10 =	sld [smem:$0x3FB8]  }
0x3d: {  	_ =	shalt  }
0x3e: {  	_ =	shalt  }
0x3f: {  	_ =	shalt  }
0x40: {  	_ =	shalt  }
0x41: {  	_ =	shalt  }
0x42: {  	_ =	shalt  }
0x43: {  	_ =	shalt  }
0x44: {  	_ =	shalt  }
0x45: {  	_ =	shalt  }
0x46: {  	_ =	shalt  }
0x47: {  	_ =	shalt  }
0x48: {  	_ =	shalt  }
0x49: {  	_ =	shalt  }
0x4a: {  	_ =	shalt  }
0x4b: {  	_ =	shalt  }
0x4c: {  	_ =	shalt  }
0x4d: {  	_ =	shalt  }
0x4e: {  	_ =	shalt  }
0x4f: {  	_ =	shalt  }
0x50: {  	_ =	shalt  }
0x51: {  	_ =	shalt  }
0x52: {  	_ =	shalt  }
0x53: {  	_ =	shalt  }
0x54: {  	_ =	shalt  }
0x55: {  	_ =	shalt  }
0x56: {  	_ =	shalt  }
0x57: {  	_ =	shalt  }
0x58: {  	_ =	shalt  }
0x59: {  	_ =	shalt  }
0x5a: {  	_ =	shalt  }
0x5b: {  	_ =	shalt  }
0x5c: {  	_ =	shalt  }
0x5d: {  	_ =	shalt  }
0x5e: {  	_ =	shalt  }
0x5f: {  	_ =	shalt  }
0x60: {  	_ =	shalt  }
0x61: {  	_ =	shalt  }
0x62: {  	_ =	shalt  }
0x63: {  	_ =	shalt  }
0x64: {  	_ =	shalt  }
0x65: {  	_ =	shalt  }
0x66: {  	_ =	shalt  }
0x67: {  	_ =	shalt  }
0x68: {  	_ =	shalt  }
0x69: {  	_ =	shalt  }
0x6a: {  	_ =	shalt  }
0x6b: {  	_ =	shalt  }
0x6c: {  	_ =	shalt  }
0x6d: {  	_ =	shalt  }
0x6e: {  	_ =	shalt  }
0x6f: {  	_ =	shalt  }
0x70: {  	_ =	shalt  }
0x71: {  	_ =	shalt  }
0x72: {  	_ =	shalt  }
0x73: {  	_ =	shalt  }
0x74: {  	_ =	shalt  }
0x75: {  	_ =	shalt  }
0x76: {  	_ =	shalt  }
0x77: {  	_ =	shalt  }
0x78: {  	_ =	shalt  }
0x79: {  	_ =	shalt  }
0x7a: {  	_ =	shalt  }
0x7b: {  	_ =	shalt  }
0x7c: {  	_ =	shalt  }
0x7d: {  	_ =	shalt  }
0x7e: {  	_ =	shalt  }
0x7f: {  	_ =	shalt  }
0x80: {  	_ =	shalt  }
0x81: {  	_ =	shalt  }
0x82: {  	_ =	shalt  }
0x83: {  	_ =	shalt  }
0x84: {  	_ =	shalt  }
0x85: {  	_ =	shalt  }
0x86: {  	_ =	shalt  }
0x87: {  	_ =	shalt  }
.Lfunc_end0:
.L_simem_size_0:
called_computation_lowered:
.L_overlay_start_0:
0x88: {  	s2 =	sld [smem:$0x3FD9]  }
0x89: {  	s3 =	sld [smem:$0x3FFE];
	_ =	sdelay $0x1  }
0x8a: {  	s1 =	srdreg.scid  }
0x8b: {  	s0 =	sand.u32 $0x1, s1  }
0x8c: {  	s14 =	sshll.u32 s0, $0xA;
	s2 =	sadd.s32 s3, s2  }
0x8d: {  	s2 =	sadd.s32 s2, s14  }
0x8e: {  	[smem:$0x3FC4] =	sst s2  }
0x8f: {  	_ = 	snop  }
0x90: {  	s2 =	sld [smem:$0x3FD0];
	_ =	sdelay $0x2  }
0x91: {  	s4 =	simm.s32 $0xA;
	s5 =	simm.s32 $0x10;
	s15 =	sld [smem:$0x3FC8]  }
0x92: {  	[smem:s5], [sflag:s4] =	dma.local [hbm:s2], $0x1  }
0x93: {  	_ =	swait.eq [sflag:s4], $0x1  }
0x94: {  	[sflag:s4] =	ssyncset.done $0x0  }
0x95: {  	s16 =	sld [smem:$0x10];
	[sflag:s4] =	ssyncadd.s32 $0xFFFFFFFF  }
0x96: {  	s17 =	sld [smem:$0x11];
	(tm) =	ssettm $0x1  }
0x97: {  	s18 =	sld [smem:$0x3FFB];
	_ =	sdelay $0x3  }
0x98: {  	_ =	strace s18  }
0x99: {  	s5 =	sld [smem:$0x3FFC];
	_ =	sdelay $0x3  }
0x9a: {  	_ =	strace s5  }
0x9b: {  	s5 =	sld [smem:$0x3FFD];
	_ =	sdelay $0x3  }
0x9c: {  	_ =	strace s5  }
0x9d: {  	_ =	strace $0x8FFFFFFF  }
0x9e: {  	s19 =	sld [smem:$0x3FDB];
	_ =	sdelay $0x1  }
0x9f: {  	s6 =	simm.s32 $_scs_section_size  }
0xa0: {  	s7 =	simm.s32 $_size__tile_overlayer_lowered;
	s8 =	simm.s32 $_tile_overlayer_lowered  }
0xa1: {  	s22 =	simm.s32 $0x1BFF;
	s21 =	sshll.u32 s8, $0x1;
	s5 =	sadd.s32 s6, s19  }
0xa2: {  	s9 =	simm.s32 $0x0;
	s20 =	sshll.u32 s7, $0x1;
	s7 =	sadd.s32 s21, s5  }
0xa3: {  	[timem:s9], [sflag:s22] =	dma.local [hbm:s7], s20  }
0xa4: {  	_ =	swait.ge [sflag:s22], s20  }
0xa5: {  	s6 =	ssub.s32 $0x0, s20;
	[sflag:s22] =	ssyncset.done $0x0  }
0xa6: {  	[sflag:s22] =	ssyncadd.s32 s6;
	_ =	sdelay $0x1  }
0xa7: {  	s23 =	simm.s32 $0x1B8B  }
0xa8: {  	_ =	swait.ge [sflag:s23], $0x1  }
0xa9: {  	[sflag:s23] =	ssyncset.done $0x0  }
0xaa: {  	s25 =	simm.s32 $0x1B8E;
	s24 =	sld [smem:$0x3FFE];
	[sflag:s23] =	ssyncadd.s32 $0xFFFFFFFF  }
0xab: {  	s26 =	simm.s32 $execute0_lowered;
	[smem:$0x3FD2] =	sst s25  }
0xac: {  	s7 =	sshll.u32 s26, $0x1;
	_ =	strace $0x80000046;
	[dreg:$0x1] =	wrdreg $0xFFFFFFFF  }
0xad: {  	s28 =	simm.s32 $_size_execute0_lowered;
	s5 =	sadd.s32 s5, s7;
	[dreg:$0x0] =	wrdreg $0x0  }
0xae: {  	s7 =	sshll.u32 s28, $0x1;
	[dreg:$0x2] =	wrdreg s5  }
0xaf: {  	[dreg:$0x3] =	wrdreg s7  }
0xb0: {  	[dreg:$0x4] =	wrdreg $0xC0  }
0xb1: {  	_ =	task [dreg:s9], $0x5FFFF  }
0xb2: {  	[dreg:$0x1] =	wrdreg $0xFFFFFFFF  }
0xb3: {  	[dreg:$0x0] =	wrdreg $0x60  }
0xb4: {  	[dreg:$0x2] =	wrdreg s16  }
0xb5: {  	[dreg:$0x3] =	wrdreg s15  }
0xb6: {  	[dreg:$0x4] =	wrdreg s17  }
0xb7: {  	[dreg:$0x5] =	wrdreg s24  }
0xb8: {  	[dreg:$0x6] =	wrdreg $0x9  }
0xb9: {  	_ =	task.clear_ibuf [dreg:s9], $0x7FFFF;
	_ =	strace $0x90000046  }
0xba: {  	s29 =	simm.s32 $0x9;
	_ =	strace $0x80000048  }
0xbb: {  	_ =	swait.ge [sflag:s29], $0x1  }
0xbc: {  	[sflag:s29] =	ssyncadd.s32 $0xFFFFFFFF  }
0xbd: {  	_ =	strace $0x90000048  }
0xbe: {  	_ =	sfence  }
0xbf: {  	s30 =	sld [smem:$0x0];
	_ =	sdelay $0x2  }
0xc0: {  	s31 =	sshll.u32 s1, $0xD;
	s1 =	sshrl.u32 s1, $0x2  }
0xc1: {  	s3 =	sand.u32 $0x4000, s31;
	s1 =	sadd.s32 s1, s30  }
0xc2: {  	s0 =	sor.u32 s3, s0;
	s1 =	sshll.u32 s1, $0x11  }
0xc3: {  	s0 =	sor.u32 s1, s0  }
0xc4: {  	s0 =	sadd.s32 $0x8F2B, s0  }
0xc5: {  	[sflag:s0] =	ssyncadd.remote.s32 $0x1  }
0xc6: {  	_ =	sfence.sel $0xFFFF  }
0xc7: {  	[dreg:$0x0] =	wrdreg $0xFFFFFFFF;
	(pc) =	sbr.abs _section_cstart, $3  }
0xc8: {  	[dreg:$0x1] =	wrdreg $0xFFFFFFFF  }
0xc9: {  	_ =	task.clear_ibuf [dreg:s9], $0x2FFFF;
	_ =	strace $0x9FFFFFFF  }
0xca: {  	(tm) =	ssettm $0x7FFFFFFF  }
0xcb: {  	_ =	shalt  }
tec
execute0_lowered:
.L_overlay_start_1:
0x0: {  	(tag) =	ssettag $0x1  }
0x1: {  	v0 =	vimm.s32 $0xFEDCBA9  }
0x2: {  	v1 =	vimm.s32 $0x87654321;
	v0 =	vunpack.c.l.s4.s8 v0  }
0x3: {  	v1 =	vunpack.c.l.s4.s8 v1  }
0x4: {  	v11 =	vimm.s32 $0x10FEDCBA;
	v16 =	vimm.s32 $0x98765432;
	v54 =	vunpack.c.0.s8.s32 v0  }
0x5: {  	v55 =	vunpack.c.0.s8.s32 v1;
	v0 =	vunpack.c.l.s4.s8 v11;
	v1 =	vunpack.c.l.s4.s8 v16;
	_ =	sdelay $0x1  }
0x6: {  	v58 =	vunpack.c.0.s8.s32 v0;
	v61 =	vunpack.c.0.s8.s32 v1;
	_ =	sdelay $0x1  }
0x7: {  	v19 =	vcombine.low v61, v58;
	_ =	sdelay $0x1  }
0x8: {  	v23 =	vimm.s32 $0x543210FE;
	v0 =	vand.u32 $0xF, v19  }
0x9: {  	[tilespmem:$0x1F7D0] =	vst v0;
	v0 =	vunpack.c.l.s4.s8 v23  }
0xa: {  	v30 =	vimm.s32 $0x1C1B1A19  }
0xb: {  	v38 =	vunpack.c.0.s8.s32 v0;
	v0 =	vunpack.c.0.s8.s32 v30  }
0xc: {  	v33 =	vimm.s32 $0x14131211  }
0xd: {  	[tilespmem:$0x1F820] =	vst v0;
	v0 =	vunpack.c.0.s8.s32 v33  }
0xe: {  	v34 =	vimm.s32 $0x18171615  }
0xf: {  	[tilespmem:$0x1F840] =	vst v0;
	v0 =	vunpack.c.0.s8.s32 v34  }
0x10: {  	v37 =	vimm.s32 $0x11101F1E  }
0x11: {  	[tilespmem:$0x1F850] =	vst v0;
	v0 =	vunpack.c.0.s8.s32 v37  }
0x12: {  	v39 =	vimm.s32 $0x15141312  }
0x13: {  	[tilespmem:$0x1F870] =	vst v0;
	v0 =	vunpack.c.0.s8.s32 v39  }
0x14: {  	v42 =	vimm.s32 $0x1E1D1C1B  }
0x15: {  	[tilespmem:$0x1F880] =	vst v0;
	v0 =	vunpack.c.0.s8.s32 v42  }
0x16: {  	v43 =	vimm.s32 $0x1211101F  }
0x17: {  	[tilespmem:$0x1F8A0] =	vst v0;
	v0 =	vunpack.c.0.s8.s32 v43  }
0x18: {  	v46 =	vimm.s32 $0x1A191817  }
0x19: {  	[tilespmem:$0x1F8B0] =	vst v0;
	v0 =	vunpack.c.0.s8.s32 v46  }
0x1a: {  	v47 =	vimm.s32 $0x1F1E1D1C  }
0x1b: {  	[tilespmem:$0x1F8D0] =	vst v0;
	v0 =	vunpack.c.0.s8.s32 v47  }
0x1c: {  	v51 =	vimm.s32 $0x17161514  }
0x1d: {  	[tilespmem:$0x1F8E0] =	vst v0;
	v0 =	vunpack.c.0.s8.s32 v51  }
0x1e: {  	v52 =	vimm.s32 $0x1B1A1918  }
0x1f: {  	v2 =	vimm.s32 $0x210FEDCB;
	v3 =	vimm.s32 $0xA9876543;
	[tilespmem:$0x1F900] =	vst v0;
	v0 =	vunpack.c.0.s8.s32 v52  }
0x20: {  	v4 =	vimm.s32 $0x3210FEDC;
	v5 =	vimm.s32 $0xBA987654;
	v57 =	vimm.s32 $0x202F2E2D  }
0x21: {  	v24 =	vimm.s32 $0xDCBA9876;
	v25 =	vimm.s32 $0xFEDCBA98;
	[tilespmem:$0x1F910] =	vst v0;
	v0 =	vunpack.c.0.s8.s32 v57  }
0x22: {  	v59 =	vimm.s32 $0x24232221;
	v2 =	vunpack.c.l.s4.s8 v2;
	v3 =	vunpack.c.l.s4.s8 v3  }
0x23: {  	v17 =	vunpack.c.l.s4.s8 v4;
	v4 =	vunpack.c.l.s4.s8 v5;
	[tilespmem:$0x1F930] =	vst v0;
	v0 =	vunpack.c.0.s8.s32 v59  }
0x24: {  	v62 =	vunpack.c.0.s8.s32 v2;
	v63 =	vunpack.c.0.s8.s32 v3;
	v16 =	vimm.s32 $0x2D2C2B2A  }
0x25: {  	v8 =	vunpack.c.0.s8.s32 v4;
	v4 =	vimm.s32 $0x43210FED;
	[tilespmem:$0x1F940] =	vst v0;
	v0 =	vunpack.c.0.s8.s32 v16  }
0x26: {  	v6 =	vunpack.c.0.s8.s32 v17;
	v17 =	vimm.s32 $0x21202F2E;
	v20 =	vunpack.c.l.s4.s8 v4  }
0x27: {  	v5 =	vimm.s32 $0xCBA98765;
	v2 =	vcombine.low v63, v62;
	[tilespmem:$0x1F960] =	vst v0;
	v0 =	vunpack.c.0.s8.s32 v17  }
0x28: {  	v4 =	vunpack.c.l.s4.s8 v5;
	v9 =	vunpack.c.0.s8.s32 v20;
	v20 =	vimm.s32 $0x29282726  }
0x29: {  	v18 =	vcombine.low v55, v54;
	v21 =	vand.u32 $0xF, v2;
	[tilespmem:$0x1F970] =	vst v0;
	v0 =	vunpack.c.0.s8.s32 v20  }
0x2a: {  	v5 =	vimm.s32 $0xEDCBA987;
	v3 =	vcombine.low v8, v6;
	[tilespmem:$0x1F7E0] =	vst v21;
	v21 =	vimm.s32 $0x2E2D2C2B  }
0x2b: {  	v5 =	vunpack.c.l.s4.s8 v5;
	v1 =	vand.u32 $0xF, v18;
	[tilespmem:$0x1F990] =	vst v0;
	v0 =	vunpack.c.0.s8.s32 v21  }
0x2c: {  	v22 =	vand.u32 $0xF, v3;
	[tilespmem:$0x1F7C0] =	vst v1;
	v1 =	vunpack.c.l.s4.s8 v24;
	v24 =	vimm.s32 $0x26252423  }
0x2d: {  	v3 =	vimm.s32 $0x76543210;
	v2 =	vunpack.c.l.s4.s8 v25;
	[tilespmem:$0x1F9A0] =	vst v0;
	v0 =	vunpack.c.0.s8.s32 v24  }
0x2e: {  	v28 =	vunpack.c.0.s8.s32 v5;
	v25 =	vimm.s32 $0x2A292827;
	v3 =	vunpack.c.l.s4.s8 v3  }
0x2f: {  	v2 =	vunpack.c.0.s8.s32 v2;
	[tilespmem:$0x1F9C0] =	vst v0;
	v0 =	vunpack.c.0.s8.s32 v25  }
0x30: {  	[tilespmem:$0x1F810] =	vst v28;
	v28 =	vimm.s32 $0x23222120;
	v26 =	vunpack.c.0.s8.s32 v3  }
0x31: {  	v31 =	vimm.s32 $0x101F1E1D;
	v29 =	vand.u32 $0xF, v2;
	[tilespmem:$0x1F9D0] =	vst v0;
	v0 =	vunpack.c.0.s8.s32 v28  }
0x32: {  	v32 =	vunpack.c.0.s8.s32 v31;
	v12 =	vcombine.low v29, v26;
	v29 =	vimm.s32 $0x27262524  }
0x33: {  	[tilespmem:$0x1F9F0] =	vst v0;
	v0 =	vunpack.c.0.s8.s32 v29  }
0x34: {  	[tilespmem:$0x1F830] =	vst v32;
	v32 =	vimm.s32 $0x3C3B3A39  }
0x35: {  	v35 =	vimm.s32 $0x1D1C1B1A;
	[tilespmem:$0x1FA00] =	vst v0;
	v0 =	vunpack.c.0.s8.s32 v32  }
0x36: {  	v36 =	vunpack.c.0.s8.s32 v35;
	v33 =	vimm.s32 $0x303F3E3D  }
0x37: {  	[tilespmem:$0x1FA20] =	vst v0;
	v0 =	vunpack.c.0.s8.s32 v33  }
0x38: {  	[tilespmem:$0x1F860] =	vst v36;
	v36 =	vimm.s32 $0x38373635  }
0x39: {  	v40 =	vimm.s32 $0x19181716;
	[tilespmem:$0x1FA30] =	vst v0;
	v0 =	vunpack.c.0.s8.s32 v36  }
0x3a: {  	v41 =	vunpack.c.0.s8.s32 v40;
	v37 =	vimm.s32 $0x3D3C3B3A  }
0x3b: {  	[tilespmem:$0x1FA50] =	vst v0;
	v0 =	vunpack.c.0.s8.s32 v37  }
0x3c: {  	[tilespmem:$0x1F890] =	vst v41;
	v41 =	vimm.s32 $0x35343332  }
0x3d: {  	v44 =	vimm.s32 $0x16151413;
	[tilespmem:$0x1FA60] =	vst v0;
	v0 =	vunpack.c.0.s8.s32 v41  }
0x3e: {  	v45 =	vunpack.c.0.s8.s32 v44;
	v42 =	vimm.s32 $0x39383736  }
0x3f: {  	[tilespmem:$0x1FA80] =	vst v0;
	v0 =	vunpack.c.0.s8.s32 v42  }
0x40: {  	[tilespmem:$0x1F8C0] =	vst v45;
	v45 =	vimm.s32 $0x3231303F  }
0x41: {  	v49 =	vimm.s32 $0x13121110;
	[tilespmem:$0x1FA90] =	vst v0;
	v0 =	vunpack.c.0.s8.s32 v45  }
0x42: {  	v50 =	vunpack.c.0.s8.s32 v49;
	v46 =	vimm.s32 $0x36353433  }
0x43: {  	[tilespmem:$0x1FAB0] =	vst v0;
	v0 =	vunpack.c.0.s8.s32 v46  }
0x44: {  	[tilespmem:$0x1F8F0] =	vst v50;
	v50 =	vimm.s32 $0x3F3E3D3C  }
0x45: {  	v53 =	vimm.s32 $0x2C2B2A29;
	[tilespmem:$0x1FAC0] =	vst v0;
	v0 =	vunpack.c.0.s8.s32 v50  }
0x46: {  	v56 =	vunpack.c.0.s8.s32 v53;
	v51 =	vimm.s32 $0x33323130  }
0x47: {  	[tilespmem:$0x1FAE0] =	vst v0;
	v0 =	vunpack.c.0.s8.s32 v51  }
0x48: {  	[tilespmem:$0x1F920] =	vst v56;
	v56 =	vimm.s32 $0x3B3A3938  }
0x49: {  	v60 =	vimm.s32 $0x28272625;
	[tilespmem:$0x1FAF0] =	vst v0;
	v0 =	vunpack.c.0.s8.s32 v56  }
0x4a: {  	v11 =	vunpack.c.0.s8.s32 v60;
	v57 =	vimm.s32 $0x4C4B4A49  }
0x4b: {  	[tilespmem:$0x1FB10] =	vst v0;
	v0 =	vunpack.c.0.s8.s32 v57  }
0x4c: {  	[tilespmem:$0x1F950] =	vst v11;
	v11 =	vimm.s32 $0x44434241  }
0x4d: {  	v18 =	vimm.s32 $0x25242322;
	[tilespmem:$0x1FB20] =	vst v0;
	v0 =	vunpack.c.0.s8.s32 v11  }
0x4e: {  	[tilespmem:$0x1F7F0] =	vst v22;
	v19 =	vunpack.c.0.s8.s32 v18;
	v16 =	vimm.s32 $0x48474645  }
0x4f: {  	[tilespmem:$0x1FB40] =	vst v0;
	v0 =	vunpack.c.0.s8.s32 v16  }
0x50: {  	v10 =	vunpack.c.0.s8.s32 v4;
	[tilespmem:$0x1F980] =	vst v19;
	v19 =	vimm.s32 $0x41404F4E  }
0x51: {  	v4 =	vimm.s32 $0x6543210F;
	v22 =	vimm.s32 $0x2221202F;
	[tilespmem:$0x1FB50] =	vst v0;
	v0 =	vunpack.c.0.s8.s32 v19  }
0x52: {  	v4 =	vunpack.c.l.s4.s8 v4;
	v23 =	vunpack.c.0.s8.s32 v22;
	v20 =	vimm.s32 $0x45444342  }
0x53: {  	[tilespmem:$0x1FB70] =	vst v0;
	v0 =	vunpack.c.0.s8.s32 v20  }
0x54: {  	v27 =	vunpack.c.0.s8.s32 v4;
	[tilespmem:$0x1F9B0] =	vst v23;
	v23 =	vimm.s32 $0x4E4D4C4B  }
0x55: {  	v26 =	vimm.s32 $0x2F2E2D2C;
	[tilespmem:$0x1FB80] =	vst v0;
	v0 =	vunpack.c.0.s8.s32 v23  }
0x56: {  	[tilespmem:$0x1F800] =	vst v27;
	v27 =	vunpack.c.0.s8.s32 v26;
	v24 =	vimm.s32 $0x4241404F  }
0x57: {  	[tilespmem:$0x1FBA0] =	vst v0;
	v0 =	vunpack.c.0.s8.s32 v24  }
0x58: {  	[tilespmem:$0x1F9E0] =	vst v27;
	v27 =	vimm.s32 $0x4A494847  }
0x59: {  	v30 =	vimm.s32 $0x2B2A2928;
	[tilespmem:$0x1FBB0] =	vst v0;
	v0 =	vunpack.c.0.s8.s32 v27  }
0x5a: {  	v31 =	vunpack.c.0.s8.s32 v30;
	v28 =	vimm.s32 $0x4F4E4D4C  }
0x5b: {  	[tilespmem:$0x1FBD0] =	vst v0;
	v0 =	vunpack.c.0.s8.s32 v28  }
0x5c: {  	[tilespmem:$0x1FA10] =	vst v31;
	v31 =	vimm.s32 $0x47464544  }
0x5d: {  	v34 =	vimm.s32 $0x34333231;
	[tilespmem:$0x1FBE0] =	vst v0;
	v0 =	vunpack.c.0.s8.s32 v31  }
0x5e: {  	v35 =	vunpack.c.0.s8.s32 v34;
	v32 =	vimm.s32 $0x4B4A4948  }
0x5f: {  	v39 =	vimm.s32 $0x31303F3E;
	[tilespmem:$0x1FC00] =	vst v0;
	v0 =	vunpack.c.0.s8.s32 v32  }
0x60: {  	[tilespmem:$0x1FA40] =	vst v35;
	v35 =	vimm.s32 $0x505F5E5D;
	v40 =	vunpack.c.0.s8.s32 v39  }
0x61: {  	v43 =	vimm.s32 $0x3E3D3C3B;
	[tilespmem:$0x1FC10] =	vst v0;
	v0 =	vunpack.c.0.s8.s32 v35  }
0x62: {  	[tilespmem:$0x1FA70] =	vst v40;
	v44 =	vunpack.c.0.s8.s32 v43;
	v36 =	vimm.s32 $0x54535251  }
0x63: {  	v47 =	vimm.s32 $0x3A393837;
	[tilespmem:$0x1FC30] =	vst v0;
	v0 =	vunpack.c.0.s8.s32 v36  }
0x64: {  	v40 =	vimm.s32 $0x5D5C5B5A;
	[tilespmem:$0x1FAA0] =	vst v44;
	v49 =	vunpack.c.0.s8.s32 v47  }
0x65: {  	v52 =	vimm.s32 $0x37363534;
	[tilespmem:$0x1FC40] =	vst v0;
	v0 =	vunpack.c.0.s8.s32 v40  }
0x66: {  	[tilespmem:$0x1FAD0] =	vst v49;
	v53 =	vunpack.c.0.s8.s32 v52;
	v41 =	vimm.s32 $0x51505F5E  }
0x67: {  	v59 =	vimm.s32 $0x404F4E4D;
	[tilespmem:$0x1FC60] =	vst v0;
	v0 =	vunpack.c.0.s8.s32 v41  }
0x68: {  	v44 =	vimm.s32 $0x59585756;
	[tilespmem:$0x1FB00] =	vst v53;
	v60 =	vunpack.c.0.s8.s32 v59  }
0x69: {  	v17 =	vimm.s32 $0x4D4C4B4A;
	[tilespmem:$0x1FC70] =	vst v0;
	v0 =	vunpack.c.0.s8.s32 v44  }
0x6a: {  	[tilespmem:$0x1FB30] =	vst v60;
	v18 =	vunpack.c.0.s8.s32 v17;
	v45 =	vimm.s32 $0x5E5D5C5B  }
0x6b: {  	v21 =	vimm.s32 $0x49484746;
	[tilespmem:$0x1FC90] =	vst v0;
	v0 =	vunpack.c.0.s8.s32 v45  }
0x6c: {  	v49 =	vimm.s32 $0x56555453;
	[tilespmem:$0x1FB60] =	vst v18;
	v22 =	vunpack.c.0.s8.s32 v21  }
0x6d: {  	v25 =	vimm.s32 $0x46454443;
	[tilespmem:$0x1FCA0] =	vst v0;
	v0 =	vunpack.c.0.s8.s32 v49  }
0x6e: {  	[tilespmem:$0x1FB90] =	vst v22;
	v26 =	vunpack.c.0.s8.s32 v25;
	v50 =	vimm.s32 $0x5A595857  }
0x6f: {  	v29 =	vimm.s32 $0x43424140;
	[tilespmem:$0x1FCC0] =	vst v0;
	v0 =	vunpack.c.0.s8.s32 v50  }
0x70: {  	v53 =	vimm.s32 $0x53525150;
	[tilespmem:$0x1FBC0] =	vst v26;
	v30 =	vunpack.c.0.s8.s32 v29  }
0x71: {  	v33 =	vimm.s32 $0x5C5B5A59;
	[tilespmem:$0x1FCD0] =	vst v0;
	v0 =	vunpack.c.0.s8.s32 v53  }
0x72: {  	[tilespmem:$0x1FBF0] =	vst v30;
	v34 =	vunpack.c.0.s8.s32 v33;
	v56 =	vimm.s32 $0x57565554  }
0x73: {  	v37 =	vimm.s32 $0x58575655;
	[tilespmem:$0x1FCF0] =	vst v0;
	v0 =	vunpack.c.0.s8.s32 v56  }
0x74: {  	v60 =	vimm.s32 $0x6C6B6A69;
	[tilespmem:$0x1FC20] =	vst v34;
	v39 =	vunpack.c.0.s8.s32 v37  }
0x75: {  	v42 =	vimm.s32 $0x55545352;
	[tilespmem:$0x1FD00] =	vst v0;
	v0 =	vunpack.c.0.s8.s32 v60  }
0x76: {  	[tilespmem:$0x1FC50] =	vst v39;
	v43 =	vunpack.c.0.s8.s32 v42;
	v11 =	vimm.s32 $0x606F6E6D  }
0x77: {  	v46 =	vimm.s32 $0x5251505F;
	[tilespmem:$0x1FD20] =	vst v0;
	v0 =	vunpack.c.0.s8.s32 v11  }
0x78: {  	v18 =	vimm.s32 $0x68676665;
	[tilespmem:$0x1FC80] =	vst v43;
	v47 =	vunpack.c.0.s8.s32 v46  }
0x79: {  	v51 =	vimm.s32 $0x5F5E5D5C;
	[tilespmem:$0x1FD30] =	vst v0;
	v0 =	vunpack.c.0.s8.s32 v18  }
0x7a: {  	[tilespmem:$0x1FCB0] =	vst v47;
	v52 =	vunpack.c.0.s8.s32 v51;
	v19 =	vimm.s32 $0x6D6C6B6A  }
0x7b: {  	v57 =	vimm.s32 $0x5B5A5958;
	[tilespmem:$0x1FD50] =	vst v0;
	v0 =	vunpack.c.0.s8.s32 v19  }
0x7c: {  	v22 =	vimm.s32 $0x65646362;
	[tilespmem:$0x1FCE0] =	vst v52;
	v59 =	vunpack.c.0.s8.s32 v57  }
0x7d: {  	v16 =	vimm.s32 $0x64636261;
	[tilespmem:$0x1FD60] =	vst v0;
	v0 =	vunpack.c.0.s8.s32 v22  }
0x7e: {  	[tilespmem:$0x1FD10] =	vst v59;
	v17 =	vunpack.c.0.s8.s32 v16;
	v23 =	vimm.s32 $0x69686766  }
0x7f: {  	v20 =	vimm.s32 $0x61606F6E;
	[tilespmem:$0x1FD80] =	vst v0;
	v0 =	vunpack.c.0.s8.s32 v23  }
0x80: {  	v26 =	vimm.s32 $0x6261606F;
	[tilespmem:$0x1FD40] =	vst v17;
	v21 =	vunpack.c.0.s8.s32 v20  }
0x81: {  	v24 =	vimm.s32 $0x6E6D6C6B;
	[tilespmem:$0x1FD90] =	vst v0;
	v0 =	vunpack.c.0.s8.s32 v26  }
0x82: {  	[tilespmem:$0x1FD70] =	vst v21;
	v25 =	vunpack.c.0.s8.s32 v24;
	v27 =	vimm.s32 $0x66656463  }
0x83: {  	v28 =	vimm.s32 $0x6A696867;
	[tilespmem:$0x1FDB0] =	vst v0;
	v0 =	vunpack.c.0.s8.s32 v27  }
0x84: {  	v30 =	vimm.s32 $0x6F6E6D6C;
	[tilespmem:$0x1FDA0] =	vst v25;
	v29 =	vunpack.c.0.s8.s32 v28  }
0x85: {  	v32 =	vimm.s32 $0x67666564;
	[tilespmem:$0x1FDC0] =	vst v0;
	v0 =	vunpack.c.0.s8.s32 v30  }
0x86: {  	v31 =	vimm.s32 $0x63626160;
	[tilespmem:$0x1FDD0] =	vst v29;
	v33 =	vunpack.c.0.s8.s32 v32  }
0x87: {  	s0 =	rddreg [dreg:$0x0];
	v36 =	vimm.s32 $0x707F7E7D;
	[tilespmem:$0x1FDE0] =	vst v0;
	v0 =	vunpack.c.0.s8.s32 v31  }
0x88: {  	s1 =	rddreg [dreg:$0x1];
	s5 =	simm.s32 $0x0;
	[tilespmem:$0x1FE00] =	vst v33;
	v37 =	vunpack.c.0.s8.s32 v36;
	v41 =	vimm.s32 $0x7D7C7B7A  }
0x89: {  	[smem:$0x7FF] =	sst s5;
	v42 =	vunpack.c.0.s8.s32 v41;
	v45 =	vimm.s32 $0x79787776;
	[tilespmem:$0x1FDF0] =	vst v0  }
0x8a: {  	s2 =	rddreg [dreg:$0x3];
	v46 =	vunpack.c.0.s8.s32 v45;
	v50 =	vimm.s32 $0x76757473;
	_ =	strace $0x80000047;
	[tilespmem:$0x1FE30] =	vst v37  }
0x8b: {  	v51 =	vunpack.c.0.s8.s32 v50;
	v56 =	vimm.s32 $0x73727170;
	[tilespmem:$0x1FE60] =	vst v42  }
0x8c: {  	v57 =	vunpack.c.0.s8.s32 v56;
	[tilespmem:$0x1FE90] =	vst v46  }
0x8d: {  	[tilespmem:$0x1FEC0] =	vst v51  }
0x8e: {  	[tilespmem:$0x1FEF0] =	vst v57  }
0x8f: {  	v34 =	vimm.s32 $0x6B6A6968;
	[tilespmem:$0x1FF20] =	vst v54  }
0x90: {  	v0 =	vunpack.c.0.s8.s32 v34;
	[tilespmem:$0x1FF30] =	vst v55  }
0x91: {  	v35 =	vimm.s32 $0x7C7B7A79;
	[tilespmem:$0x1FF40] =	vst v58  }
0x92: {  	[tilespmem:$0x1FE10] =	vst v0;
	v0 =	vunpack.c.0.s8.s32 v35  }
0x93: {  	v39 =	vimm.s32 $0x74737271;
	[tilespmem:$0x1FF50] =	vst v61  }
0x94: {  	[tilespmem:$0x1FE20] =	vst v0;
	v0 =	vunpack.c.0.s8.s32 v39  }
0x95: {  	v40 =	vimm.s32 $0x78777675;
	[tilespmem:$0x1FF60] =	vst v62  }
0x96: {  	[tilespmem:$0x1FE40] =	vst v0;
	v0 =	vunpack.c.0.s8.s32 v40  }
0x97: {  	v43 =	vimm.s32 $0x71707F7E;
	[tilespmem:$0x1FF70] =	vst v63  }
0x98: {  	[tilespmem:$0x1FE50] =	vst v0;
	v0 =	vunpack.c.0.s8.s32 v43  }
0x99: {  	v44 =	vimm.s32 $0x75747372;
	[tilespmem:$0x1FF80] =	vst v6  }
0x9a: {  	[tilespmem:$0x1FE70] =	vst v0;
	v0 =	vunpack.c.0.s8.s32 v44  }
0x9b: {  	v47 =	vimm.s32 $0x7E7D7C7B;
	[tilespmem:$0x1FF90] =	vst v8  }
0x9c: {  	s3 =	srdreg.scid;
	s4 =	stileid.u32;
	[tilespmem:$0x1FE80] =	vst v0;
	v0 =	vunpack.c.0.s8.s32 v47  }
0x9d: {  	s18 =	simm.s32 $0x100;
	s19 =	simm.s32 $0x1;
	s20 =	simm.s32 $0x80;
	v49 =	vimm.s32 $0x7271707F;
	[tilespmem:$0x1FFA0] =	vst v9  }
0x9e: {  	s21 =	simm.s32 $0x200;
	s22 =	simm.s32 $0x4200;
	s28 =	simm.s32 $0xC200;
	[tilespmem:$0x1FEA0] =	vst v0;
	v0 =	vunpack.c.0.s8.s32 v49  }
0x9f: {  	s29 =	simm.s32 $0x10200;
	s30 =	simm.s32 $0x14200;
	s31 =	simm.s32 $0x4;
	v52 =	vimm.s32 $0x7A797877;
	[tilespmem:$0x1FFB0] =	vst v10  }
0xa0: {  	s15 =	simm.s32 $0x6;
	s17 =	simm.s32 $0x0;
	s3 =	sand.u32 $0x1, s3;
	[tilespmem:$0x1FEB0] =	vst v0;
	v0 =	vunpack.c.0.s8.s32 v52  }
0xa1: {  	s4 =	sshll.u32 s4, $0x1;
	s23 =	sadd.s32 $0xE00, s2;
	s8 =	sadd.s32 $0x1000, s2;
	v48 =	vunpack.c.0.s8.s32 v1;
	v53 =	vimm.s32 $0x7F7E7D7C;
	[tilespmem:$0x1FFC0] =	vst v38  }
0xa2: {  	s10 =	sadd.s32 $0x4E3000, s2;
	s6 =	sor.u32 s3, s4;
	s3 =	ssub.s32 $0x2, s3;
	[tilespmem:$0x1FED0] =	vst v0;
	v0 =	vunpack.c.0.s8.s32 v53  }
0xa3: {  	s24 =	sshll.u32 s6, $0x5;
	s7 =	sshrl.u32 s3, $0x1;
	s12 =	sor.u32 $0x40, s6;
	v59 =	vimm.s32 $0x77767574;
	[tilespmem:$0x1FFD0] =	vst v48  }
0xa4: {  	s13 =	sor.u32 $0x60, s6;
	s4 =	sadd.s32 s1, s24;
	[dreg:$0x5] =	wrdreg s23;
	v47 =	vlaneseq.u32;
	[tilespmem:$0x1FEE0] =	vst v0;
	v0 =	vunpack.c.0.s8.s32 v59  }
0xa5: {  	s25 =	ssub.s32 s3, s7;
	s26 =	sadd.s32 $0x400, s4;
	v60 =	vimm.s32 $0x7B7A7978;
	[dreg:$0x6] =	wrdreg s4;
	[tilespmem:$0x1FFE0] =	vst v12;
	v4 =	vmul.u32 $0x80, v47  }
0xa6: {  	s24 =	simm.s32 $0x2;
	s2 =	smax.u32 s25, $0x1;
	[dreg:$0x7] =	wrdreg s26;
	[tilespmem:$0x1FF00] =	vst v0;
	v0 =	vunpack.c.0.s8.s32 v60  }
0xa7: {  	s3 =	simm.s32 $0x14280;
	s25 =	simm.s32 $0x8200;
	[dreg:$0x8] =	wrdreg s2;
	[tilespmem:$0x1FFF0] =	vst v4  }
0xa8: {  	vm0 =	vcmask $0x1F10;
	s23 =	simm.s32 $0x3;
	s26 =	simm.s32 $0x180;
	s4 =	simm.s32 $0x18280;
	[tilespmem:$0x1FF10] =	vst v0  }
.LBB2_1:
0xa9: {  	s2 =	rddreg [dreg:$0x2];
	s7 =	simm.s32 $0x18300;
	s16 =	simm.s32 $0x7  }
0xaa: {  	[tilespmem:s7], [sflag:$0x7] =	stream.linear.gather [hbm4b:s2+s5], $0x80, $0x38;
	[tilespmem:$0x18400] =	vst v63  }
0xab: {  	_ =	swait.ge [sflag:s16], $0x80  }
0xac: {  	[sflag:s16] =	ssyncset.done $0x0  }
0xad: {  	s9 =	simm.s32 $0x18380;
	s11 =	rddreg [dreg:$0x5];
	[sflag:s16] =	ssyncadd.s32 $0xFFFFFF80  }
0xae: {  	[tilespmem:s9], [sflag:$0x7] =	stream.linear.gather [hbm4b:s11+s5], $0x80, $0x38;
	[tilespmem:$0x18400] =	vst v63  }
0xaf: {  	_ =	swait.ge [sflag:s16], $0x80  }
0xb0: {  	[sflag:s16] =	ssyncset.done $0x0  }
0xb1: {  	[sflag:s16] =	ssyncadd.s32 $0xFFFFFF80  }
0xb2: {  	v0 =	vld [tilespmem:$0x18300];
	_ =	sdelay $0x4  }
0xb3: {  	(xrf0) =	vmax.scan.msk.f32 $0xffff, v0;
	_ =	sdelay $0x5  }
0xb4: {  	v1, _, _ =	vpop (xrf0)  }
0xb5: {  	v1 =	vbroadcast v1, $0xF;
	_ =	sdelay $0x1  }
0xb6: {  	v0 =	vsub.f32 v0, v1;
	_ =	sdelay $0x1  }
0xb7: {  	v0 =	vmul.f32 $1.442695020e+00, v0;
	_ =	sdelay $0x1  }
0xb8: {  	(erf) = vpow2.f32 v0;
	_ =	sdelay $0x8  }
0xb9: {  	v0 =	vpop (erf)  }
0xba: {  	(xrf2) =	vadd.scan.msk.f32 $0xffff, v0;
	_ =	sdelay $0x3  }
0xbb: {  	v52 =	vld [tilespmem:$0x18380];
	_ =	sdelay $0x4  }
0xbc: {  	v53 =	vand.u32 $0x7FFFFFFF, v52  }
0xbd: {  	v2, _, _ =	vpop (xrf2);
	(xrf2) =	vadd.scan.msk.f32 $0xffff, v53;
	_ =	sdelay $0x3  }
0xbe: {  	v1 =	vmul.f32 v52, v52  }
0xbf: {  	v2 =	vbroadcast v2, $0xF  }
0xc0: {  	v1 =	vadd.f32 $1.000000000e+00, v1  }
0xc1: {  	(erf) = vrcp.f32 v2  }
0xc2: {  	(erf) = vrcp.f32 v1;
	_ =	sdelay $0x1  }
0xc3: {  	v57, _, _ =	vpop (xrf2)  }
0xc4: {  	v1 =	vsub.f32 v57, v53;
	_ =	sdelay $0x1  }
0xc5: {  	v24 =	vbroadcast v1, $0x0  }
0xc6: {  	s14 =	rddreg [dreg:$0x6];
	v27 =	vbroadcast v1, $0x1;
	v30 =	vbroadcast v1, $0x2  }
0xc7: {  	[tilespmem:s5], [sflag:$0x1] =	stream.linear.gather [hbm4b:s14+s5], $0x100, $0x38;
	v3 =	vadd.f32 $1.000000010e-01, v57;
	v33 =	vbroadcast v1, $0x3;
	v36 =	vbroadcast v1, $0x4;
	[tilespmem:$0x18400] =	vst v63  }
0xc8: {  	s16 =	rddreg [dreg:$0x7];
	v56 =	vpop (erf);
	v40 =	vbroadcast v1, $0x5;
	v43 =	vbroadcast v1, $0x6  }
0xc9: {  	[tilespmem:s18], [sflag:$0x2] =	stream.linear.gather [hbm4b:s16+s5], $0x100, $0x38;
	v59 =	vpop (erf);
	v45 =	vbroadcast v1, $0x7;
	v60 =	vbroadcast v3, $0x9;
	[tilespmem:$0x18400] =	vst v63  }
0xca: {  	v46 =	vbroadcast v1, $0x8;
	v1 =	vbroadcast v1, $0x9;
	_ =	swait.ge [sflag:s19], $0x100  }
0xcb: {  	v23 =	vbroadcast v3, $0x0;
	[tilespmem:$0x1F560] =	vst v60  }
0xcc: {  	[tilespmem:$0x1F570] =	vst v1  }
0xcd: {  	v26 =	vbroadcast v3, $0x1;
	[tilespmem:$0x1F600] =	vst v23  }
0xce: {  	[tilespmem:$0x1F610] =	vst v24  }
0xcf: {  	v29 =	vbroadcast v3, $0x2;
	[tilespmem:$0x1F630] =	vst v26  }
0xd0: {  	[tilespmem:$0x1F640] =	vst v27  }
0xd1: {  	v32 =	vbroadcast v3, $0x3;
	[tilespmem:$0x1F660] =	vst v29  }
0xd2: {  	[tilespmem:$0x1F670] =	vst v30  }
0xd3: {  	v35 =	vbroadcast v3, $0x4;
	[tilespmem:$0x1F690] =	vst v32  }
0xd4: {  	[tilespmem:$0x1F6A0] =	vst v33  }
0xd5: {  	v39 =	vbroadcast v3, $0x5;
	[tilespmem:$0x1F6C0] =	vst v35  }
0xd6: {  	[tilespmem:$0x1F6D0] =	vst v36  }
0xd7: {  	v42 =	vbroadcast v3, $0x6;
	[tilespmem:$0x1F6F0] =	vst v39  }
0xd8: {  	[tilespmem:$0x1F700] =	vst v40  }
0xd9: {  	v44 =	vbroadcast v3, $0x7;
	[tilespmem:$0x1F720] =	vst v42  }
0xda: {  	[tilespmem:$0x1F730] =	vst v43  }
0xdb: {  	v14 =	vbroadcast v3, $0x8;
	[tilespmem:$0x1F750] =	vst v44  }
0xdc: {  	[tilespmem:$0x1F760] =	vst v45  }
0xdd: {  	v25 =	vbroadcast v59, $0x0;
	[tilespmem:$0x1F780] =	vst v14  }
0xde: {  	v28 =	vbroadcast v59, $0x1;
	[tilespmem:$0x1F790] =	vst v46  }
0xdf: {  	v31 =	vbroadcast v59, $0x2;
	[tilespmem:$0x1F620] =	vst v25  }
0xe0: {  	v34 =	vbroadcast v59, $0x3;
	[tilespmem:$0x1F650] =	vst v28  }
0xe1: {  	v37 =	vbroadcast v59, $0x4;
	[tilespmem:$0x1F680] =	vst v31  }
0xe2: {  	v41 =	vbroadcast v59, $0x5;
	[tilespmem:$0x1F6B0] =	vst v34  }
0xe3: {  	v11 =	vbroadcast v59, $0x6;
	[tilespmem:$0x1F6E0] =	vst v37  }
0xe4: {  	v13 =	vbroadcast v59, $0x7;
	[tilespmem:$0x1F710] =	vst v41  }
0xe5: {  	v7 =	vbroadcast v59, $0x8;
	[tilespmem:$0x1F740] =	vst v11  }
0xe6: {  	v0 =	vmul.f32 v56, v0;
	v3 =	vbroadcast v59, $0x9;
	[tilespmem:$0x1F770] =	vst v13  }
0xe7: {  	[sflag:s19] =	ssyncset.done $0x0;
	[tilespmem:$0x1F7A0] =	vst v7  }
0xe8: {  	v15 =	vbroadcast v0, $0x0;
	[sflag:s19] =	ssyncadd.s32 $0xFFFFFF00;
	[tilespmem:$0x1F7B0] =	vst v3  }
0xe9: {  	v16 =	vbroadcast v0, $0x1;
	[tilespmem:s21], [sflag:$0x3] =	stream.indirect.gather [hbm4b:s0+s20], $0x80, s5, s20, $0xb8;
	[tilespmem:$0x18400] =	vst v63  }
0xea: {  	v17 =	vbroadcast v0, $0x2;
	[tilespmem:$0x1F580] =	vst v15  }
0xeb: {  	v18 =	vbroadcast v0, $0x3;
	[tilespmem:$0x1F590] =	vst v16  }
0xec: {  	v19 =	vbroadcast v0, $0x4;
	[tilespmem:$0x1F5A0] =	vst v17  }
0xed: {  	v20 =	vbroadcast v0, $0x5;
	[tilespmem:$0x1F5B0] =	vst v18  }
0xee: {  	v21 =	vbroadcast v0, $0x6;
	[tilespmem:$0x1F5C0] =	vst v19  }
0xef: {  	v22 =	vbroadcast v0, $0x7;
	[tilespmem:$0x1F5D0] =	vst v20  }
0xf0: {  	[tilespmem:$0x1F5E0] =	vst v21  }
0xf1: {  	s7 =	simm.s32 $0x0;
	[tilespmem:$0x1F5F0] =	vst v22  }
0xf2: {  	[tilespmem:s22], [sflag:$0x3] =	stream.indirect.gather [hbm4b:s0+s20], $0x80, s20, s20, $0xb8;
	[tilespmem:$0x18400] =	vst v63  }
.LBB2_2:
0xf3: {  	_ =	swait.ge [sflag:s23], $0x4000  }
0xf4: {  	[sflag:s23] =	ssyncset.done $0x0  }
0xf5: {  	[sflag:s23] =	ssyncadd.s32 $0xFFFFC000  }
0xf6: {  	_ =	swait.ge [sflag:s23], $0x4000  }
0xf7: {  	[sflag:s23] =	ssyncset.done $0x0  }
0xf8: {  	[sflag:s23] =	ssyncadd.s32 $0xFFFFC000  }
0xf9: {  	s14 =	sshll.u32 s7, $0x6;
	_ =	swait.ge [sflag:s24], $0x100  }
0xfa: {  	s2 =	sadd.s32 s12, s14;
	[sflag:s24] =	ssyncset.done $0x0  }
0xfb: {  	s2 =	smin.u32 s2, $0x9C3;
	[sflag:s24] =	ssyncadd.s32 $0xFFFFFF00  }
0xfc: {  	[tilespmem:s25], [sflag:$0x4] =	stream.indirect.gather [hbm4b:s0+s20], $0x80, s18, s20, $0xb8;
	[tilespmem:$0x18400] =	vst v63  }
0xfd: {  	s2 =	sshll.u32 s2, $0x5  }
0xfe: {  	[tilespmem:s28], [sflag:$0x4] =	stream.indirect.gather [hbm4b:s0+s20], $0x80, s26, s20, $0xb8;
	[tilespmem:$0x18400] =	vst v63  }
0xff: {  	p0 =	seq.s32 s7, $0x0;
	s2 =	sadd.s32 s1, s2  }
0x100: {  	[tilespmem:s5], [sflag:$0x1] =	stream.linear.gather [hbm4b:s2+s5], $0x100, $0x38;
	[tilespmem:$0x18400] =	vst v63  }
0x101: {  	s2 =	simm.s32 @!p0 $0x5  }
0x102: {  	_ =	swait.ge @!p0 [sflag:s2], $0x4000  }
0x103: {  	[sflag:s2] =	ssyncset.done @!p0 $0x0  }
0x104: {  	[sflag:s2] =	ssyncadd.s32 @!p0 $0xFFFFC000  }
0x105: {  	s9 =	sor.u32 s14, s6;
	_ =	swait.ge @!p0 [sflag:s2], $0x80  }
0x106: {  	s16 =	simm.s32 $0x0;
	s11 =	sor.u32 $0x20, s9;
	[sflag:s2] =	ssyncset.done @!p0 $0x0  }
0x107: {  	s11 =	smin.u32 s11, $0x9C3;
	[sflag:s2] =	ssyncadd.s32 @!p0 $0xFFFFFF80;
	s2 =	simm.s32 $0x14200  }
.LBB2_3:
0x108: {  	v1 =	vld [tilespmem:$0x1F7C0]  }
0x109: {  	v3 =	vld [tilespmem:$0x1F7D0]  }
0x10a: {  	v0 =	vmov s16;
	v5 =	vld [tilespmem:$0x1F7E0]  }
0x10b: {  	v7 =	vld [tilespmem:$0x1F7F0];
	v0 =	vshll.u32 v0, $0x7  }
0x10c: {  	v13 =	vld [tilespmem:$0x1FFA0];
	v38 =	vor.u32 v4, v0  }
0x10d: {  	v14 =	vld [tilespmem:$0x1FFB0];
	v1 =	vor.u32 v1, v38  }
0x10e: {  	v11 =	vld [tilespmem:$0x1FFD0]  }
0x10f: {  	v15 =	vld [tilespmem:$0x1FFC0];
	v0 =	vor.u32 v47, v38  }
0x110: {  	v26 =	vld [tilespmem:$0x1F800];
	v3 =	vor.u32 v3, v38  }
0x111: {  	v27 =	vld [tilespmem:$0x1F810]  }
0x112: {  	v5 =	vor.u32 v5, v38;
	v4 =	vld.idx.msk [tilespmem:v1+s21+$0x0], $0xffff  }
0x113: {  	v1 =	vld.idx.msk [tilespmem:v1+s22+$0x0], $0xffff  }
0x114: {  	v2 =	vld.idx.msk [tilespmem:v0+s21+$0x0], $0xffff  }
0x115: {  	v7 =	vor.u32 v7, v38;
	v8 =	vcombine.low v14, v13;
	v6 =	vld.idx.msk [tilespmem:v3+s21+$0x0], $0xffff  }
0x116: {  	v3 =	vld.idx.msk [tilespmem:v3+s22+$0x0], $0xffff  }
0x117: {  	v8 =	vand.u32 $0xF, v8;
	v32 =	vld.idx.msk [tilespmem:v5+s21+$0x0], $0xffff  }
0x118: {  	v33 =	vcombine.low v11, v15;
	v1 =	vsub.f32 v1, v4;
	v4 =	vld.idx.msk [tilespmem:v5+s22+$0x0], $0xffff;
	v5 =	vor.u32 v8, v38  }
0x119: {  	v0 =	vld.idx.msk [tilespmem:v0+s22+$0x0], $0xffff  }
0x11a: {  	[tilespmem:$0x1EE10] =	vst v8;
	v9 =	vld.idx.msk [tilespmem:v7+s21+$0x0], $0xffff;
	v8 =	vand.u32 $0xF, v33  }
0x11b: {  	v34 =	vcombine.low v27, v26;
	v3 =	vsub.f32 v3, v6;
	v6 =	vld.idx.msk [tilespmem:v7+s22+$0x0], $0xffff;
	v7 =	vor.u32 v8, v38;
	_ =	sdelay $0x1  }
0x11c: {  	[tilespmem:$0x1EE20] =	vst v8;
	v8 =	vand.u32 $0xF, v34;
	v35 =	vmul.f32 v3, v3;
	v3 =	vld.idx.msk [tilespmem:v5+s21+$0x0], $0xffff  }
0x11d: {  	v0 =	vsub.f32 v0, v2;
	v2 =	vsub.f32 v4, v32;
	v4 =	vld.idx.msk [tilespmem:v5+s22+$0x0], $0xffff;
	v5 =	vor.u32 v8, v38  }
0x11e: {  	v40 =	vcombine.low v54, v55;
	v50 =	vld [tilespmem:$0x1FF80]  }
0x11f: {  	v0 =	vmul.f32 v0, v0;
	v1 =	vmul.f32 v1, v1;
	v37 =	vsub.f32 v6, v9;
	v6 =	vld.idx.msk [tilespmem:v7+s21+$0x0], $0xffff  }
0x120: {  	v39 =	vor.u32 v12, v38;
	v7 =	vld.idx.msk [tilespmem:v7+s22+$0x0], $0xffff  }
0x121: {  	v12 =	vld [tilespmem:$0x1FF90];
	v0 =	vadd.f32 v1, v0;
	v9 =	vand.u32 $0xF, v40  }
0x122: {  	v42 =	vsub.f32 v4, v3;
	v3 =	vld.idx.msk [tilespmem:v5+s21+$0x0], $0xffff;
	v4 =	vor.u32 v9, v38  }
0x123: {  	v43 =	vcombine.low v58, v61;
	v0 =	vadd.f32 v35, v0;
	v36 =	vmul.f32 v2, v2;
	v5 =	vld.idx.msk [tilespmem:v5+s22+$0x0], $0xffff  }
0x124: {  	v48 =	vcombine.low v62, v63;
	v57 =	vor.u32 $0x10, v47;
	v23 =	vld [tilespmem:$0x1F820];
	v41 =	vmul.f32 v37, v37  }
0x125: {  	v45 =	vld.idx.msk [tilespmem:v39+s21+$0x0], $0xffff;
	[tilespmem:$0x1EE40] =	vst v9;
	v0 =	vadd.f32 v36, v0;
	v9 =	vand.u32 $0xF, v43;
	v6 =	vsub.f32 v7, v6  }
0x126: {  	v10 =	vand.u32 $0xF, v48;
	v7 =	vld.idx.msk [tilespmem:v39+s22+$0x0], $0xffff;
	[tilespmem:$0x1EE50] =	vst v9;
	v46 =	vor.u32 v9, v38;
	v9 =	vcombine.low v50, v12  }
0x127: {  	v0 =	vadd.f32 v41, v0;
	v44 =	vmul.f32 v42, v42;
	v49 =	vmul.f32 v6, v6;
	v6 =	vld.idx.msk [tilespmem:v4+s21+$0x0], $0xffff  }
0x128: {  	v51 =	vcombine.low v13, v14;
	v3 =	vsub.f32 v5, v3;
	v4 =	vld.idx.msk [tilespmem:v4+s22+$0x0], $0xffff;
	v5 =	vor.u32 v10, v38  }
0x129: {  	v22 =	vld [tilespmem:$0x1F830];
	[tilespmem:$0x1EE90] =	vst v57;
	v9 =	vand.u32 $0xF, v9;
	v0 =	vadd.f32 v44, v0  }
0x12a: {  	v24 =	vld [tilespmem:$0x1F840];
	v52 =	vand.u32 $0xF, v51;
	[tilespmem:$0x1EE70] =	vst v9;
	v9 =	vor.u32 v9, v38  }
0x12b: {  	v0 =	vadd.f32 v49, v0;
	v2 =	vsub.f32 v7, v45;
	v7 =	vld.idx.msk [tilespmem:v46+s21+$0x0], $0xffff;
	v3 =	vmul.f32 v3, v3  }
0x12c: {  	v56 =	vor.u32 v52, v38;
	[tilespmem:$0x1EE30] =	vst v8;
	v8 =	vld.idx.msk [tilespmem:v46+s22+$0x0], $0xffff  }
0x12d: {  	[tilespmem:$0x1EE60] =	vst v10;
	v0 =	vadd.f32 v3, v0;
	v3 =	vsub.f32 v4, v6;
	v4 =	vld.idx.msk [tilespmem:v5+s21+$0x0], $0xffff  }
0x12e: {  	[tilespmem:$0x1EE80] =	vst v52;
	v5 =	vld.idx.msk [tilespmem:v5+s22+$0x0], $0xffff  }
0x12f: {  	v28 =	vld [tilespmem:$0x1F850]  }
0x130: {  	v59 =	vld.idx.msk [tilespmem:v9+s21+$0x0], $0xffff  }
0x131: {  	v44 =	vld.idx.msk [tilespmem:v56+s21+$0x0], $0xffff  }
0x132: {  	v31 =	vld [tilespmem:$0x1F880]  }
0x133: {  	v32 =	vld [tilespmem:$0x1F890]  }
0x134: {  	v33 =	vld [tilespmem:$0x1F8A0]  }
0x135: {  	v34 =	vld [tilespmem:$0x1F8B0]  }
0x136: {  	v35 =	vld [tilespmem:$0x1F8C0]  }
0x137: {  	v36 =	vld [tilespmem:$0x1F8D0]  }
0x138: {  	v37 =	vld [tilespmem:$0x1F8E0]  }
0x139: {  	v53 =	vmul.f32 v2, v2;
	v39 =	vld [tilespmem:$0x1F8F0]  }
0x13a: {  	v6 =	vcombine.low v15, v11;
	v40 =	vld [tilespmem:$0x1F900]  }
0x13b: {  	v10 =	vor.u32 v57, v38;
	v41 =	vld [tilespmem:$0x1F910];
	v0 =	vadd.f32 v53, v0;
	v3 =	vmul.f32 v3, v3  }
0x13c: {  	v11 =	vsel vm0, v22, v23;
	v29 =	vld [tilespmem:$0x1F860];
	v13 =	vand.u32 $0xF, v6;
	v6 =	vsub.f32 v8, v7  }
0x13d: {  	v30 =	vld [tilespmem:$0x1F870];
	v22 =	vsel vm0, v24, v22;
	v60 =	vor.u32 v13, v38;
	v0 =	vadd.f32 v3, v0  }
0x13e: {  	v7 =	vld.idx.msk [tilespmem:v9+s22+$0x0], $0xffff;
	v45 =	vmul.f32 v6, v6;
	v12 =	vsel vm0, v28, v24;
	v15 =	vsel vm0, v32, v31  }
0x13f: {  	v3 =	vld.idx.msk [tilespmem:v56+s22+$0x0], $0xffff;
	v16 =	vsel vm0, v34, v33;
	v17 =	vsel vm0, v36, v35;
	v4 =	vsub.f32 v5, v4  }
0x140: {  	v6 =	vld.idx.msk [tilespmem:v10+s21+$0x0], $0xffff;
	v19 =	vsel vm0, v39, v37;
	v20 =	vsel vm0, v41, v40;
	v23 =	vsel vm0, v23, v28  }
0x141: {  	v5 =	vld.idx.msk [tilespmem:v10+s22+$0x0], $0xffff;
	v2 =	vsel vm0, v29, v32;
	v39 =	vsel vm0, v40, v39;
	v14 =	vcombine.low v12, v11  }
0x142: {  	[tilespmem:$0x1EEA0] =	vst v13;
	v40 =	vsel vm0, v37, v41;
	v32 =	vld [tilespmem:$0x1F930];
	v21 =	vcombine.low v17, v16;
	v0 =	vadd.f32 v45, v0  }
0x143: {  	v37 =	vld [tilespmem:$0x1F970];
	v48 =	vmul.f32 v4, v4;
	[tilespmem:$0x1EEB0] =	vst v14;
	v13 =	vor.u32 v14, v38;
	v14 =	vsel vm0, v30, v29  }
0x144: {  	v25 =	vcombine.low v20, v19;
	v1 =	vsub.f32 v7, v59;
	v8 =	vld.idx.msk [tilespmem:v60+s22+$0x0], $0xffff;
	v18 =	vcombine.low v15, v14  }
0x145: {  	[tilespmem:$0x1EED0] =	vst v21;
	v49 =	vadd.f32 v48, v0;
	v0 =	vsel vm0, v31, v30;
	v31 =	vcombine.low v40, v39;
	v39 =	vld [tilespmem:$0x1F980]  }
0x146: {  	v50 =	vcombine.low v23, v22;
	v45 =	vcombine.low v11, v12;
	v21 =	vor.u32 v21, v38;
	[tilespmem:$0x1EEE0] =	vst v25;
	v40 =	vld [tilespmem:$0x1F990]  }
0x147: {  	v1 =	vmul.f32 v1, v1;
	[tilespmem:$0x1EEC0] =	vst v18;
	v46 =	vor.u32 v18, v38;
	v18 =	vld.idx.msk [tilespmem:v60+s21+$0x0], $0xffff  }
0x148: {  	v25 =	vor.u32 v25, v38;
	v3 =	vsub.f32 v3, v44;
	[tilespmem:$0x1EF30] =	vst v31;
	v44 =	vor.u32 v31, v38;
	v31 =	vld [tilespmem:$0x1F920]  }
0x149: {  	[tilespmem:$0x1EF40] =	vst v45;
	v1 =	vadd.f32 v1, v49;
	v49 =	vor.u32 v45, v38;
	v45 =	vld [tilespmem:$0x1F9E0]  }
0x14a: {  	v7 =	vcombine.low v26, v27;
	v52 =	vor.u32 v50, v38;
	v4 =	vld.idx.msk [tilespmem:v13+s21+$0x0], $0xffff  }
0x14b: {  	v13 =	vld.idx.msk [tilespmem:v13+s22+$0x0], $0xffff  }
0x14c: {  	v5 =	vsub.f32 v5, v6;
	v6 =	vand.u32 $0xF, v7;
	v7 =	vld.idx.msk [tilespmem:v21+s21+$0x0], $0xffff  }
0x14d: {  	[tilespmem:$0x1EF00] =	vst v6;
	v53 =	vor.u32 v6, v38;
	v57 =	vld.idx.msk [tilespmem:v25+s21+$0x0], $0xffff  }
0x14e: {  	v6 =	vsel vm0, v33, v36;
	v56 =	vmul.f32 v5, v5;
	v5 =	vsel vm0, v35, v34;
	v59 =	vld.idx.msk [tilespmem:v25+s22+$0x0], $0xffff  }
0x14f: {  	v60 =	vcombine.low v6, v5;
	v36 =	vld.idx.msk [tilespmem:v52+s21+$0x0], $0xffff  }
0x150: {  	v14 =	vcombine.low v14, v15;
	v41 =	vld.idx.msk [tilespmem:v52+s22+$0x0], $0xffff  }
0x151: {  	[tilespmem:$0x1EF20] =	vst v60;
	v42 =	vor.u32 v60, v38;
	v60 =	vld [tilespmem:$0x1F950]  }
0x152: {  	v30 =	vcombine.low v2, v0;
	[tilespmem:$0x1EF50] =	vst v14;
	v14 =	vor.u32 v14, v38;
	v51 =	vld.idx.msk [tilespmem:v46+s21+$0x0], $0xffff  }
0x153: {  	v10 =	vld.idx.msk [tilespmem:v46+s22+$0x0], $0xffff  }
0x154: {  	[tilespmem:$0x1EF10] =	vst v30;
	v30 =	vor.u32 v30, v38;
	v43 =	vld.idx.msk [tilespmem:v53+s21+$0x0], $0xffff  }
0x155: {  	v12 =	vld.idx.msk [tilespmem:v53+s22+$0x0], $0xffff  }
0x156: {  	v53 =	vld.idx.msk [tilespmem:v49+s21+$0x0], $0xffff  }
0x157: {  	v15 =	vcombine.low v16, v17;
	v17 =	vld.idx.msk [tilespmem:v14+s21+$0x0], $0xffff  }
0x158: {  	v14 =	vld.idx.msk [tilespmem:v14+s22+$0x0], $0xffff  }
0x159: {  	v48 =	vld.idx.msk [tilespmem:v30+s22+$0x0], $0xffff  }
0x15a: {  	v4 =	vsub.f32 v13, v4;
	v13 =	vld.idx.msk [tilespmem:v21+s22+$0x0], $0xffff  }
0x15b: {  	v46 =	vsub.f32 v59, v57;
	v59 =	vld [tilespmem:$0x1F940]  }
0x15c: {  	v9 =	vsub.f32 v41, v36;
	v36 =	vld [tilespmem:$0x1F960]  }
0x15d: {  	v23 =	vcombine.low v22, v23;
	v3 =	vmul.f32 v3, v3;
	v41 =	vld [tilespmem:$0x1F9A0]  }
0x15e: {  	[tilespmem:$0x1EEF0] =	vst v50;
	v50 =	vld.idx.msk [tilespmem:v42+s21+$0x0], $0xffff  }
0x15f: {  	[tilespmem:$0x1EFA0] =	vst v23;
	v1 =	vadd.f32 v3, v1;
	v57 =	vor.u32 $0x20, v47;
	v3 =	vld.idx.msk [tilespmem:v42+s22+$0x0], $0xffff  }
0x160: {  	v23 =	vor.u32 v23, v38;
	[tilespmem:$0x1EF60] =	vst v15;
	v52 =	vcombine.low v19, v20;
	v19 =	vor.u32 v57, v38;
	v42 =	vld [tilespmem:$0x1F9B0]  }
0x161: {  	v15 =	vor.u32 v15, v38;
	v4 =	vmul.f32 v4, v4;
	v10 =	vsub.f32 v10, v51;
	v51 =	vld.idx.msk [tilespmem:v44+s21+$0x0], $0xffff  }
0x162: {  	v22 =	vsel vm0, v40, v39;
	v8 =	vsub.f32 v8, v18;
	v12 =	vsub.f32 v12, v43;
	v43 =	vld [tilespmem:$0x1F9C0]  }
0x163: {  	v4 =	vadd.f32 v4, v56;
	v56 =	vld.idx.msk [tilespmem:v49+s22+$0x0], $0xffff;
	v10 =	vmul.f32 v10, v10;
	v7 =	vsub.f32 v13, v7  }
0x164: {  	[tilespmem:$0x1EF70] =	vst v52;
	v16 =	vor.u32 v52, v38;
	v8 =	vmul.f32 v8, v8;
	v13 =	vld.idx.msk [tilespmem:v30+s21+$0x0], $0xffff  }
0x165: {  	v18 =	vsel vm0, v32, v31;
	v26 =	vld.idx.msk [tilespmem:v19+s21+$0x0], $0xffff;
	v4 =	vadd.f32 v10, v4;
	v7 =	vmul.f32 v7, v7  }
0x166: {  	v1 =	vadd.f32 v8, v1;
	v20 =	vsel vm0, v60, v59;
	v12 =	vmul.f32 v12, v12;
	v52 =	vld.idx.msk [tilespmem:v19+s22+$0x0], $0xffff  }
0x167: {  	v21 =	vsel vm0, v37, v36;
	v10 =	vld.idx.msk [tilespmem:v15+s22+$0x0], $0xffff;
	v4 =	vadd.f32 v7, v4;
	v7 =	vmul.f32 v46, v46  }
0x168: {  	v3 =	vsub.f32 v3, v50;
	v50 =	vcombine.low v22, v21;
	v19 =	vadd.f32 v12, v1;
	v12 =	vld.idx.msk [tilespmem:v23+s21+$0x0], $0xffff  }
0x169: {  	v11 =	vsub.f32 v48, v13;
	v13 =	vld.idx.msk [tilespmem:v44+s22+$0x0], $0xffff;
	v4 =	vadd.f32 v7, v4;
	v7 =	vmul.f32 v9, v9  }
0x16a: {  	v49 =	vcombine.low v20, v18;
	v44 =	vld [tilespmem:$0x1F9D0]  }
0x16b: {  	v27 =	vor.u32 v50, v38;
	v46 =	vld [tilespmem:$0x1F9F0];
	v4 =	vadd.f32 v7, v4;
	v7 =	vmul.f32 v11, v11  }
0x16c: {  	v48 =	vld [tilespmem:$0x1FA00]  }
0x16d: {  	[tilespmem:$0x1EF80] =	vst v57;
	v4 =	vadd.f32 v7, v4;
	v7 =	vld.idx.msk [tilespmem:v15+s21+$0x0], $0xffff;
	v15 =	vor.u32 v49, v38  }
0x16e: {  	[tilespmem:$0x1EF90] =	vst v49;
	v3 =	vmul.f32 v3, v3;
	v9 =	vsub.f32 v13, v51;
	v49 =	vld [tilespmem:$0x1FA10]  }
0x16f: {  	v31 =	vsel vm0, v31, v60;
	v24 =	vsel vm0, v42, v41;
	v23 =	vld.idx.msk [tilespmem:v23+s22+$0x0], $0xffff;
	v25 =	vsel vm0, v44, v43  }
0x170: {  	v60 =	vld.idx.msk [tilespmem:v27+s21+$0x0], $0xffff;
	v51 =	vcombine.low v25, v24;
	v3 =	vadd.f32 v3, v4;
	v4 =	vmul.f32 v9, v9  }
0x171: {  	v1 =	vsel vm0, v39, v37;
	[tilespmem:$0x1EFB0] =	vst v50;
	v8 =	vsub.f32 v56, v53;
	v13 =	vld.idx.msk [tilespmem:v16+s21+$0x0], $0xffff  }
0x172: {  	v29 =	vsel vm0, v46, v45;
	v28 =	vor.u32 v51, v38;
	v3 =	vadd.f32 v4, v3;
	v53 =	vld.idx.msk [tilespmem:v15+s21+$0x0], $0xffff  }
0x173: {  	v4 =	vmul.f32 v8, v8;
	v30 =	vsel vm0, v49, v48;
	v56 =	vld.idx.msk [tilespmem:v15+s22+$0x0], $0xffff;
	v15 =	vsel vm0, v59, v32  }
0x174: {  	v16 =	vld.idx.msk [tilespmem:v16+s22+$0x0], $0xffff;
	v9 =	vsub.f32 v52, v26;
	v57 =	vcombine.low v30, v29;
	v35 =	vcombine.low v31, v15  }
0x175: {  	[tilespmem:$0x1EFC0] =	vst v51;
	v59 =	vadd.f32 v4, v3;
	v4 =	vsub.f32 v14, v17;
	v3 =	vsel vm0, v36, v40  }
0x176: {  	v14 =	vld.idx.msk [tilespmem:v27+s22+$0x0], $0xffff;
	v39 =	vcombine.low v3, v1;
	v34 =	vor.u32 v57, v38;
	v37 =	vor.u32 v35, v38  }
0x177: {  	v36 =	vld.idx.msk [tilespmem:v28+s21+$0x0], $0xffff;
	v40 =	vmul.f32 v4, v4;
	v4 =	vsel vm0, v43, v42;
	v43 =	vcombine.low v18, v20  }
0x178: {  	v50 =	vld.idx.msk [tilespmem:v28+s22+$0x0], $0xffff;
	[tilespmem:$0x1EFF0] =	vst v39;
	v51 =	vor.u32 v39, v38;
	v39 =	vsel vm0, v48, v46  }
0x179: {  	v26 =	vadd.f32 v40, v59;
	v40 =	vsel vm0, v45, v49;
	[tilespmem:$0x1F040] =	vst v43;
	v48 =	vor.u32 v43, v38;
	v43 =	vld [tilespmem:$0x1FA80]  }
0x17a: {  	v12 =	vsub.f32 v23, v12;
	[tilespmem:$0x1EFD0] =	vst v57;
	v57 =	vcombine.low v0, v2;
	v23 =	vcombine.low v40, v39;
	v39 =	vld [tilespmem:$0x1FA40]  }
0x17b: {  	[tilespmem:$0x1EFE0] =	vst v35;
	v35 =	vcombine.low v5, v6;
	v52 =	vld.idx.msk [tilespmem:v34+s21+$0x0], $0xffff  }
0x17c: {  	v11 =	vsub.f32 v56, v53;
	v6 =	vor.u32 v57, v38;
	v14 =	vsub.f32 v14, v60;
	v56 =	vld.idx.msk [tilespmem:v34+s22+$0x0], $0xffff  }
0x17d: {  	v21 =	vcombine.low v21, v22;
	v8 =	vsel vm0, v41, v44;
	v7 =	vsub.f32 v10, v7;
	v59 =	vld.idx.msk [tilespmem:v37+s21+$0x0], $0xffff  }
0x17e: {  	v13 =	vsub.f32 v16, v13;
	v41 =	vor.u32 v35, v38;
	v34 =	vmul.f32 v14, v14;
	v14 =	vld.idx.msk [tilespmem:v37+s22+$0x0], $0xffff  }
0x17f: {  	v7 =	vmul.f32 v7, v7;
	v53 =	vcombine.low v8, v4;
	v49 =	vor.u32 v21, v38;
	v5 =	vld.idx.msk [tilespmem:v51+s21+$0x0], $0xffff  }
0x180: {  	v10 =	vsub.f32 v50, v36;
	v36 =	vld.idx.msk [tilespmem:v51+s22+$0x0], $0xffff  }
0x181: {  	v13 =	vmul.f32 v13, v13;
	v7 =	vadd.f32 v7, v26;
	v60 =	vor.u32 v53, v38;
	v45 =	vld.idx.msk [tilespmem:v6+s21+$0x0], $0xffff  }
0x182: {  	v12 =	vmul.f32 v12, v12;
	v6 =	vld.idx.msk [tilespmem:v6+s22+$0x0], $0xffff  }
0x183: {  	v9 =	vmul.f32 v9, v9;
	v11 =	vmul.f32 v11, v11;
	v7 =	vadd.f32 v13, v7;
	v20 =	vld.idx.msk [tilespmem:v41+s21+$0x0], $0xffff  }
0x184: {  	v17 =	vld.idx.msk [tilespmem:v49+s22+$0x0], $0xffff  }
0x185: {  	v44 =	vor.u32 v23, v38;
	v9 =	vadd.f32 v11, v9;
	v7 =	vadd.f32 v12, v7;
	v12 =	vld.idx.msk [tilespmem:v48+s21+$0x0], $0xffff  }
0x186: {  	v42 =	vld.idx.msk [tilespmem:v60+s21+$0x0], $0xffff  }
0x187: {  	v10 =	vmul.f32 v10, v10;
	v9 =	vadd.f32 v34, v9;
	v2 =	vld.idx.msk [tilespmem:v60+s22+$0x0], $0xffff  }
0x188: {  	v60 =	vld [tilespmem:$0x1FA50]  }
0x189: {  	[tilespmem:$0x1F000] =	vst v53;
	v53 =	vcombine.low v29, v30;
	v9 =	vadd.f32 v10, v9;
	v10 =	vld.idx.msk [tilespmem:v41+s22+$0x0], $0xffff  }
0x18a: {  	v51 =	vld.idx.msk [tilespmem:v44+s21+$0x0], $0xffff  }
0x18b: {  	[tilespmem:$0x1F010] =	vst v57;
	v57 =	vor.u32 v53, v38;
	v13 =	vld.idx.msk [tilespmem:v44+s22+$0x0], $0xffff  }
0x18c: {  	v50 =	vcombine.low v24, v25;
	v41 =	vld [tilespmem:$0x1FA60]  }
0x18d: {  	v44 =	vld [tilespmem:$0x1FA90]  }
0x18e: {  	[tilespmem:$0x1F060] =	vst v50;
	v37 =	vsub.f32 v56, v52;
	v52 =	vor.u32 v50, v38;
	v50 =	vld [tilespmem:$0x1FAE0]  }
0x18f: {  	v5 =	vsub.f32 v36, v5;
	v36 =	vld [tilespmem:$0x1FA30]  }
0x190: {  	v28 =	vld.idx.msk [tilespmem:v57+s21+$0x0], $0xffff  }
0x191: {  	v11 =	vld.idx.msk [tilespmem:v57+s22+$0x0], $0xffff  }
0x192: {  	v16 =	vmul.f32 v37, v37;
	v37 =	vld [tilespmem:$0x1FA20]  }
0x193: {  	v0 =	vsub.f32 v14, v59;
	v6 =	vsub.f32 v6, v45;
	v45 =	vld [tilespmem:$0x1FAA0]  }
0x194: {  	v9 =	vadd.f32 v16, v9;
	v16 =	vld.idx.msk [tilespmem:v49+s21+$0x0], $0xffff  }
0x195: {  	v46 =	vmul.f32 v0, v0;
	v2 =	vsub.f32 v2, v42;
	v42 =	vld [tilespmem:$0x1FA70]  }
0x196: {  	v14 =	vshra.s32 v19, $0x1;
	v59 =	vor.u32 $0x30, v47;
	v0 =	vmul.f32 $5.000000000e-01, v19;
	v49 =	vld [tilespmem:$0x1FAD0]  }
0x197: {  	[tilespmem:$0x1F050] =	vst v21;
	v14 =	vsub.s32 $0x5F3759DF, v14;
	v5 =	vmul.f32 v5, v5;
	v18 =	vld.idx.msk [tilespmem:v52+s22+$0x0], $0xffff;
	v9 =	vadd.f32 v46, v9  }
0x198: {  	[tilespmem:$0x1F030] =	vst v23;
	v56 =	vmul.f32 v14, v0;
	v23 =	vsel vm0, v60, v39;
	v2 =	vmul.f32 v2, v2;
	v46 =	vld [tilespmem:$0x1FAB0]  }
0x199: {  	v22 =	vsel vm0, v36, v37;
	v5 =	vadd.f32 v5, v9;
	v9 =	vsub.f32 v13, v51;
	v13 =	vld.idx.msk [tilespmem:v52+s21+$0x0], $0xffff  }
0x19a: {  	[tilespmem:$0x1F070] =	vst v53;
	v24 =	vor.u32 v59, v38;
	v6 =	vmul.f32 v6, v6;
	v53 =	vcombine.low v23, v22;
	v51 =	vld [tilespmem:$0x1FAF0]  }
0x19b: {  	v26 =	vsel vm0, v44, v43;
	v21 =	vmul.f32 v14, v56;
	v2 =	vadd.f32 v2, v5;
	v5 =	vld.idx.msk [tilespmem:v48+s22+$0x0], $0xffff  }
0x19c: {  	[tilespmem:$0x1F020] =	vst v35;
	v10 =	vsub.f32 v10, v20;
	v25 =	vsel vm0, v42, v41;
	v27 =	vor.u32 v53, v38;
	v48 =	vld [tilespmem:$0x1FAC0]  }
0x19d: {  	[tilespmem:$0x1F080] =	vst v59;
	v36 =	vsel vm0, v39, v36;
	v21 =	vsub.f32 $1.500000000e+00, v21;
	v52 =	vld [tilespmem:$0x1FB00];
	v56 =	vcombine.low v26, v25  }
0x19e: {  	v37 =	vsel vm0, v37, v60;
	v22 =	vcombine.low v22, v23;
	v60 =	vsub.f32 v17, v16;
	[tilespmem:$0x1F090] =	vst v53;
	v53 =	vld [tilespmem:$0x1FB10]  }
0x19f: {  	v59 =	vld.idx.msk [tilespmem:v24+s22+$0x0], $0xffff;
	v9 =	vmul.f32 v9, v9;
	v14 =	vmul.f32 v14, v21;
	v32 =	vor.u32 v56, v38  }
0x1a0: {  	v21 =	vadd.f32 v6, v7;
	v6 =	vcombine.low v15, v31;
	v5 =	vsub.f32 v5, v12;
	v12 =	vld.idx.msk [tilespmem:v24+s21+$0x0], $0xffff  }
0x1a1: {  	v7 =	vsel vm0, v41, v44;
	v29 =	vsel vm0, v46, v45;
	v30 =	vsel vm0, v49, v48;
	v24 =	vld.idx.msk [tilespmem:v27+s21+$0x0], $0xffff  }
0x1a2: {  	v60 =	vmul.f32 v60, v60;
	v20 =	vld.idx.msk [tilespmem:v27+s22+$0x0], $0xffff;
	v27 =	vor.u32 v6, v38;
	v57 =	vcombine.low v30, v29  }
0x1a3: {  	[tilespmem:$0x1F0A0] =	vst v56;
	v2 =	vadd.f32 v9, v2;
	v31 =	vsel vm0, v51, v50;
	v33 =	vsel vm0, v53, v52  }
0x1a4: {  	[tilespmem:$0x1F0C0] =	vst v6;
	v6 =	vcombine.low v33, v31;
	v35 =	vld.idx.msk [tilespmem:v32+s21+$0x0], $0xffff;
	v15 =	vor.u32 v57, v38  }
0x1a5: {  	v13 =	vsub.f32 v18, v13;
	v5 =	vmul.f32 v5, v5;
	v16 =	vld.idx.msk [tilespmem:v32+s22+$0x0], $0xffff;
	[tilespmem:$0x1F0B0] =	vst v57  }
0x1a6: {  	[tilespmem:$0x1F0D0] =	vst v6;
	v56 =	vor.u32 v6, v38;
	v6 =	vsel vm0, v43, v42;
	v43 =	vor.u32 v22, v38  }
0x1a7: {  	v34 =	vadd.f32 v5, v2;
	v5 =	vcombine.low v37, v36;
	v2 =	vsel vm0, v48, v46;
	v39 =	vld.idx.msk [tilespmem:v27+s21+$0x0], $0xffff  }
0x1a8: {  	v9 =	vsub.f32 v59, v12;
	v59 =	vcombine.low v7, v6;
	v20 =	vsub.f32 v20, v24;
	v24 =	vld.idx.msk [tilespmem:v27+s22+$0x0], $0xffff  }
0x1a9: {  	v46 =	vmul.f32 v13, v13;
	[tilespmem:$0x1F0E0] =	vst v5;
	v32 =	vadd.f32 v60, v34;
	v57 =	vld.idx.msk [tilespmem:v15+s21+$0x0], $0xffff  }
0x1aa: {  	v60 =	vsel vm0, v50, v53;
	[tilespmem:$0x1F0F0] =	vst v59;
	v27 =	vor.u32 v59, v38;
	v12 =	vld.idx.msk [tilespmem:v15+s22+$0x0], $0xffff  }
0x1ab: {  	v15 =	vor.u32 v5, v38;
	v5 =	vsel vm0, v45, v49;
	v45 =	vcombine.low v1, v3;
	v3 =	vld.idx.msk [tilespmem:v56+s21+$0x0], $0xffff  }
0x1ac: {  	v59 =	vsel vm0, v52, v51;
	v17 =	vld.idx.msk [tilespmem:v56+s22+$0x0], $0xffff;
	v1 =	vadd.f32 v46, v32;
	v46 =	vcombine.low v29, v30  }
0x1ad: {  	v32 =	vcombine.low v60, v59;
	v59 =	vld.idx.msk [tilespmem:v43+s22+$0x0], $0xffff  }
0x1ae: {  	v49 =	vcombine.low v4, v8;
	[tilespmem:$0x1F160] =	vst v46;
	v52 =	vor.u32 v46, v38;
	v46 =	vld [tilespmem:$0x1FB80]  }
0x1af: {  	v9 =	vmul.f32 v9, v9;
	v13 =	vmul.f32 v20, v20;
	v34 =	vld.idx.msk [tilespmem:v27+s22+$0x0], $0xffff  }
0x1b0: {  	v4 =	vsub.f32 v16, v35;
	v35 =	vor.u32 v49, v38;
	v56 =	vld.idx.msk [tilespmem:v15+s21+$0x0], $0xffff  }
0x1b1: {  	v9 =	vadd.f32 v13, v9;
	v42 =	vor.u32 v32, v38;
	v13 =	vld.idx.msk [tilespmem:v15+s22+$0x0], $0xffff  }
0x1b2: {  	v50 =	vcombine.low v31, v33;
	v12 =	vsub.f32 v12, v57;
	v57 =	vld.idx.msk [tilespmem:v27+s21+$0x0], $0xffff  }
0x1b3: {  	[tilespmem:$0x1F110] =	vst v45;
	v15 =	vor.u32 v45, v38;
	v45 =	vsub.f32 v24, v39;
	v39 =	vld [tilespmem:$0x1FB20]  }
0x1b4: {  	[tilespmem:$0x1F170] =	vst v50;
	v44 =	vcombine.low v5, v2;
	v27 =	vor.u32 v50, v38;
	v50 =	vld [tilespmem:$0x1FBB0]  }
0x1b5: {  	v23 =	vld.idx.msk [tilespmem:v35+s22+$0x0], $0xffff  }
0x1b6: {  	[tilespmem:$0x1F120] =	vst v49;
	v48 =	vor.u32 v44, v38;
	v49 =	vld.idx.msk [tilespmem:v42+s21+$0x0], $0xffff  }
0x1b7: {  	v51 =	vld.idx.msk [tilespmem:v42+s22+$0x0], $0xffff  }
0x1b8: {  	v42 =	vld [tilespmem:$0x1FB40]  }
0x1b9: {  	v3 =	vsub.f32 v17, v3;
	v17 =	vld.idx.msk [tilespmem:v52+s22+$0x0], $0xffff  }
0x1ba: {  	v53 =	vmul.f32 v45, v45;
	v45 =	vld [tilespmem:$0x1FB70]  }
0x1bb: {  	v4 =	vmul.f32 v4, v4;
	v40 =	vmul.f32 v12, v12;
	v12 =	vld.idx.msk [tilespmem:v48+s21+$0x0], $0xffff  }
0x1bc: {  	v41 =	vld.idx.msk [tilespmem:v48+s22+$0x0], $0xffff  }
0x1bd: {  	v4 =	vadd.f32 v4, v9;
	v9 =	vld.idx.msk [tilespmem:v15+s21+$0x0], $0xffff  }
0x1be: {  	v8 =	vsub.f32 v13, v56;
	v13 =	vld.idx.msk [tilespmem:v15+s22+$0x0], $0xffff  }
0x1bf: {  	v15 =	vld.idx.msk [tilespmem:v35+s21+$0x0], $0xffff  }
0x1c0: {  	v11 =	vsub.f32 v11, v28;
	v25 =	vcombine.low v25, v26;
	v56 =	vld.idx.msk [tilespmem:v43+s21+$0x0], $0xffff  }
0x1c1: {  	[tilespmem:$0x1F100] =	vst v44;
	v44 =	vmul.f32 v14, v0;
	v3 =	vmul.f32 v3, v3;
	v4 =	vadd.f32 v40, v4;
	v43 =	vld [tilespmem:$0x1FB50]  }
0x1c2: {  	v11 =	vmul.f32 v11, v11;
	v48 =	vor.u32 v25, v38;
	v24 =	vld.idx.msk [tilespmem:v27+s21+$0x0], $0xffff  }
0x1c3: {  	v3 =	vadd.f32 v3, v4;
	v4 =	vmul.f32 v8, v8;
	v8 =	vmul.f32 v44, v14;
	v44 =	vld [tilespmem:$0x1FB60]  }
0x1c4: {  	v16 =	vsub.f32 v51, v49;
	v49 =	vld [tilespmem:$0x1FBA0]  }
0x1c5: {  	v11 =	vadd.f32 v11, v1;
	v51 =	vld [tilespmem:$0x1FBC0];
	v12 =	vsub.f32 v41, v12  }
0x1c6: {  	v41 =	vld [tilespmem:$0x1FB30];
	v3 =	vadd.f32 v4, v3;
	v8 =	vsub.f32 $1.500000000e+00, v8  }
0x1c7: {  	v4 =	vsub.f32 v34, v57;
	v57 =	vcombine.low v36, v37;
	v37 =	vsub.f32 v59, v56;
	v59 =	vld [tilespmem:$0x1FC00]  }
0x1c8: {  	v1 =	vmul.f32 v8, v14;
	v8 =	vadd.f32 v53, v11;
	v11 =	vld.idx.msk [tilespmem:v48+s21+$0x0], $0xffff  }
0x1c9: {  	v14 =	vld.idx.msk [tilespmem:v52+s21+$0x0], $0xffff  }
0x1ca: {  	v4 =	vmul.f32 v4, v4;
	v52 =	vld [tilespmem:$0x1FBD0]  }
0x1cb: {  	v10 =	vmul.f32 v10, v10;
	v60 =	vor.u32 v57, v38;
	v53 =	vld [tilespmem:$0x1FBE0]  }
0x1cc: {  	v35 =	vor.u32 $0x40, v47;
	v3 =	vadd.f32 v4, v3;
	v4 =	vmul.f32 v12, v12;
	v12 =	vld.idx.msk [tilespmem:v48+s22+$0x0], $0xffff  }
0x1cd: {  	v26 =	vadd.f32 v10, v21;
	[tilespmem:$0x1F190] =	vst v35;
	v48 =	vld [tilespmem:$0x1FB90]  }
0x1ce: {  	v40 =	vor.u32 v35, v38;
	v21 =	vsel vm0, v43, v42;
	[tilespmem:$0x1F180] =	vst v57;
	v57 =	vld [tilespmem:$0x1FBF0];
	v20 =	vsel vm0, v41, v39  }
0x1cf: {  	v35 =	vcombine.low v21, v20;
	v3 =	vadd.f32 v4, v3;
	v4 =	vmul.f32 v16, v16;
	v16 =	vld.idx.msk [tilespmem:v27+s22+$0x0], $0xffff  }
0x1d0: {  	[tilespmem:$0x1F130] =	vst v32;
	v31 =	vsel vm0, v50, v49;
	v30 =	vld.idx.msk [tilespmem:v60+s21+$0x0], $0xffff;
	v32 =	vsel vm0, v52, v51  }
0x1d1: {  	v9 =	vsub.f32 v13, v9;
	v27 =	vor.u32 v35, v38;
	v33 =	vld.idx.msk [tilespmem:v60+s22+$0x0], $0xffff;
	v13 =	vcombine.low v32, v31  }
0x1d2: {  	[tilespmem:$0x1F140] =	vst v22;
	v15 =	vsub.f32 v23, v15;
	v28 =	vsel vm0, v45, v44;
	v60 =	vld [tilespmem:$0x1FC10];
	v29 =	vsel vm0, v48, v46  }
0x1d3: {  	v22 =	vld.idx.msk [tilespmem:v40+s21+$0x0], $0xffff;
	[tilespmem:$0x1F1A0] =	vst v35;
	v36 =	vcombine.low v29, v28;
	v35 =	vor.u32 v13, v38  }
0x1d4: {  	v18 =	vld.idx.msk [tilespmem:v40+s22+$0x0], $0xffff;
	v10 =	vsel vm0, v42, v41;
	[tilespmem:$0x1F1C0] =	vst v13;
	v13 =	vsel vm0, v39, v43  }
0x1d5: {  	[tilespmem:$0x1F150] =	vst v25;
	v3 =	vadd.f32 v4, v3;
	v43 =	vld [tilespmem:$0x1FC50];
	v42 =	vcombine.low v13, v10;
	v4 =	vor.u32 v36, v38  }
0x1d6: {  	v9 =	vmul.f32 v9, v9;
	v15 =	vmul.f32 v15, v15;
	v25 =	vsel vm0, v57, v53;
	v56 =	vld.idx.msk [tilespmem:v27+s21+$0x0], $0xffff  }
0x1d7: {  	v34 =	vsel vm0, v60, v59;
	v27 =	vld.idx.msk [tilespmem:v27+s22+$0x0], $0xffff;
	[tilespmem:$0x1F1E0] =	vst v42;
	v42 =	vor.u32 v42, v38  }
0x1d8: {  	v14 =	vsub.f32 v17, v14;
	v11 =	vsub.f32 v12, v11;
	v40 =	vcombine.low v34, v25;
	v17 =	vld.idx.msk [tilespmem:v35+s21+$0x0], $0xffff  }
0x1d9: {  	v39 =	vadd.f32 v9, v8;
	v8 =	vsel vm0, v46, v45;
	v9 =	vsel vm0, v44, v48;
	v48 =	vld.idx.msk [tilespmem:v35+s22+$0x0], $0xffff  }
0x1da: {  	v46 =	vcombine.low v9, v8;
	[tilespmem:$0x1F1D0] =	vst v40;
	v40 =	vor.u32 v40, v38;
	v41 =	vld.idx.msk [tilespmem:v4+s21+$0x0], $0xffff  }
0x1db: {  	[tilespmem:$0x1F1B0] =	vst v36;
	v36 =	vmul.f32 v37, v37;
	v39 =	vadd.f32 v15, v39;
	v35 =	vor.u32 $0x50, v47;
	v12 =	vld.idx.msk [tilespmem:v4+s22+$0x0], $0xffff  }
0x1dc: {  	v15 =	vor.u32 v35, v38;
	v4 =	vsel vm0, v49, v52;
	v52 =	vsel vm0, v59, v57;
	v57 =	vld.idx.msk [tilespmem:v42+s21+$0x0], $0xffff  }
0x1dd: {  	v49 =	vor.u32 v46, v38;
	v59 =	vld.idx.msk [tilespmem:v42+s22+$0x0], $0xffff  }
0x1de: {  	v36 =	vadd.f32 v36, v3;
	v3 =	vsel vm0, v51, v50;
	v42 =	vld [tilespmem:$0x1FC40]  }
0x1df: {  	v11 =	vmul.f32 v11, v11;
	v53 =	vsel vm0, v53, v60;
	v50 =	vcombine.low v4, v3;
	v51 =	vld.idx.msk [tilespmem:v40+s21+$0x0], $0xffff  }
0x1e0: {  	v18 =	vsub.f32 v18, v22;
	v14 =	vmul.f32 v14, v14;
	v44 =	vcombine.low v53, v52;
	v40 =	vld.idx.msk [tilespmem:v40+s22+$0x0], $0xffff  }
0x1e1: {  	v11 =	vadd.f32 v11, v36;
	v27 =	vsub.f32 v27, v56;
	v56 =	vor.u32 v50, v38;
	v22 =	vld.idx.msk [tilespmem:v15+s21+$0x0], $0xffff  }
0x1e2: {  	v21 =	vcombine.low v20, v21;
	[tilespmem:$0x1F210] =	vst v44;
	v60 =	vor.u32 v44, v38;
	v44 =	vld.idx.msk [tilespmem:v49+s21+$0x0], $0xffff  }
0x1e3: {  	v11 =	vadd.f32 v14, v11;
	v17 =	vsub.f32 v48, v17;
	v48 =	vcombine.low v6, v7;
	v14 =	vld.idx.msk [tilespmem:v49+s22+$0x0], $0xffff  }
0x1e4: {  	v12 =	vsub.f32 v12, v41;
	v41 =	vld [tilespmem:$0x1FC30]  }
0x1e5: {  	v16 =	vsub.f32 v16, v24;
	v7 =	vor.u32 v21, v38;
	[tilespmem:$0x1F230] =	vst v48;
	v24 =	vor.u32 v48, v38;
	v48 =	vld [tilespmem:$0x1FC90]  }
0x1e6: {  	[tilespmem:$0x1F1F0] =	vst v46;
	v46 =	vld.idx.msk [tilespmem:v56+s21+$0x0], $0xffff  }
0x1e7: {  	v6 =	vld.idx.msk [tilespmem:v56+s22+$0x0], $0xffff  }
0x1e8: {  	[tilespmem:$0x1F200] =	vst v50;
	v50 =	vld.idx.msk [tilespmem:v60+s21+$0x0], $0xffff  }
0x1e9: {  	v52 =	vld.idx.msk [tilespmem:v60+s22+$0x0], $0xffff  }
0x1ea: {  	v49 =	vsub.f32 v59, v57;
	v57 =	vld.idx.msk [tilespmem:v7+s21+$0x0], $0xffff  }
0x1eb: {  	v18 =	vmul.f32 v18, v18;
	v53 =	vcombine.low v2, v5;
	v7 =	vld.idx.msk [tilespmem:v7+s22+$0x0], $0xffff  }
0x1ec: {  	v27 =	vmul.f32 v27, v27;
	v59 =	vcombine.low v31, v32;
	v45 =	vsub.f32 v40, v51;
	v40 =	vld [tilespmem:$0x1FC20]  }
0x1ed: {  	[tilespmem:$0x1F250] =	vst v53;
	v60 =	vor.u32 v53, v38;
	v53 =	vld [tilespmem:$0x1FCE0]  }
0x1ee: {  	v18 =	vadd.f32 v27, v18;
	v12 =	vmul.f32 v12, v12;
	[tilespmem:$0x1F260] =	vst v59;
	v32 =	vor.u32 v59, v38;
	v59 =	vld [tilespmem:$0x1FD00]  }
0x1ef: {  	v17 =	vmul.f32 v17, v17;
	v20 =	vld.idx.msk [tilespmem:v24+s22+$0x0], $0xffff  }
0x1f0: {  	v51 =	vcombine.low v28, v29;
	v12 =	vadd.f32 v12, v18;
	v14 =	vsub.f32 v14, v44;
	v44 =	vld [tilespmem:$0x1FC60]  }
0x1f1: {  	v18 =	vmul.f32 v45, v45;
	v45 =	vld [tilespmem:$0x1FC70]  }
0x1f2: {  	[tilespmem:$0x1F240] =	vst v51;
	v56 =	vor.u32 v51, v38;
	v51 =	vld [tilespmem:$0x1FCC0];
	v12 =	vadd.f32 v17, v12  }
0x1f3: {  	v16 =	vmul.f32 v16, v16;
	v17 =	vmul.f32 v49, v49;
	v49 =	vld [tilespmem:$0x1FCA0]  }
0x1f4: {  	v12 =	vadd.f32 v18, v12;
	v18 =	vld.idx.msk [tilespmem:v24+s21+$0x0], $0xffff  }
0x1f5: {  	v11 =	vadd.f32 v16, v11;
	v16 =	vld.idx.msk [tilespmem:v60+s22+$0x0], $0xffff  }
0x1f6: {  	v6 =	vsub.f32 v6, v46;
	v46 =	vld [tilespmem:$0x1FC80]  }
0x1f7: {  	[tilespmem:$0x1F220] =	vst v21;
	v5 =	vsub.f32 v33, v30;
	v21 =	vld.idx.msk [tilespmem:v32+s22+$0x0], $0xffff  }
0x1f8: {  	v14 =	vmul.f32 v14, v14;
	v12 =	vadd.f32 v17, v12;
	v33 =	vld.idx.msk [tilespmem:v56+s21+$0x0], $0xffff  }
0x1f9: {  	v5 =	vmul.f32 v5, v5;
	v23 =	vsel vm0, v41, v40;
	v24 =	vsel vm0, v43, v42;
	v2 =	vld.idx.msk [tilespmem:v56+s22+$0x0], $0xffff  }
0x1fa: {  	v6 =	vmul.f32 v6, v6;
	v12 =	vadd.f32 v14, v12;
	v14 =	vsub.f32 v52, v50;
	v50 =	vld [tilespmem:$0x1FCB0]  }
0x1fb: {  	v10 =	vcombine.low v10, v13;
	v27 =	vadd.f32 v5, v11;
	v36 =	vcombine.low v24, v23;
	v52 =	vld [tilespmem:$0x1FCD0]  }
0x1fc: {  	v7 =	vsub.f32 v7, v57;
	v57 =	vld [tilespmem:$0x1FCF0];
	v5 =	vadd.f32 v6, v12;
	v6 =	vmul.f32 v14, v14  }
0x1fd: {  	v17 =	vsel vm0, v45, v44;
	v37 =	vor.u32 v36, v38;
	v14 =	vld.idx.msk [tilespmem:v60+s21+$0x0], $0xffff;
	v12 =	vcombine.low v25, v34  }
0x1fe: {  	v7 =	vmul.f32 v7, v7;
	v25 =	vsel vm0, v48, v46;
	v60 =	vld [tilespmem:$0x1FD10];
	v5 =	vadd.f32 v6, v5  }
0x1ff: {  	v2 =	vsub.f32 v2, v33;
	[tilespmem:$0x1F290] =	vst v12;
	v28 =	vor.u32 v12, v38;
	v12 =	vcombine.low v25, v17  }
0x200: {  	v6 =	vld.idx.msk [tilespmem:v32+s21+$0x0], $0xffff;
	v29 =	vsel vm0, v50, v49;
	v30 =	vsel vm0, v52, v51;
	v5 =	vadd.f32 v7, v5  }
0x201: {  	v7 =	vld.idx.msk [tilespmem:v15+s22+$0x0], $0xffff;
	[tilespmem:$0x1F2A0] =	vst v12;
	v15 =	vor.u32 v12, v38;
	v12 =	vcombine.low v30, v29  }
0x202: {  	[tilespmem:$0x1F270] =	vst v35;
	v18 =	vsub.f32 v20, v18;
	v31 =	vld.idx.msk [tilespmem:v37+s21+$0x0], $0xffff;
	v32 =	vsel vm0, v57, v53  }
0x203: {  	v20 =	vld.idx.msk [tilespmem:v37+s22+$0x0], $0xffff;
	v2 =	vmul.f32 v2, v2;
	v33 =	vsel vm0, v60, v59;
	v34 =	vor.u32 v12, v38  }
0x204: {  	v11 =	vsel vm0, v42, v41;
	[tilespmem:$0x1F280] =	vst v36;
	v56 =	vcombine.low v33, v32;
	v36 =	vld.idx.msk [tilespmem:v28+s21+$0x0], $0xffff  }
0x205: {  	[tilespmem:$0x1F2B0] =	vst v12;
	v35 =	vadd.f32 v2, v5;
	v12 =	vsel vm0, v40, v43;
	v5 =	vshra.s32 v26, $0x1;
	v28 =	vld.idx.msk [tilespmem:v28+s22+$0x0], $0xffff  }
0x206: {  	v21 =	vsub.f32 v21, v6;
	v6 =	vcombine.low v12, v11;
	v37 =	vor.u32 v56, v38;
	v13 =	vld.idx.msk [tilespmem:v15+s21+$0x0], $0xffff  }
0x207: {  	[tilespmem:$0x1F2E0] =	vst v10;
	v2 =	vmul.f32 $5.000000000e-01, v26;
	v40 =	vsub.s32 $0x5F3759DF, v5;
	v5 =	vsel vm0, v46, v45;
	v15 =	vld.idx.msk [tilespmem:v15+s22+$0x0], $0xffff  }
0x208: {  	v20 =	vsub.f32 v20, v31;
	v22 =	vsub.f32 v7, v22;
	v41 =	vor.u32 v6, v38;
	v42 =	vld.idx.msk [tilespmem:v34+s21+$0x0], $0xffff  }
0x209: {  	[tilespmem:$0x1F2D0] =	vst v6;
	v6 =	vmul.f32 v40, v2;
	v7 =	vsel vm0, v44, v48;
	v31 =	vld.idx.msk [tilespmem:v34+s22+$0x0], $0xffff  }
0x20a: {  	[tilespmem:$0x1F2C0] =	vst v56;
	v45 =	vcombine.low v7, v5;
	v34 =	vor.u32 v10, v38;
	v28 =	vsub.f32 v28, v36;
	v36 =	vld [tilespmem:$0x1FD20]  }
0x20b: {  	v56 =	vmul.f32 v40, v6;
	v6 =	vsel vm0, v51, v50;
	v10 =	vsel vm0, v49, v52;
	v48 =	vld.idx.msk [tilespmem:v37+s21+$0x0], $0xffff  }
0x20c: {  	[tilespmem:$0x1F2F0] =	vst v45;
	v45 =	vor.u32 v45, v38;
	v51 =	vcombine.low v10, v6;
	v37 =	vld.idx.msk [tilespmem:v37+s22+$0x0], $0xffff  }
0x20d: {  	v20 =	vmul.f32 v20, v20;
	v13 =	vsub.f32 v15, v13;
	v15 =	vmul.f32 v22, v22;
	v52 =	vld.idx.msk [tilespmem:v41+s21+$0x0], $0xffff  }
0x20e: {  	v41 =	vld.idx.msk [tilespmem:v41+s22+$0x0], $0xffff;
	v46 =	vor.u32 v51, v38  }
0x20f: {  	v15 =	vadd.f32 v20, v15;
	v20 =	vld.idx.msk [tilespmem:v34+s21+$0x0], $0xffff  }
0x210: {  	v18 =	vmul.f32 v18, v18;
	v13 =	vmul.f32 v13, v13;
	v34 =	vld.idx.msk [tilespmem:v34+s22+$0x0], $0xffff  }
0x211: {  	v43 =	vsub.f32 $1.500000000e+00, v56;
	v56 =	vcombine.low v8, v9;
	v31 =	vsub.f32 v31, v42;
	v44 =	vld.idx.msk [tilespmem:v45+s22+$0x0], $0xffff  }
0x212: {  	v18 =	vadd.f32 v18, v27;
	v42 =	vadd.f32 v13, v15;
	v13 =	vld.idx.msk [tilespmem:v45+s21+$0x0], $0xffff  }
0x213: {  	[tilespmem:$0x1F300] =	vst v51;
	v49 =	vor.u32 v56, v38;
	v15 =	vmul.f32 v31, v31;
	v50 =	vld.idx.msk [tilespmem:v46+s21+$0x0], $0xffff  }
0x214: {  	v27 =	vmul.f32 v40, v43;
	v43 =	vsub.f32 v37, v48;
	v45 =	vsel vm0, v59, v57;
	v51 =	vld.idx.msk [tilespmem:v46+s22+$0x0], $0xffff  }
0x215: {  	v48 =	vsel vm0, v53, v60;
	v8 =	vadd.f32 v15, v42;
	v15 =	vsub.f32 v41, v52;
	v41 =	vld [tilespmem:$0x1FD40]  }
0x216: {  	v37 =	vcombine.low v48, v45;
	v42 =	vld [tilespmem:$0x1FD50]  }
0x217: {  	v0 =	vmul.f32 v1, v0;
	[tilespmem:$0x1F310] =	vst v56;
	v9 =	vmul.f32 v43, v43;
	v43 =	vld [tilespmem:$0x1FD60]  }
0x218: {  	v45 =	vcombine.low v17, v25;
	v56 =	vor.u32 v37, v38;
	v20 =	vsub.f32 v34, v20;
	v34 =	vld.idx.msk [tilespmem:v49+s21+$0x0], $0xffff  }
0x219: {  	v21 =	vmul.f32 v21, v21;
	v46 =	vmul.f32 v27, v2;
	[tilespmem:$0x1F320] =	vst v37;
	v37 =	vld [tilespmem:$0x1FD30]  }
0x21a: {  	v53 =	vmul.f32 v28, v28;
	v52 =	vcombine.low v23, v24;
	[tilespmem:$0x1F350] =	vst v45;
	v28 =	vor.u32 v45, v38;
	v45 =	vld [tilespmem:$0x1FD80]  }
0x21b: {  	v0 =	vmul.f32 v0, v1;
	v21 =	vadd.f32 v21, v35;
	v17 =	vmul.f32 v46, v27;
	v46 =	vld [tilespmem:$0x1FD90]  }
0x21c: {  	v60 =	vcombine.low v3, v4;
	v59 =	vor.u32 v52, v38;
	v4 =	vsub.f32 v44, v13;
	v13 =	vld.idx.msk [tilespmem:v49+s22+$0x0], $0xffff  }
0x21d: {  	v29 =	vcombine.low v29, v30;
	v57 =	vmul.f32 v15, v15;
	v48 =	vld.idx.msk [tilespmem:v56+s21+$0x0], $0xffff  }
0x21e: {  	v15 =	vadd.f32 v53, v21;
	v21 =	vor.u32 v60, v38;
	v44 =	vsub.f32 v51, v50;
	v24 =	vld.idx.msk [tilespmem:v56+s22+$0x0], $0xffff  }
0x21f: {  	v8 =	vadd.f32 v9, v8;
	[tilespmem:$0x1F330] =	vst v52;
	v52 =	vor.u32 v29, v38;
	v22 =	vld.idx.msk [tilespmem:v28+s21+$0x0], $0xffff  }
0x220: {  	v0 =	vsub.f32 $1.500000000e+00, v0;
	v20 =	vmul.f32 v20, v20;
	v9 =	vmul.f32 v44, v44;
	v44 =	vld [tilespmem:$0x1FD70]  }
0x221: {  	v3 =	vadd.f32 v57, v8;
	v49 =	vmul.f32 v4, v4;
	v50 =	vld.idx.msk [tilespmem:v59+s21+$0x0], $0xffff  }
0x222: {  	v4 =	vmul.f32 v0, v1;
	v0 =	vadd.f32 v20, v15;
	v15 =	vld.idx.msk [tilespmem:v59+s22+$0x0], $0xffff  }
0x223: {  	v51 =	vadd.f32 v49, v3;
	v3 =	vsub.f32 $1.500000000e+00, v17;
	v17 =	vld.idx.msk [tilespmem:v21+s21+$0x0], $0xffff  }
0x224: {  	v14 =	vsub.f32 v16, v14;
	v16 =	vld.idx.msk [tilespmem:v52+s22+$0x0], $0xffff  }
0x225: {  	v49 =	vld [tilespmem:$0x1FDB0]  }
0x226: {  	v53 =	vor.u32 $0x60, v47;
	v8 =	vsub.f32 v13, v34;
	v13 =	vld.idx.msk [tilespmem:v21+s22+$0x0], $0xffff  }
0x227: {  	[tilespmem:$0x1F370] =	vst v53;
	v21 =	vor.u32 v53, v38;
	v53 =	vld [tilespmem:$0x1FDF0]  }
0x228: {  	v23 =	vsel vm0, v42, v41;
	v20 =	vsel vm0, v37, v36;
	v3 =	vmul.f32 v3, v27;
	v27 =	vld.idx.msk [tilespmem:v52+s21+$0x0], $0xffff  }
0x229: {  	v56 =	vcombine.low v23, v20;
	v1 =	vadd.f32 v9, v51;
	v51 =	vld [tilespmem:$0x1FDD0]  }
0x22a: {  	v52 =	vld [tilespmem:$0x1FDE0]  }
0x22b: {  	v59 =	vcombine.low v32, v33;
	v25 =	vor.u32 v56, v38;
	v57 =	vsub.f32 v24, v48;
	v24 =	vld.idx.msk [tilespmem:v28+s22+$0x0], $0xffff  }
0x22c: {  	v14 =	vmul.f32 v14, v14;
	v48 =	vld [tilespmem:$0x1FDA0]  }
0x22d: {  	[tilespmem:$0x1F360] =	vst v29;
	v30 =	vor.u32 v59, v38;
	v15 =	vsub.f32 v15, v50;
	v50 =	vld [tilespmem:$0x1FDC0]  }
0x22e: {  	v35 =	vcombine.low v11, v12;
	v40 =	vadd.f32 v14, v18;
	[tilespmem:$0x1F340] =	vst v60;
	v31 =	vld.idx.msk [tilespmem:v21+s21+$0x0], $0xffff  }
0x22f: {  	v29 =	vsel vm0, v46, v45;
	[tilespmem:$0x1F390] =	vst v59;
	v9 =	vmul.f32 v57, v57;
	v14 =	vld.idx.msk [tilespmem:v21+s22+$0x0], $0xffff  }
0x230: {  	v8 =	vmul.f32 v8, v8;
	v28 =	vsel vm0, v44, v43;
	v59 =	vmul.f32 v15, v15;
	v15 =	vld.idx.msk [tilespmem:v25+s21+$0x0], $0xffff  }
0x231: {  	v34 =	vor.u32 v35, v38;
	v60 =	vcombine.low v29, v28;
	v11 =	vld.idx.msk [tilespmem:v25+s22+$0x0], $0xffff;
	v57 =	vadd.f32 v9, v1  }
0x232: {  	v21 =	vadd.f32 v8, v0;
	v8 =	vsel vm0, v41, v37;
	v1 =	vld.idx.msk [tilespmem:v30+s21+$0x0], $0xffff  }
0x233: {  	[tilespmem:$0x1F380] =	vst v56;
	v13 =	vsub.f32 v13, v17;
	v18 =	vor.u32 v60, v38;
	v0 =	vadd.f32 v59, v57;
	v57 =	vld [tilespmem:$0x1FE00]  }
0x234: {  	v37 =	vcombine.low v5, v7;
	[tilespmem:$0x1F3A0] =	vst v60;
	v16 =	vsub.f32 v16, v27;
	v9 =	vsel vm0, v36, v42;
	v59 =	vld [tilespmem:$0x1FE10]  }
0x235: {  	v30 =	vld.idx.msk [tilespmem:v30+s22+$0x0], $0xffff;
	v32 =	vsel vm0, v49, v48;
	v60 =	vsub.f32 v24, v22;
	v33 =	vsel vm0, v51, v50  }
0x236: {  	v42 =	vcombine.low v6, v10;
	v10 =	vld.idx.msk [tilespmem:v34+s22+$0x0], $0xffff;
	v17 =	vor.u32 v37, v38;
	v56 =	vcombine.low v33, v32  }
0x237: {  	[tilespmem:$0x1F3F0] =	vst v37;
	v6 =	vsel vm0, v43, v46;
	v37 =	vld [tilespmem:$0x1FE20];
	v22 =	vsel vm0, v53, v52;
	v60 =	vmul.f32 v60, v60  }
0x238: {  	v14 =	vsub.f32 v14, v31;
	v27 =	vld.idx.msk [tilespmem:v18+s21+$0x0], $0xffff;
	v11 =	vsub.f32 v11, v15;
	v12 =	vor.u32 v56, v38  }
0x239: {  	v18 =	vld.idx.msk [tilespmem:v18+s22+$0x0], $0xffff;
	v15 =	vmul.f32 v16, v16;
	v0 =	vadd.f32 v60, v0;
	v24 =	vsel vm0, v59, v57  }
0x23a: {  	v43 =	vld [tilespmem:$0x1FE30];
	[tilespmem:$0x1F3B0] =	vst v56;
	v41 =	vmul.f32 v14, v14;
	v14 =	vsub.f32 v30, v1;
	v56 =	vcombine.low v24, v22  }
0x23b: {  	[tilespmem:$0x1F3C0] =	vst v35;
	v60 =	vcombine.low v9, v8;
	v35 =	vld.idx.msk [tilespmem:v17+s21+$0x0], $0xffff;
	v5 =	vmul.f32 v11, v11  }
0x23c: {  	v11 =	vld.idx.msk [tilespmem:v34+s21+$0x0], $0xffff;
	v15 =	vadd.f32 v15, v0;
	v14 =	vmul.f32 v14, v14;
	v25 =	vor.u32 v56, v38  }
0x23d: {  	[tilespmem:$0x1F3D0] =	vst v56;
	v36 =	vld.idx.msk [tilespmem:v12+s21+$0x0], $0xffff;
	v56 =	vadd.f32 v5, v41;
	v5 =	vsel vm0, v45, v44  }
0x23e: {  	v7 =	vld.idx.msk [tilespmem:v12+s22+$0x0], $0xffff;
	v12 =	vor.u32 v60, v38;
	v45 =	vcombine.low v6, v5  }
0x23f: {  	v1 =	vsel vm0, v48, v51;
	v0 =	vsel vm0, v50, v49;
	v14 =	vadd.f32 v14, v15;
	v15 =	vld.idx.msk [tilespmem:v17+s22+$0x0], $0xffff  }
0x240: {  	v50 =	vcombine.low v1, v0;
	v44 =	vor.u32 v42, v38;
	[tilespmem:$0x1F410] =	vst v45;
	v34 =	vor.u32 v45, v38;
	v45 =	vld [tilespmem:$0x1FE50]  }
0x241: {  	[tilespmem:$0x1F3E0] =	vst v60;
	v18 =	vsub.f32 v18, v27;
	v60 =	vld.idx.msk [tilespmem:v25+s21+$0x0], $0xffff  }
0x242: {  	v51 =	vsel vm0, v57, v53;
	v57 =	vcombine.low v20, v23;
	v53 =	vor.u32 v50, v38;
	v25 =	vld.idx.msk [tilespmem:v25+s22+$0x0], $0xffff  }
0x243: {  	v18 =	vmul.f32 v18, v18;
	v46 =	vld.idx.msk [tilespmem:v12+s21+$0x0], $0xffff  }
0x244: {  	v2 =	vmul.f32 v3, v2;
	[tilespmem:$0x1F420] =	vst v50;
	v50 =	vor.u32 v57, v38;
	v12 =	vld.idx.msk [tilespmem:v12+s22+$0x0], $0xffff  }
0x245: {  	v56 =	vadd.f32 v18, v56;
	v18 =	vld.idx.msk [tilespmem:v44+s21+$0x0], $0xffff  }
0x246: {  	v28 =	vcombine.low v28, v29;
	v2 =	vmul.f32 v2, v3;
	v20 =	vld.idx.msk [tilespmem:v44+s22+$0x0], $0xffff  }
0x247: {  	v10 =	vsub.f32 v10, v11;
	v30 =	vld.idx.msk [tilespmem:v53+s21+$0x0], $0xffff  }
0x248: {  	v2 =	vsub.f32 $1.500000000e+00, v2;
	v52 =	vsel vm0, v52, v59;
	[tilespmem:$0x1F440] =	vst v57;
	v57 =	vor.u32 v28, v38;
	v44 =	vld [tilespmem:$0x1FE40]  }
0x249: {  	v41 =	vmul.f32 v4, v19;
	v10 =	vmul.f32 v10, v10;
	v4 =	vsub.f32 v15, v35;
	v15 =	vld.idx.msk [tilespmem:v50+s22+$0x0], $0xffff  }
0x24a: {  	v7 =	vsub.f32 v7, v36;
	v36 =	vcombine.low v52, v51;
	v51 =	vor.u32 $0x70, v47;
	v47 =	vld [tilespmem:$0x1FE70]  }
0x24b: {  	v10 =	vadd.f32 v10, v14;
	[tilespmem:$0x1F450] =	vst v51;
	v52 =	vor.u32 v51, v38;
	v4 =	vmul.f32 v4, v4;
	v51 =	vld [tilespmem:$0x1FEB0]  }
0x24c: {  	v49 =	vld.idx.msk [tilespmem:v34+s22+$0x0], $0xffff  }
0x24d: {  	v2 =	vmul.f32 v2, v3;
	v3 =	vadd.f32 v4, v10;
	v10 =	vld.idx.msk [tilespmem:v57+s21+$0x0], $0xffff  }
0x24e: {  	v25 =	vsub.f32 v25, v60;
	v60 =	vsub.f32 v12, v46;
	v12 =	vmul.f32 v13, v13;
	v13 =	vld.idx.msk [tilespmem:v34+s21+$0x0], $0xffff  }
0x24f: {  	v7 =	vmul.f32 v7, v7;
	v46 =	vld [tilespmem:$0x1FE60]  }
0x250: {  	v23 =	vld.idx.msk [tilespmem:v52+s21+$0x0], $0xffff  }
0x251: {  	v7 =	vadd.f32 v7, v56;
	v56 =	vcombine.low v32, v33;
	v17 =	vld.idx.msk [tilespmem:v52+s22+$0x0], $0xffff  }
0x252: {  	[tilespmem:$0x1F470] =	vst v28;
	v31 =	vsel vm0, v43, v37;
	v52 =	vld [tilespmem:$0x1FEC0]  }
0x253: {  	v34 =	vsel vm0, v45, v44;
	[tilespmem:$0x1F480] =	vst v56;
	v28 =	vor.u32 v56, v38;
	v56 =	vld [tilespmem:$0x1FF10];
	v48 =	vmul.f32 v25, v25  }
0x254: {  	[tilespmem:$0x1F400] =	vst v42;
	v42 =	vadd.f32 v12, v21;
	v12 =	vld.idx.msk [tilespmem:v53+s22+$0x0], $0xffff;
	v53 =	vcombine.low v34, v31  }
0x255: {  	v59 =	vor.u32 v36, v38;
	v7 =	vadd.f32 v48, v7;
	v48 =	vld [tilespmem:$0x1FE80]  }
0x256: {  	v11 =	vmul.f32 v60, v60;
	[tilespmem:$0x1F460] =	vst v53;
	v21 =	vor.u32 v53, v38;
	v53 =	vld [tilespmem:$0x1FED0]  }
0x257: {  	v13 =	vsub.f32 v49, v13;
	v49 =	vld [tilespmem:$0x1FE90]  }
0x258: {  	v7 =	vadd.f32 v11, v7;
	v11 =	vld.idx.msk [tilespmem:v50+s21+$0x0], $0xffff  }
0x259: {  	v50 =	vld [tilespmem:$0x1FEA0]  }
0x25a: {  	v14 =	vld.idx.msk [tilespmem:v59+s21+$0x0], $0xffff  }
0x25b: {  	v16 =	vld.idx.msk [tilespmem:v59+s22+$0x0], $0xffff  }
0x25c: {  	v24 =	vcombine.low v22, v24;
	v25 =	vsel vm0, v47, v46;
	v13 =	vmul.f32 v13, v13;
	v29 =	vld.idx.msk [tilespmem:v21+s21+$0x0], $0xffff  }
0x25d: {  	v12 =	vsub.f32 v12, v30;
	v33 =	vsel vm0, v53, v52;
	v21 =	vld.idx.msk [tilespmem:v21+s22+$0x0], $0xffff;
	v27 =	vsel vm0, v49, v48  }
0x25e: {  	v7 =	vadd.f32 v13, v7;
	v13 =	vld.idx.msk [tilespmem:v57+s22+$0x0], $0xffff;
	v59 =	vcombine.low v27, v25;
	v32 =	vsel vm0, v51, v50  }
0x25f: {  	v2 =	vmul.f32 v2, v26;
	[tilespmem:$0x1F4B0] =	vst v24;
	v57 =	vld [tilespmem:$0x1FEE0];
	v60 =	vcombine.low v33, v32  }
0x260: {  	v24 =	vor.u32 v24, v38;
	v12 =	vmul.f32 v12, v12;
	[tilespmem:$0x1F490] =	vst v59;
	v35 =	vor.u32 v59, v38;
	v59 =	vld [tilespmem:$0x1FEF0]  }
0x261: {  	v4 =	vsub.f32 v20, v18;
	v17 =	vsub.f32 v17, v23;
	[tilespmem:$0x1F4A0] =	vst v60;
	v18 =	vor.u32 v60, v38;
	v60 =	vld [tilespmem:$0x1FF00]  }
0x262: {  	[tilespmem:$0x1F430] =	vst v36;
	v31 =	vcombine.low v31, v34;
	v30 =	vsel vm0, v37, v45;
	v7 =	vadd.f32 v12, v7  }
0x263: {  	v19 =	vld.idx.msk [tilespmem:v28+s21+$0x0], $0xffff;
	v17 =	vmul.f32 v17, v17;
	v12 =	vsub.f32 v16, v14;
	v21 =	vsub.f32 v21, v29  }
0x264: {  	v23 =	vld.idx.msk [tilespmem:v28+s22+$0x0], $0xffff;
	v29 =	vsel vm0, v44, v43;
	v43 =	vsel vm0, v48, v47;
	v44 =	vsel vm0, v46, v49  }
0x265: {  	v14 =	vld.idx.msk [tilespmem:v24+s21+$0x0], $0xffff;
	v26 =	vsel vm0, v50, v53;
	v11 =	vsub.f32 v15, v11;
	v46 =	vcombine.low v44, v43  }
0x266: {  	v49 =	vcombine.low v8, v9;
	v9 =	vld.idx.msk [tilespmem:v24+s22+$0x0], $0xffff;
	v20 =	vsel vm0, v59, v57;
	v22 =	vsel vm0, v56, v60  }
0x267: {  	v12 =	vmul.f32 v12, v12;
	v16 =	vor.u32 v46, v38;
	v28 =	vld.idx.msk [tilespmem:v35+s21+$0x0], $0xffff;
	v36 =	vcombine.low v22, v20  }
0x268: {  	v11 =	vmul.f32 v11, v11;
	v24 =	vsel vm0, v52, v51;
	v10 =	vsub.f32 v13, v10;
	v35 =	vld.idx.msk [tilespmem:v35+s22+$0x0], $0xffff  }
0x269: {  	v45 =	vcombine.low v30, v29;
	v48 =	vcombine.low v26, v24;
	[tilespmem:$0x1F4C0] =	vst v36;
	v36 =	vor.u32 v36, v38  }
0x26a: {  	v7 =	vadd.f32 v12, v7;
	v21 =	vmul.f32 v21, v21;
	[tilespmem:$0x1F4F0] =	vst v49;
	v37 =	vld.idx.msk [tilespmem:v18+s21+$0x0], $0xffff  }
0x26b: {  	[tilespmem:$0x1F4D0] =	vst v45;
	v18 =	vld.idx.msk [tilespmem:v18+s22+$0x0], $0xffff;
	v53 =	vsel vm0, v60, v59;
	v56 =	vsel vm0, v57, v56  }
0x26c: {  	v45 =	vor.u32 v45, v38;
	[tilespmem:$0x1F4E0] =	vst v46;
	v57 =	vcombine.low v56, v53;
	v12 =	vld.idx.msk [tilespmem:v16+s22+$0x0], $0xffff  }
0x26d: {  	v46 =	vsub.f32 v35, v28;
	v35 =	vor.u32 v49, v38;
	v49 =	vcombine.low v5, v6;
	v6 =	vld.idx.msk [tilespmem:v16+s21+$0x0], $0xffff  }
0x26e: {  	[tilespmem:$0x1F500] =	vst v48;
	v8 =	vadd.f32 v21, v17;
	v60 =	vor.u32 v48, v38;
	v48 =	vmov v57;
	v21 =	vld.idx.msk [tilespmem:v36+s21+$0x0], $0xffff  }
0x26f: {  	v16 =	vor.u32 v48, v38;
	v28 =	vld.idx.msk [tilespmem:v36+s22+$0x0], $0xffff  }
0x270: {  	v4 =	vmul.f32 v4, v4;
	[tilespmem:$0x1F510] =	vst v31;
	v10 =	vmul.f32 v10, v10;
	v7 =	vadd.f32 v11, v7  }
0x271: {  	v31 =	vor.u32 v31, v38;
	v52 =	vld.idx.msk [tilespmem:v45+s21+$0x0], $0xffff;
	v18 =	vsub.f32 v18, v37;
	v17 =	vmul.f32 v46, v46  }
0x272: {  	v51 =	vshra.s32 v39, $0x1;
	v13 =	vcombine.low v0, v1;
	v7 =	vadd.f32 v10, v7;
	v59 =	vld.idx.msk [tilespmem:v45+s22+$0x0], $0xffff  }
0x273: {  	v56 =	vcombine.low v25, v27;
	v15 =	vld.idx.msk [tilespmem:v60+s22+$0x0], $0xffff;
	v34 =	vmul.f32 v18, v18;
	v5 =	vadd.f32 v17, v8  }
0x274: {  	v6 =	vsub.f32 v12, v6;
	v12 =	vld.idx.msk [tilespmem:v16+s22+$0x0], $0xffff;
	v50 =	vsub.f32 v28, v21;
	v21 =	vmul.f32 $5.000000000e-01, v39  }
0x275: {  	v9 =	vsub.f32 v9, v14;
	v8 =	vsub.s32 $0x5F3759DF, v51;
	v5 =	vadd.f32 v34, v5;
	v34 =	vld.idx.msk [tilespmem:v16+s21+$0x0], $0xffff  }
0x276: {  	v36 =	vld.idx.msk [tilespmem:v60+s21+$0x0], $0xffff;
	v60 =	vcombine.low v32, v33;
	v16 =	vor.u32 v56, v38;
	v53 =	vmul.f32 v8, v21  }
0x277: {  	v27 =	vld.idx.msk [tilespmem:v31+s21+$0x0], $0xffff;
	v25 =	vor.u32 v49, v38;
	v52 =	vsub.f32 v59, v52;
	v17 =	vmul.f32 v50, v50  }
0x278: {  	[tilespmem:$0x1F520] =	vst v56;
	v51 =	vcombine.low v20, v22;
	v56 =	vld.idx.msk [tilespmem:v31+s22+$0x0], $0xffff;
	v57 =	vmul.f32 v8, v53;
	v50 =	vmov v60  }
0x279: {  	v18 =	vld.idx.msk [tilespmem:v35+s22+$0x0], $0xffff;
	v59 =	vmul.f32 v52, v52;
	v5 =	vadd.f32 v17, v5;
	v22 =	vor.u32 v50, v38  }
0x27a: {  	v6 =	vmul.f32 v6, v6;
	v28 =	vld.idx.msk [tilespmem:v35+s21+$0x0], $0xffff;
	v12 =	vsub.f32 v12, v34;
	v17 =	vsub.f32 $1.500000000e+00, v57  }
0x27b: {  	v52 =	vmov v13;
	v0 =	vld.idx.msk [tilespmem:v16+s22+$0x0], $0xffff;
	v5 =	vadd.f32 v59, v5;
	v57 =	vsub.f32 v15, v36  }
0x27c: {  	v15 =	vld.idx.msk [tilespmem:v25+s21+$0x0], $0xffff;
	v59 =	vcombine.low v29, v30;
	v8 =	vmul.f32 v8, v17;
	v17 =	vor.u32 v51, v38  }
0x27d: {  	v56 =	vsub.f32 v56, v27;
	v29 =	vld.idx.msk [tilespmem:v16+s21+$0x0], $0xffff;
	v5 =	vadd.f32 v6, v5;
	v11 =	vmul.f32 v57, v57  }
0x27e: {  	[tilespmem:$0x1F530] =	vst v59;
	v1 =	vor.u32 v59, v38;
	v59 =	vor.u32 v52, v38;
	v13 =	vld.idx.msk [tilespmem:v22+s21+$0x0], $0xffff  }
0x27f: {  	v12 =	vmul.f32 v12, v12;
	v60 =	vmul.f32 v8, v21;
	v5 =	vadd.f32 v11, v5;
	v20 =	vld.idx.msk [tilespmem:v22+s22+$0x0], $0xffff  }
0x280: {  	v16 =	vmul.f32 v56, v56;
	v6 =	vld.idx.msk [tilespmem:v25+s22+$0x0], $0xffff;
	v57 =	vcombine.low v43, v44;
	v25 =	vsub.f32 v23, v19  }
0x281: {  	v23 =	vmul.f32 $5.000000000e-01, v40;
	v53 =	vmul.f32 v60, v8;
	v5 =	vadd.f32 v12, v5;
	v12 =	vld.idx.msk [tilespmem:v17+s21+$0x0], $0xffff  }
0x282: {  	v10 =	vmul.f32 v25, v25;
	v0 =	vsub.f32 v0, v29;
	v60 =	vor.u32 v57, v38;
	v17 =	vld.idx.msk [tilespmem:v17+s22+$0x0], $0xffff  }
0x283: {  	[tilespmem:$0x1F540] =	vst v57;
	v57 =	vshra.s32 v40, $0x1;
	v25 =	vld.idx.msk [tilespmem:v59+s21+$0x0], $0xffff;
	v11 =	vsub.f32 $1.500000000e+00, v53;
	v53 =	vcombine.low v24, v26  }
0x284: {  	v19 =	vsub.s32 $0x5F3759DF, v57;
	v0 =	vmul.f32 v0, v0;
	v13 =	vsub.f32 v20, v13;
	v20 =	vld.idx.msk [tilespmem:v59+s22+$0x0], $0xffff  }
0x285: {  	v5 =	vadd.f32 v16, v5;
	v8 =	vmul.f32 v11, v8;
	v11 =	vld.idx.msk [tilespmem:v1+s21+$0x0], $0xffff;
	v56 =	vor.u32 v53, v38  }
0x286: {  	v3 =	vadd.f32 v4, v3;
	v7 =	vadd.f32 v10, v7;
	v59 =	vmul.f32 v19, v23;
	v1 =	vld.idx.msk [tilespmem:v1+s22+$0x0], $0xffff  }
0x287: {  	v9 =	vmul.f32 v9, v9;
	v6 =	vsub.f32 v6, v15;
	v0 =	vadd.f32 v0, v5;
	v14 =	vld.idx.msk [tilespmem:v60+s21+$0x0], $0xffff  }
0x288: {  	v10 =	vmul.f32 v19, v59;
	v5 =	vsub.f32 v17, v12;
	v12 =	vmul.f32 v13, v13;
	v13 =	vld.idx.msk [tilespmem:v60+s22+$0x0], $0xffff  }
0x289: {  	v7 =	vadd.f32 v9, v7;
	v60 =	vsub.f32 v18, v28  }
0x28a: {  	[tilespmem:$0x1F550] =	vst v53;
	v57 =	vsub.f32 $1.500000000e+00, v10;
	v0 =	vadd.f32 v12, v0;
	v5 =	vmul.f32 v5, v5;
	v53 =	vld.idx.msk [tilespmem:v56+s21+$0x0], $0xffff  }
0x28b: {  	v17 =	vmul.f32 v6, v6;
	v59 =	vmul.f32 v60, v60;
	v1 =	vsub.f32 v1, v11;
	v56 =	vld.idx.msk [tilespmem:v56+s22+$0x0], $0xffff  }
0x28c: {  	v12 =	vmul.f32 $5.000000000e-01, v3;
	v0 =	vadd.f32 v5, v0;
	v5 =	vmul.f32 v19, v57  }
0x28d: {  	v19 =	vshra.s32 v3, $0x1;
	v1 =	vmul.f32 v1, v1;
	v60 =	vsub.f32 v13, v14  }
0x28e: {  	v16 =	vsub.f32 v20, v25;
	v7 =	vadd.f32 v59, v7;
	v11 =	vsub.s32 $0x5F3759DF, v19  }
0x28f: {  	v15 =	vmul.f32 v11, v12;
	v0 =	vadd.f32 v1, v0;
	v9 =	vmul.f32 v60, v60  }
0x290: {  	v10 =	vmul.f32 v16, v16;
	v1 =	vadd.f32 v17, v7;
	v6 =	vsub.f32 v56, v53  }
0x291: {  	v7 =	vmul.f32 v8, v21;
	v15 =	vmul.f32 v11, v15;
	v0 =	vadd.f32 v9, v0  }
0x292: {  	v1 =	vadd.f32 v10, v1;
	v9 =	vmul.f32 $5.000000000e-01, v42;
	v4 =	vmul.f32 v6, v6  }
0x293: {  	v6 =	vmul.f32 v7, v8;
	v7 =	vmul.f32 v5, v23  }
0x294: {  	v59 =	vsub.f32 $1.500000000e+00, v15;
	v13 =	vshra.s32 v1, $0x1;
	v14 =	vmul.f32 $5.000000000e-01, v1  }
0x295: {  	v0 =	vadd.f32 v4, v0;
	v4 =	vshra.s32 v42, $0x1;
	v6 =	vsub.f32 $1.500000000e+00, v6  }
0x296: {  	v7 =	vmul.f32 v7, v5;
	v13 =	vsub.s32 $0x5F3759DF, v13;
	v4 =	vsub.s32 $0x5F3759DF, v4  }
0x297: {  	v53 =	vmul.f32 v13, v14;
	v18 =	vmul.f32 v4, v9  }
0x298: {  	v56 =	vshra.s32 v0, $0x1;
	v6 =	vmul.f32 v6, v8;
	v8 =	vmul.f32 v11, v59  }
0x299: {  	v7 =	vsub.f32 $1.500000000e+00, v7;
	v16 =	vmul.f32 v13, v53;
	v10 =	vmul.f32 v4, v18  }
0x29a: {  	v17 =	vsub.s32 $0x5F3759DF, v56;
	v18 =	vmul.f32 $5.000000000e-01, v0;
	v15 =	vmul.f32 v8, v12  }
0x29b: {  	v5 =	vmul.f32 v7, v5;
	v7 =	vsub.f32 $1.500000000e+00, v16;
	v10 =	vsub.f32 $1.500000000e+00, v10  }
0x29c: {  	v57 =	vmul.f32 v17, v18;
	v15 =	vmul.f32 v15, v8  }
0x29d: {  	v7 =	vmul.f32 v13, v7;
	v4 =	vmul.f32 v4, v10  }
0x29e: {  	v13 =	vmul.f32 v5, v23;
	v60 =	vmul.f32 v17, v57  }
0x29f: {  	v56 =	vmul.f32 v7, v14;
	v53 =	vmul.f32 v4, v9  }
0x2a0: {  	v57 =	vsub.f32 $1.500000000e+00, v15;
	v13 =	vmul.f32 v13, v5;
	v10 =	vsub.f32 $1.500000000e+00, v60  }
0x2a1: {  	v16 =	vmul.f32 v56, v7;
	v11 =	vmul.f32 v53, v4  }
0x2a2: {  	v8 =	vmul.f32 v57, v8;
	v10 =	vmul.f32 v17, v10  }
0x2a3: {  	v6 =	vmul.f32 v6, v39;
	v15 =	vsub.f32 $1.500000000e+00, v16;
	v11 =	vsub.f32 $1.500000000e+00, v11  }
0x2a4: {  	v13 =	vsub.f32 $1.500000000e+00, v13;
	v53 =	vld [tilespmem:$0x1F590];
	v12 =	vmul.f32 v8, v12;
	v17 =	vmul.f32 v10, v18  }
0x2a5: {  	v7 =	vmul.f32 v15, v7;
	v15 =	vld [tilespmem:$0x1F580];
	v4 =	vmul.f32 v11, v4  }
0x2a6: {  	v5 =	vmul.f32 v13, v5;
	v59 =	vmul.f32 v17, v10  }
0x2a7: {  	v56 =	vmul.f32 v12, v8;
	v17 =	vld [tilespmem:$0x1F5A0];
	v9 =	vmul.f32 v4, v9  }
0x2a8: {  	v5 =	vmul.f32 v5, v40;
	v12 =	vmul.f32 v7, v14;
	v60 =	vsub.f32 $1.500000000e+00, v59  }
0x2a9: {  	v14 =	vmul.f32 v2, v53;
	v9 =	vmul.f32 v9, v4  }
0x2aa: {  	v10 =	vmul.f32 v60, v10;
	v13 =	vmul.f32 v41, v15;
	v60 =	vld [tilespmem:$0x1F5B0]  }
0x2ab: {  	v57 =	vsub.f32 $1.500000000e+00, v56;
	v59 =	vmul.f32 v12, v7;
	v9 =	vsub.f32 $1.500000000e+00, v9  }
0x2ac: {  	v19 =	vld [tilespmem:$0x1F5C0];
	v12 =	vadd.f32 v14, v13;
	v13 =	vmul.f32 v10, v18;
	v14 =	vmul.f32 v6, v17  }
0x2ad: {  	v20 =	vld [tilespmem:$0x1F5D0];
	v8 =	vmul.f32 v57, v8;
	v4 =	vmul.f32 v9, v4  }
0x2ae: {  	v53 =	vsub.f32 $1.500000000e+00, v59;
	v56 =	vadd.f32 v14, v12;
	v12 =	vmul.f32 v13, v10  }
0x2af: {  	v13 =	vmul.f32 v5, v60;
	v4 =	vmul.f32 v4, v42  }
0x2b0: {  	v21 =	vld [tilespmem:$0x1F5E0];
	v3 =	vmul.f32 v8, v3;
	v7 =	vmul.f32 v53, v7  }
0x2b1: {  	v59 =	vsub.f32 $1.500000000e+00, v12;
	v57 =	vadd.f32 v13, v56;
	v60 =	vmul.f32 v4, v19  }
0x2b2: {  	v22 =	vld [tilespmem:$0x1F5F0];
	v16 =	vmul.f32 v3, v20  }
0x2b3: {  	v1 =	vmul.f32 v7, v1;
	v7 =	vmul.f32 v59, v10;
	v8 =	vadd.f32 v60, v57;
	_ =	sdelay $0x1  }
0x2b4: {  	v17 =	vmul.f32 v1, v21;
	v0 =	vmul.f32 v7, v0;
	v7 =	vadd.f32 v16, v8;
	_ =	sdelay $0x1  }
0x2b5: {  	v18 =	vmul.f32 v0, v22;
	v7 =	vadd.f32 v17, v7;
	_ =	sdelay $0x1  }
0x2b6: {  	v7 =	vadd.f32 v18, v7;
	_ =	sdelay $0x1  }
0x2b7: {  	v8 =	vsub.f32 v41, v7;
	v2 =	vsub.f32 v2, v7;
	_ =	sdelay $0x1  }
0x2b8: {  	v6 =	vsub.f32 v6, v7;
	v8 =	vmul.f32 v8, v8;
	v2 =	vmul.f32 v2, v2;
	_ =	sdelay $0x1  }
0x2b9: {  	v5 =	vsub.f32 v5, v7;
	v6 =	vmul.f32 v6, v6;
	v2 =	vadd.f32 v2, v8;
	_ =	sdelay $0x1  }
0x2ba: {  	v4 =	vsub.f32 v4, v7;
	v5 =	vmul.f32 v5, v5;
	v2 =	vadd.f32 v2, v6;
	_ =	sdelay $0x1  }
0x2bb: {  	v3 =	vsub.f32 v3, v7;
	v4 =	vmul.f32 v4, v4;
	v2 =	vadd.f32 v2, v5;
	_ =	sdelay $0x1  }
0x2bc: {  	v1 =	vsub.f32 v1, v7;
	v3 =	vmul.f32 v3, v3;
	v2 =	vadd.f32 v2, v4;
	_ =	sdelay $0x1  }
0x2bd: {  	v0 =	vsub.f32 v0, v7;
	v1 =	vmul.f32 v1, v1;
	v2 =	vadd.f32 v2, v3;
	_ =	sdelay $0x1  }
0x2be: {  	v0 =	vmul.f32 v0, v0;
	v1 =	vadd.f32 v2, v1;
	_ =	sdelay $0x1  }
0x2bf: {  	v0 =	vadd.f32 v1, v0;
	_ =	sdelay $0x1  }
0x2c0: {  	v0 =	vmul.f32 $1.250000000e-01, v0;
	_ =	sdelay $0x1  }
0x2c1: {  	v20 =	vshra.s32 v0, $0x1;
	v21 =	vmul.f32 $5.000000000e-01, v0  }
0x2c2: {  	v1 =	vsub.s32 $0x5F3759DF, v20  }
0x2c3: {  	v45 =	vld [tilespmem:$0x1F760];
	v3 =	vmul.f32 v1, v21  }
0x2c4: {  	v37 =	vld [tilespmem:$0x1F6E0]  }
0x2c5: {  	v46 =	vld [tilespmem:$0x1F790];
	v3 =	vmul.f32 v1, v3  }
0x2c6: {  	v33 =	vld [tilespmem:$0x1F6A0]  }
0x2c7: {  	v32 =	vld [tilespmem:$0x1F690];
	v3 =	vsub.f32 $1.500000000e+00, v3  }
0x2c8: {  	v27 =	vld [tilespmem:$0x1F640]  }
0x2c9: {  	v36 =	vld [tilespmem:$0x1F6D0];
	v1 =	vmul.f32 v1, v3  }
0x2ca: {  	v44 =	vld [tilespmem:$0x1F750]  }
0x2cb: {  	v26 =	vld [tilespmem:$0x1F630];
	v3 =	vmul.f32 v1, v21  }
0x2cc: {  	v43 =	vld [tilespmem:$0x1F730]  }
0x2cd: {  	v29 =	vld [tilespmem:$0x1F660];
	v3 =	vmul.f32 v3, v1  }
0x2ce: {  	v40 =	vld [tilespmem:$0x1F700]  }
0x2cf: {  	v24 =	vld [tilespmem:$0x1F610];
	v3 =	vsub.f32 $1.500000000e+00, v3  }
0x2d0: {  	v23 =	vld [tilespmem:$0x1F600];
	v22 =	vsub.f32 v26, v7  }
0x2d1: {  	v42 =	vld [tilespmem:$0x1F720];
	v26 =	vsub.f32 v7, v33;
	v33 =	vsub.f32 v7, v43;
	v1 =	vmul.f32 v3, v1  }
0x2d2: {  	v30 =	vld [tilespmem:$0x1F670];
	v12 =	vsub.f32 v44, v7;
	v13 =	vsub.f32 v7, v45  }
0x2d3: {  	v35 =	vld [tilespmem:$0x1F6C0];
	v6 =	vsub.f32 v29, v7;
	v29 =	vsub.f32 v7, v40;
	v2 =	vmul.f32 v1, v21  }
0x2d4: {  	v31 =	vld [tilespmem:$0x1F680];
	v5 =	vsub.f32 v7, v27;
	v27 =	vsub.f32 v7, v36  }
0x2d5: {  	v25 =	vld [tilespmem:$0x1F620];
	v4 =	vsub.f32 v7, v24;
	v24 =	vsub.f32 v32, v7;
	v2 =	vmul.f32 v2, v1  }
0x2d6: {  	v39 =	vld [tilespmem:$0x1F6F0];
	v32 =	vsub.f32 v42, v7;
	v3 =	vsub.f32 v23, v7  }
0x2d7: {  	v34 =	vld [tilespmem:$0x1F6B0];
	v23 =	vsub.f32 v7, v30;
	v2 =	vsub.f32 $1.500000000e+00, v2  }
0x2d8: {  	v28 =	vld [tilespmem:$0x1F650];
	v9 =	vmul.f32 v33, v32;
	v3 =	vmul.f32 v4, v3;
	v4 =	vsub.f32 v35, v7  }
0x2d9: {  	v14 =	vld [tilespmem:$0x1F780];
	v30 =	vor.u32 $0x1, v38;
	v6 =	vmul.f32 v23, v6;
	v1 =	vmul.f32 v2, v1  }
0x2da: {  	v19 =	vld [tilespmem:$0x1F710];
	v35 =	vor.u32 $0x2, v38;
	v4 =	vmul.f32 v27, v4;
	v3 =	vmul.f32 v3, v25  }
0x2db: {  	v56 =	vld [tilespmem:$0x1F740];
	v2 =	vmul.f32 v5, v22;
	v5 =	vsub.f32 v39, v7;
	v0 =	vmul.f32 v1, v0  }
0x2dc: {  	v44 =	vld [tilespmem:$0x1F560];
	v36 =	vor.u32 $0x3, v38;
	v39 =	vmul.f32 v13, v12;
	v1 =	vmul.f32 v26, v24  }
0x2dd: {  	v45 =	vld [tilespmem:$0x1F570];
	v12 =	vor.u32 $0x4, v38;
	v5 =	vmul.f32 v29, v5;
	v2 =	vmul.f32 v2, v28;
	[tilespmem:s2+$0x0] =	vst v0  }
0x2de: {  	v40 =	vmul.f32 v4, v37;
	v13 =	vld [tilespmem:$0x1F770];
	[tilespmem:v38+s29+$0x0] =	vst.idx.msk $0xffff, v3;
	v3 =	vmul.f32 v6, v31;
	v6 =	vor.u32 $0x5, v38  }
0x2df: {  	v1 =	vmul.f32 v1, v34;
	v4 =	vmul.f32 v5, v19;
	v5 =	vor.u32 $0x6, v38;
	[tilespmem:v30+s29+$0x0] =	vst.idx.msk $0xffff, v2  }
0x2e0: {  	v43 =	vsub.f32 v7, v46;
	[tilespmem:v35+s29+$0x0] =	vst.idx.msk $0xffff, v3;
	v3 =	vor.u32 $0x7, v38  }
0x2e1: {  	v42 =	vsub.f32 v14, v7;
	v57 =	vmul.f32 v9, v56;
	[tilespmem:v36+s29+$0x0] =	vst.idx.msk $0xffff, v1  }
0x2e2: {  	v1 =	vsub.f32 v44, v7;
	v7 =	vsub.f32 v7, v45;
	[tilespmem:v12+s29+$0x0] =	vst.idx.msk $0xffff, v40  }
0x2e3: {  	v0 =	vmul.f32 v39, v13;
	[tilespmem:v6+s29+$0x0] =	vst.idx.msk $0xffff, v4  }
0x2e4: {  	v1 =	vmul.f32 v7, v1;
	v7 =	vld [tilespmem:$0x1F7A0];
	[tilespmem:v5+s29+$0x0] =	vst.idx.msk $0xffff, v57  }
0x2e5: {  	[tilespmem:v3+s29+$0x0] =	vst.idx.msk $0xffff, v0;
	v3 =	vld [tilespmem:$0x1F7B0]  }
0x2e6: {  	v46 =	vor.u32 $0x8, v38  }
0x2e7: {  	p1 =	sne.s32 s16, $0x70;
	v59 =	vor.u32 $0x9, v38;
	v53 =	vmul.f32 v43, v42  }
.Ltmp0:
0x2e8: {  	_ = 	snop;
	(pc) =	sbr.rel @p1 .LBB2_3-.Ltmp0, $4  }
0x2e9: {  	v2 =	vmul.f32 v53, v7  }
0x2ea: {  	v60 =	vmul.f32 v1, v3  }
0x2eb: {  	v12 =	vld [tilespmem:$0x1FFE0];
	[tilespmem:v46+s29+$0x0] =	vst.idx.msk $0xffff, v2  }
0x2ec: {  	s16 =	sadd.s32 $0x10, s16;
	v47 =	vlaneseq.u32;
	s2 =	sadd.s32 $0x10, s2;
	v4 =	vld [tilespmem:$0x1FFF0];
	[tilespmem:v59+s29+$0x0] =	vst.idx.msk $0xffff, v60  }
0x2ed: {  	s2 =	smin.u32 s9, $0x9C3  }
0x2ee: {  	s9 =	sshll.u32 s2, $0xB  }
0x2ef: {  	s2 =	sshll.u32 s2, $0x4;
	s9 =	sadd.s32 s8, s9  }
0x2f0: {  	[hbm4b:s9+s5] =	stream.linear.scatter [tilespmem:s29], [sflag:$0x5], $0x4000, $0x38;
	[tilespmem:$0x18400] =	vst v63  }
0x2f1: {  	s2 =	sadd.s32 s10, s2  }
0x2f2: {  	[hbm4b:s2+s5] =	stream.linear.scatter [tilespmem:s30], [sflag:$0x5], $0x80, $0x38;
	[tilespmem:$0x18400] =	vst v63  }
0x2f3: {  	_ =	swait.ge [sflag:s31], $0x4000  }
0x2f4: {  	[sflag:s31] =	ssyncset.done $0x0  }
0x2f5: {  	[sflag:s31] =	ssyncadd.s32 $0xFFFFC000  }
0x2f6: {  	_ =	swait.ge [sflag:s31], $0x4000  }
0x2f7: {  	[sflag:s31] =	ssyncset.done $0x0  }
0x2f8: {  	[sflag:s31] =	ssyncadd.s32 $0xFFFFC000  }
0x2f9: {  	_ =	swait.ge [sflag:s19], $0x100  }
0x2fa: {  	s16 =	sadd.s32 s13, s14;
	[sflag:s19] =	ssyncset.done $0x0  }
0x2fb: {  	s2 =	smin.u32 s16, $0x9C3;
	[sflag:s19] =	ssyncadd.s32 $0xFFFFFF00  }
0x2fc: {  	[tilespmem:s21], [sflag:$0x3] =	stream.indirect.gather [hbm4b:s0+s20], $0x80, s5, s20, $0xb8;
	[tilespmem:$0x18400] =	vst v63  }
0x2fd: {  	s2 =	sshll.u32 s2, $0x5  }
0x2fe: {  	[tilespmem:s22], [sflag:$0x3] =	stream.indirect.gather [hbm4b:s0+s20], $0x80, s20, s20, $0xb8;
	[tilespmem:$0x18400] =	vst v63  }
0x2ff: {  	s2 =	sadd.s32 s1, s2  }
0x300: {  	[tilespmem:s18], [sflag:$0x2] =	stream.linear.gather [hbm4b:s2+s5], $0x100, $0x38;
	[tilespmem:$0x18400] =	vst v63  }
0x301: {  	s2 =	simm.s32 @!p0 $0x6  }
0x302: {  	_ =	swait.ge @!p0 [sflag:s2], $0x4000  }
0x303: {  	[sflag:s2] =	ssyncset.done @!p0 $0x0  }
0x304: {  	[sflag:s2] =	ssyncadd.s32 @!p0 $0xFFFFC000  }
0x305: {  	_ =	swait.ge @!p0 [sflag:s2], $0x80  }
0x306: {  	[tilespmem:$0x1EDC0] =	vst v48  }
0x307: {  	[tilespmem:$0x1EDD0] =	vst v49  }
0x308: {  	[tilespmem:$0x1EDE0] =	vst v50  }
0x309: {  	[sflag:s2] =	ssyncset.done @!p0 $0x0;
	[tilespmem:$0x1EDF0] =	vst v51  }
0x30a: {  	s9 =	simm.s32 $0x18280;
	[tilespmem:$0x1EE00] =	vst v52;
	[sflag:s2] =	ssyncadd.s32 @!p0 $0xFFFFFF80;
	s2 =	simm.s32 $0x0  }
.LBB2_5:
0x30b: {  	v5 =	vld [tilespmem:$0x1F7F0]  }
0x30c: {  	v3 =	vld [tilespmem:$0x1F7E0]  }
0x30d: {  	v2 =	vld [tilespmem:$0x1F7D0]  }
0x30e: {  	v1 =	vld [tilespmem:$0x1F7C0]  }
0x30f: {  	v37 =	vld [tilespmem:$0x1EE10]  }
0x310: {  	v39 =	vld [tilespmem:$0x1EE20]  }
0x311: {  	v40 =	vld [tilespmem:$0x1EE30]  }
0x312: {  	v41 =	vld [tilespmem:$0x1EE40]  }
0x313: {  	v42 =	vld [tilespmem:$0x1EE50]  }
0x314: {  	v43 =	vld [tilespmem:$0x1EE60]  }
0x315: {  	v44 =	vld [tilespmem:$0x1EE70]  }
0x316: {  	v45 =	vld [tilespmem:$0x1EE80]  }
0x317: {  	v46 =	vld [tilespmem:$0x1EEA0]  }
0x318: {  	v48 =	vld [tilespmem:$0x1EE90]  }
0x319: {  	v49 =	vld [tilespmem:$0x1EEB0]  }
0x31a: {  	v52 =	vld [tilespmem:$0x1EEC0]  }
0x31b: {  	v0 =	vmov s2;
	v54 =	vld [tilespmem:$0x1EED0]  }
0x31c: {  	v55 =	vld [tilespmem:$0x1EEE0];
	v0 =	vshll.u32 v0, $0x7  }
0x31d: {  	v57 =	vld [tilespmem:$0x1EEF0];
	v38 =	vor.u32 v4, v0  }
0x31e: {  	v62 =	vld [tilespmem:$0x1EF10];
	v36 =	vor.u32 v3, v38  }
0x31f: {  	v63 =	vld [tilespmem:$0x1EF20]  }
0x320: {  	v0 =	vor.u32 v47, v38;
	v13 =	vor.u32 v12, v38;
	v47 =	vld [tilespmem:$0x1EF00]  }
0x321: {  	v27 =	vor.u32 v54, v38;
	v54 =	vld [tilespmem:$0x1EF60]  }
0x322: {  	v12 =	vor.u32 v41, v38;
	v59 =	vor.u32 v57, v38;
	v57 =	vld [tilespmem:$0x1EF70]  }
0x323: {  	v11 =	vld.idx.msk [tilespmem:v36+s25+$0x0], $0xffff  }
0x324: {  	v15 =	vor.u32 v42, v38;
	v10 =	vld.idx.msk [tilespmem:v36+s28+$0x0], $0xffff  }
0x325: {  	v23 =	vld.idx.msk [tilespmem:v13+s25+$0x0], $0xffff  }
0x326: {  	v25 =	vor.u32 v52, v38;
	v30 =	vld.idx.msk [tilespmem:v13+s28+$0x0], $0xffff  }
0x327: {  	v26 =	vld.idx.msk [tilespmem:v12+s25+$0x0], $0xffff  }
0x328: {  	v24 =	vld.idx.msk [tilespmem:v12+s28+$0x0], $0xffff  }
0x329: {  	v29 =	vor.u32 v55, v38;
	v28 =	vld.idx.msk [tilespmem:v15+s25+$0x0], $0xffff  }
0x32a: {  	v34 =	vld.idx.msk [tilespmem:v15+s28+$0x0], $0xffff  }
0x32b: {  	v22 =	vld.idx.msk [tilespmem:v25+s25+$0x0], $0xffff  }
0x32c: {  	v31 =	vld.idx.msk [tilespmem:v27+s25+$0x0], $0xffff  }
0x32d: {  	v9 =	vor.u32 v40, v38;
	v40 =	vor.u32 v62, v38;
	v36 =	vld.idx.msk [tilespmem:v27+s28+$0x0], $0xffff  }
0x32e: {  	v42 =	vor.u32 v63, v38;
	v27 =	vld.idx.msk [tilespmem:v29+s25+$0x0], $0xffff  }
0x32f: {  	v3 =	vor.u32 v5, v38;
	v5 =	vor.u32 v37, v38;
	v13 =	vor.u32 v43, v38;
	v37 =	vld.idx.msk [tilespmem:v29+s28+$0x0], $0xffff  }
0x330: {  	v7 =	vor.u32 v39, v38;
	v39 =	vld.idx.msk [tilespmem:v59+s25+$0x0], $0xffff  }
0x331: {  	v12 =	vor.u32 v44, v38;
	v29 =	vld [tilespmem:$0x1EF30]  }
0x332: {  	v43 =	vld.idx.msk [tilespmem:v40+s25+$0x0], $0xffff  }
0x333: {  	v16 =	vor.u32 v49, v38;
	v49 =	vld.idx.msk [tilespmem:v42+s25+$0x0], $0xffff  }
0x334: {  	v33 =	vld.idx.msk [tilespmem:v13+s25+$0x0], $0xffff  }
0x335: {  	v15 =	vor.u32 v45, v38;
	v32 =	vld.idx.msk [tilespmem:v13+s28+$0x0], $0xffff  }
0x336: {  	v41 =	vld.idx.msk [tilespmem:v12+s25+$0x0], $0xffff  }
0x337: {  	v13 =	vor.u32 v46, v38;
	v44 =	vor.u32 v29, v38;
	v29 =	vld.idx.msk [tilespmem:v40+s28+$0x0], $0xffff  }
0x338: {  	v40 =	vld [tilespmem:$0x1EF40]  }
0x339: {  	v35 =	vld.idx.msk [tilespmem:v12+s28+$0x0], $0xffff  }
0x33a: {  	v12 =	vor.u32 v47, v38;
	v47 =	vld.idx.msk [tilespmem:v15+s25+$0x0], $0xffff  }
0x33b: {  	v45 =	vld.idx.msk [tilespmem:v15+s28+$0x0], $0xffff  }
0x33c: {  	v51 =	vld.idx.msk [tilespmem:v13+s25+$0x0], $0xffff  }
0x33d: {  	v46 =	vor.u32 v40, v38;
	v40 =	vld.idx.msk [tilespmem:v42+s28+$0x0], $0xffff  }
0x33e: {  	v42 =	vld [tilespmem:$0x1EF50]  }
0x33f: {  	v50 =	vld.idx.msk [tilespmem:v13+s28+$0x0], $0xffff  }
0x340: {  	v60 =	vld.idx.msk [tilespmem:v12+s25+$0x0], $0xffff  }
0x341: {  	v53 =	vld.idx.msk [tilespmem:v12+s28+$0x0], $0xffff  }
0x342: {  	v13 =	vld.idx.msk [tilespmem:v16+s25+$0x0], $0xffff  }
0x343: {  	v15 =	vor.u32 v48, v38;
	v12 =	vld.idx.msk [tilespmem:v16+s28+$0x0], $0xffff;
	v48 =	vor.u32 v42, v38  }
0x344: {  	v16 =	vld.idx.msk [tilespmem:v25+s28+$0x0], $0xffff  }
0x345: {  	v25 =	vld.idx.msk [tilespmem:v59+s28+$0x0], $0xffff  }
0x346: {  	v52 =	vld.idx.msk [tilespmem:v44+s25+$0x0], $0xffff  }
0x347: {  	v62 =	vld.idx.msk [tilespmem:v44+s28+$0x0], $0xffff  }
0x348: {  	v59 =	vld.idx.msk [tilespmem:v48+s25+$0x0], $0xffff  }
0x349: {  	v42 =	vld.idx.msk [tilespmem:v48+s28+$0x0], $0xffff  }
0x34a: {  	v44 =	vor.u32 v54, v38;
	v48 =	vld [tilespmem:$0x1EFA0]  }
0x34b: {  	v55 =	vld.idx.msk [tilespmem:v46+s25+$0x0], $0xffff  }
0x34c: {  	v63 =	vld.idx.msk [tilespmem:v46+s28+$0x0], $0xffff;
	v46 =	vor.u32 v57, v38  }
0x34d: {  	v57 =	vld [tilespmem:$0x1F010];
	_ =	sdelay $0x1  }
0x34e: {  	v54 =	vld.idx.msk [tilespmem:v44+s25+$0x0], $0xffff;
	[tilespmem:$0x1EBB0] =	vst v42;
	v42 =	vor.u32 v48, v38  }
0x34f: {  	[tilespmem:$0x1EB90] =	vst v55;
	v55 =	vld.idx.msk [tilespmem:v44+s28+$0x0], $0xffff  }
0x350: {  	[tilespmem:$0x1EBA0] =	vst v59;
	v59 =	vld.idx.msk [tilespmem:v46+s25+$0x0], $0xffff  }
0x351: {  	v44 =	vor.u32 v57, v38;
	v46 =	vld.idx.msk [tilespmem:v46+s28+$0x0], $0xffff  }
0x352: {  	v48 =	vld [tilespmem:$0x1F020]  }
0x353: {  	[tilespmem:$0x1EBC0] =	vst v54;
	v54 =	vld.idx.msk [tilespmem:v42+s25+$0x0], $0xffff;
	_ =	sdelay $0x1  }
0x354: {  	v57 =	vld [tilespmem:$0x1EF80]  }
0x355: {  	[tilespmem:$0x1EBF0] =	vst v59;
	v59 =	vld.idx.msk [tilespmem:v44+s25+$0x0], $0xffff  }
0x356: {  	[tilespmem:$0x1EC00] =	vst v46;
	v46 =	vor.u32 v48, v38;
	v48 =	vld.idx.msk [tilespmem:v44+s28+$0x0], $0xffff  }
0x357: {  	[tilespmem:$0x1EC20] =	vst v54;
	v54 =	vld [tilespmem:$0x1EF90];
	_ =	sdelay $0x1  }
0x358: {  	[tilespmem:$0x1EBD0] =	vst v55;
	v55 =	vld.idx.msk [tilespmem:v42+s28+$0x0], $0xffff  }
0x359: {  	v42 =	vor.u32 v57, v38;
	v44 =	vld [tilespmem:$0x1EFC0]  }
0x35a: {  	[tilespmem:$0x1EC80] =	vst v59;
	v59 =	vld [tilespmem:$0x1EFB0]  }
0x35b: {  	[tilespmem:$0x1EC90] =	vst v48;
	v57 =	vld.idx.msk [tilespmem:v46+s28+$0x0], $0xffff;
	v48 =	vor.u32 v54, v38;
	_ =	sdelay $0x1  }
0x35c: {  	[tilespmem:$0x1EC30] =	vst v55;
	v55 =	vld.idx.msk [tilespmem:v46+s25+$0x0], $0xffff  }
0x35d: {  	v46 =	vld.idx.msk [tilespmem:v42+s28+$0x0], $0xffff  }
0x35e: {  	v54 =	vor.u32 v59, v38;
	v59 =	vld.idx.msk [tilespmem:v42+s25+$0x0], $0xffff  }
0x35f: {  	[tilespmem:$0x1ECB0] =	vst v57;
	v57 =	vor.u32 v44, v38;
	v44 =	vld.idx.msk [tilespmem:v48+s25+$0x0], $0xffff  }
0x360: {  	v42 =	vld.idx.msk [tilespmem:v48+s28+$0x0], $0xffff  }
0x361: {  	v48 =	vld [tilespmem:$0x1EFD0];
	_ =	sdelay $0x1  }
0x362: {  	v56 =	vld.idx.msk [tilespmem:v0+s25+$0x0], $0xffff  }
0x363: {  	v58 =	vld.idx.msk [tilespmem:v0+s28+$0x0], $0xffff  }
0x364: {  	v1 =	vor.u32 v1, v38;
	[tilespmem:$0x1ECA0] =	vst v55;
	v55 =	vld.idx.msk [tilespmem:v54+s25+$0x0], $0xffff  }
0x365: {  	v0 =	vor.u32 v48, v38;
	v48 =	vld.idx.msk [tilespmem:v54+s28+$0x0], $0xffff  }
0x366: {  	v54 =	vld [tilespmem:$0x1EFE0]  }
0x367: {  	v2 =	vor.u32 v2, v38;
	_ =	sdelay $0x1  }
0x368: {  	v61 =	vld.idx.msk [tilespmem:v1+s25+$0x0], $0xffff  }
0x369: {  	v4 =	vld.idx.msk [tilespmem:v1+s28+$0x0], $0xffff  }
0x36a: {  	v1 =	vor.u32 v54, v38;
	v54 =	vld.idx.msk [tilespmem:v57+s25+$0x0], $0xffff  }
0x36b: {  	v8 =	vld.idx.msk [tilespmem:v2+s25+$0x0], $0xffff  }
0x36c: {  	v17 =	vld.idx.msk [tilespmem:v3+s25+$0x0], $0xffff  }
0x36d: {  	v14 =	vld.idx.msk [tilespmem:v3+s28+$0x0], $0xffff  }
0x36e: {  	v3 =	vld.idx.msk [tilespmem:v0+s25+$0x0], $0xffff  }
0x36f: {  	[tilespmem:$0x1EBE0] =	vst v54;
	v54 =	vld.idx.msk [tilespmem:v57+s28+$0x0], $0xffff  }
0x370: {  	v57 =	vld [tilespmem:$0x1EFF0]  }
0x371: {  	v6 =	vld.idx.msk [tilespmem:v2+s28+$0x0], $0xffff  }
0x372: {  	v18 =	vld.idx.msk [tilespmem:v5+s25+$0x0], $0xffff  }
0x373: {  	[tilespmem:$0x1EC10] =	vst v3;
	v3 =	vld.idx.msk [tilespmem:v1+s25+$0x0], $0xffff  }
0x374: {  	v1 =	vld.idx.msk [tilespmem:v1+s28+$0x0], $0xffff  }
0x375: {  	v5 =	vld.idx.msk [tilespmem:v5+s28+$0x0], $0xffff;
	v2 =	vor.u32 v57, v38  }
0x376: {  	v57 =	vld.idx.msk [tilespmem:v0+s28+$0x0], $0xffff  }
0x377: {  	v0 =	vld [tilespmem:$0x1F000]  }
0x378: {  	v19 =	vld.idx.msk [tilespmem:v7+s25+$0x0], $0xffff  }
0x379: {  	[tilespmem:$0x1EC50] =	vst v1;
	v1 =	vld [tilespmem:$0x1F030]  }
0x37a: {  	[tilespmem:$0x1EC40] =	vst v3;
	v3 =	vld.idx.msk [tilespmem:v2+s25+$0x0], $0xffff  }
0x37b: {  	v2 =	vld.idx.msk [tilespmem:v2+s28+$0x0], $0xffff  }
0x37c: {  	v7 =	vld.idx.msk [tilespmem:v7+s28+$0x0], $0xffff;
	v0 =	vor.u32 v0, v38  }
0x37d: {  	v20 =	vld.idx.msk [tilespmem:v9+s25+$0x0], $0xffff  }
0x37e: {  	v4 =	vsub.f32 v4, v61;
	v61 =	vld [tilespmem:$0x1F050];
	v1 =	vor.u32 v1, v38  }
0x37f: {  	v9 =	vld.idx.msk [tilespmem:v9+s28+$0x0], $0xffff  }
0x380: {  	[tilespmem:$0x1EC70] =	vst v2;
	v2 =	vld [tilespmem:$0x1F040]  }
0x381: {  	[tilespmem:$0x1EC60] =	vst v3;
	v3 =	vsub.f32 v58, v56;
	v58 =	vld.idx.msk [tilespmem:v0+s25+$0x0], $0xffff  }
0x382: {  	v56 =	vld.idx.msk [tilespmem:v0+s28+$0x0], $0xffff  }
0x383: {  	v0 =	vor.u32 v61, v38;
	v61 =	vld.idx.msk [tilespmem:v1+s25+$0x0], $0xffff  }
0x384: {  	v6 =	vsub.f32 v6, v8;
	v8 =	vld [tilespmem:$0x1F060]  }
0x385: {  	v4 =	vmul.f32 v4, v4;
	v21 =	vld.idx.msk [tilespmem:v15+s25+$0x0], $0xffff;
	v3 =	vmul.f32 v3, v3;
	v2 =	vor.u32 v2, v38  }
0x386: {  	v15 =	vld.idx.msk [tilespmem:v15+s28+$0x0], $0xffff  }
0x387: {  	v6 =	vmul.f32 v6, v6;
	v3 =	vadd.f32 v4, v3;
	v4 =	vsub.f32 v10, v11;
	v11 =	vld [tilespmem:$0x1F070]  }
0x388: {  	[tilespmem:$0x1ECC0] =	vst v61;
	v61 =	vld.idx.msk [tilespmem:v1+s28+$0x0], $0xffff  }
0x389: {  	v3 =	vadd.f32 v6, v3;
	v6 =	vsub.f32 v14, v17;
	v17 =	vld.idx.msk [tilespmem:v0+s25+$0x0], $0xffff  }
0x38a: {  	v1 =	vor.u32 v8, v38;
	v8 =	vld.idx.msk [tilespmem:v2+s25+$0x0], $0xffff  }
0x38b: {  	v4 =	vmul.f32 v4, v4;
	v2 =	vld.idx.msk [tilespmem:v2+s28+$0x0], $0xffff  }
0x38c: {  	v10 =	vld [tilespmem:$0x1F120]  }
0x38d: {  	v0 =	vld.idx.msk [tilespmem:v0+s28+$0x0], $0xffff;
	v3 =	vadd.f32 v4, v3;
	v4 =	vsub.f32 v5, v18;
	v5 =	vmul.f32 v6, v6  }
0x38e: {  	v18 =	vld [tilespmem:$0x1F0A0]  }
0x38f: {  	v6 =	vld.idx.msk [tilespmem:v1+s25+$0x0], $0xffff;
	v3 =	vadd.f32 v5, v3;
	[tilespmem:$0x1ECF0] =	vst v17  }
0x390: {  	v5 =	vsub.f32 v7, v19;
	v4 =	vmul.f32 v4, v4;
	v17 =	vld [tilespmem:$0x1F0C0];
	[tilespmem:$0x1ECE0] =	vst v2;
	v2 =	vor.u32 v11, v38  }
0x391: {  	v1 =	vld.idx.msk [tilespmem:v1+s28+$0x0], $0xffff  }
0x392: {  	v19 =	vld [tilespmem:$0x1F0B0];
	v3 =	vadd.f32 v4, v3;
	v5 =	vmul.f32 v5, v5  }
0x393: {  	[tilespmem:$0x1ED00] =	vst v0;
	v4 =	vsub.f32 v9, v20;
	v20 =	vld [tilespmem:$0x1F0D0]  }
0x394: {  	v3 =	vadd.f32 v5, v3;
	[tilespmem:$0x1ECD0] =	vst v8;
	v8 =	vld [tilespmem:$0x1F110]  }
0x395: {  	v5 =	vsub.f32 v30, v23;
	[tilespmem:$0x1ED10] =	vst v6;
	v0 =	vor.u32 v17, v38;
	v6 =	vld.idx.msk [tilespmem:v2+s25+$0x0], $0xffff  }
0x396: {  	v23 =	vsub.f32 v15, v21;
	v15 =	vsub.f32 v50, v51;
	v51 =	vld [tilespmem:$0x1F140]  }
0x397: {  	v11 =	vld [tilespmem:$0x1F080]  }
0x398: {  	v17 =	vld [tilespmem:$0x1F090]  }
0x399: {  	v4 =	vmul.f32 v4, v4;
	[tilespmem:$0x1ED20] =	vst v1;
	v2 =	vld.idx.msk [tilespmem:v2+s28+$0x0], $0xffff  }
0x39a: {  	v1 =	vor.u32 v8, v38;
	[tilespmem:$0x1ED30] =	vst v6;
	v6 =	vld.idx.msk [tilespmem:v0+s25+$0x0], $0xffff  }
0x39b: {  	v3 =	vadd.f32 v4, v3;
	v4 =	vsub.f32 v24, v26;
	v26 =	vld [tilespmem:$0x1F0E0]  }
0x39c: {  	v24 =	vsub.f32 v12, v13;
	v12 =	vsub.f32 v35, v41;
	v35 =	vld [tilespmem:$0x1F100]  }
0x39d: {  	v0 =	vld.idx.msk [tilespmem:v0+s28+$0x0], $0xffff  }
0x39e: {  	v13 =	vsub.f32 v45, v47;
	v45 =	vld [tilespmem:$0x1F130];
	[tilespmem:$0x1ED40] =	vst v2  }
0x39f: {  	v5 =	vmul.f32 v5, v5;
	v2 =	vor.u32 v10, v38;
	[tilespmem:$0x1ED50] =	vst v6;
	v6 =	vld.idx.msk [tilespmem:v1+s25+$0x0], $0xffff  }
0x3a0: {  	v1 =	vld.idx.msk [tilespmem:v1+s28+$0x0], $0xffff  }
0x3a1: {  	v41 =	vsub.f32 v37, v27;
	v27 =	vld [tilespmem:$0x1F230];
	v3 =	vadd.f32 v5, v3  }
0x3a2: {  	v5 =	vsub.f32 v34, v28;
	v28 =	vsub.f32 v16, v22;
	v22 =	vld [tilespmem:$0x1EB90];
	[tilespmem:$0x1ED60] =	vst v0;
	v0 =	vor.u32 v11, v38  }
0x3a3: {  	v47 =	vmul.f32 v41, v41;
	v41 =	vsub.f32 v62, v52;
	v52 =	vld [tilespmem:$0x1EBC0]  }
0x3a4: {  	v4 =	vmul.f32 v4, v4;
	[tilespmem:$0x1ED70] =	vst v6;
	v6 =	vld.idx.msk [tilespmem:v2+s25+$0x0], $0xffff  }
0x3a5: {  	[tilespmem:$0x1ED80] =	vst v1;
	v1 =	vor.u32 v17, v38;
	v2 =	vld.idx.msk [tilespmem:v2+s28+$0x0], $0xffff  }
0x3a6: {  	v3 =	vadd.f32 v4, v3;
	v4 =	vsub.f32 v32, v33;
	v32 =	vld [tilespmem:$0x1F0F0]  }
0x3a7: {  	v9 =	vmul.f32 v24, v24;
	v8 =	vmul.f32 v23, v23;
	v33 =	vsub.f32 v36, v31;
	v30 =	vld.idx.msk [tilespmem:v0+s25+$0x0], $0xffff  }
0x3a8: {  	v34 =	vld.idx.msk [tilespmem:v0+s28+$0x0], $0xffff;
	v0 =	vor.u32 v19, v38  }
0x3a9: {  	v8 =	vadd.f32 v9, v8;
	v9 =	vmul.f32 v33, v33;
	v33 =	vld [tilespmem:$0x1F160];
	[tilespmem:$0x1ED90] =	vst v6  }
0x3aa: {  	[tilespmem:$0x1EDA0] =	vst v2;
	v2 =	vor.u32 v18, v38;
	v14 =	vld.idx.msk [tilespmem:v1+s25+$0x0], $0xffff;
	v6 =	vmul.f32 v5, v5  }
0x3ab: {  	v5 =	vld.idx.msk [tilespmem:v1+s28+$0x0], $0xffff  }
0x3ac: {  	v4 =	vmul.f32 v4, v4;
	v1 =	vor.u32 v20, v38;
	v18 =	vld [tilespmem:$0x1F150];
	v6 =	vadd.f32 v6, v3  }
0x3ad: {  	v3 =	vld.idx.msk [tilespmem:v0+s25+$0x0], $0xffff  }
0x3ae: {  	v6 =	vadd.f32 v4, v6;
	v4 =	vld.idx.msk [tilespmem:v0+s28+$0x0], $0xffff  }
0x3af: {  	v7 =	vld.idx.msk [tilespmem:v2+s25+$0x0], $0xffff  }
0x3b0: {  	v11 =	vld.idx.msk [tilespmem:v2+s28+$0x0], $0xffff  }
0x3b1: {  	v31 =	vld.idx.msk [tilespmem:v1+s25+$0x0], $0xffff  }
0x3b2: {  	v12 =	vmul.f32 v12, v12;
	v13 =	vmul.f32 v13, v13;
	v0 =	vor.u32 v32, v38;
	v36 =	vld.idx.msk [tilespmem:v1+s28+$0x0], $0xffff  }
0x3b3: {  	v2 =	vor.u32 v26, v38;
	v1 =	vor.u32 v35, v38;
	v35 =	vsub.f32 v40, v49;
	v40 =	vld [tilespmem:$0x1F170]  }
0x3b4: {  	v26 =	vmul.f32 v41, v41;
	v41 =	vsub.f32 v46, v59;
	v46 =	vld [tilespmem:$0x1EBF0];
	v12 =	vadd.f32 v12, v6  }
0x3b5: {  	v5 =	vsub.f32 v5, v14;
	v14 =	vld [tilespmem:$0x1ECF0]  }
0x3b6: {  	v50 =	vadd.f32 v13, v12;
	v13 =	vsub.f32 v53, v60;
	v53 =	vld [tilespmem:$0x1EBD0]  }
0x3b7: {  	v10 =	vmul.f32 v28, v28;
	v6 =	vld.idx.msk [tilespmem:v0+s25+$0x0], $0xffff  }
0x3b8: {  	v28 =	vld.idx.msk [tilespmem:v0+s28+$0x0], $0xffff  }
0x3b9: {  	v8 =	vadd.f32 v10, v8;
	v32 =	vld.idx.msk [tilespmem:v2+s25+$0x0], $0xffff  }
0x3ba: {  	v60 =	vmul.f32 v15, v15;
	v37 =	vld.idx.msk [tilespmem:v2+s28+$0x0], $0xffff  }
0x3bb: {  	v8 =	vadd.f32 v9, v8;
	v24 =	vld.idx.msk [tilespmem:v1+s25+$0x0], $0xffff  }
0x3bc: {  	v15 =	vsub.f32 v29, v43;
	v29 =	vld.idx.msk [tilespmem:v1+s28+$0x0], $0xffff;
	v9 =	vadd.f32 v60, v50;
	v19 =	vmul.f32 v13, v13  }
0x3bd: {  	v12 =	vsub.f32 v25, v39;
	v60 =	vld [tilespmem:$0x1F180]  }
0x3be: {  	v50 =	vsub.f32 v42, v44;
	v39 =	vadd.f32 v19, v9;
	v9 =	vmul.f32 v35, v35;
	v35 =	vld [tilespmem:$0x1EBB0]  }
0x3bf: {  	v0 =	vor.u32 v51, v38;
	v19 =	vsub.f32 v63, v22;
	v63 =	vsub.f32 v48, v55;
	v48 =	vld [tilespmem:$0x1EC00]  }
0x3c0: {  	v7 =	vsub.f32 v11, v7;
	v20 =	vmul.f32 v50, v50;
	v50 =	vld [tilespmem:$0x1F1C0]  }
0x3c1: {  	v8 =	vadd.f32 v47, v8;
	v3 =	vsub.f32 v4, v3;
	v55 =	vld [tilespmem:$0x1EC30]  }
0x3c2: {  	v2 =	vor.u32 v45, v38;
	v12 =	vmul.f32 v12, v12;
	v4 =	vmul.f32 v7, v7;
	v7 =	vld [tilespmem:$0x1F2E0]  }
0x3c3: {  	v21 =	vsub.f32 v53, v52;
	v53 =	vld [tilespmem:$0x1EC10]  }
0x3c4: {  	v1 =	vor.u32 v18, v38;
	v8 =	vadd.f32 v12, v8;
	v12 =	vmul.f32 v15, v15;
	v15 =	vld.idx.msk [tilespmem:v0+s25+$0x0], $0xffff  }
0x3c5: {  	v16 =	vld.idx.msk [tilespmem:v0+s28+$0x0], $0xffff  }
0x3c6: {  	v8 =	vadd.f32 v12, v8;
	v12 =	vor.u32 v40, v38;
	v40 =	vld [tilespmem:$0x1F190]  }
0x3c7: {  	v23 =	vld.idx.msk [tilespmem:v2+s25+$0x0], $0xffff  }
0x3c8: {  	v25 =	vld.idx.msk [tilespmem:v2+s28+$0x0], $0xffff  }
0x3c9: {  	v10 =	vshra.s32 v39, $0x1;
	v13 =	vld.idx.msk [tilespmem:v1+s25+$0x0], $0xffff  }
0x3ca: {  	v43 =	vsub.s32 $0x5F3759DF, v10;
	v10 =	vld.idx.msk [tilespmem:v1+s28+$0x0], $0xffff  }
0x3cb: {  	v2 =	vor.u32 v33, v38;
	v33 =	vld [tilespmem:$0x1EBA0];
	v8 =	vadd.f32 v9, v8  }
0x3cc: {  	v1 =	vor.u32 v60, v38;
	v60 =	vld [tilespmem:$0x1F1A0]  }
0x3cd: {  	v0 =	vmul.f32 $5.000000000e-01, v39;
	v8 =	vadd.f32 v26, v8;
	v26 =	vor.u32 v50, v38;
	v50 =	vld [tilespmem:$0x1EC70]  }
0x3ce: {  	v47 =	vld.idx.msk [tilespmem:v12+s25+$0x0], $0xffff  }
0x3cf: {  	v62 =	vmul.f32 v43, v0;
	v45 =	vld.idx.msk [tilespmem:v12+s28+$0x0], $0xffff  }
0x3d0: {  	v49 =	vld.idx.msk [tilespmem:v2+s25+$0x0], $0xffff  }
0x3d1: {  	v9 =	vmul.f32 v43, v62;
	v17 =	vld.idx.msk [tilespmem:v2+s28+$0x0], $0xffff;
	v2 =	vor.u32 v27, v38  }
0x3d2: {  	v19 =	vmul.f32 v19, v19;
	v62 =	vld.idx.msk [tilespmem:v1+s25+$0x0], $0xffff  }
0x3d3: {  	v9 =	vsub.f32 $1.500000000e+00, v9;
	v51 =	vld.idx.msk [tilespmem:v1+s28+$0x0], $0xffff;
	v1 =	vor.u32 v40, v38  }
0x3d4: {  	v12 =	vld [tilespmem:$0x1F250];
	v8 =	vadd.f32 v19, v8;
	v19 =	vsub.f32 v35, v33  }
0x3d5: {  	v18 =	vmul.f32 v43, v9;
	v9 =	vmul.f32 v41, v41;
	v41 =	vld [tilespmem:$0x1EBE0]  }
0x3d6: {  	v19 =	vmul.f32 v19, v19;
	v59 =	vld.idx.msk [tilespmem:v2+s25+$0x0], $0xffff  }
0x3d7: {  	v44 =	vld.idx.msk [tilespmem:v2+s28+$0x0], $0xffff  }
0x3d8: {  	v35 =	vmul.f32 v21, v21;
	v8 =	vadd.f32 v19, v8;
	v20 =	vadd.f32 v20, v9;
	v9 =	vld.idx.msk [tilespmem:v1+s25+$0x0], $0xffff  }
0x3d9: {  	v2 =	vor.u32 v60, v38;
	v60 =	vld.idx.msk [tilespmem:v1+s28+$0x0], $0xffff  }
0x3da: {  	v19 =	vadd.f32 v35, v8;
	v35 =	vld [tilespmem:$0x1F1D0]  }
0x3db: {  	v22 =	vmul.f32 v63, v63;
	v12 =	vor.u32 v12, v38;
	v8 =	vsub.f32 v48, v46;
	v46 =	vld [tilespmem:$0x1F1E0]  }
0x3dc: {  	v48 =	vld [tilespmem:$0x1EC60]  }
0x3dd: {  	v52 =	vadd.f32 v22, v20;
	v20 =	vsub.f32 v57, v53;
	v53 =	vld [tilespmem:$0x1EC90]  }
0x3de: {  	v43 =	vsub.f32 v54, v41;
	v54 =	vld [tilespmem:$0x1EC20]  }
0x3df: {  	v41 =	vld [tilespmem:$0x1EC40]  }
0x3e0: {  	v33 =	vld.idx.msk [tilespmem:v12+s25+$0x0], $0xffff  }
0x3e1: {  	v42 =	vld.idx.msk [tilespmem:v12+s28+$0x0], $0xffff  }
0x3e2: {  	v12 =	vld [tilespmem:$0x1F1B0]  }
0x3e3: {  	v21 =	vmul.f32 v43, v43;
	v43 =	vld [tilespmem:$0x1EC50]  }
0x3e4: {  	v57 =	vmul.f32 v8, v8;
	v63 =	vld.idx.msk [tilespmem:v2+s25+$0x0], $0xffff  }
0x3e5: {  	v8 =	vld.idx.msk [tilespmem:v2+s28+$0x0], $0xffff  }
0x3e6: {  	v19 =	vadd.f32 v57, v19;
	v57 =	vld.idx.msk [tilespmem:v26+s25+$0x0], $0xffff  }
0x3e7: {  	v2 =	vld.idx.msk [tilespmem:v26+s28+$0x0], $0xffff  }
0x3e8: {  	v9 =	vsub.f32 v60, v9;
	v60 =	vld [tilespmem:$0x1F2F0]  }
0x3e9: {  	v40 =	vadd.f32 v21, v52;
	v52 =	vld [tilespmem:$0x1EC80]  }
0x3ea: {  	v27 =	vor.u32 v46, v38;
	v46 =	vld [tilespmem:$0x1ECA0]  }
0x3eb: {  	v22 =	vsub.f32 v55, v54;
	v54 =	vld [tilespmem:$0x1F1F0]  }
0x3ec: {  	v55 =	vsub.f32 v56, v58;
	v56 =	vld [tilespmem:$0x1ECE0]  }
0x3ed: {  	[tilespmem:$0x1EDB0] =	vst v33;
	v33 =	vor.u32 v35, v38;
	v35 =	vsub.f32 v50, v48;
	v48 =	vld [tilespmem:$0x1ECB0]  }
0x3ee: {  	v20 =	vmul.f32 v20, v20;
	v22 =	vmul.f32 v22, v22;
	v50 =	vld [tilespmem:$0x1F200]  }
0x3ef: {  	v12 =	vor.u32 v12, v38;
	v21 =	vsub.f32 v43, v41;
	v8 =	vsub.f32 v8, v63;
	v63 =	vld [tilespmem:$0x1F300]  }
0x3f0: {  	v19 =	vadd.f32 v22, v19;
	v22 =	vsub.f32 v53, v52;
	v53 =	vld [tilespmem:$0x1ECC0]  }
0x3f1: {  	v20 =	vadd.f32 v20, v40;
	v21 =	vmul.f32 v21, v21;
	v40 =	vld.idx.msk [tilespmem:v27+s28+$0x0], $0xffff  }
0x3f2: {  	v26 =	vor.u32 v54, v38;
	v54 =	vld [tilespmem:$0x1F210]  }
0x3f3: {  	v20 =	vadd.f32 v21, v20;
	v21 =	vmul.f32 v55, v55;
	v55 =	vld [tilespmem:$0x1ECD0]  }
0x3f4: {  	v1 =	vld.idx.msk [tilespmem:v12+s25+$0x0], $0xffff  }
0x3f5: {  	v12 =	vld.idx.msk [tilespmem:v12+s28+$0x0], $0xffff  }
0x3f6: {  	v35 =	vmul.f32 v35, v35;
	v58 =	vld.idx.msk [tilespmem:v33+s25+$0x0], $0xffff  }
0x3f7: {  	v41 =	vsub.f32 v48, v46;
	v48 =	vld.idx.msk [tilespmem:v33+s28+$0x0], $0xffff;
	v46 =	vor.u32 v50, v38  }
0x3f8: {  	v52 =	vmul.f32 v18, v0;
	v22 =	vmul.f32 v22, v22;
	v33 =	vld.idx.msk [tilespmem:v27+s25+$0x0], $0xffff;
	v20 =	vadd.f32 v35, v20  }
0x3f9: {  	v35 =	vld.idx.msk [tilespmem:v26+s25+$0x0], $0xffff  }
0x3fa: {  	v19 =	vadd.f32 v22, v19;
	v20 =	vadd.f32 v21, v20;
	v21 =	vmul.f32 v52, v18;
	v43 =	vld.idx.msk [tilespmem:v26+s28+$0x0], $0xffff  }
0x3fb: {  	v22 =	vsub.f32 v61, v53;
	v27 =	vmul.f32 v41, v41;
	v50 =	vor.u32 v54, v38;
	v54 =	vld [tilespmem:$0x1F220]  }
0x3fc: {  	v61 =	vsub.f32 v56, v55;
	v55 =	vsub.f32 $1.500000000e+00, v21;
	v21 =	vld.idx.msk [tilespmem:v46+s25+$0x0], $0xffff  }
0x3fd: {  	v41 =	vadd.f32 v27, v19;
	v27 =	vld.idx.msk [tilespmem:v46+s28+$0x0], $0xffff  }
0x3fe: {  	v2 =	vsub.f32 v2, v57;
	v22 =	vmul.f32 v22, v22;
	v57 =	vsub.f32 v48, v58;
	v58 =	vld [tilespmem:$0x1F330]  }
0x3ff: {  	v56 =	vmul.f32 v61, v61;
	v61 =	vld [tilespmem:$0x1F240]  }
0x400: {  	v20 =	vadd.f32 v22, v20;
	v53 =	vor.u32 v54, v38;
	v54 =	vld [tilespmem:$0x1ED00]  }
0x401: {  	v52 =	vmul.f32 v55, v18;
	v55 =	vld [tilespmem:$0x1ED10]  }
0x402: {  	v20 =	vadd.f32 v56, v20;
	v56 =	vld [tilespmem:$0x1ED20]  }
0x403: {  	v26 =	vld.idx.msk [tilespmem:v50+s25+$0x0], $0xffff  }
0x404: {  	v34 =	vsub.f32 v34, v30;
	v30 =	vld.idx.msk [tilespmem:v50+s28+$0x0], $0xffff;
	v46 =	vor.u32 v61, v38  }
0x405: {  	v19 =	vsub.f32 v54, v14;
	v14 =	vld [tilespmem:$0x1F260]  }
0x406: {  	v54 =	vld [tilespmem:$0x1F290]  }
0x407: {  	v11 =	vmul.f32 v34, v34;
	v34 =	vsub.f32 v56, v55;
	v56 =	vld [tilespmem:$0x1ED40]  }
0x408: {  	v5 =	vmul.f32 v5, v5;
	v61 =	vmul.f32 v19, v19;
	v19 =	vld.idx.msk [tilespmem:v53+s28+$0x0], $0xffff  }
0x409: {  	v18 =	vld.idx.msk [tilespmem:v46+s25+$0x0], $0xffff  }
0x40a: {  	v5 =	vadd.f32 v5, v11;
	v55 =	vadd.f32 v61, v20;
	v20 =	vld.idx.msk [tilespmem:v46+s28+$0x0], $0xffff  }
0x40b: {  	v3 =	vmul.f32 v3, v3;
	v46 =	vor.u32 v7, v38;
	v7 =	vld [tilespmem:$0x1ED30]  }
0x40c: {  	v4 =	vadd.f32 v4, v5;
	v61 =	vsub.f32 v36, v31;
	v36 =	vld [tilespmem:$0x1F310];
	v22 =	vor.u32 v14, v38  }
0x40d: {  	v34 =	vmul.f32 v34, v34;
	v14 =	vld.idx.msk [tilespmem:v53+s25+$0x0], $0xffff  }
0x40e: {  	v3 =	vadd.f32 v3, v4;
	v53 =	vor.u32 v54, v38;
	v54 =	vld [tilespmem:$0x1ED50];
	v61 =	vmul.f32 v61, v61  }
0x40f: {  	v5 =	vadd.f32 v34, v55;
	v55 =	vld [tilespmem:$0x1ED60]  }
0x410: {  	v3 =	vadd.f32 v61, v3;
	v61 =	vld [tilespmem:$0x1ED80]  }
0x411: {  	v50 =	vsub.f32 v56, v7;
	v7 =	vld.idx.msk [tilespmem:v22+s25+$0x0], $0xffff  }
0x412: {  	v34 =	vld.idx.msk [tilespmem:v22+s28+$0x0], $0xffff  }
0x413: {  	v4 =	vld.idx.msk [tilespmem:v53+s25+$0x0], $0xffff  }
0x414: {  	v11 =	vld.idx.msk [tilespmem:v53+s28+$0x0], $0xffff  }
0x415: {  	v31 =	vsub.f32 v55, v54;
	v56 =	vmul.f32 v50, v50;
	v54 =	vld [tilespmem:$0x1F340]  }
0x416: {  	v32 =	vsub.f32 v37, v32;
	v50 =	vld [tilespmem:$0x1ED70]  }
0x417: {  	v22 =	vor.u32 v36, v38;
	v53 =	vmul.f32 v52, v0;
	v5 =	vadd.f32 v56, v5;
	v56 =	vld [tilespmem:$0x1F270]  }
0x418: {  	v0 =	vld.idx.msk [tilespmem:v46+s25+$0x0], $0xffff  }
0x419: {  	v24 =	vsub.f32 v29, v24;
	v32 =	vmul.f32 v32, v32;
	v29 =	vmul.f32 v53, v52;
	v53 =	vld [tilespmem:$0x1F2A0]  }
0x41a: {  	v6 =	vsub.f32 v28, v6;
	v55 =	vmul.f32 v31, v31;
	v31 =	vld.idx.msk [tilespmem:v46+s28+$0x0], $0xffff;
	v37 =	vor.u32 v54, v38  }
0x41b: {  	v50 =	vsub.f32 v61, v50;
	v61 =	vadd.f32 v32, v3;
	v3 =	vld [tilespmem:$0x1F280]  }
0x41c: {  	v6 =	vmul.f32 v6, v6;
	v28 =	vld.idx.msk [tilespmem:v22+s25+$0x0], $0xffff;
	v46 =	vor.u32 v56, v38  }
0x41d: {  	v24 =	vmul.f32 v24, v24;
	v32 =	vld.idx.msk [tilespmem:v22+s28+$0x0], $0xffff  }
0x41e: {  	v23 =	vsub.f32 v25, v23;
	v36 =	vshra.s32 v41, $0x1;
	v6 =	vadd.f32 v6, v61;
	v61 =	vld [tilespmem:$0x1F2B0]  }
0x41f: {  	v48 =	vor.u32 v58, v38;
	v36 =	vsub.s32 $0x5F3759DF, v36;
	v56 =	vmul.f32 $5.000000000e-01, v41;
	v22 =	vld.idx.msk [tilespmem:v37+s25+$0x0], $0xffff  }
0x420: {  	v5 =	vadd.f32 v55, v5;
	v50 =	vmul.f32 v50, v50;
	v55 =	vor.u32 v3, v38;
	v3 =	vld.idx.msk [tilespmem:v37+s28+$0x0], $0xffff  }
0x421: {  	v15 =	vsub.f32 v16, v15;
	v37 =	vor.u32 v53, v38;
	v53 =	vmul.f32 v36, v56;
	v54 =	vld.idx.msk [tilespmem:v46+s25+$0x0], $0xffff  }
0x422: {  	v23 =	vmul.f32 v23, v23;
	v29 =	vsub.f32 $1.500000000e+00, v29;
	v5 =	vadd.f32 v50, v5;
	v25 =	vld.idx.msk [tilespmem:v46+s28+$0x0], $0xffff  }
0x423: {  	v6 =	vadd.f32 v24, v6;
	v46 =	vor.u32 v61, v38;
	v50 =	vmul.f32 v36, v53;
	v61 =	vld [tilespmem:$0x1F2C0]  }
0x424: {  	v10 =	vsub.f32 v10, v13;
	v15 =	vmul.f32 v15, v15;
	v35 =	vsub.f32 v43, v35;
	v43 =	vld.idx.msk [tilespmem:v48+s25+$0x0], $0xffff  }
0x425: {  	v29 =	vmul.f32 v29, v52;
	v52 =	vld [tilespmem:$0x1ED90];
	v6 =	vadd.f32 v23, v6;
	v50 =	vsub.f32 $1.500000000e+00, v50  }
0x426: {  	v10 =	vmul.f32 v10, v10;
	v17 =	vsub.f32 v17, v49;
	v53 =	vld.idx.msk [tilespmem:v55+s25+$0x0], $0xffff  }
0x427: {  	v6 =	vadd.f32 v15, v6;
	v24 =	vld.idx.msk [tilespmem:v55+s28+$0x0], $0xffff;
	v36 =	vmul.f32 v36, v50;
	v50 =	vor.u32 v63, v38  }
0x428: {  	v55 =	vor.u32 v61, v38;
	v61 =	vld [tilespmem:$0x1EDA0]  }
0x429: {  	v17 =	vmul.f32 v17, v17;
	v16 =	vld.idx.msk [tilespmem:v37+s28+$0x0], $0xffff;
	v6 =	vadd.f32 v10, v6  }
0x42a: {  	v13 =	vld.idx.msk [tilespmem:v46+s28+$0x0], $0xffff  }
0x42b: {  	v6 =	vadd.f32 v17, v6;
	v17 =	vld.idx.msk [tilespmem:v48+s28+$0x0], $0xffff  }
0x42c: {  	v49 =	vld.idx.msk [tilespmem:v50+s25+$0x0], $0xffff  }
0x42d: {  	v52 =	vsub.f32 v61, v52;
	v61 =	vld.idx.msk [tilespmem:v37+s25+$0x0], $0xffff  }
0x42e: {  	v37 =	vld [tilespmem:$0x1F2D0]  }
0x42f: {  	v50 =	vld.idx.msk [tilespmem:v50+s28+$0x0], $0xffff  }
0x430: {  	v1 =	vsub.f32 v12, v1;
	v12 =	vld.idx.msk [tilespmem:v55+s25+$0x0], $0xffff  }
0x431: {  	v63 =	vsub.f32 v51, v62;
	v15 =	vld.idx.msk [tilespmem:v55+s28+$0x0], $0xffff  }
0x432: {  	v45 =	vsub.f32 v45, v47;
	v55 =	vld [tilespmem:$0x1F320]  }
0x433: {  	v58 =	vmul.f32 v63, v63;
	v63 =	vmul.f32 v52, v52;
	v52 =	vld [tilespmem:$0x1EE00];
	v23 =	vor.u32 v37, v38  }
0x434: {  	v9 =	vmul.f32 v9, v9;
	v8 =	vmul.f32 v8, v8;
	v37 =	vld.idx.msk [tilespmem:v46+s25+$0x0], $0xffff;
	v46 =	vor.u32 v60, v38  }
0x435: {  	v60 =	vmul.f32 v45, v45;
	v16 =	vsub.f32 v16, v61;
	v61 =	vsub.f32 v50, v49;
	v50 =	vld [tilespmem:$0x1EDE0]  }
0x436: {  	v49 =	vld [tilespmem:$0x1EDD0]  }
0x437: {  	v8 =	vadd.f32 v8, v9;
	v1 =	vmul.f32 v1, v1;
	v6 =	vadd.f32 v60, v6;
	v60 =	vld [tilespmem:$0x1F360]  }
0x438: {  	v9 =	vld.idx.msk [tilespmem:v23+s25+$0x0], $0xffff  }
0x439: {  	v2 =	vmul.f32 v2, v2;
	v1 =	vadd.f32 v1, v8;
	v10 =	vld.idx.msk [tilespmem:v23+s28+$0x0], $0xffff  }
0x43a: {  	v23 =	vor.u32 v55, v38;
	v47 =	vld.idx.msk [tilespmem:v46+s25+$0x0], $0xffff  }
0x43b: {  	v1 =	vadd.f32 v2, v1;
	v46 =	vld.idx.msk [tilespmem:v46+s28+$0x0], $0xffff;
	v55 =	vmul.f32 v57, v57  }
0x43c: {  	v57 =	vld [tilespmem:$0x1F350]  }
0x43d: {  	v1 =	vadd.f32 v55, v1;
	v2 =	vor.u32 v60, v38;
	v55 =	vld [tilespmem:$0x1F390]  }
0x43e: {  	v33 =	vsub.f32 v40, v33;
	v60 =	vld [tilespmem:$0x1F3F0]  }
0x43f: {  	v59 =	vsub.f32 v44, v59;
	v45 =	vld.idx.msk [tilespmem:v23+s25+$0x0], $0xffff  }
0x440: {  	v33 =	vmul.f32 v33, v33;
	v40 =	vadd.f32 v63, v5;
	v23 =	vld.idx.msk [tilespmem:v23+s28+$0x0], $0xffff  }
0x441: {  	v5 =	vsub.f32 v27, v21;
	v8 =	vor.u32 v57, v38;
	v57 =	vmul.f32 v59, v59;
	v59 =	vld [tilespmem:$0x1F3C0]  }
0x442: {  	v6 =	vadd.f32 v58, v6;
	v58 =	vmul.f32 v35, v35;
	v1 =	vadd.f32 v33, v1;
	v33 =	vld.idx.msk [tilespmem:v2+s25+$0x0], $0xffff  }
0x443: {  	v26 =	vsub.f32 v30, v26;
	v62 =	vmul.f32 v36, v56;
	v5 =	vmul.f32 v5, v5;
	v30 =	vld.idx.msk [tilespmem:v2+s28+$0x0], $0xffff  }
0x444: {  	v1 =	vadd.f32 v58, v1;
	v48 =	vor.u32 v55, v38;
	v27 =	vadd.f32 v57, v6;
	v57 =	vld [tilespmem:$0x1F370]  }
0x445: {  	v6 =	vmul.f32 v62, v36;
	v55 =	vsub.f32 v19, v14;
	v14 =	vsub.f32 v25, v54;
	v54 =	vld [tilespmem:$0x1F3B0]  }
0x446: {  	v62 =	vor.u32 v60, v38;
	v1 =	vadd.f32 v5, v1;
	v5 =	vld [tilespmem:$0x1F400]  }
0x447: {  	v63 =	vsub.f32 $1.500000000e+00, v6;
	v6 =	vld [tilespmem:$0x1EDB0]  }
0x448: {  	v35 =	vld.idx.msk [tilespmem:v8+s25+$0x0], $0xffff  }
0x449: {  	v21 =	vld.idx.msk [tilespmem:v8+s28+$0x0], $0xffff  }
0x44a: {  	v8 =	vor.u32 v59, v38;
	v51 =	vld.idx.msk [tilespmem:v48+s25+$0x0], $0xffff  }
0x44b: {  	v36 =	vmul.f32 v63, v36;
	v2 =	vld.idx.msk [tilespmem:v62+s25+$0x0], $0xffff  }
0x44c: {  	v58 =	vor.u32 v57, v38;
	v57 =	vld [tilespmem:$0x1F3E0]  }
0x44d: {  	v63 =	vmul.f32 v36, v56;
	v56 =	vld [tilespmem:$0x1F3D0]  }
0x44e: {  	v39 =	vmul.f32 v29, v39;
	v29 =	vsub.f32 v42, v6;
	v6 =	vmul.f32 v26, v26;
	v26 =	vld.idx.msk [tilespmem:v48+s28+$0x0], $0xffff  }
0x44f: {  	v42 =	vor.u32 v5, v38;
	v5 =	vld.idx.msk [tilespmem:v8+s25+$0x0], $0xffff  }
0x450: {  	v19 =	vld.idx.msk [tilespmem:v8+s28+$0x0], $0xffff  }
0x451: {  	v18 =	vsub.f32 v20, v18;
	v59 =	vmul.f32 v55, v55;
	v8 =	vld.idx.msk [tilespmem:v62+s28+$0x0], $0xffff  }
0x452: {  	v1 =	vadd.f32 v6, v1;
	v6 =	vsub.f32 v24, v53;
	v24 =	vor.u32 v54, v38;
	v54 =	vld [tilespmem:$0x1F430]  }
0x453: {  	v18 =	vmul.f32 v18, v18;
	v7 =	vsub.f32 v34, v7;
	v13 =	vsub.f32 v13, v37;
	v37 =	vld.idx.msk [tilespmem:v58+s25+$0x0], $0xffff  }
0x454: {  	v14 =	vmul.f32 v14, v14;
	v60 =	vmul.f32 v6, v6;
	v6 =	vld [tilespmem:$0x1F380];
	v25 =	vadd.f32 v59, v1  }
0x455: {  	v7 =	vmul.f32 v7, v7;
	v12 =	vsub.f32 v15, v12;
	v53 =	vmul.f32 v63, v36;
	v1 =	vld.idx.msk [tilespmem:v42+s28+$0x0], $0xffff  }
0x456: {  	v16 =	vmul.f32 v16, v16;
	v14 =	vadd.f32 v60, v14;
	v18 =	vadd.f32 v18, v25;
	v60 =	vld [tilespmem:$0x1F410]  }
0x457: {  	v13 =	vmul.f32 v13, v13;
	v25 =	vsub.f32 $1.500000000e+00, v53;
	v53 =	vmul.f32 v61, v61;
	v61 =	vld [tilespmem:$0x1F480]  }
0x458: {  	v55 =	vshra.s32 v40, $0x1;
	v14 =	vadd.f32 v16, v14;
	v16 =	vld.idx.msk [tilespmem:v58+s28+$0x0], $0xffff;
	v7 =	vadd.f32 v7, v18  }
0x459: {  	v18 =	vor.u32 v57, v38;
	v58 =	vsub.s32 $0x5F3759DF, v55;
	v55 =	vor.u32 v54, v38;
	v54 =	vld [tilespmem:$0x1F4F0]  }
0x45a: {  	v12 =	vmul.f32 v12, v12;
	v62 =	vor.u32 v6, v38;
	v6 =	vld.idx.msk [tilespmem:v42+s25+$0x0], $0xffff;
	v13 =	vadd.f32 v13, v14  }
0x45b: {  	v42 =	vld [tilespmem:$0x1F3A0]  }
0x45c: {  	v12 =	vadd.f32 v12, v13;
	v13 =	vld.idx.msk [tilespmem:v24+s25+$0x0], $0xffff  }
0x45d: {  	v4 =	vsub.f32 v11, v4;
	v0 =	vsub.f32 v31, v0;
	v24 =	vld.idx.msk [tilespmem:v24+s28+$0x0], $0xffff  }
0x45e: {  	v17 =	vsub.f32 v17, v43;
	v59 =	vsub.f32 v46, v47;
	v31 =	vld.idx.msk [tilespmem:v18+s25+$0x0], $0xffff  }
0x45f: {  	v4 =	vmul.f32 v4, v4;
	v44 =	vmul.f32 $5.000000000e-01, v40;
	v9 =	vsub.f32 v10, v9;
	v18 =	vld.idx.msk [tilespmem:v18+s28+$0x0], $0xffff  }
0x460: {  	v34 =	vmul.f32 v59, v59;
	v59 =	vmul.f32 v17, v17;
	v46 =	vor.u32 v60, v38;
	v17 =	vld.idx.msk [tilespmem:v55+s25+$0x0], $0xffff  }
0x461: {  	v4 =	vadd.f32 v4, v7;
	v7 =	vmul.f32 v58, v44;
	v15 =	vld.idx.msk [tilespmem:v62+s25+$0x0], $0xffff  }
0x462: {  	v9 =	vmul.f32 v9, v9;
	v11 =	vld.idx.msk [tilespmem:v62+s28+$0x0], $0xffff  }
0x463: {  	v28 =	vsub.f32 v32, v28;
	v32 =	vor.u32 v61, v38;
	v7 =	vmul.f32 v58, v7;
	v62 =	vld [tilespmem:$0x1F420]  }
0x464: {  	v20 =	vor.u32 v42, v38;
	v42 =	vor.u32 v56, v38;
	v9 =	vadd.f32 v9, v12;
	v56 =	vld [tilespmem:$0x1F440]  }
0x465: {  	v0 =	vmul.f32 v0, v0;
	v25 =	vmul.f32 v25, v36;
	v7 =	vsub.f32 $1.500000000e+00, v7;
	v36 =	vld.idx.msk [tilespmem:v46+s25+$0x0], $0xffff  }
0x466: {  	v9 =	vadd.f32 v34, v9;
	v34 =	vld.idx.msk [tilespmem:v46+s28+$0x0], $0xffff  }
0x467: {  	v28 =	vmul.f32 v28, v28;
	v0 =	vadd.f32 v0, v4;
	v7 =	vmul.f32 v58, v7;
	v58 =	vld [tilespmem:$0x1F470]  }
0x468: {  	v41 =	vmul.f32 v25, v41;
	v25 =	vld.idx.msk [tilespmem:v32+s25+$0x0], $0xffff  }
0x469: {  	v0 =	vadd.f32 v28, v0;
	v28 =	vld.idx.msk [tilespmem:v32+s28+$0x0], $0xffff  }
0x46a: {  	v9 =	vadd.f32 v53, v9;
	v53 =	vld [tilespmem:$0x1F4B0]  }
0x46b: {  	v10 =	vld.idx.msk [tilespmem:v20+s25+$0x0], $0xffff  }
0x46c: {  	v23 =	vsub.f32 v23, v45;
	v14 =	vld.idx.msk [tilespmem:v20+s28+$0x0], $0xffff  }
0x46d: {  	v29 =	vmul.f32 v29, v29;
	v12 =	vld.idx.msk [tilespmem:v42+s25+$0x0], $0xffff  }
0x46e: {  	v23 =	vmul.f32 v23, v23;
	v48 =	vld.idx.msk [tilespmem:v42+s28+$0x0], $0xffff;
	v63 =	vor.u32 v62, v38  }
0x46f: {  	v42 =	vadd.f32 v29, v27;
	v29 =	vld.idx.msk [tilespmem:v55+s28+$0x0], $0xffff  }
0x470: {  	v57 =	vor.u32 v56, v38;
	v56 =	vld [tilespmem:$0x1F450];
	v4 =	vadd.f32 v23, v9  }
0x471: {  	v60 =	vmul.f32 v7, v44;
	v27 =	vor.u32 v58, v38;
	v58 =	vld [tilespmem:$0x1F460]  }
0x472: {  	v4 =	vadd.f32 v59, v4;
	v59 =	vld [tilespmem:$0x1F490]  }
0x473: {  	v23 =	vmul.f32 v60, v7;
	v43 =	vld.idx.msk [tilespmem:v63+s25+$0x0], $0xffff  }
0x474: {  	v13 =	vsub.f32 v24, v13;
	v20 =	vld.idx.msk [tilespmem:v63+s28+$0x0], $0xffff  }
0x475: {  	v62 =	vsub.f32 v21, v35;
	v23 =	vsub.f32 $1.500000000e+00, v23;
	v21 =	vld.idx.msk [tilespmem:v57+s25+$0x0], $0xffff  }
0x476: {  	v60 =	vmul.f32 v13, v13;
	v13 =	vor.u32 v49, v38;
	v63 =	vsub.f32 v30, v33;
	v30 =	vld.idx.msk [tilespmem:v57+s28+$0x0], $0xffff  }
0x477: {  	v45 =	vmul.f32 v23, v7;
	v7 =	vsub.f32 v26, v51;
	v51 =	vld [tilespmem:$0x1EDF0]  }
0x478: {  	v12 =	vsub.f32 v48, v12;
	v48 =	vld [tilespmem:$0x1F4A0]  }
0x479: {  	v33 =	vor.u32 v53, v38;
	v53 =	vld [tilespmem:$0x1F4C0]  }
0x47a: {  	v32 =	vor.u32 v56, v38;
	v56 =	vld [tilespmem:$0x1F4D0]  }
0x47b: {  	v1 =	vsub.f32 v1, v6;
	v6 =	vld.idx.msk [tilespmem:v13+s25+$0x0], $0xffff  }
0x47c: {  	v13 =	vld.idx.msk [tilespmem:v13+s28+$0x0], $0xffff  }
0x47d: {  	v16 =	vsub.f32 v16, v37;
	v11 =	vsub.f32 v11, v15;
	v35 =	vld.idx.msk [tilespmem:v27+s25+$0x0], $0xffff  }
0x47e: {  	v3 =	vsub.f32 v3, v22;
	v15 =	vld.idx.msk [tilespmem:v27+s28+$0x0], $0xffff  }
0x47f: {  	v16 =	vmul.f32 v16, v16;
	v11 =	vmul.f32 v11, v11;
	v22 =	vor.u32 v59, v38;
	v59 =	vld [tilespmem:$0x1F4E0]  }
0x480: {  	v9 =	vmul.f32 v62, v62;
	v10 =	vsub.f32 v14, v10;
	v27 =	vor.u32 v54, v38;
	v14 =	vld.idx.msk [tilespmem:v33+s25+$0x0], $0xffff  }
0x481: {  	v57 =	vadd.f32 v11, v16;
	v11 =	vld.idx.msk [tilespmem:v33+s28+$0x0], $0xffff  }
0x482: {  	v4 =	vadd.f32 v9, v4;
	v55 =	vmul.f32 v63, v63;
	v16 =	vor.u32 v58, v38;
	v61 =	vld.idx.msk [tilespmem:v32+s25+$0x0], $0xffff  }
0x483: {  	v7 =	vmul.f32 v7, v7;
	v62 =	vld.idx.msk [tilespmem:v32+s28+$0x0], $0xffff  }
0x484: {  	v10 =	vmul.f32 v10, v10;
	v4 =	vadd.f32 v55, v4;
	v9 =	vor.u32 v48, v38;
	v48 =	vld [tilespmem:$0x1EDC0]  }
0x485: {  	v5 =	vsub.f32 v19, v5;
	v23 =	vld.idx.msk [tilespmem:v27+s25+$0x0], $0xffff  }
0x486: {  	v4 =	vadd.f32 v7, v4;
	v7 =	vadd.f32 v10, v57;
	v19 =	vld.idx.msk [tilespmem:v27+s28+$0x0], $0xffff  }
0x487: {  	v63 =	vld.idx.msk [tilespmem:v16+s25+$0x0], $0xffff  }
0x488: {  	v12 =	vmul.f32 v12, v12;
	v54 =	vor.u32 v53, v38;
	v16 =	vld.idx.msk [tilespmem:v16+s28+$0x0], $0xffff;
	v7 =	vadd.f32 v60, v7  }
0x489: {  	v49 =	vld.idx.msk [tilespmem:v22+s25+$0x0], $0xffff  }
0x48a: {  	v2 =	vsub.f32 v8, v2;
	v5 =	vmul.f32 v5, v5;
	v55 =	vadd.f32 v12, v7;
	v7 =	vld.idx.msk [tilespmem:v22+s28+$0x0], $0xffff  }
0x48b: {  	v3 =	vmul.f32 v3, v3;
	v18 =	vsub.f32 v18, v31;
	v12 =	vld.idx.msk [tilespmem:v9+s25+$0x0], $0xffff  }
0x48c: {  	v4 =	vadd.f32 v5, v4;
	v5 =	vmul.f32 v2, v2;
	v9 =	vld.idx.msk [tilespmem:v9+s28+$0x0], $0xffff  }
0x48d: {  	v2 =	vadd.f32 v3, v0;
	v3 =	vmul.f32 v18, v18;
	v18 =	vor.u32 v56, v38;
	v58 =	vld.idx.msk [tilespmem:v54+s25+$0x0], $0xffff  }
0x48e: {  	v17 =	vsub.f32 v29, v17;
	v10 =	vsub.f32 v62, v61;
	v61 =	vld [tilespmem:$0x1F500]  }
0x48f: {  	v22 =	vor.u32 v59, v38;
	v60 =	vld.idx.msk [tilespmem:v54+s28+$0x0], $0xffff  }
0x490: {  	v17 =	vmul.f32 v17, v17;
	v57 =	vsub.f32 v20, v43;
	v59 =	vld [tilespmem:$0x1F520]  }
0x491: {  	v27 =	vor.u32 v52, v38;
	v4 =	vadd.f32 v5, v4;
	v0 =	vadd.f32 v3, v55;
	v55 =	vld [tilespmem:$0x1F510]  }
0x492: {  	v3 =	vsub.f32 v34, v36;
	v8 =	vsub.f32 v16, v63;
	v10 =	vmul.f32 v10, v10;
	v63 =	vld.idx.msk [tilespmem:v18+s25+$0x0], $0xffff  }
0x493: {  	v16 =	vmul.f32 v57, v57;
	v62 =	vor.u32 v61, v38;
	v9 =	vsub.f32 v9, v12;
	v12 =	vld.idx.msk [tilespmem:v18+s28+$0x0], $0xffff  }
0x494: {  	v5 =	vshra.s32 v42, $0x1;
	v3 =	vmul.f32 v3, v3;
	v8 =	vmul.f32 v8, v8;
	v53 =	vld.idx.msk [tilespmem:v22+s25+$0x0], $0xffff  }
0x495: {  	v20 =	vsub.f32 v60, v58;
	v22 =	vld.idx.msk [tilespmem:v22+s28+$0x0], $0xffff;
	v60 =	vor.u32 v50, v38;
	v50 =	vor.u32 v51, v38  }
0x496: {  	v7 =	vsub.f32 v7, v49;
	v18 =	vld.idx.msk [tilespmem:v27+s25+$0x0], $0xffff;
	v3 =	vadd.f32 v3, v0;
	v29 =	vor.u32 v55, v38  }
0x497: {  	v5 =	vsub.s32 $0x5F3759DF, v5;
	v0 =	vmul.f32 $5.000000000e-01, v42;
	v8 =	vadd.f32 v8, v10;
	v55 =	vld [tilespmem:$0x1F530]  }
0x498: {  	v7 =	vmul.f32 v7, v7;
	v3 =	vadd.f32 v16, v3;
	v16 =	vor.u32 v48, v38;
	v54 =	vld.idx.msk [tilespmem:v62+s25+$0x0], $0xffff  }
0x499: {  	v9 =	vmul.f32 v9, v9;
	v49 =	vmul.f32 v5, v0;
	v58 =	vld.idx.msk [tilespmem:v62+s28+$0x0], $0xffff  }
0x49a: {  	v7 =	vadd.f32 v7, v8;
	v3 =	vadd.f32 v17, v3;
	v17 =	vor.u32 v59, v38;
	v59 =	vld.idx.msk [tilespmem:v50+s25+$0x0], $0xffff  }
0x49b: {  	v21 =	vsub.f32 v30, v21;
	v61 =	vsub.f32 v15, v35;
	v57 =	vmul.f32 v20, v20;
	v15 =	vld.idx.msk [tilespmem:v29+s25+$0x0], $0xffff  }
0x49c: {  	v56 =	vmul.f32 v5, v49;
	v10 =	vsub.f32 v12, v63;
	v7 =	vadd.f32 v9, v7;
	v63 =	vld.idx.msk [tilespmem:v29+s28+$0x0], $0xffff  }
0x49d: {  	v21 =	vmul.f32 v21, v21;
	v8 =	vsub.f32 v22, v53;
	v12 =	vld.idx.msk [tilespmem:v16+s25+$0x0], $0xffff  }
0x49e: {  	v9 =	vsub.f32 $1.500000000e+00, v56;
	v10 =	vmul.f32 v10, v10;
	v7 =	vadd.f32 v57, v7;
	v16 =	vld.idx.msk [tilespmem:v16+s28+$0x0], $0xffff  }
0x49f: {  	v11 =	vsub.f32 v11, v14;
	v48 =	vsub.f32 v28, v25;
	v8 =	vmul.f32 v8, v8;
	v57 =	vld.idx.msk [tilespmem:v60+s28+$0x0], $0xffff  }
0x4a0: {  	v5 =	vmul.f32 v5, v9;
	v9 =	vmul.f32 v61, v61;
	v61 =	vld [tilespmem:$0x1F550];
	v7 =	vadd.f32 v10, v7  }
0x4a1: {  	v62 =	vsub.f32 v58, v54;
	v14 =	vsub.f32 v63, v15;
	v15 =	vld [tilespmem:$0x1F540]  }
0x4a2: {  	v3 =	vadd.f32 v21, v3;
	v49 =	vld.idx.msk [tilespmem:v17+s25+$0x0], $0xffff;
	v7 =	vadd.f32 v8, v7  }
0x4a3: {  	v51 =	vmul.f32 v62, v62;
	v52 =	vsub.f32 v16, v12;
	v12 =	vld.idx.msk [tilespmem:v17+s28+$0x0], $0xffff;
	v17 =	vor.u32 v55, v38  }
0x4a4: {  	v19 =	vsub.f32 v19, v23;
	v53 =	vmul.f32 v48, v48;
	v54 =	vld.idx.msk [tilespmem:v60+s25+$0x0], $0xffff;
	v3 =	vadd.f32 v9, v3  }
0x4a5: {  	v58 =	vld.idx.msk [tilespmem:v27+s28+$0x0], $0xffff;
	v7 =	vadd.f32 v51, v7;
	v21 =	vor.u32 v61, v38;
	v56 =	vmul.f32 v52, v52  }
0x4a6: {  	v11 =	vmul.f32 v11, v11;
	v60 =	vld.idx.msk [tilespmem:v50+s28+$0x0], $0xffff;
	v3 =	vadd.f32 v53, v3;
	v15 =	vor.u32 v15, v38  }
0x4a7: {  	v6 =	vsub.f32 v13, v6;
	v14 =	vmul.f32 v14, v14;
	v7 =	vadd.f32 v56, v7  }
0x4a8: {  	v62 =	vmul.f32 v19, v19;
	v3 =	vadd.f32 v11, v3;
	v12 =	vsub.f32 v12, v49;
	v63 =	vld.idx.msk [tilespmem:v17+s25+$0x0], $0xffff  }
0x4a9: {  	v6 =	vmul.f32 v6, v6;
	v10 =	vsub.f32 v57, v54;
	v7 =	vadd.f32 v14, v7;
	v14 =	vld.idx.msk [tilespmem:v17+s28+$0x0], $0xffff  }
0x4aa: {  	v9 =	vsub.f32 v58, v18;
	v3 =	vadd.f32 v62, v3;
	v13 =	vld.idx.msk [tilespmem:v21+s25+$0x0], $0xffff;
	v12 =	vmul.f32 v12, v12  }
0x4ab: {  	v1 =	vmul.f32 v1, v1;
	v8 =	vsub.f32 v60, v59;
	v10 =	vmul.f32 v10, v10;
	v48 =	vld.idx.msk [tilespmem:v15+s25+$0x0], $0xffff  }
0x4ac: {  	v3 =	vadd.f32 v6, v3;
	v6 =	vmul.f32 v9, v9;
	v7 =	vadd.f32 v12, v7;
	v15 =	vld.idx.msk [tilespmem:v15+s28+$0x0], $0xffff  }
0x4ad: {  	v1 =	vadd.f32 v1, v4;
	v8 =	vmul.f32 v8, v8;
	v50 =	vld.idx.msk [tilespmem:v21+s28+$0x0], $0xffff  }
0x4ae: {  	v3 =	vadd.f32 v6, v3;
	v12 =	vmul.f32 v5, v0;
	v7 =	vadd.f32 v10, v7  }
0x4af: {  	v49 =	vshra.s32 v2, $0x1;
	v17 =	vmul.f32 $5.000000000e-01, v2;
	v14 =	vsub.f32 v14, v63  }
0x4b0: {  	v57 =	vshra.s32 v3, $0x1;
	v12 =	vmul.f32 v12, v5;
	v7 =	vadd.f32 v8, v7  }
0x4b1: {  	v51 =	vmul.f32 v14, v14;
	v14 =	vshra.s32 v1, $0x1;
	v11 =	vsub.f32 v15, v48  }
0x4b2: {  	v10 =	vsub.s32 $0x5F3759DF, v49;
	v53 =	vsub.f32 v50, v13;
	v13 =	vsub.s32 $0x5F3759DF, v14  }
0x4b3: {  	v14 =	vmul.f32 $5.000000000e-01, v1;
	v7 =	vadd.f32 v51, v7;
	v52 =	vmul.f32 v11, v11  }
0x4b4: {  	v59 =	vsub.s32 $0x5F3759DF, v57;
	v54 =	vmul.f32 v10, v17;
	v15 =	vmul.f32 $5.000000000e-01, v3  }
0x4b5: {  	v56 =	vmul.f32 v13, v14;
	v6 =	vadd.f32 v52, v7;
	v7 =	vmul.f32 v53, v53  }
0x4b6: {  	v12 =	vsub.f32 $1.500000000e+00, v12;
	v55 =	vmul.f32 v10, v54;
	v11 =	vmul.f32 v59, v15  }
0x4b7: {  	v4 =	vmul.f32 v45, v44;
	v58 =	vmul.f32 v13, v56;
	v6 =	vadd.f32 v7, v6  }
0x4b8: {  	v5 =	vmul.f32 v12, v5;
	v11 =	vmul.f32 v59, v11;
	v7 =	vsub.f32 $1.500000000e+00, v55  }
0x4b9: {  	v8 =	vsub.f32 $1.500000000e+00, v58;
	v60 =	vshra.s32 v6, $0x1;
	v61 =	vmul.f32 $5.000000000e-01, v6  }
0x4ba: {  	v11 =	vsub.f32 $1.500000000e+00, v11;
	v7 =	vmul.f32 v10, v7;
	v62 =	vsub.s32 $0x5F3759DF, v60  }
0x4bb: {  	v8 =	vmul.f32 v13, v8;
	v16 =	vmul.f32 v62, v61  }
0x4bc: {  	v9 =	vmul.f32 v59, v11;
	v13 =	vmul.f32 v7, v17  }
0x4bd: {  	v63 =	vmul.f32 v8, v14;
	v12 =	vmul.f32 v62, v16  }
0x4be: {  	v50 =	vmul.f32 v9, v15;
	v13 =	vmul.f32 v13, v7  }
0x4bf: {  	v4 =	vmul.f32 v4, v45;
	v48 =	vsub.f32 $1.500000000e+00, v12  }
0x4c0: {  	v11 =	vmul.f32 v50, v9;
	v12 =	vsub.f32 $1.500000000e+00, v13;
	v13 =	vmul.f32 v63, v8  }
0x4c1: {  	v0 =	vmul.f32 v5, v0;
	v10 =	vmul.f32 v62, v48  }
0x4c2: {  	v11 =	vsub.f32 $1.500000000e+00, v11;
	v7 =	vmul.f32 v12, v7;
	v12 =	vsub.f32 $1.500000000e+00, v13  }
0x4c3: {  	v0 =	vmul.f32 v0, v5;
	v13 =	vmul.f32 v10, v61  }
0x4c4: {  	v9 =	vmul.f32 v11, v9;
	v8 =	vmul.f32 v12, v8  }
0x4c5: {  	v12 =	vmul.f32 v7, v17;
	v13 =	vmul.f32 v13, v10  }
0x4c6: {  	v4 =	vsub.f32 $1.500000000e+00, v4;
	v49 =	vld [tilespmem:$0x1F590];
	v0 =	vsub.f32 $1.500000000e+00, v0  }
0x4c7: {  	v53 =	vmul.f32 v12, v7;
	v12 =	vsub.f32 $1.500000000e+00, v13;
	v13 =	vmul.f32 v9, v15;
	v15 =	vld [tilespmem:$0x1F580]  }
0x4c8: {  	v4 =	vmul.f32 v4, v45;
	v0 =	vmul.f32 v0, v5  }
0x4c9: {  	v52 =	vld [tilespmem:$0x1F5A0];
	v5 =	vmul.f32 v8, v14  }
0x4ca: {  	v4 =	vmul.f32 v4, v40;
	v0 =	vmul.f32 v0, v42  }
0x4cb: {  	v56 =	vld [tilespmem:$0x1F5B0];
	v14 =	vmul.f32 v41, v49;
	v5 =	vmul.f32 v5, v8;
	v11 =	vsub.f32 $1.500000000e+00, v53  }
0x4cc: {  	v10 =	vmul.f32 v12, v10;
	v12 =	vmul.f32 v39, v15  }
0x4cd: {  	v19 =	vld [tilespmem:$0x1F5C0];
	v7 =	vmul.f32 v11, v7;
	v5 =	vsub.f32 $1.500000000e+00, v5;
	v55 =	vmul.f32 v13, v9  }
0x4ce: {  	v13 =	vmul.f32 v10, v61;
	v12 =	vadd.f32 v14, v12;
	v14 =	vmul.f32 v4, v52  }
0x4cf: {  	v20 =	vld [tilespmem:$0x1F5D0];
	v2 =	vmul.f32 v7, v2;
	v5 =	vmul.f32 v5, v8;
	v7 =	vsub.f32 $1.500000000e+00, v55  }
0x4d0: {  	v57 =	vmul.f32 v13, v10;
	v58 =	vadd.f32 v14, v12;
	v12 =	vmul.f32 v0, v56  }
0x4d1: {  	v21 =	vld [tilespmem:$0x1F5E0];
	v1 =	vmul.f32 v5, v1;
	v5 =	vmul.f32 v7, v9  }
0x4d2: {  	v60 =	vmul.f32 v2, v19;
	v7 =	vsub.f32 $1.500000000e+00, v57;
	v59 =	vadd.f32 v12, v58  }
0x4d3: {  	v22 =	vld [tilespmem:$0x1F5F0];
	v3 =	vmul.f32 v5, v3  }
0x4d4: {  	v61 =	vmul.f32 v1, v20;
	v5 =	vmul.f32 v7, v10;
	v7 =	vadd.f32 v60, v59;
	_ =	sdelay $0x1  }
0x4d5: {  	v5 =	vmul.f32 v5, v6;
	v6 =	vadd.f32 v61, v7;
	v7 =	vmul.f32 v3, v21;
	_ =	sdelay $0x1  }
0x4d6: {  	v6 =	vadd.f32 v7, v6;
	v7 =	vmul.f32 v5, v22;
	_ =	sdelay $0x1  }
0x4d7: {  	v6 =	vadd.f32 v7, v6;
	_ =	sdelay $0x1  }
0x4d8: {  	v7 =	vsub.f32 v39, v6;
	v63 =	vsub.f32 v41, v6;
	_ =	sdelay $0x1  }
0x4d9: {  	v4 =	vsub.f32 v4, v6;
	v7 =	vmul.f32 v7, v7;
	v8 =	vmul.f32 v63, v63;
	_ =	sdelay $0x1  }
0x4da: {  	v0 =	vsub.f32 v0, v6;
	v4 =	vmul.f32 v4, v4;
	v7 =	vadd.f32 v8, v7;
	_ =	sdelay $0x1  }
0x4db: {  	v2 =	vsub.f32 v2, v6;
	v0 =	vmul.f32 v0, v0;
	v4 =	vadd.f32 v7, v4;
	_ =	sdelay $0x1  }
0x4dc: {  	v1 =	vsub.f32 v1, v6;
	v2 =	vmul.f32 v2, v2;
	v0 =	vadd.f32 v4, v0;
	_ =	sdelay $0x1  }
0x4dd: {  	v17 =	vsub.f32 v3, v6;
	v1 =	vmul.f32 v1, v1;
	v0 =	vadd.f32 v0, v2;
	_ =	sdelay $0x1  }
0x4de: {  	v19 =	vsub.f32 v5, v6;
	v18 =	vmul.f32 v17, v17;
	v0 =	vadd.f32 v0, v1;
	_ =	sdelay $0x1  }
0x4df: {  	v20 =	vmul.f32 v19, v19;
	v0 =	vadd.f32 v0, v18;
	_ =	sdelay $0x1  }
0x4e0: {  	v0 =	vadd.f32 v0, v20;
	_ =	sdelay $0x1  }
0x4e1: {  	v0 =	vmul.f32 $1.250000000e-01, v0;
	_ =	sdelay $0x1  }
0x4e2: {  	v21 =	vshra.s32 v0, $0x1;
	v22 =	vmul.f32 $5.000000000e-01, v0  }
0x4e3: {  	v1 =	vsub.s32 $0x5F3759DF, v21  }
0x4e4: {  	v3 =	vmul.f32 v1, v22;
	_ =	sdelay $0x1  }
0x4e5: {  	v3 =	vmul.f32 v1, v3;
	_ =	sdelay $0x1  }
0x4e6: {  	v3 =	vsub.f32 $1.500000000e+00, v3  }
0x4e7: {  	v37 =	vld [tilespmem:$0x1F6E0]  }
0x4e8: {  	v46 =	vld [tilespmem:$0x1F790];
	v1 =	vmul.f32 v1, v3  }
0x4e9: {  	v24 =	vld [tilespmem:$0x1F610]  }
0x4ea: {  	v31 =	vld [tilespmem:$0x1F680];
	v3 =	vmul.f32 v1, v22  }
0x4eb: {  	v26 =	vld [tilespmem:$0x1F630]  }
0x4ec: {  	v33 =	vld [tilespmem:$0x1F6A0];
	v3 =	vmul.f32 v3, v1  }
0x4ed: {  	v32 =	vld [tilespmem:$0x1F690]  }
0x4ee: {  	v30 =	vld [tilespmem:$0x1F670];
	v3 =	vsub.f32 $1.500000000e+00, v3  }
0x4ef: {  	v29 =	vld [tilespmem:$0x1F660]  }
0x4f0: {  	v23 =	vld [tilespmem:$0x1F600];
	v1 =	vmul.f32 v3, v1  }
0x4f1: {  	v43 =	vld [tilespmem:$0x1F730]  }
0x4f2: {  	v27 =	vld [tilespmem:$0x1F640];
	v2 =	vmul.f32 v1, v22  }
0x4f3: {  	v36 =	vld [tilespmem:$0x1F6D0]  }
0x4f4: {  	v34 =	vld [tilespmem:$0x1F6B0];
	v7 =	vsub.f32 v29, v6;
	v2 =	vmul.f32 v2, v1  }
0x4f5: {  	v44 =	vld [tilespmem:$0x1F750];
	v4 =	vsub.f32 v6, v24;
	v3 =	vsub.f32 v23, v6  }
0x4f6: {  	v25 =	vld [tilespmem:$0x1F620];
	v29 =	vsub.f32 v6, v30;
	v2 =	vsub.f32 $1.500000000e+00, v2  }
0x4f7: {  	v28 =	vld [tilespmem:$0x1F650];
	v26 =	vsub.f32 v26, v6;
	v5 =	vsub.f32 v6, v27;
	v30 =	vmul.f32 v4, v3  }
0x4f8: {  	v45 =	vld [tilespmem:$0x1F760];
	v3 =	vmul.f32 v29, v7;
	v1 =	vmul.f32 v2, v1  }
0x4f9: {  	v54 =	vld [tilespmem:$0x1F720];
	v4 =	vsub.f32 v32, v6;
	v7 =	vor.u32 $0x1, v38;
	v2 =	vmul.f32 v5, v26  }
0x4fa: {  	v35 =	vld [tilespmem:$0x1F6C0];
	v5 =	vsub.f32 v6, v33;
	v33 =	vor.u32 $0x2, v38;
	v0 =	vmul.f32 v1, v0  }
0x4fb: {  	v51 =	vld [tilespmem:$0x1F700];
	v12 =	vor.u32 $0x3, v38;
	v1 =	vmul.f32 v30, v25  }
0x4fc: {  	v62 =	vld [tilespmem:$0x1F6F0];
	v13 =	vsub.f32 v44, v6;
	v2 =	vmul.f32 v2, v28;
	v4 =	vmul.f32 v5, v4;
	[tilespmem:s9+$0x0] =	vst v0  }
0x4fd: {  	v16 =	vld [tilespmem:$0x1F710];
	v14 =	vsub.f32 v6, v45;
	v3 =	vmul.f32 v3, v31;
	[tilespmem:v38+s3+$0x0] =	vst.idx.msk $0xffff, v1  }
0x4fe: {  	v58 =	vld [tilespmem:$0x1F570];
	v40 =	vsub.f32 v54, v6;
	v4 =	vmul.f32 v4, v34;
	[tilespmem:v7+s3+$0x0] =	vst.idx.msk $0xffff, v2  }
0x4ff: {  	v42 =	vsub.f32 v6, v43;
	v55 =	vmul.f32 v14, v13;
	v14 =	vld [tilespmem:$0x1F780];
	[tilespmem:v33+s3+$0x0] =	vst.idx.msk $0xffff, v3  }
0x500: {  	v32 =	vsub.f32 v6, v36;
	v5 =	vsub.f32 v35, v6;
	[tilespmem:v12+s3+$0x0] =	vst.idx.msk $0xffff, v4;
	v12 =	vld [tilespmem:$0x1F560]  }
0x501: {  	v60 =	vld [tilespmem:$0x1F740];
	v43 =	vor.u32 $0x4, v38;
	v36 =	vsub.f32 v6, v51;
	v35 =	vsub.f32 v62, v6  }
0x502: {  	v53 =	vor.u32 $0x5, v38;
	v57 =	vsub.f32 v6, v46;
	v13 =	vld [tilespmem:$0x1F770];
	v5 =	vmul.f32 v32, v5  }
0x503: {  	v54 =	vmul.f32 v42, v40;
	v39 =	vmul.f32 v36, v35;
	v7 =	vor.u32 $0x6, v38  }
0x504: {  	v56 =	vsub.f32 v14, v6;
	v52 =	vmul.f32 v5, v37;
	v3 =	vor.u32 $0x7, v38  }
0x505: {  	v5 =	vmul.f32 v39, v16;
	v12 =	vsub.f32 v12, v6;
	v6 =	vsub.f32 v6, v58  }
0x506: {  	v61 =	vmul.f32 v54, v60;
	[tilespmem:v43+s3+$0x0] =	vst.idx.msk $0xffff, v52  }
0x507: {  	[tilespmem:v53+s3+$0x0] =	vst.idx.msk $0xffff, v5;
	v5 =	vmul.f32 v6, v12;
	v6 =	vmul.f32 v55, v13  }
0x508: {  	[tilespmem:v7+s3+$0x0] =	vst.idx.msk $0xffff, v61;
	v7 =	vld [tilespmem:$0x1F7A0]  }
0x509: {  	[tilespmem:v3+s3+$0x0] =	vst.idx.msk $0xffff, v6;
	v3 =	vld [tilespmem:$0x1F7B0]  }
0x50a: {  	v4 =	vor.u32 $0x8, v38  }
0x50b: {  	p0 =	sne.s32 s2, $0x70;
	v59 =	vmul.f32 v57, v56;
	v62 =	vor.u32 $0x9, v38  }
.Ltmp1:
0x50c: {  	_ = 	snop;
	(pc) =	sbr.rel @p0 .LBB2_5-.Ltmp1, $4  }
0x50d: {  	v0 =	vmul.f32 v59, v7  }
0x50e: {  	v63 =	vmul.f32 v5, v3  }
0x50f: {  	v12 =	vld [tilespmem:$0x1FFE0];
	[tilespmem:v4+s3+$0x0] =	vst.idx.msk $0xffff, v0  }
0x510: {  	s2 =	sadd.s32 $0x10, s2;
	v47 =	vlaneseq.u32;
	s9 =	sadd.s32 $0x10, s9;
	v4 =	vld [tilespmem:$0x1FFF0];
	[tilespmem:v62+s3+$0x0] =	vst.idx.msk $0xffff, v63  }
0x511: {  	s7 =	sadd.s32 $0x1, s7  }
0x512: {  	v54 =	vld [tilespmem:$0x1FF20];
	p0 =	sne.s32 s7, $0x28  }
.Ltmp2:
0x513: {  	s2 =	sshll.u32 s11, $0xB;
	v55 =	vld [tilespmem:$0x1FF30];
	(pc) =	sbr.rel @p0 .LBB2_2-.Ltmp2, $4  }
0x514: {  	s16 =	sshll.u32 s11, $0x4;
	v58 =	vld [tilespmem:$0x1FF40];
	s2 =	sadd.s32 s8, s2  }
0x515: {  	v61 =	vld [tilespmem:$0x1FF50];
	[hbm4b:s2+s5] =	stream.linear.scatter [tilespmem:s3], [sflag:$0x6], $0x4000, $0x38  }
0x516: {  	v62 =	vld [tilespmem:$0x1FF60];
	s2 =	sadd.s32 s10, s16  }
0x517: {  	v63 =	vld [tilespmem:$0x1FF70];
	[hbm4b:s2+s5] =	stream.linear.scatter [tilespmem:s4], [sflag:$0x6], $0x80, $0x38  }
0x518: {  	_ =	swait.ge [sflag:s23], $0x4000  }
0x519: {  	[sflag:s23] =	ssyncset.done $0x0  }
0x51a: {  	[sflag:s23] =	ssyncadd.s32 $0xFFFFC000  }
0x51b: {  	_ =	swait.ge [sflag:s23], $0x4000  }
0x51c: {  	[sflag:s23] =	ssyncset.done $0x0  }
0x51d: {  	[sflag:s23] =	ssyncadd.s32 $0xFFFFC000  }
0x51e: {  	_ =	swait.ge [sflag:s24], $0x100  }
0x51f: {  	[sflag:s24] =	ssyncset.done $0x0  }
0x520: {  	s2 =	simm.s32 $0x5;
	[sflag:s24] =	ssyncadd.s32 $0xFFFFFF00  }
0x521: {  	_ =	swait.ge [sflag:s2], $0x4000  }
0x522: {  	[sflag:s2] =	ssyncset.done $0x0  }
0x523: {  	[sflag:s2] =	ssyncadd.s32 $0xFFFFC000  }
0x524: {  	_ =	swait.ge [sflag:s2], $0x80  }
0x525: {  	[sflag:s2] =	ssyncset.done $0x0  }
0x526: {  	[sflag:s2] =	ssyncadd.s32 $0xFFFFFF80  }
0x527: {  	_ =	swait.ge [sflag:s15], $0x4000  }
0x528: {  	[sflag:s15] =	ssyncset.done $0x0  }
0x529: {  	[sflag:s15] =	ssyncadd.s32 $0xFFFFC000  }
0x52a: {  	_ =	swait.ge [sflag:s15], $0x80  }
0x52b: {  	s17 =	sadd.s32 $0x1, s17;
	s16 =	rddreg [dreg:$0x8]  }
0x52c: {  	p0 =	sne.s32 s17, s16  }
.Ltmp3:
0x52d: {  	_ = 	snop;
	(pc) =	sbr.rel @p0 .LBB2_1-.Ltmp3, $3  }
0x52e: {  	_ =	sdelay $0x1  }
0x52f: {  	[sflag:s15] =	ssyncset.done $0x0  }
0x530: {  	[sflag:s15] =	ssyncadd.s32 $0xFFFFFF80  }
0x531: {  	_ =	sfence.sel $0x180000  }
0x532: {  	[bflag:$0x0] =	sbarrier.arrive $0xFFFF  }
0x533: {  	_ =	strace $0x90000047  }
0x534: {  	s0 =	stileid.u32;
	[bflag:$0x2] =	sbarrier.arrive $0xFFFF  }
0x535: {  	p0 =	sne.s32 s0, $0x0;
	s0 =	rddreg [dreg:$0x4]  }
0x536: {  	s0 =	sadd.s32 @!p0 $0x100000, s0  }
0x537: {  	[sflag:s0] =	ssyncadd.tile.s32 @!p0 $0x1;
	_ =	shalt  }
.Lfunc_end2:
_tile_overlayer_lowered:
.L_overlay_start_2:
0x538: {  	(tag) =	ssettag $0x2  }
0x539: {  	s0 =	rddreg [dreg:$0x0];
	s2 =	stileid.u32  }
0x53a: {  	s1 =	rddreg [dreg:$0x1];
	p0 =	sne.s32 s2, $0x0  }
0x53b: {  	s3 =	rddreg [dreg:$0x2];
	[bflag:$0x3] =	sbarrier.arrive $0xFFFF;
	s2 =	simm.s32 @!p0 $0x1C07  }
0x53c: {  	[timem:s3], [sflag:s2] =	dma.local @!p0 [hbm:s0], s1  }
0x53d: {  	s0 =	simm.s32 @!p0 $0x7  }
0x53e: {  	_ =	swait.ge @!p0 [sflag:s0], s1  }
0x53f: {  	s1 =	ssub.s32 @!p0 $0x0, s1;
	[sflag:s0] =	ssyncset.done @!p0 $0x0  }
0x540: {  	[sflag:s0] =	ssyncadd.s32 @!p0 s1  }
0x541: {  	[bflag:$0x3] =	sbarrier.arrive $0xFFFF  }
0x542: {  	_ =	shalt  }

</sc_bundles>
